<compile_context>
chip_gen: v7x
topology: tpu7x:2x2x1
jax: 0.10.2.dev20260603
libtpu: 0.0.44.dev20260713+nightly
codegen_flags: <defaults>
</compile_context>

<pallas_src>
import functools

import jax
import jax.numpy as jnp
from jax import lax
from jax.experimental import pallas as pl
from jax.experimental.pallas import tpu as pltpu
from jax.experimental.pallas import tpu_sc as plsc

_SC_NC = 2
_SC_NW = 32


def _sc_gather4(idx_f, idx_e, tab_f, tab_e, ptab_f, ptab_e, ch=192):
    npad = idx_f.shape[0]
    per_w = npad // _SC_NW
    while per_w % ch:
        ch //= 2
    n_ch = per_w // ch
    fdt = tab_f.dtype
    mesh = plsc.VectorSubcoreMesh(core_axis_name="c", subcore_axis_name="s",
                                  num_cores=_SC_NC, num_subcores=_SC_NW // _SC_NC)

    def body(idxf_hbm, idxe_hbm, tf_hbm, te_hbm, pf_hbm, pe_hbm,
             of_hbm, oe_hbm, opf_hbm, ope_hbm,
             idxf_v, idxe_v, bf, be, bpf, bpe, sem):
        wid = lax.axis_index("s") * _SC_NC + lax.axis_index("c")
        base = wid * per_w
        pltpu.sync_copy(idxf_hbm.at[pl.ds(base, per_w)], idxf_v)
        pltpu.sync_copy(idxe_hbm.at[pl.ds(base, per_w)], idxe_v)

        def step(i, carry):
            off = i * ch
            d1 = pltpu.async_copy(tf_hbm.at[idxf_v.at[pl.ds(off, ch)]], bf, sem)
            d2 = pltpu.async_copy(te_hbm.at[idxe_v.at[pl.ds(off, ch)]], be, sem)
            d3 = pltpu.async_copy(pf_hbm.at[idxf_v.at[pl.ds(off, ch)]], bpf, sem)
            d4 = pltpu.async_copy(pe_hbm.at[idxe_v.at[pl.ds(off, ch)]], bpe, sem)
            d1.wait()
            d2.wait()
            d3.wait()
            d4.wait()
            pltpu.sync_copy(bf, of_hbm.at[pl.ds(base + off, ch)])
            pltpu.sync_copy(be, oe_hbm.at[pl.ds(base + off, ch)])
            pltpu.sync_copy(bpf, opf_hbm.at[pl.ds(base + off, ch)])
            pltpu.sync_copy(bpe, ope_hbm.at[pl.ds(base + off, ch)])
            return carry

        lax.fori_loop(0, n_ch, step, 0)

    return pl.kernel(
        body,
        out_type=[
            jax.ShapeDtypeStruct((npad, 128), fdt),
            jax.ShapeDtypeStruct((npad, 128), fdt),
            jax.ShapeDtypeStruct((npad, 128), jnp.float32),
            jax.ShapeDtypeStruct((npad, 128), jnp.float32),
        ],
        mesh=mesh,
        scratch_types=[
            pltpu.VMEM((per_w,), jnp.int32),
            pltpu.VMEM((per_w,), jnp.int32),
            pltpu.VMEM((ch, 128), fdt),
            pltpu.VMEM((ch, 128), fdt),
            pltpu.VMEM((ch, 128), jnp.float32),
            pltpu.VMEM((ch, 128), jnp.float32),
            pltpu.SemaphoreType.DMA,
        ],
    )(idx_f, idx_e, tab_f, tab_e, ptab_f, ptab_e)


def _edge_body(hf_ref, he_ref, pf_ref, pe_ref, w1a_ref, w1b_ref, w1d_ref, b1_ref,
               w2_ref, b2_ref, *rest, with_x):
    if with_x:
        wx1_ref, bx1_ref, wx2_ref, bx2_ref, m_ref, t_ref = rest
    else:
        (m_ref,) = rest
    hf = hf_ref[...].astype(jnp.bfloat16)
    he = he_ref[...].astype(jnp.bfloat16)
    pf = pf_ref[...]
    pe = pe_ref[...]
    rel = pe[:, 0:3] - pf[:, 0:3]
    dist = jnp.sqrt(jnp.sum(rel * rel, axis=-1, keepdims=True))
    pre = (jnp.dot(hf, w1a_ref[...], preferred_element_type=jnp.float32)
           + jnp.dot(he, w1b_ref[...], preferred_element_type=jnp.float32)
           + dist * w1d_ref[...].astype(jnp.float32)
           + b1_ref[...].astype(jnp.float32))
    h = (pre * jax.nn.sigmoid(pre)).astype(jnp.bfloat16)
    m = jnp.dot(h, w2_ref[...], preferred_element_type=jnp.float32) + b2_ref[...].astype(jnp.float32)
    m_ref[...] = m.astype(m_ref.dtype)
    if with_x:
        px = (jnp.dot(m.astype(jnp.bfloat16), wx1_ref[...], preferred_element_type=jnp.float32)
              + bx1_ref[...].astype(jnp.float32))
        hx = (px * jax.nn.sigmoid(px)).astype(jnp.bfloat16)
        x = jnp.dot(hx, wx2_ref[...], preferred_element_type=jnp.float32) + bx2_ref[...].astype(jnp.float32)
        t = rel * x
        t_ref[...] = jnp.pad(t, ((0, 0), (0, 13))).astype(t_ref.dtype)


def _edge_mlp(hf_g, he_g, pf_g, pe_g, w1a, w1b, w1d, b1, w2, b2,
              xw1=None, xb1=None, xw2=None, xb2=None, blk=2048):
    R = hf_g.shape[0]
    if R % blk:
        blk = R
    with_x = xw1 is not None
    grid = (R // blk,)
    row = lambda i: (i, 0)
    full = lambda i: (0, 0)
    in_specs = [
        pl.BlockSpec((blk, 128), row),
        pl.BlockSpec((blk, 128), row),
        pl.BlockSpec((blk, 128), row),
        pl.BlockSpec((blk, 128), row),
        pl.BlockSpec((128, 256), full),
        pl.BlockSpec((128, 256), full),
        pl.BlockSpec((1, 256), full),
        pl.BlockSpec((1, 256), full),
        pl.BlockSpec((256, 128), full),
        pl.BlockSpec((1, 128), full),
    ]
    out_shape = [jax.ShapeDtypeStruct((R, 128), jnp.float32)]
    out_specs = [pl.BlockSpec((blk, 128), row)]
    args = [hf_g, he_g, pf_g, pe_g, w1a, w1b, w1d, b1, w2, b2]
    if with_x:
        in_specs += [
            pl.BlockSpec((128, 256), full),
            pl.BlockSpec((1, 256), full),
            pl.BlockSpec((256, 1), full),
            pl.BlockSpec((1, 1), full),
        ]
        args += [xw1, xb1, xw2, xb2]
        out_shape.append(jax.ShapeDtypeStruct((R, 16), jnp.float32))
        out_specs.append(pl.BlockSpec((blk, 16), row))
    res = pl.pallas_call(
        functools.partial(_edge_body, with_x=with_x),
        grid=grid,
        in_specs=in_specs,
        out_specs=out_specs,
        out_shape=out_shape,
    )(*args)
    return res if with_x else res[0]


def _node_body(h_ref, aggr_ref, w1a_ref, w1b_ref, b1_ref, w2_ref, b2_ref, out_ref):
    h = h_ref[...]
    a = aggr_ref[...]
    pre = (jnp.dot(h.astype(jnp.bfloat16), w1a_ref[...], preferred_element_type=jnp.float32)
           + jnp.dot(a.astype(jnp.bfloat16), w1b_ref[...], preferred_element_type=jnp.float32)
           + b1_ref[...].astype(jnp.float32))
    hh = (pre * jax.nn.sigmoid(pre)).astype(jnp.bfloat16)
    d = jnp.dot(hh, w2_ref[...], preferred_element_type=jnp.float32) + b2_ref[...].astype(jnp.float32)
    out_ref[...] = h.astype(jnp.float32) + d


def _node_mlp(h, aggr, w1a, w1b, b1, w2, b2, blk=2000):
    R = h.shape[0]
    if R % blk:
        blk = R
    grid = (R // blk,)
    row = lambda i: (i, 0)
    full = lambda i: (0, 0)
    return pl.pallas_call(
        _node_body,
        grid=grid,
        in_specs=[
            pl.BlockSpec((blk, 128), row),
            pl.BlockSpec((blk, 128), row),
            pl.BlockSpec((128, 256), full),
            pl.BlockSpec((128, 256), full),
            pl.BlockSpec((1, 256), full),
            pl.BlockSpec((256, 128), full),
            pl.BlockSpec((1, 128), full),
        ],
        out_specs=pl.BlockSpec((blk, 128), row),
        out_shape=jax.ShapeDtypeStruct((R, 128), jnp.float32),
    )(h, aggr, w1a, w1b, b1, w2, b2)


def kernel(pos_f, pos_e, h_f, h_e, f2e_index, e2f_index, params):
    B, NF, _ = h_f.shape
    NE = h_e.shape[1]
    M = f2e_index.shape[2]
    D = 128

    (W1_f2e, b1_f2e), (W2_f2e, b2_f2e) = params['f2e']
    (W1_e2f, b1_e2f), (W2_e2f, b2_e2f) = params['e2f']
    (Wx1, bx1), (Wx2, bx2) = params['x']
    (W1_hf, b1_hf), (W2_hf, b2_hf) = params['h_f']
    (W1_he, b1_he), (W2_he, b2_he) = params['h_e']

    bf = jnp.bfloat16
    cvt = lambda x: x.astype(bf)
    r2 = lambda v: v.reshape(1, -1)

    PADB = ((M + 2047) // 2048) * 2048
    NPAD = B * PADB

    hf_flat = h_f.reshape(B * NF, D)
    he_flat = h_e.reshape(B * NE, D)
    ptab_f = jnp.pad(pos_f.reshape(B * NF, 3), ((0, 0), (0, 125)))
    ptab_e = jnp.pad(pos_e.reshape(B * NE, 3), ((0, 0), (0, 125)))

    off_f = (jnp.arange(B, dtype=jnp.int32) * NF)[:, None]
    off_e = (jnp.arange(B, dtype=jnp.int32) * NE)[:, None]
    padidx = lambda a, off: (jnp.pad(a, ((0, 0), (0, PADB - M))) + off).reshape(-1)

    idx_f = padidx(f2e_index[:, 0, :], off_f)
    idx_e = padidx(f2e_index[:, 1, :], off_e)
    hf_g, he_g, pf_g, pe_g = _sc_gather4(idx_f, idx_e, hf_flat, he_flat, ptab_f, ptab_e)

    m_f2e, trans = _edge_mlp(
        hf_g, he_g, pf_g, pe_g,
        cvt(W1_f2e[:D]), cvt(W1_f2e[D:2 * D]), cvt(r2(W1_f2e[2 * D])), cvt(r2(b1_f2e)),
        cvt(W2_f2e), cvt(r2(b2_f2e)),
        cvt(Wx1), cvt(r2(bx1)), cvt(Wx2), cvt(r2(bx2)))

    midx_e = idx_e.reshape(B, PADB)[:, :M].reshape(-1)
    m_f2e_r = m_f2e.reshape(B, PADB, D)[:, :M].reshape(B * M, D)
    trans_r = trans.reshape(B, PADB, 16)[:, :M].reshape(B * M, 16)
    aggr_f2e = jnp.zeros((B * NE, D), jnp.float32).at[midx_e].add(m_f2e_r)
    pos_acc = jnp.zeros((B * NE, 16), jnp.float32).at[midx_e].add(trans_r)
    pos_e_next = pos_e + pos_acc[:, :3].reshape(B, NE, 3)

    h_e_next = _node_mlp(
        he_flat, aggr_f2e,
        cvt(W1_he[:D]), cvt(W1_he[D:]), cvt(r2(b1_he)), cvt(W2_he), cvt(r2(b2_he)),
    ).reshape(B, NE, D)

    idx_er = padidx(e2f_index[:, 0, :], off_e)
    idx_fr = padidx(e2f_index[:, 1, :], off_f)
    he_gr, hf_gr, pe_gr, pf_gr = _sc_gather4(idx_er, idx_fr, he_flat, hf_flat, ptab_e, ptab_f)

    m_e2f = _edge_mlp(
        he_gr, hf_gr, pe_gr, pf_gr,
        cvt(W1_e2f[:D]), cvt(W1_e2f[D:2 * D]), cvt(r2(W1_e2f[2 * D])), cvt(r2(b1_e2f)),
        cvt(W2_e2f), cvt(r2(b2_e2f)))

    midx_f = idx_fr.reshape(B, PADB)[:, :M].reshape(-1)
    m_e2f_r = m_e2f.reshape(B, PADB, D)[:, :M].reshape(B * M, D)
    aggr_e2f = jnp.zeros((B * NF, D), jnp.float32).at[midx_f].add(m_e2f_r)

    h_f_next = _node_mlp(
        hf_flat, aggr_e2f,
        cvt(W1_hf[:D]), cvt(W1_hf[D:]), cvt(r2(b1_hf)), cvt(W2_hf), cvt(r2(b2_hf)),
    ).reshape(B, NF, D)

    return (pos_f, pos_e_next, h_f_next, h_e_next)

# --- scband reference (transcript-rebuilt; emitter-appended) ---
"""Pipeline reference for scband-hetero-edge-face-layer-55405078118889 (READ-ONLY COPY).

The authoritative reference and input builder live on the scoring server;
editing this copy changes nothing except your own understanding.
"""

import jax, jax.numpy as jnp
import numpy as np

B = 4
NF = 20000
NE = 30000
M = 60000
D_F = 128
D_E = 128
HID = 256


def _init_mlp(key, dims):
    params = []
    for i in range(len(dims) - 1):
        key, k1 = jax.random.split(key)
        W = jax.random.normal(k1, (dims[i], dims[i + 1]), dtype=jnp.float32) * (1.0 / np.sqrt(dims[i]))
        b = jnp.zeros((dims[i + 1],), dtype=jnp.float32)
        params.append((W, b))
    return params


def _mlp(params, x):
    n = len(params)
    for i, (W, b) in enumerate(params):
        x = x @ W + b
        if i < n - 1:
            x = jax.nn.silu(x)
    return x


def _scatter_add(src, idx, N):
    Bb, Mm, d = src.shape
    out = jnp.zeros((Bb, N, d), dtype=src.dtype)
    return out.at[jnp.arange(Bb)[:, None], idx].add(src)


def setup_inputs(seed: int = 0):
    key = jax.random.key(seed)
    ks = jax.random.split(key, 12)
    pos_f = jax.random.normal(ks[0], (B, NF, 3), dtype=jnp.float32)
    pos_e = jax.random.normal(ks[1], (B, NE, 3), dtype=jnp.float32)
    h_f = jax.random.normal(ks[2], (B, NF, D_F), dtype=jnp.float32)
    h_e = jax.random.normal(ks[3], (B, NE, D_E), dtype=jnp.float32)
    f2e_index = jax.random.randint(ks[4], (B, 2, M), 0, 20000).astype(jnp.int32)
    e2f_index = jax.random.randint(ks[5], (B, 2, M), 0, 20000).astype(jnp.int32)
    params = {
        'f2e': _init_mlp(ks[6], [D_F + D_E + 1, HID, D_E]),
        'e2f': _init_mlp(ks[7], [D_E + D_F + 1, HID, D_F]),
        'x': _init_mlp(ks[8], [D_E, HID, 1]),
        'h_f': _init_mlp(ks[9], [D_F * 2, HID, D_F]),
        'h_e': _init_mlp(ks[10], [D_E * 2, HID, D_E]),
    }
    return {
        'pos_f': pos_f, 'pos_e': pos_e, 'h_f': h_f, 'h_e': h_e,
        'f2e_index': f2e_index, 'e2f_index': e2f_index, 'params': params,
    }


def reference(pos_f, pos_e, h_f, h_e, f2e_index, e2f_index, params):
    Bb, Nf, _ = h_f.shape
    Ne = h_e.shape[1]
    bidx = jnp.arange(Bb)[:, None]
    idx_f = f2e_index[:, 0, :]
    idx_e = f2e_index[:, 1, :]
    dist_fe = jnp.linalg.norm(pos_f[bidx, idx_f] - pos_e[bidx, idx_e], axis=-1, keepdims=True)
    m_f2e_input = jnp.concatenate([h_f[bidx, idx_f], h_e[bidx, idx_e], dist_fe], axis=-1)
    m_f2e = _mlp(params['f2e'], m_f2e_input)
    aggr_f2e = _scatter_add(m_f2e, idx_e, Ne)
    h_e_next = h_e + _mlp(params['h_e'], jnp.concatenate([h_e, aggr_f2e], axis=-1))
    idx_e_rev = e2f_index[:, 0, :]
    idx_f_rev = e2f_index[:, 1, :]
    dist_ef = jnp.linalg.norm(pos_e[bidx, idx_e_rev] - pos_f[bidx, idx_f_rev], axis=-1, keepdims=True)
    m_e2f_input = jnp.concatenate([h_e[bidx, idx_e_rev], h_f[bidx, idx_f_rev], dist_ef], axis=-1)
    m_e2f = _mlp(params['e2f'], m_e2f_input)
    aggr_e2f = _scatter_add(m_e2f, idx_f_rev, Nf)
    h_f_next = h_f + _mlp(params['h_f'], jnp.concatenate([h_f, aggr_e2f], axis=-1))
    rel_pos = pos_e[bidx, idx_e] - pos_f[bidx, idx_f]
    trans = rel_pos * _mlp(params['x'], m_f2e)
    pos_e_next = pos_e + _scatter_add(trans, idx_e, Ne)
    return (pos_f, pos_e_next, h_f_next, h_e_next)

if __name__ == "__main__":
    import jax
    _d = setup_inputs()
    print(jax.jit(kernel)(*tuple(_d.values())))

</pallas_src>

<mosaic_0001>
#map = affine_map<(d0, d1) -> (0)>
#map1 = affine_map<(d0, d1) -> (0, 0)>
module attributes {stable_mosaic.version = 14 : i64} {
  func.func @body(%arg0: i32, %arg1: i32, %arg2: memref<245760xi32, #tpu.memory_space<hbm>>, %arg3: memref<245760xi32, #tpu.memory_space<hbm>>, %arg4: memref<80000x128xf32, #tpu.memory_space<hbm>>, %arg5: memref<120000x128xf32, #tpu.memory_space<hbm>>, %arg6: memref<80000x128xf32, #tpu.memory_space<hbm>>, %arg7: memref<120000x128xf32, #tpu.memory_space<hbm>>, %arg8: memref<245760x128xf32, #tpu.memory_space<hbm>>, %arg9: memref<245760x128xf32, #tpu.memory_space<hbm>>, %arg10: memref<245760x128xf32, #tpu.memory_space<hbm>>, %arg11: memref<245760x128xf32, #tpu.memory_space<hbm>>, %arg12: memref<7680xi32, #tpu.memory_space<vmem>>, %arg13: memref<7680xi32, #tpu.memory_space<vmem>>, %arg14: memref<192x128xf32, #tpu.memory_space<vmem>>, %arg15: memref<192x128xf32, #tpu.memory_space<vmem>>, %arg16: memref<192x128xf32, #tpu.memory_space<vmem>>, %arg17: memref<192x128xf32, #tpu.memory_space<vmem>>, %arg18: memref<!tpu.dma_semaphore, #tpu.memory_space<semaphore_mem>>) attributes {dimension_semantics = [#tpu.dimension_semantics<core_parallel>, #tpu.dimension_semantics<subcore_parallel>], iteration_bounds = array<i64: 2, 16>, scalar_prefetch = 0 : i64, scratch_operands = 7 : i64, tpu.core_type = #tpu.core_type<sc_vector_subcore>, window_params = [{transform_indices = #map}, {transform_indices = #map}, {transform_indices = #map1}, {transform_indices = #map1}, {transform_indices = #map1}, {transform_indices = #map1}, {transform_indices = #map1}, {transform_indices = #map1}, {transform_indices = #map1}, {transform_indices = #map1}]} {
    %mul3A = arith.constant 2 : i32
    %mul3A_0 = arith.muli %arg1, %mul3A : i32
    %add3A = arith.addi %mul3A_0, %arg0 : i32
    %mul3A_1 = arith.constant 7680 : i32
    %mul3A_2 = arith.muli %add3A, %mul3A_1 : i32
    "tpu.region"() ({
      %run_scoped3A = tpu.sem_alloc : memref<!tpu.dma_semaphore, #tpu.memory_space<semaphore_mem>>
      %dma_start3A = tpu.memref_slice %arg2[%mul3A_2] : memref<245760xi32, #tpu.memory_space<hbm>> -> memref<7680xi32, #tpu.memory_space<hbm>>
      %dma_start3A_8 = tpu.memref_slice %arg2[%mul3A_2] : memref<245760xi32, #tpu.memory_space<hbm>> -> memref<7680xi32, #tpu.memory_space<hbm>>
      tpu.enqueue_dma source(%dma_start3A_8 : memref<7680xi32, #tpu.memory_space<hbm>>) target(%arg12 : memref<7680xi32, #tpu.memory_space<vmem>>) target_semaphore(%run_scoped3A : memref<!tpu.dma_semaphore, #tpu.memory_space<semaphore_mem>>)
      %dma_wait3A = tpu.memref_slice %arg2[%mul3A_2] : memref<245760xi32, #tpu.memory_space<hbm>> -> memref<7680xi32, #tpu.memory_space<hbm>>
      %dma_wait3A_9 = tpu.memref_slice %arg2[%mul3A_2] : memref<245760xi32, #tpu.memory_space<hbm>> -> memref<7680xi32, #tpu.memory_space<hbm>>
      tpu.wait_dma2 semaphore(%run_scoped3A : memref<!tpu.dma_semaphore, #tpu.memory_space<semaphore_mem>>) src(%dma_wait3A_9 : memref<7680xi32, #tpu.memory_space<hbm>>) dst(%arg12 : memref<7680xi32, #tpu.memory_space<vmem>>)
      tpu.yield
    }) : () -> ()
    "tpu.region"() ({
      %run_scoped3A = tpu.sem_alloc : memref<!tpu.dma_semaphore, #tpu.memory_space<semaphore_mem>>
      %dma_start3A = tpu.memref_slice %arg3[%mul3A_2] : memref<245760xi32, #tpu.memory_space<hbm>> -> memref<7680xi32, #tpu.memory_space<hbm>>
      %dma_start3A_8 = tpu.memref_slice %arg3[%mul3A_2] : memref<245760xi32, #tpu.memory_space<hbm>> -> memref<7680xi32, #tpu.memory_space<hbm>>
      tpu.enqueue_dma source(%dma_start3A_8 : memref<7680xi32, #tpu.memory_space<hbm>>) target(%arg13 : memref<7680xi32, #tpu.memory_space<vmem>>) target_semaphore(%run_scoped3A : memref<!tpu.dma_semaphore, #tpu.memory_space<semaphore_mem>>)
      %dma_wait3A = tpu.memref_slice %arg3[%mul3A_2] : memref<245760xi32, #tpu.memory_space<hbm>> -> memref<7680xi32, #tpu.memory_space<hbm>>
      %dma_wait3A_9 = tpu.memref_slice %arg3[%mul3A_2] : memref<245760xi32, #tpu.memory_space<hbm>> -> memref<7680xi32, #tpu.memory_space<hbm>>
      tpu.wait_dma2 semaphore(%run_scoped3A : memref<!tpu.dma_semaphore, #tpu.memory_space<semaphore_mem>>) src(%dma_wait3A_9 : memref<7680xi32, #tpu.memory_space<hbm>>) dst(%arg13 : memref<7680xi32, #tpu.memory_space<vmem>>)
      tpu.yield
    }) : () -> ()
    %scan3A = arith.constant 0 : i32
    %scan3A_3 = arith.constant 0 : i32
    %scan3A_4 = arith.constant 40 : i32
    %scan3A_5 = arith.addi %scan3A_3, %scan3A_4 : i32
    %scan3A_6 = arith.constant 1 : i32
    scf.for %scan3A_8 = %scan3A_3 to %scan3A_5 step %scan3A_6  : i32 {
      %mul3A_9 = arith.constant 192 : i32
      %mul3A_10 = arith.muli %scan3A_8, %mul3A_9 : i32
      %dma_start3A = tpu.memref_slice %arg12[%mul3A_10] : memref<7680xi32, #tpu.memory_space<vmem>> -> memref<192xi32, #tpu.memory_space<vmem>>
      %dma_start3A_11 = arith.constant 0 : i32
      %dma_start3A_12 = arith.constant 0 : i32
      %dma_start3A_13 = tpu.memref_slice %arg4[%dma_start3A_11, %dma_start3A_12] : memref<80000x128xf32, #tpu.memory_space<hbm>> -> memref<80000x128xf32, #tpu.memory_space<hbm>>
      tpu.enqueue_indirect_dma source(%dma_start3A_13 : memref<80000x128xf32, #tpu.memory_space<hbm>>) target(%arg14 : memref<192x128xf32, #tpu.memory_space<vmem>>) offsets(%dma_start3A : memref<192xi32, #tpu.memory_space<vmem>>) semaphore(%arg18 : memref<!tpu.dma_semaphore, #tpu.memory_space<semaphore_mem>>)
      %dma_start3A_14 = tpu.memref_slice %arg13[%mul3A_10] : memref<7680xi32, #tpu.memory_space<vmem>> -> memref<192xi32, #tpu.memory_space<vmem>>
      %dma_start3A_15 = arith.constant 0 : i32
      %dma_start3A_16 = arith.constant 0 : i32
      %dma_start3A_17 = tpu.memref_slice %arg5[%dma_start3A_15, %dma_start3A_16] : memref<120000x128xf32, #tpu.memory_space<hbm>> -> memref<120000x128xf32, #tpu.memory_space<hbm>>
      tpu.enqueue_indirect_dma source(%dma_start3A_17 : memref<120000x128xf32, #tpu.memory_space<hbm>>) target(%arg15 : memref<192x128xf32, #tpu.memory_space<vmem>>) offsets(%dma_start3A_14 : memref<192xi32, #tpu.memory_space<vmem>>) semaphore(%arg18 : memref<!tpu.dma_semaphore, #tpu.memory_space<semaphore_mem>>)
      %dma_start3A_18 = tpu.memref_slice %arg12[%mul3A_10] : memref<7680xi32, #tpu.memory_space<vmem>> -> memref<192xi32, #tpu.memory_space<vmem>>
      %dma_start3A_19 = arith.constant 0 : i32
      %dma_start3A_20 = arith.constant 0 : i32
      %dma_start3A_21 = tpu.memref_slice %arg6[%dma_start3A_19, %dma_start3A_20] : memref<80000x128xf32, #tpu.memory_space<hbm>> -> memref<80000x128xf32, #tpu.memory_space<hbm>>
      tpu.enqueue_indirect_dma source(%dma_start3A_21 : memref<80000x128xf32, #tpu.memory_space<hbm>>) target(%arg16 : memref<192x128xf32, #tpu.memory_space<vmem>>) offsets(%dma_start3A_18 : memref<192xi32, #tpu.memory_space<vmem>>) semaphore(%arg18 : memref<!tpu.dma_semaphore, #tpu.memory_space<semaphore_mem>>)
      %dma_start3A_22 = tpu.memref_slice %arg13[%mul3A_10] : memref<7680xi32, #tpu.memory_space<vmem>> -> memref<192xi32, #tpu.memory_space<vmem>>
      %dma_start3A_23 = arith.constant 0 : i32
      %dma_start3A_24 = arith.constant 0 : i32
      %dma_start3A_25 = tpu.memref_slice %arg7[%dma_start3A_23, %dma_start3A_24] : memref<120000x128xf32, #tpu.memory_space<hbm>> -> memref<120000x128xf32, #tpu.memory_space<hbm>>
      tpu.enqueue_indirect_dma source(%dma_start3A_25 : memref<120000x128xf32, #tpu.memory_space<hbm>>) target(%arg17 : memref<192x128xf32, #tpu.memory_space<vmem>>) offsets(%dma_start3A_22 : memref<192xi32, #tpu.memory_space<vmem>>) semaphore(%arg18 : memref<!tpu.dma_semaphore, #tpu.memory_space<semaphore_mem>>)
      %dma_wait3A = tpu.memref_slice %arg12[%mul3A_10] : memref<7680xi32, #tpu.memory_space<vmem>> -> memref<192xi32, #tpu.memory_space<vmem>>
      %dma_wait3A_26 = arith.constant 0 : i32
      %dma_wait3A_27 = arith.constant 0 : i32
      %dma_wait3A_28 = tpu.memref_slice %arg4[%dma_wait3A_26, %dma_wait3A_27] : memref<80000x128xf32, #tpu.memory_space<hbm>> -> memref<80000x128xf32, #tpu.memory_space<hbm>>
      tpu.wait_indirect_dma semaphore(%arg18 : memref<!tpu.dma_semaphore, #tpu.memory_space<semaphore_mem>>) src(%dma_wait3A_28 : memref<80000x128xf32, #tpu.memory_space<hbm>>) dst(%arg14 : memref<192x128xf32, #tpu.memory_space<vmem>>)
      %dma_wait3A_29 = tpu.memref_slice %arg13[%mul3A_10] : memref<7680xi32, #tpu.memory_space<vmem>> -> memref<192xi32, #tpu.memory_space<vmem>>
      %dma_wait3A_30 = arith.constant 0 : i32
      %dma_wait3A_31 = arith.constant 0 : i32
      %dma_wait3A_32 = tpu.memref_slice %arg5[%dma_wait3A_30, %dma_wait3A_31] : memref<120000x128xf32, #tpu.memory_space<hbm>> -> memref<120000x128xf32, #tpu.memory_space<hbm>>
      tpu.wait_indirect_dma semaphore(%arg18 : memref<!tpu.dma_semaphore, #tpu.memory_space<semaphore_mem>>) src(%dma_wait3A_32 : memref<120000x128xf32, #tpu.memory_space<hbm>>) dst(%arg15 : memref<192x128xf32, #tpu.memory_space<vmem>>)
      %dma_wait3A_33 = tpu.memref_slice %arg12[%mul3A_10] : memref<7680xi32, #tpu.memory_space<vmem>> -> memref<192xi32, #tpu.memory_space<vmem>>
      %dma_wait3A_34 = arith.constant 0 : i32
      %dma_wait3A_35 = arith.constant 0 : i32
      %dma_wait3A_36 = tpu.memref_slice %arg6[%dma_wait3A_34, %dma_wait3A_35] : memref<80000x128xf32, #tpu.memory_space<hbm>> -> memref<80000x128xf32, #tpu.memory_space<hbm>>
      tpu.wait_indirect_dma semaphore(%arg18 : memref<!tpu.dma_semaphore, #tpu.memory_space<semaphore_mem>>) src(%dma_wait3A_36 : memref<80000x128xf32, #tpu.memory_space<hbm>>) dst(%arg16 : memref<192x128xf32, #tpu.memory_space<vmem>>)
      %dma_wait3A_37 = tpu.memref_slice %arg13[%mul3A_10] : memref<7680xi32, #tpu.memory_space<vmem>> -> memref<192xi32, #tpu.memory_space<vmem>>
      %dma_wait3A_38 = arith.constant 0 : i32
      %dma_wait3A_39 = arith.constant 0 : i32
      %dma_wait3A_40 = tpu.memref_slice %arg7[%dma_wait3A_38, %dma_wait3A_39] : memref<120000x128xf32, #tpu.memory_space<hbm>> -> memref<120000x128xf32, #tpu.memory_space<hbm>>
      tpu.wait_indirect_dma semaphore(%arg18 : memref<!tpu.dma_semaphore, #tpu.memory_space<semaphore_mem>>) src(%dma_wait3A_40 : memref<120000x128xf32, #tpu.memory_space<hbm>>) dst(%arg17 : memref<192x128xf32, #tpu.memory_space<vmem>>)
      %add3A_41 = arith.addi %mul3A_2, %mul3A_10 : i32
      "tpu.region"() ({
        %run_scoped3A = tpu.sem_alloc : memref<!tpu.dma_semaphore, #tpu.memory_space<semaphore_mem>>
        %dma_start3A_45 = arith.constant 0 : i32
        %dma_start3A_46 = tpu.memref_slice %arg8[%add3A_41, %dma_start3A_45] : memref<245760x128xf32, #tpu.memory_space<hbm>> -> memref<192x128xf32, #tpu.memory_space<hbm>>
        %dma_start3A_47 = arith.constant 0 : i32
        %dma_start3A_48 = tpu.memref_slice %arg8[%add3A_41, %dma_start3A_47] : memref<245760x128xf32, #tpu.memory_space<hbm>> -> memref<192x128xf32, #tpu.memory_space<hbm>>
        tpu.enqueue_dma source(%arg14 : memref<192x128xf32, #tpu.memory_space<vmem>>) target(%dma_start3A_48 : memref<192x128xf32, #tpu.memory_space<hbm>>) target_semaphore(%run_scoped3A : memref<!tpu.dma_semaphore, #tpu.memory_space<semaphore_mem>>)
        %dma_wait3A_49 = arith.constant 0 : i32
        %dma_wait3A_50 = tpu.memref_slice %arg8[%add3A_41, %dma_wait3A_49] : memref<245760x128xf32, #tpu.memory_space<hbm>> -> memref<192x128xf32, #tpu.memory_space<hbm>>
        %dma_wait3A_51 = arith.constant 0 : i32
        %dma_wait3A_52 = tpu.memref_slice %arg8[%add3A_41, %dma_wait3A_51] : memref<245760x128xf32, #tpu.memory_space<hbm>> -> memref<192x128xf32, #tpu.memory_space<hbm>>
        tpu.wait_dma2 semaphore(%run_scoped3A : memref<!tpu.dma_semaphore, #tpu.memory_space<semaphore_mem>>) src(%arg14 : memref<192x128xf32, #tpu.memory_space<vmem>>) dst(%dma_wait3A_52 : memref<192x128xf32, #tpu.memory_space<hbm>>)
        tpu.yield
      }) : () -> ()
      %add3A_42 = arith.addi %mul3A_2, %mul3A_10 : i32
      "tpu.region"() ({
        %run_scoped3A = tpu.sem_alloc : memref<!tpu.dma_semaphore, #tpu.memory_space<semaphore_mem>>
        %dma_start3A_45 = arith.constant 0 : i32
        %dma_start3A_46 = tpu.memref_slice %arg9[%add3A_42, %dma_start3A_45] : memref<245760x128xf32, #tpu.memory_space<hbm>> -> memref<192x128xf32, #tpu.memory_space<hbm>>
        %dma_start3A_47 = arith.constant 0 : i32
        %dma_start3A_48 = tpu.memref_slice %arg9[%add3A_42, %dma_start3A_47] : memref<245760x128xf32, #tpu.memory_space<hbm>> -> memref<192x128xf32, #tpu.memory_space<hbm>>
        tpu.enqueue_dma source(%arg15 : memref<192x128xf32, #tpu.memory_space<vmem>>) target(%dma_start3A_48 : memref<192x128xf32, #tpu.memory_space<hbm>>) target_semaphore(%run_scoped3A : memref<!tpu.dma_semaphore, #tpu.memory_space<semaphore_mem>>)
        %dma_wait3A_49 = arith.constant 0 : i32
        %dma_wait3A_50 = tpu.memref_slice %arg9[%add3A_42, %dma_wait3A_49] : memref<245760x128xf32, #tpu.memory_space<hbm>> -> memref<192x128xf32, #tpu.memory_space<hbm>>
        %dma_wait3A_51 = arith.constant 0 : i32
        %dma_wait3A_52 = tpu.memref_slice %arg9[%add3A_42, %dma_wait3A_51] : memref<245760x128xf32, #tpu.memory_space<hbm>> -> memref<192x128xf32, #tpu.memory_space<hbm>>
        tpu.wait_dma2 semaphore(%run_scoped3A : memref<!tpu.dma_semaphore, #tpu.memory_space<semaphore_mem>>) src(%arg15 : memref<192x128xf32, #tpu.memory_space<vmem>>) dst(%dma_wait3A_52 : memref<192x128xf32, #tpu.memory_space<hbm>>)
        tpu.yield
      }) : () -> ()
      %add3A_43 = arith.addi %mul3A_2, %mul3A_10 : i32
      "tpu.region"() ({
        %run_scoped3A = tpu.sem_alloc : memref<!tpu.dma_semaphore, #tpu.memory_space<semaphore_mem>>
        %dma_start3A_45 = arith.constant 0 : i32
        %dma_start3A_46 = tpu.memref_slice %arg10[%add3A_43, %dma_start3A_45] : memref<245760x128xf32, #tpu.memory_space<hbm>> -> memref<192x128xf32, #tpu.memory_space<hbm>>
        %dma_start3A_47 = arith.constant 0 : i32
        %dma_start3A_48 = tpu.memref_slice %arg10[%add3A_43, %dma_start3A_47] : memref<245760x128xf32, #tpu.memory_space<hbm>> -> memref<192x128xf32, #tpu.memory_space<hbm>>
        tpu.enqueue_dma source(%arg16 : memref<192x128xf32, #tpu.memory_space<vmem>>) target(%dma_start3A_48 : memref<192x128xf32, #tpu.memory_space<hbm>>) target_semaphore(%run_scoped3A : memref<!tpu.dma_semaphore, #tpu.memory_space<semaphore_mem>>)
        %dma_wait3A_49 = arith.constant 0 : i32
        %dma_wait3A_50 = tpu.memref_slice %arg10[%add3A_43, %dma_wait3A_49] : memref<245760x128xf32, #tpu.memory_space<hbm>> -> memref<192x128xf32, #tpu.memory_space<hbm>>
        %dma_wait3A_51 = arith.constant 0 : i32
        %dma_wait3A_52 = tpu.memref_slice %arg10[%add3A_43, %dma_wait3A_51] : memref<245760x128xf32, #tpu.memory_space<hbm>> -> memref<192x128xf32, #tpu.memory_space<hbm>>
        tpu.wait_dma2 semaphore(%run_scoped3A : memref<!tpu.dma_semaphore, #tpu.memory_space<semaphore_mem>>) src(%arg16 : memref<192x128xf32, #tpu.memory_space<vmem>>) dst(%dma_wait3A_52 : memref<192x128xf32, #tpu.memory_space<hbm>>)
        tpu.yield
      }) : () -> ()
      %add3A_44 = arith.addi %mul3A_2, %mul3A_10 : i32
      "tpu.region"() ({
        %run_scoped3A = tpu.sem_alloc : memref<!tpu.dma_semaphore, #tpu.memory_space<semaphore_mem>>
        %dma_start3A_45 = arith.constant 0 : i32
        %dma_start3A_46 = tpu.memref_slice %arg11[%add3A_44, %dma_start3A_45] : memref<245760x128xf32, #tpu.memory_space<hbm>> -> memref<192x128xf32, #tpu.memory_space<hbm>>
        %dma_start3A_47 = arith.constant 0 : i32
        %dma_start3A_48 = tpu.memref_slice %arg11[%add3A_44, %dma_start3A_47] : memref<245760x128xf32, #tpu.memory_space<hbm>> -> memref<192x128xf32, #tpu.memory_space<hbm>>
        tpu.enqueue_dma source(%arg17 : memref<192x128xf32, #tpu.memory_space<vmem>>) target(%dma_start3A_48 : memref<192x128xf32, #tpu.memory_space<hbm>>) target_semaphore(%run_scoped3A : memref<!tpu.dma_semaphore, #tpu.memory_space<semaphore_mem>>)
        %dma_wait3A_49 = arith.constant 0 : i32
        %dma_wait3A_50 = tpu.memref_slice %arg11[%add3A_44, %dma_wait3A_49] : memref<245760x128xf32, #tpu.memory_space<hbm>> -> memref<192x128xf32, #tpu.memory_space<hbm>>
        %dma_wait3A_51 = arith.constant 0 : i32
        %dma_wait3A_52 = tpu.memref_slice %arg11[%add3A_44, %dma_wait3A_51] : memref<245760x128xf32, #tpu.memory_space<hbm>> -> memref<192x128xf32, #tpu.memory_space<hbm>>
        tpu.wait_dma2 semaphore(%run_scoped3A : memref<!tpu.dma_semaphore, #tpu.memory_space<semaphore_mem>>) src(%arg17 : memref<192x128xf32, #tpu.memory_space<vmem>>) dst(%dma_wait3A_52 : memref<192x128xf32, #tpu.memory_space<hbm>>)
        tpu.yield
      }) : () -> ()
    }
    %scan3A_7 = arith.constant 40 : i32
    return
  }
}

#map = affine_map<(d0, d1) -> (0)>
#map1 = affine_map<(d0, d1) -> (0, 0)>
module attributes {stable_mosaic.version = 14 : i64} {
  func.func @body(%arg0: i32, %arg1: i32, %arg2: memref<245760xi32, #tpu.memory_space<hbm>>, %arg3: memref<245760xi32, #tpu.memory_space<hbm>>, %arg4: memref<120000x128xf32, #tpu.memory_space<hbm>>, %arg5: memref<80000x128xf32, #tpu.memory_space<hbm>>, %arg6: memref<120000x128xf32, #tpu.memory_space<hbm>>, %arg7: memref<80000x128xf32, #tpu.memory_space<hbm>>, %arg8: memref<245760x128xf32, #tpu.memory_space<hbm>>, %arg9: memref<245760x128xf32, #tpu.memory_space<hbm>>, %arg10: memref<245760x128xf32, #tpu.memory_space<hbm>>, %arg11: memref<245760x128xf32, #tpu.memory_space<hbm>>, %arg12: memref<7680xi32, #tpu.memory_space<vmem>>, %arg13: memref<7680xi32, #tpu.memory_space<vmem>>, %arg14: memref<192x128xf32, #tpu.memory_space<vmem>>, %arg15: memref<192x128xf32, #tpu.memory_space<vmem>>, %arg16: memref<192x128xf32, #tpu.memory_space<vmem>>, %arg17: memref<192x128xf32, #tpu.memory_space<vmem>>, %arg18: memref<!tpu.dma_semaphore, #tpu.memory_space<semaphore_mem>>) attributes {dimension_semantics = [#tpu.dimension_semantics<core_parallel>, #tpu.dimension_semantics<subcore_parallel>], iteration_bounds = array<i64: 2, 16>, scalar_prefetch = 0 : i64, scratch_operands = 7 : i64, tpu.core_type = #tpu.core_type<sc_vector_subcore>, window_params = [{transform_indices = #map}, {transform_indices = #map}, {transform_indices = #map1}, {transform_indices = #map1}, {transform_indices = #map1}, {transform_indices = #map1}, {transform_indices = #map1}, {transform_indices = #map1}, {transform_indices = #map1}, {transform_indices = #map1}]} {
    %mul3A = arith.constant 2 : i32
    %mul3A_0 = arith.muli %arg1, %mul3A : i32
    %add3A = arith.addi %mul3A_0, %arg0 : i32
    %mul3A_1 = arith.constant 7680 : i32
    %mul3A_2 = arith.muli %add3A, %mul3A_1 : i32
    "tpu.region"() ({
      %run_scoped3A = tpu.sem_alloc : memref<!tpu.dma_semaphore, #tpu.memory_space<semaphore_mem>>
      %dma_start3A = tpu.memref_slice %arg2[%mul3A_2] : memref<245760xi32, #tpu.memory_space<hbm>> -> memref<7680xi32, #tpu.memory_space<hbm>>
      %dma_start3A_8 = tpu.memref_slice %arg2[%mul3A_2] : memref<245760xi32, #tpu.memory_space<hbm>> -> memref<7680xi32, #tpu.memory_space<hbm>>
      tpu.enqueue_dma source(%dma_start3A_8 : memref<7680xi32, #tpu.memory_space<hbm>>) target(%arg12 : memref<7680xi32, #tpu.memory_space<vmem>>) target_semaphore(%run_scoped3A : memref<!tpu.dma_semaphore, #tpu.memory_space<semaphore_mem>>)
      %dma_wait3A = tpu.memref_slice %arg2[%mul3A_2] : memref<245760xi32, #tpu.memory_space<hbm>> -> memref<7680xi32, #tpu.memory_space<hbm>>
      %dma_wait3A_9 = tpu.memref_slice %arg2[%mul3A_2] : memref<245760xi32, #tpu.memory_space<hbm>> -> memref<7680xi32, #tpu.memory_space<hbm>>
      tpu.wait_dma2 semaphore(%run_scoped3A : memref<!tpu.dma_semaphore, #tpu.memory_space<semaphore_mem>>) src(%dma_wait3A_9 : memref<7680xi32, #tpu.memory_space<hbm>>) dst(%arg12 : memref<7680xi32, #tpu.memory_space<vmem>>)
      tpu.yield
    }) : () -> ()
    "tpu.region"() ({
      %run_scoped3A = tpu.sem_alloc : memref<!tpu.dma_semaphore, #tpu.memory_space<semaphore_mem>>
      %dma_start3A = tpu.memref_slice %arg3[%mul3A_2] : memref<245760xi32, #tpu.memory_space<hbm>> -> memref<7680xi32, #tpu.memory_space<hbm>>
      %dma_start3A_8 = tpu.memref_slice %arg3[%mul3A_2] : memref<245760xi32, #tpu.memory_space<hbm>> -> memref<7680xi32, #tpu.memory_space<hbm>>
      tpu.enqueue_dma source(%dma_start3A_8 : memref<7680xi32, #tpu.memory_space<hbm>>) target(%arg13 : memref<7680xi32, #tpu.memory_space<vmem>>) target_semaphore(%run_scoped3A : memref<!tpu.dma_semaphore, #tpu.memory_space<semaphore_mem>>)
      %dma_wait3A = tpu.memref_slice %arg3[%mul3A_2] : memref<245760xi32, #tpu.memory_space<hbm>> -> memref<7680xi32, #tpu.memory_space<hbm>>
      %dma_wait3A_9 = tpu.memref_slice %arg3[%mul3A_2] : memref<245760xi32, #tpu.memory_space<hbm>> -> memref<7680xi32, #tpu.memory_space<hbm>>
      tpu.wait_dma2 semaphore(%run_scoped3A : memref<!tpu.dma_semaphore, #tpu.memory_space<semaphore_mem>>) src(%dma_wait3A_9 : memref<7680xi32, #tpu.memory_space<hbm>>) dst(%arg13 : memref<7680xi32, #tpu.memory_space<vmem>>)
      tpu.yield
    }) : () -> ()
    %scan3A = arith.constant 0 : i32
    %scan3A_3 = arith.constant 0 : i32
    %scan3A_4 = arith.constant 40 : i32
    %scan3A_5 = arith.addi %scan3A_3, %scan3A_4 : i32
    %scan3A_6 = arith.constant 1 : i32
    scf.for %scan3A_8 = %scan3A_3 to %scan3A_5 step %scan3A_6  : i32 {
      %mul3A_9 = arith.constant 192 : i32
      %mul3A_10 = arith.muli %scan3A_8, %mul3A_9 : i32
      %dma_start3A = tpu.memref_slice %arg12[%mul3A_10] : memref<7680xi32, #tpu.memory_space<vmem>> -> memref<192xi32, #tpu.memory_space<vmem>>
      %dma_start3A_11 = arith.constant 0 : i32
      %dma_start3A_12 = arith.constant 0 : i32
      %dma_start3A_13 = tpu.memref_slice %arg4[%dma_start3A_11, %dma_start3A_12] : memref<120000x128xf32, #tpu.memory_space<hbm>> -> memref<120000x128xf32, #tpu.memory_space<hbm>>
      tpu.enqueue_indirect_dma source(%dma_start3A_13 : memref<120000x128xf32, #tpu.memory_space<hbm>>) target(%arg14 : memref<192x128xf32, #tpu.memory_space<vmem>>) offsets(%dma_start3A : memref<192xi32, #tpu.memory_space<vmem>>) semaphore(%arg18 : memref<!tpu.dma_semaphore, #tpu.memory_space<semaphore_mem>>)
      %dma_start3A_14 = tpu.memref_slice %arg13[%mul3A_10] : memref<7680xi32, #tpu.memory_space<vmem>> -> memref<192xi32, #tpu.memory_space<vmem>>
      %dma_start3A_15 = arith.constant 0 : i32
      %dma_start3A_16 = arith.constant 0 : i32
      %dma_start3A_17 = tpu.memref_slice %arg5[%dma_start3A_15, %dma_start3A_16] : memref<80000x128xf32, #tpu.memory_space<hbm>> -> memref<80000x128xf32, #tpu.memory_space<hbm>>
      tpu.enqueue_indirect_dma source(%dma_start3A_17 : memref<80000x128xf32, #tpu.memory_space<hbm>>) target(%arg15 : memref<192x128xf32, #tpu.memory_space<vmem>>) offsets(%dma_start3A_14 : memref<192xi32, #tpu.memory_space<vmem>>) semaphore(%arg18 : memref<!tpu.dma_semaphore, #tpu.memory_space<semaphore_mem>>)
      %dma_start3A_18 = tpu.memref_slice %arg12[%mul3A_10] : memref<7680xi32, #tpu.memory_space<vmem>> -> memref<192xi32, #tpu.memory_space<vmem>>
      %dma_start3A_19 = arith.constant 0 : i32
      %dma_start3A_20 = arith.constant 0 : i32
      %dma_start3A_21 = tpu.memref_slice %arg6[%dma_start3A_19, %dma_start3A_20] : memref<120000x128xf32, #tpu.memory_space<hbm>> -> memref<120000x128xf32, #tpu.memory_space<hbm>>
      tpu.enqueue_indirect_dma source(%dma_start3A_21 : memref<120000x128xf32, #tpu.memory_space<hbm>>) target(%arg16 : memref<192x128xf32, #tpu.memory_space<vmem>>) offsets(%dma_start3A_18 : memref<192xi32, #tpu.memory_space<vmem>>) semaphore(%arg18 : memref<!tpu.dma_semaphore, #tpu.memory_space<semaphore_mem>>)
      %dma_start3A_22 = tpu.memref_slice %arg13[%mul3A_10] : memref<7680xi32, #tpu.memory_space<vmem>> -> memref<192xi32, #tpu.memory_space<vmem>>
      %dma_start3A_23 = arith.constant 0 : i32
      %dma_start3A_24 = arith.constant 0 : i32
      %dma_start3A_25 = tpu.memref_slice %arg7[%dma_start3A_23, %dma_start3A_24] : memref<80000x128xf32, #tpu.memory_space<hbm>> -> memref<80000x128xf32, #tpu.memory_space<hbm>>
      tpu.enqueue_indirect_dma source(%dma_start3A_25 : memref<80000x128xf32, #tpu.memory_space<hbm>>) target(%arg17 : memref<192x128xf32, #tpu.memory_space<vmem>>) offsets(%dma_start3A_22 : memref<192xi32, #tpu.memory_space<vmem>>) semaphore(%arg18 : memref<!tpu.dma_semaphore, #tpu.memory_space<semaphore_mem>>)
      %dma_wait3A = tpu.memref_slice %arg12[%mul3A_10] : memref<7680xi32, #tpu.memory_space<vmem>> -> memref<192xi32, #tpu.memory_space<vmem>>
      %dma_wait3A_26 = arith.constant 0 : i32
      %dma_wait3A_27 = arith.constant 0 : i32
      %dma_wait3A_28 = tpu.memref_slice %arg4[%dma_wait3A_26, %dma_wait3A_27] : memref<120000x128xf32, #tpu.memory_space<hbm>> -> memref<120000x128xf32, #tpu.memory_space<hbm>>
      tpu.wait_indirect_dma semaphore(%arg18 : memref<!tpu.dma_semaphore, #tpu.memory_space<semaphore_mem>>) src(%dma_wait3A_28 : memref<120000x128xf32, #tpu.memory_space<hbm>>) dst(%arg14 : memref<192x128xf32, #tpu.memory_space<vmem>>)
      %dma_wait3A_29 = tpu.memref_slice %arg13[%mul3A_10] : memref<7680xi32, #tpu.memory_space<vmem>> -> memref<192xi32, #tpu.memory_space<vmem>>
      %dma_wait3A_30 = arith.constant 0 : i32
      %dma_wait3A_31 = arith.constant 0 : i32
      %dma_wait3A_32 = tpu.memref_slice %arg5[%dma_wait3A_30, %dma_wait3A_31] : memref<80000x128xf32, #tpu.memory_space<hbm>> -> memref<80000x128xf32, #tpu.memory_space<hbm>>
      tpu.wait_indirect_dma semaphore(%arg18 : memref<!tpu.dma_semaphore, #tpu.memory_space<semaphore_mem>>) src(%dma_wait3A_32 : memref<80000x128xf32, #tpu.memory_space<hbm>>) dst(%arg15 : memref<192x128xf32, #tpu.memory_space<vmem>>)
      %dma_wait3A_33 = tpu.memref_slice %arg12[%mul3A_10] : memref<7680xi32, #tpu.memory_space<vmem>> -> memref<192xi32, #tpu.memory_space<vmem>>
      %dma_wait3A_34 = arith.constant 0 : i32
      %dma_wait3A_35 = arith.constant 0 : i32
      %dma_wait3A_36 = tpu.memref_slice %arg6[%dma_wait3A_34, %dma_wait3A_35] : memref<120000x128xf32, #tpu.memory_space<hbm>> -> memref<120000x128xf32, #tpu.memory_space<hbm>>
      tpu.wait_indirect_dma semaphore(%arg18 : memref<!tpu.dma_semaphore, #tpu.memory_space<semaphore_mem>>) src(%dma_wait3A_36 : memref<120000x128xf32, #tpu.memory_space<hbm>>) dst(%arg16 : memref<192x128xf32, #tpu.memory_space<vmem>>)
      %dma_wait3A_37 = tpu.memref_slice %arg13[%mul3A_10] : memref<7680xi32, #tpu.memory_space<vmem>> -> memref<192xi32, #tpu.memory_space<vmem>>
      %dma_wait3A_38 = arith.constant 0 : i32
      %dma_wait3A_39 = arith.constant 0 : i32
      %dma_wait3A_40 = tpu.memref_slice %arg7[%dma_wait3A_38, %dma_wait3A_39] : memref<80000x128xf32, #tpu.memory_space<hbm>> -> memref<80000x128xf32, #tpu.memory_space<hbm>>
      tpu.wait_indirect_dma semaphore(%arg18 : memref<!tpu.dma_semaphore, #tpu.memory_space<semaphore_mem>>) src(%dma_wait3A_40 : memref<80000x128xf32, #tpu.memory_space<hbm>>) dst(%arg17 : memref<192x128xf32, #tpu.memory_space<vmem>>)
      %add3A_41 = arith.addi %mul3A_2, %mul3A_10 : i32
      "tpu.region"() ({
        %run_scoped3A = tpu.sem_alloc : memref<!tpu.dma_semaphore, #tpu.memory_space<semaphore_mem>>
        %dma_start3A_45 = arith.constant 0 : i32
        %dma_start3A_46 = tpu.memref_slice %arg8[%add3A_41, %dma_start3A_45] : memref<245760x128xf32, #tpu.memory_space<hbm>> -> memref<192x128xf32, #tpu.memory_space<hbm>>
        %dma_start3A_47 = arith.constant 0 : i32
        %dma_start3A_48 = tpu.memref_slice %arg8[%add3A_41, %dma_start3A_47] : memref<245760x128xf32, #tpu.memory_space<hbm>> -> memref<192x128xf32, #tpu.memory_space<hbm>>
        tpu.enqueue_dma source(%arg14 : memref<192x128xf32, #tpu.memory_space<vmem>>) target(%dma_start3A_48 : memref<192x128xf32, #tpu.memory_space<hbm>>) target_semaphore(%run_scoped3A : memref<!tpu.dma_semaphore, #tpu.memory_space<semaphore_mem>>)
        %dma_wait3A_49 = arith.constant 0 : i32
        %dma_wait3A_50 = tpu.memref_slice %arg8[%add3A_41, %dma_wait3A_49] : memref<245760x128xf32, #tpu.memory_space<hbm>> -> memref<192x128xf32, #tpu.memory_space<hbm>>
        %dma_wait3A_51 = arith.constant 0 : i32
        %dma_wait3A_52 = tpu.memref_slice %arg8[%add3A_41, %dma_wait3A_51] : memref<245760x128xf32, #tpu.memory_space<hbm>> -> memref<192x128xf32, #tpu.memory_space<hbm>>
        tpu.wait_dma2 semaphore(%run_scoped3A : memref<!tpu.dma_semaphore, #tpu.memory_space<semaphore_mem>>) src(%arg14 : memref<192x128xf32, #tpu.memory_space<vmem>>) dst(%dma_wait3A_52 : memref<192x128xf32, #tpu.memory_space<hbm>>)
        tpu.yield
      }) : () -> ()
      %add3A_42 = arith.addi %mul3A_2, %mul3A_10 : i32
      "tpu.region"() ({
        %run_scoped3A = tpu.sem_alloc : memref<!tpu.dma_semaphore, #tpu.memory_space<semaphore_mem>>
        %dma_start3A_45 = arith.constant 0 : i32
        %dma_start3A_46 = tpu.memref_slice %arg9[%add3A_42, %dma_start3A_45] : memref<245760x128xf32, #tpu.memory_space<hbm>> -> memref<192x128xf32, #tpu.memory_space<hbm>>
        %dma_start3A_47 = arith.constant 0 : i32
        %dma_start3A_48 = tpu.memref_slice %arg9[%add3A_42, %dma_start3A_47] : memref<245760x128xf32, #tpu.memory_space<hbm>> -> memref<192x128xf32, #tpu.memory_space<hbm>>
        tpu.enqueue_dma source(%arg15 : memref<192x128xf32, #tpu.memory_space<vmem>>) target(%dma_start3A_48 : memref<192x128xf32, #tpu.memory_space<hbm>>) target_semaphore(%run_scoped3A : memref<!tpu.dma_semaphore, #tpu.memory_space<semaphore_mem>>)
        %dma_wait3A_49 = arith.constant 0 : i32
        %dma_wait3A_50 = tpu.memref_slice %arg9[%add3A_42, %dma_wait3A_49] : memref<245760x128xf32, #tpu.memory_space<hbm>> -> memref<192x128xf32, #tpu.memory_space<hbm>>
        %dma_wait3A_51 = arith.constant 0 : i32
        %dma_wait3A_52 = tpu.memref_slice %arg9[%add3A_42, %dma_wait3A_51] : memref<245760x128xf32, #tpu.memory_space<hbm>> -> memref<192x128xf32, #tpu.memory_space<hbm>>
        tpu.wait_dma2 semaphore(%run_scoped3A : memref<!tpu.dma_semaphore, #tpu.memory_space<semaphore_mem>>) src(%arg15 : memref<192x128xf32, #tpu.memory_space<vmem>>) dst(%dma_wait3A_52 : memref<192x128xf32, #tpu.memory_space<hbm>>)
        tpu.yield
      }) : () -> ()
      %add3A_43 = arith.addi %mul3A_2, %mul3A_10 : i32
      "tpu.region"() ({
        %run_scoped3A = tpu.sem_alloc : memref<!tpu.dma_semaphore, #tpu.memory_space<semaphore_mem>>
        %dma_start3A_45 = arith.constant 0 : i32
        %dma_start3A_46 = tpu.memref_slice %arg10[%add3A_43, %dma_start3A_45] : memref<245760x128xf32, #tpu.memory_space<hbm>> -> memref<192x128xf32, #tpu.memory_space<hbm>>
        %dma_start3A_47 = arith.constant 0 : i32
        %dma_start3A_48 = tpu.memref_slice %arg10[%add3A_43, %dma_start3A_47] : memref<245760x128xf32, #tpu.memory_space<hbm>> -> memref<192x128xf32, #tpu.memory_space<hbm>>
        tpu.enqueue_dma source(%arg16 : memref<192x128xf32, #tpu.memory_space<vmem>>) target(%dma_start3A_48 : memref<192x128xf32, #tpu.memory_space<hbm>>) target_semaphore(%run_scoped3A : memref<!tpu.dma_semaphore, #tpu.memory_space<semaphore_mem>>)
        %dma_wait3A_49 = arith.constant 0 : i32
        %dma_wait3A_50 = tpu.memref_slice %arg10[%add3A_43, %dma_wait3A_49] : memref<245760x128xf32, #tpu.memory_space<hbm>> -> memref<192x128xf32, #tpu.memory_space<hbm>>
        %dma_wait3A_51 = arith.constant 0 : i32
        %dma_wait3A_52 = tpu.memref_slice %arg10[%add3A_43, %dma_wait3A_51] : memref<245760x128xf32, #tpu.memory_space<hbm>> -> memref<192x128xf32, #tpu.memory_space<hbm>>
        tpu.wait_dma2 semaphore(%run_scoped3A : memref<!tpu.dma_semaphore, #tpu.memory_space<semaphore_mem>>) src(%arg16 : memref<192x128xf32, #tpu.memory_space<vmem>>) dst(%dma_wait3A_52 : memref<192x128xf32, #tpu.memory_space<hbm>>)
        tpu.yield
      }) : () -> ()
      %add3A_44 = arith.addi %mul3A_2, %mul3A_10 : i32
      "tpu.region"() ({
        %run_scoped3A = tpu.sem_alloc : memref<!tpu.dma_semaphore, #tpu.memory_space<semaphore_mem>>
        %dma_start3A_45 = arith.constant 0 : i32
        %dma_start3A_46 = tpu.memref_slice %arg11[%add3A_44, %dma_start3A_45] : memref<245760x128xf32, #tpu.memory_space<hbm>> -> memref<192x128xf32, #tpu.memory_space<hbm>>
        %dma_start3A_47 = arith.constant 0 : i32
        %dma_start3A_48 = tpu.memref_slice %arg11[%add3A_44, %dma_start3A_47] : memref<245760x128xf32, #tpu.memory_space<hbm>> -> memref<192x128xf32, #tpu.memory_space<hbm>>
        tpu.enqueue_dma source(%arg17 : memref<192x128xf32, #tpu.memory_space<vmem>>) target(%dma_start3A_48 : memref<192x128xf32, #tpu.memory_space<hbm>>) target_semaphore(%run_scoped3A : memref<!tpu.dma_semaphore, #tpu.memory_space<semaphore_mem>>)
        %dma_wait3A_49 = arith.constant 0 : i32
        %dma_wait3A_50 = tpu.memref_slice %arg11[%add3A_44, %dma_wait3A_49] : memref<245760x128xf32, #tpu.memory_space<hbm>> -> memref<192x128xf32, #tpu.memory_space<hbm>>
        %dma_wait3A_51 = arith.constant 0 : i32
        %dma_wait3A_52 = tpu.memref_slice %arg11[%add3A_44, %dma_wait3A_51] : memref<245760x128xf32, #tpu.memory_space<hbm>> -> memref<192x128xf32, #tpu.memory_space<hbm>>
        tpu.wait_dma2 semaphore(%run_scoped3A : memref<!tpu.dma_semaphore, #tpu.memory_space<semaphore_mem>>) src(%arg17 : memref<192x128xf32, #tpu.memory_space<vmem>>) dst(%dma_wait3A_52 : memref<192x128xf32, #tpu.memory_space<hbm>>)
        tpu.yield
      }) : () -> ()
    }
    %scan3A_7 = arith.constant 40 : i32
    return
  }
}

module attributes {stable_mosaic.version = 14 : i64} {
  func.func @_edge_body(%arg0: i32, %arg1: memref<2048x128xf32, #tpu.memory_space<vmem>>, %arg2: memref<2048x128xf32, #tpu.memory_space<vmem>>, %arg3: memref<2048x128xf32, #tpu.memory_space<vmem>>, %arg4: memref<2048x128xf32, #tpu.memory_space<vmem>>, %arg5: memref<128x256xbf16, #tpu.memory_space<vmem>>, %arg6: memref<128x256xbf16, #tpu.memory_space<vmem>>, %arg7: memref<1x256xbf16, #tpu.memory_space<vmem>>, %arg8: memref<1x256xbf16, #tpu.memory_space<vmem>>, %arg9: memref<256x128xbf16, #tpu.memory_space<vmem>>, %arg10: memref<1x128xbf16, #tpu.memory_space<vmem>>, %arg11: memref<128x256xbf16, #tpu.memory_space<vmem>>, %arg12: memref<1x256xbf16, #tpu.memory_space<vmem>>, %arg13: memref<256x1xbf16, #tpu.memory_space<vmem>>, %arg14: memref<1x1xbf16, #tpu.memory_space<vmem>>, %arg15: memref<2048x128xf32, #tpu.memory_space<vmem>>, %arg16: memref<2048x16xf32, #tpu.memory_space<vmem>>) attributes {dimension_semantics = [#tpu.dimension_semantics<arbitrary>], iteration_bounds = array<i64: 120>, scalar_prefetch = 0 : i64, scratch_operands = 0 : i64, tpu.core_type = #tpu.core_type<tc>, window_params = [{transform_indices = @transform_0, window_bounds = array<i64: 2048, 128>}, {transform_indices = @transform_1, window_bounds = array<i64: 2048, 128>}, {transform_indices = @transform_2, window_bounds = array<i64: 2048, 128>}, {transform_indices = @transform_3, window_bounds = array<i64: 2048, 128>}, {pipeline_mode = #tpu.pipeline_mode<synchronous>, transform_indices = @transform_4, window_bounds = array<i64: 128, 256>}, {pipeline_mode = #tpu.pipeline_mode<synchronous>, transform_indices = @transform_5, window_bounds = array<i64: 128, 256>}, {pipeline_mode = #tpu.pipeline_mode<synchronous>, transform_indices = @transform_6, window_bounds = array<i64: 1, 256>}, {pipeline_mode = #tpu.pipeline_mode<synchronous>, transform_indices = @transform_7, window_bounds = array<i64: 1, 256>}, {pipeline_mode = #tpu.pipeline_mode<synchronous>, transform_indices = @transform_8, window_bounds = array<i64: 256, 128>}, {pipeline_mode = #tpu.pipeline_mode<synchronous>, transform_indices = @transform_9, window_bounds = array<i64: 1, 128>}, {pipeline_mode = #tpu.pipeline_mode<synchronous>, transform_indices = @transform_10, window_bounds = array<i64: 128, 256>}, {pipeline_mode = #tpu.pipeline_mode<synchronous>, transform_indices = @transform_11, window_bounds = array<i64: 1, 256>}, {pipeline_mode = #tpu.pipeline_mode<synchronous>, transform_indices = @transform_12, window_bounds = array<i64: 256, 1>}, {pipeline_mode = #tpu.pipeline_mode<synchronous>, transform_indices = @transform_13, window_bounds = array<i64: 1, 1>}, {transform_indices = @transform_14, window_bounds = array<i64: 2048, 128>}, {transform_indices = @transform_15, window_bounds = array<i64: 2048, 16>}]} {
    %get3A = arith.constant 0 : index
    %get3A_0 = arith.constant 0 : index
    %get3A_1 = vector.load %arg1[%get3A, %get3A_0] : memref<2048x128xf32, #tpu.memory_space<vmem>>, vector<2048x128xf32>
    %convert_element_type3A = arith.truncf %get3A_1 : vector<2048x128xf32> to vector<2048x128xbf16>
    %get3A_2 = arith.constant 0 : index
    %get3A_3 = arith.constant 0 : index
    %get3A_4 = vector.load %arg2[%get3A_2, %get3A_3] : memref<2048x128xf32, #tpu.memory_space<vmem>>, vector<2048x128xf32>
    %convert_element_type3A_5 = arith.truncf %get3A_4 : vector<2048x128xf32> to vector<2048x128xbf16>
    %get3A_6 = arith.constant 0 : index
    %get3A_7 = arith.constant 0 : index
    %get3A_8 = vector.load %arg3[%get3A_6, %get3A_7] : memref<2048x128xf32, #tpu.memory_space<vmem>>, vector<2048x128xf32>
    %get3A_9 = arith.constant 0 : index
    %get3A_10 = arith.constant 0 : index
    %get3A_11 = vector.load %arg4[%get3A_9, %get3A_10] : memref<2048x128xf32, #tpu.memory_space<vmem>>, vector<2048x128xf32>
    %slice3A = vector.extract_strided_slice %get3A_11 {offsets = [0, 0], sizes = [2048, 3], strides = [1, 1]} : vector<2048x128xf32> to vector<2048x3xf32>
    %slice3A_12 = vector.extract_strided_slice %get3A_8 {offsets = [0, 0], sizes = [2048, 3], strides = [1, 1]} : vector<2048x128xf32> to vector<2048x3xf32>
    %sub3A = arith.subf %slice3A, %slice3A_12 : vector<2048x3xf32>
    %mul3A = arith.mulf %sub3A, %sub3A : vector<2048x3xf32>
    %reduce_sum3A = arith.constant dense<0.000000e+00> : vector<2048xf32>
    %reduce_sum3A_13 = vector.multi_reduction <add>, %mul3A, %reduce_sum3A [1] : vector<2048x3xf32> to vector<2048xf32>
    %broadcast_in_dim3A = vector.shape_cast %reduce_sum3A_13 : vector<2048xf32> to vector<2048x1xf32>
    %sqrt3A = math.sqrt %broadcast_in_dim3A : vector<2048x1xf32>
    %get3A_14 = arith.constant 0 : index
    %get3A_15 = arith.constant 0 : index
    %get3A_16 = vector.load %arg5[%get3A_14, %get3A_15] : memref<128x256xbf16, #tpu.memory_space<vmem>>, vector<128x256xbf16>
    %dot_general3A = arith.constant dense<0.000000e+00> : vector<2048x256xf32>
    %dot_general3A_17 = tpu.matmul %convert_element_type3A, %get3A_16, %dot_general3A {dimension_numbers = #tpu.dot_dimension_numbers<[1], [0], [0], [1], [0, 0, 1, 1], [], []>, transpose_lhs_hint = false} : vector<2048x128xbf16>, vector<128x256xbf16>, vector<2048x256xf32> -> vector<2048x256xf32>
    %get3A_18 = arith.constant 0 : index
    %get3A_19 = arith.constant 0 : index
    %get3A_20 = vector.load %arg6[%get3A_18, %get3A_19] : memref<128x256xbf16, #tpu.memory_space<vmem>>, vector<128x256xbf16>
    %dot_general3A_21 = arith.constant dense<0.000000e+00> : vector<2048x256xf32>
    %dot_general3A_22 = tpu.matmul %convert_element_type3A_5, %get3A_20, %dot_general3A_21 {dimension_numbers = #tpu.dot_dimension_numbers<[1], [0], [0], [1], [0, 0, 1, 1], [], []>, transpose_lhs_hint = false} : vector<2048x128xbf16>, vector<128x256xbf16>, vector<2048x256xf32> -> vector<2048x256xf32>
    %add3A = arith.addf %dot_general3A_17, %dot_general3A_22 : vector<2048x256xf32>
    %get3A_23 = arith.constant 0 : index
    %get3A_24 = arith.constant 0 : index
    %get3A_25 = vector.load %arg7[%get3A_23, %get3A_24] : memref<1x256xbf16, #tpu.memory_space<vmem>>, vector<1x256xbf16>
    %convert_element_type3A_26 = arith.extf %get3A_25 : vector<1x256xbf16> to vector<1x256xf32>
    %mul3A_27 = vector.broadcast %sqrt3A : vector<2048x1xf32> to vector<2048x256xf32>
    %mul3A_28 = vector.broadcast %convert_element_type3A_26 : vector<1x256xf32> to vector<2048x256xf32>
    %mul3A_29 = arith.mulf %mul3A_27, %mul3A_28 : vector<2048x256xf32>
    %add3A_30 = arith.addf %add3A, %mul3A_29 : vector<2048x256xf32>
    %get3A_31 = arith.constant 0 : index
    %get3A_32 = arith.constant 0 : index
    %get3A_33 = vector.load %arg8[%get3A_31, %get3A_32] : memref<1x256xbf16, #tpu.memory_space<vmem>>, vector<1x256xbf16>
    %convert_element_type3A_34 = arith.extf %get3A_33 : vector<1x256xbf16> to vector<1x256xf32>
    %add3A_35 = vector.broadcast %convert_element_type3A_34 : vector<1x256xf32> to vector<2048x256xf32>
    %add3A_36 = arith.addf %add3A_30, %add3A_35 : vector<2048x256xf32>
    %logistic3A = arith.negf %add3A_36 : vector<2048x256xf32>
    %logistic3A_37 = math.exp %logistic3A : vector<2048x256xf32>
    %logistic3A_38 = arith.constant 1.000000e+00 : f32
    %logistic3A_39 = vector.broadcast %logistic3A_38 : f32 to vector<2048x256xf32>
    %logistic3A_40 = arith.addf %logistic3A_39, %logistic3A_37 : vector<2048x256xf32>
    %logistic3A_41 = arith.divf %logistic3A_39, %logistic3A_40 : vector<2048x256xf32>
    %mul3A_42 = arith.mulf %add3A_36, %logistic3A_41 : vector<2048x256xf32>
    %convert_element_type3A_43 = arith.truncf %mul3A_42 : vector<2048x256xf32> to vector<2048x256xbf16>
    %get3A_44 = arith.constant 0 : index
    %get3A_45 = arith.constant 0 : index
    %get3A_46 = vector.load %arg9[%get3A_44, %get3A_45] : memref<256x128xbf16, #tpu.memory_space<vmem>>, vector<256x128xbf16>
    %dot_general3A_47 = arith.constant dense<0.000000e+00> : vector<2048x128xf32>
    %dot_general3A_48 = tpu.matmul %convert_element_type3A_43, %get3A_46, %dot_general3A_47 {dimension_numbers = #tpu.dot_dimension_numbers<[1], [0], [0], [1], [0, 0, 1, 1], [], []>, transpose_lhs_hint = false} : vector<2048x256xbf16>, vector<256x128xbf16>, vector<2048x128xf32> -> vector<2048x128xf32>
    %get3A_49 = arith.constant 0 : index
    %get3A_50 = arith.constant 0 : index
    %get3A_51 = vector.load %arg10[%get3A_49, %get3A_50] : memref<1x128xbf16, #tpu.memory_space<vmem>>, vector<1x128xbf16>
    %convert_element_type3A_52 = arith.extf %get3A_51 : vector<1x128xbf16> to vector<1x128xf32>
    %add3A_53 = vector.broadcast %convert_element_type3A_52 : vector<1x128xf32> to vector<2048x128xf32>
    %add3A_54 = arith.addf %dot_general3A_48, %add3A_53 : vector<2048x128xf32>
    %swap3A = arith.constant 0 : index
    %swap3A_55 = arith.constant 0 : index
    %swap3A_56 = vector.load %arg15[%swap3A, %swap3A_55] : memref<2048x128xf32, #tpu.memory_space<vmem>>, vector<2048x128xf32>
    tpu.vector_store %arg15[%swap3A, %swap3A_55], %add3A_54 {strides = array<i32>} : memref<2048x128xf32, #tpu.memory_space<vmem>>, vector<2048x128xf32>,
    %convert_element_type3A_57 = arith.truncf %add3A_54 : vector<2048x128xf32> to vector<2048x128xbf16>
    %get3A_58 = arith.constant 0 : index
    %get3A_59 = arith.constant 0 : index
    %get3A_60 = vector.load %arg11[%get3A_58, %get3A_59] : memref<128x256xbf16, #tpu.memory_space<vmem>>, vector<128x256xbf16>
    %dot_general3A_61 = arith.constant dense<0.000000e+00> : vector<2048x256xf32>
    %dot_general3A_62 = tpu.matmul %convert_element_type3A_57, %get3A_60, %dot_general3A_61 {dimension_numbers = #tpu.dot_dimension_numbers<[1], [0], [0], [1], [0, 0, 1, 1], [], []>, transpose_lhs_hint = false} : vector<2048x128xbf16>, vector<128x256xbf16>, vector<2048x256xf32> -> vector<2048x256xf32>
    %get3A_63 = arith.constant 0 : index
    %get3A_64 = arith.constant 0 : index
    %get3A_65 = vector.load %arg12[%get3A_63, %get3A_64] : memref<1x256xbf16, #tpu.memory_space<vmem>>, vector<1x256xbf16>
    %convert_element_type3A_66 = arith.extf %get3A_65 : vector<1x256xbf16> to vector<1x256xf32>
    %add3A_67 = vector.broadcast %convert_element_type3A_66 : vector<1x256xf32> to vector<2048x256xf32>
    %add3A_68 = arith.addf %dot_general3A_62, %add3A_67 : vector<2048x256xf32>
    %logistic3A_69 = arith.negf %add3A_68 : vector<2048x256xf32>
    %logistic3A_70 = math.exp %logistic3A_69 : vector<2048x256xf32>
    %logistic3A_71 = arith.constant 1.000000e+00 : f32
    %logistic3A_72 = vector.broadcast %logistic3A_71 : f32 to vector<2048x256xf32>
    %logistic3A_73 = arith.addf %logistic3A_72, %logistic3A_70 : vector<2048x256xf32>
    %logistic3A_74 = arith.divf %logistic3A_72, %logistic3A_73 : vector<2048x256xf32>
    %mul3A_75 = arith.mulf %add3A_68, %logistic3A_74 : vector<2048x256xf32>
    %convert_element_type3A_76 = arith.truncf %mul3A_75 : vector<2048x256xf32> to vector<2048x256xbf16>
    %get3A_77 = arith.constant 0 : index
    %get3A_78 = arith.constant 0 : index
    %get3A_79 = vector.load %arg13[%get3A_77, %get3A_78] : memref<256x1xbf16, #tpu.memory_space<vmem>>, vector<256x1xbf16>
    %dot_general3A_80 = arith.constant dense<0.000000e+00> : vector<2048x1xf32>
    %dot_general3A_81 = tpu.matmul %convert_element_type3A_76, %get3A_79, %dot_general3A_80 {dimension_numbers = #tpu.dot_dimension_numbers<[1], [0], [0], [1], [0, 0, 1, 1], [], []>, transpose_lhs_hint = false} : vector<2048x256xbf16>, vector<256x1xbf16>, vector<2048x1xf32> -> vector<2048x1xf32>
    %get3A_82 = arith.constant 0 : index
    %get3A_83 = arith.constant 0 : index
    %get3A_84 = vector.load %arg14[%get3A_82, %get3A_83] : memref<1x1xbf16, #tpu.memory_space<vmem>>, vector<1x1xbf16>
    %convert_element_type3A_85 = arith.extf %get3A_84 : vector<1x1xbf16> to vector<1x1xf32>
    %add3A_86 = vector.broadcast %convert_element_type3A_85 : vector<1x1xf32> to vector<2048x1xf32>
    %add3A_87 = arith.addf %dot_general3A_81, %add3A_86 : vector<2048x1xf32>
    %mul3A_88 = vector.broadcast %add3A_87 : vector<2048x1xf32> to vector<2048x3xf32>
    %mul3A_89 = arith.mulf %sub3A, %mul3A_88 : vector<2048x3xf32>
    %jit3A = arith.constant 0 : i32
    %convert_element_type3A_90 = arith.sitofp %jit3A : i32 to f32
    %pad3A = vector.broadcast %convert_element_type3A_90 : f32 to vector<2048x13xf32>
    %pad3A_91 = tpu.concatenate %mul3A_89, %pad3A in 1 : vector<2048x3xf32>, vector<2048x13xf32> -> vector<2048x16xf32>
    %swap3A_92 = arith.constant 0 : index
    %swap3A_93 = arith.constant 0 : index
    %swap3A_94 = vector.load %arg16[%swap3A_92, %swap3A_93] : memref<2048x16xf32, #tpu.memory_space<vmem>>, vector<2048x16xf32>
    tpu.vector_store %arg16[%swap3A_92, %swap3A_93], %pad3A_91 {strides = array<i32>} : memref<2048x16xf32, #tpu.memory_space<vmem>>, vector<2048x16xf32>,
    return
  }
  func.func @transform_0(%arg0: i32) -> (i32, i32) {
    %c0_i32 = arith.constant 0 : i32
    %c0_i32_0 = arith.constant 0 : i32
    return %arg0, %c0_i32 : i32, i32
  }
  func.func @transform_1(%arg0: i32) -> (i32, i32) {
    %c0_i32 = arith.constant 0 : i32
    %c0_i32_0 = arith.constant 0 : i32
    return %arg0, %c0_i32 : i32, i32
  }
  func.func @transform_2(%arg0: i32) -> (i32, i32) {
    %c0_i32 = arith.constant 0 : i32
    %c0_i32_0 = arith.constant 0 : i32
    return %arg0, %c0_i32 : i32, i32
  }
  func.func @transform_3(%arg0: i32) -> (i32, i32) {
    %c0_i32 = arith.constant 0 : i32
    %c0_i32_0 = arith.constant 0 : i32
    return %arg0, %c0_i32 : i32, i32
  }
  func.func @transform_4(%arg0: i32) -> (i32, i32) {
    %c0_i32 = arith.constant 0 : i32
    %c0_i32_0 = arith.constant 0 : i32
    %c0_i32_1 = arith.constant 0 : i32
    return %c0_i32, %c0_i32_0 : i32, i32
  }
  func.func @transform_5(%arg0: i32) -> (i32, i32) {
    %c0_i32 = arith.constant 0 : i32
    %c0_i32_0 = arith.constant 0 : i32
    %c0_i32_1 = arith.constant 0 : i32
    return %c0_i32, %c0_i32_0 : i32, i32
  }
  func.func @transform_6(%arg0: i32) -> (i32, i32) {
    %c0_i32 = arith.constant 0 : i32
    %c0_i32_0 = arith.constant 0 : i32
    %c0_i32_1 = arith.constant 0 : i32
    return %c0_i32, %c0_i32_0 : i32, i32
  }
  func.func @transform_7(%arg0: i32) -> (i32, i32) {
    %c0_i32 = arith.constant 0 : i32
    %c0_i32_0 = arith.constant 0 : i32
    %c0_i32_1 = arith.constant 0 : i32
    return %c0_i32, %c0_i32_0 : i32, i32
  }
  func.func @transform_8(%arg0: i32) -> (i32, i32) {
    %c0_i32 = arith.constant 0 : i32
    %c0_i32_0 = arith.constant 0 : i32
    %c0_i32_1 = arith.constant 0 : i32
    return %c0_i32, %c0_i32_0 : i32, i32
  }
  func.func @transform_9(%arg0: i32) -> (i32, i32) {
    %c0_i32 = arith.constant 0 : i32
    %c0_i32_0 = arith.constant 0 : i32
    %c0_i32_1 = arith.constant 0 : i32
    return %c0_i32, %c0_i32_0 : i32, i32
  }
  func.func @transform_10(%arg0: i32) -> (i32, i32) {
    %c0_i32 = arith.constant 0 : i32
    %c0_i32_0 = arith.constant 0 : i32
    %c0_i32_1 = arith.constant 0 : i32
    return %c0_i32, %c0_i32_0 : i32, i32
  }
  func.func @transform_11(%arg0: i32) -> (i32, i32) {
    %c0_i32 = arith.constant 0 : i32
    %c0_i32_0 = arith.constant 0 : i32
    %c0_i32_1 = arith.constant 0 : i32
    return %c0_i32, %c0_i32_0 : i32, i32
  }
  func.func @transform_12(%arg0: i32) -> (i32, i32) {
    %c0_i32 = arith.constant 0 : i32
    %c0_i32_0 = arith.constant 0 : i32
    %c0_i32_1 = arith.constant 0 : i32
    return %c0_i32, %c0_i32_0 : i32, i32
  }
  func.func @transform_13(%arg0: i32) -> (i32, i32) {
    %c0_i32 = arith.constant 0 : i32
    %c0_i32_0 = arith.constant 0 : i32
    %c0_i32_1 = arith.constant 0 : i32
    return %c0_i32, %c0_i32_0 : i32, i32
  }
  func.func @transform_14(%arg0: i32) -> (i32, i32) {
    %c0_i32 = arith.constant 0 : i32
    %c0_i32_0 = arith.constant 0 : i32
    return %arg0, %c0_i32 : i32, i32
  }
  func.func @transform_15(%arg0: i32) -> (i32, i32) {
    %c0_i32 = arith.constant 0 : i32
    %c0_i32_0 = arith.constant 0 : i32
    return %arg0, %c0_i32 : i32, i32
  }
}

module attributes {stable_mosaic.version = 14 : i64} {
  func.func @_edge_body(%arg0: i32, %arg1: memref<2048x128xf32, #tpu.memory_space<vmem>>, %arg2: memref<2048x128xf32, #tpu.memory_space<vmem>>, %arg3: memref<2048x128xf32, #tpu.memory_space<vmem>>, %arg4: memref<2048x128xf32, #tpu.memory_space<vmem>>, %arg5: memref<128x256xbf16, #tpu.memory_space<vmem>>, %arg6: memref<128x256xbf16, #tpu.memory_space<vmem>>, %arg7: memref<1x256xbf16, #tpu.memory_space<vmem>>, %arg8: memref<1x256xbf16, #tpu.memory_space<vmem>>, %arg9: memref<256x128xbf16, #tpu.memory_space<vmem>>, %arg10: memref<1x128xbf16, #tpu.memory_space<vmem>>, %arg11: memref<2048x128xf32, #tpu.memory_space<vmem>>) attributes {dimension_semantics = [#tpu.dimension_semantics<arbitrary>], iteration_bounds = array<i64: 120>, scalar_prefetch = 0 : i64, scratch_operands = 0 : i64, tpu.core_type = #tpu.core_type<tc>, window_params = [{transform_indices = @transform_0, window_bounds = array<i64: 2048, 128>}, {transform_indices = @transform_1, window_bounds = array<i64: 2048, 128>}, {transform_indices = @transform_2, window_bounds = array<i64: 2048, 128>}, {transform_indices = @transform_3, window_bounds = array<i64: 2048, 128>}, {pipeline_mode = #tpu.pipeline_mode<synchronous>, transform_indices = @transform_4, window_bounds = array<i64: 128, 256>}, {pipeline_mode = #tpu.pipeline_mode<synchronous>, transform_indices = @transform_5, window_bounds = array<i64: 128, 256>}, {pipeline_mode = #tpu.pipeline_mode<synchronous>, transform_indices = @transform_6, window_bounds = array<i64: 1, 256>}, {pipeline_mode = #tpu.pipeline_mode<synchronous>, transform_indices = @transform_7, window_bounds = array<i64: 1, 256>}, {pipeline_mode = #tpu.pipeline_mode<synchronous>, transform_indices = @transform_8, window_bounds = array<i64: 256, 128>}, {pipeline_mode = #tpu.pipeline_mode<synchronous>, transform_indices = @transform_9, window_bounds = array<i64: 1, 128>}, {transform_indices = @transform_10, window_bounds = array<i64: 2048, 128>}]} {
    %get3A = arith.constant 0 : index
    %get3A_0 = arith.constant 0 : index
    %get3A_1 = vector.load %arg1[%get3A, %get3A_0] : memref<2048x128xf32, #tpu.memory_space<vmem>>, vector<2048x128xf32>
    %convert_element_type3A = arith.truncf %get3A_1 : vector<2048x128xf32> to vector<2048x128xbf16>
    %get3A_2 = arith.constant 0 : index
    %get3A_3 = arith.constant 0 : index
    %get3A_4 = vector.load %arg2[%get3A_2, %get3A_3] : memref<2048x128xf32, #tpu.memory_space<vmem>>, vector<2048x128xf32>
    %convert_element_type3A_5 = arith.truncf %get3A_4 : vector<2048x128xf32> to vector<2048x128xbf16>
    %get3A_6 = arith.constant 0 : index
    %get3A_7 = arith.constant 0 : index
    %get3A_8 = vector.load %arg3[%get3A_6, %get3A_7] : memref<2048x128xf32, #tpu.memory_space<vmem>>, vector<2048x128xf32>
    %get3A_9 = arith.constant 0 : index
    %get3A_10 = arith.constant 0 : index
    %get3A_11 = vector.load %arg4[%get3A_9, %get3A_10] : memref<2048x128xf32, #tpu.memory_space<vmem>>, vector<2048x128xf32>
    %slice3A = vector.extract_strided_slice %get3A_11 {offsets = [0, 0], sizes = [2048, 3], strides = [1, 1]} : vector<2048x128xf32> to vector<2048x3xf32>
    %slice3A_12 = vector.extract_strided_slice %get3A_8 {offsets = [0, 0], sizes = [2048, 3], strides = [1, 1]} : vector<2048x128xf32> to vector<2048x3xf32>
    %sub3A = arith.subf %slice3A, %slice3A_12 : vector<2048x3xf32>
    %mul3A = arith.mulf %sub3A, %sub3A : vector<2048x3xf32>
    %reduce_sum3A = arith.constant dense<0.000000e+00> : vector<2048xf32>
    %reduce_sum3A_13 = vector.multi_reduction <add>, %mul3A, %reduce_sum3A [1] : vector<2048x3xf32> to vector<2048xf32>
    %broadcast_in_dim3A = vector.shape_cast %reduce_sum3A_13 : vector<2048xf32> to vector<2048x1xf32>
    %sqrt3A = math.sqrt %broadcast_in_dim3A : vector<2048x1xf32>
    %get3A_14 = arith.constant 0 : index
    %get3A_15 = arith.constant 0 : index
    %get3A_16 = vector.load %arg5[%get3A_14, %get3A_15] : memref<128x256xbf16, #tpu.memory_space<vmem>>, vector<128x256xbf16>
    %dot_general3A = arith.constant dense<0.000000e+00> : vector<2048x256xf32>
    %dot_general3A_17 = tpu.matmul %convert_element_type3A, %get3A_16, %dot_general3A {dimension_numbers = #tpu.dot_dimension_numbers<[1], [0], [0], [1], [0, 0, 1, 1], [], []>, transpose_lhs_hint = false} : vector<2048x128xbf16>, vector<128x256xbf16>, vector<2048x256xf32> -> vector<2048x256xf32>
    %get3A_18 = arith.constant 0 : index
    %get3A_19 = arith.constant 0 : index
    %get3A_20 = vector.load %arg6[%get3A_18, %get3A_19] : memref<128x256xbf16, #tpu.memory_space<vmem>>, vector<128x256xbf16>
    %dot_general3A_21 = arith.constant dense<0.000000e+00> : vector<2048x256xf32>
    %dot_general3A_22 = tpu.matmul %convert_element_type3A_5, %get3A_20, %dot_general3A_21 {dimension_numbers = #tpu.dot_dimension_numbers<[1], [0], [0], [1], [0, 0, 1, 1], [], []>, transpose_lhs_hint = false} : vector<2048x128xbf16>, vector<128x256xbf16>, vector<2048x256xf32> -> vector<2048x256xf32>
    %add3A = arith.addf %dot_general3A_17, %dot_general3A_22 : vector<2048x256xf32>
    %get3A_23 = arith.constant 0 : index
    %get3A_24 = arith.constant 0 : index
    %get3A_25 = vector.load %arg7[%get3A_23, %get3A_24] : memref<1x256xbf16, #tpu.memory_space<vmem>>, vector<1x256xbf16>
    %convert_element_type3A_26 = arith.extf %get3A_25 : vector<1x256xbf16> to vector<1x256xf32>
    %mul3A_27 = vector.broadcast %sqrt3A : vector<2048x1xf32> to vector<2048x256xf32>
    %mul3A_28 = vector.broadcast %convert_element_type3A_26 : vector<1x256xf32> to vector<2048x256xf32>
    %mul3A_29 = arith.mulf %mul3A_27, %mul3A_28 : vector<2048x256xf32>
    %add3A_30 = arith.addf %add3A, %mul3A_29 : vector<2048x256xf32>
    %get3A_31 = arith.constant 0 : index
    %get3A_32 = arith.constant 0 : index
    %get3A_33 = vector.load %arg8[%get3A_31, %get3A_32] : memref<1x256xbf16, #tpu.memory_space<vmem>>, vector<1x256xbf16>
    %convert_element_type3A_34 = arith.extf %get3A_33 : vector<1x256xbf16> to vector<1x256xf32>
    %add3A_35 = vector.broadcast %convert_element_type3A_34 : vector<1x256xf32> to vector<2048x256xf32>
    %add3A_36 = arith.addf %add3A_30, %add3A_35 : vector<2048x256xf32>
    %logistic3A = arith.negf %add3A_36 : vector<2048x256xf32>
    %logistic3A_37 = math.exp %logistic3A : vector<2048x256xf32>
    %logistic3A_38 = arith.constant 1.000000e+00 : f32
    %logistic3A_39 = vector.broadcast %logistic3A_38 : f32 to vector<2048x256xf32>
    %logistic3A_40 = arith.addf %logistic3A_39, %logistic3A_37 : vector<2048x256xf32>
    %logistic3A_41 = arith.divf %logistic3A_39, %logistic3A_40 : vector<2048x256xf32>
    %mul3A_42 = arith.mulf %add3A_36, %logistic3A_41 : vector<2048x256xf32>
    %convert_element_type3A_43 = arith.truncf %mul3A_42 : vector<2048x256xf32> to vector<2048x256xbf16>
    %get3A_44 = arith.constant 0 : index
    %get3A_45 = arith.constant 0 : index
    %get3A_46 = vector.load %arg9[%get3A_44, %get3A_45] : memref<256x128xbf16, #tpu.memory_space<vmem>>, vector<256x128xbf16>
    %dot_general3A_47 = arith.constant dense<0.000000e+00> : vector<2048x128xf32>
    %dot_general3A_48 = tpu.matmul %convert_element_type3A_43, %get3A_46, %dot_general3A_47 {dimension_numbers = #tpu.dot_dimension_numbers<[1], [0], [0], [1], [0, 0, 1, 1], [], []>, transpose_lhs_hint = false} : vector<2048x256xbf16>, vector<256x128xbf16>, vector<2048x128xf32> -> vector<2048x128xf32>
    %get3A_49 = arith.constant 0 : index
    %get3A_50 = arith.constant 0 : index
    %get3A_51 = vector.load %arg10[%get3A_49, %get3A_50] : memref<1x128xbf16, #tpu.memory_space<vmem>>, vector<1x128xbf16>
    %convert_element_type3A_52 = arith.extf %get3A_51 : vector<1x128xbf16> to vector<1x128xf32>
    %add3A_53 = vector.broadcast %convert_element_type3A_52 : vector<1x128xf32> to vector<2048x128xf32>
    %add3A_54 = arith.addf %dot_general3A_48, %add3A_53 : vector<2048x128xf32>
    %swap3A = arith.constant 0 : index
    %swap3A_55 = arith.constant 0 : index
    %swap3A_56 = vector.load %arg11[%swap3A, %swap3A_55] : memref<2048x128xf32, #tpu.memory_space<vmem>>, vector<2048x128xf32>
    tpu.vector_store %arg11[%swap3A, %swap3A_55], %add3A_54 {strides = array<i32>} : memref<2048x128xf32, #tpu.memory_space<vmem>>, vector<2048x128xf32>,
    return
  }
  func.func @transform_0(%arg0: i32) -> (i32, i32) {
    %c0_i32 = arith.constant 0 : i32
    %c0_i32_0 = arith.constant 0 : i32
    return %arg0, %c0_i32 : i32, i32
  }
  func.func @transform_1(%arg0: i32) -> (i32, i32) {
    %c0_i32 = arith.constant 0 : i32
    %c0_i32_0 = arith.constant 0 : i32
    return %arg0, %c0_i32 : i32, i32
  }
  func.func @transform_2(%arg0: i32) -> (i32, i32) {
    %c0_i32 = arith.constant 0 : i32
    %c0_i32_0 = arith.constant 0 : i32
    return %arg0, %c0_i32 : i32, i32
  }
  func.func @transform_3(%arg0: i32) -> (i32, i32) {
    %c0_i32 = arith.constant 0 : i32
    %c0_i32_0 = arith.constant 0 : i32
    return %arg0, %c0_i32 : i32, i32
  }
  func.func @transform_4(%arg0: i32) -> (i32, i32) {
    %c0_i32 = arith.constant 0 : i32
    %c0_i32_0 = arith.constant 0 : i32
    %c0_i32_1 = arith.constant 0 : i32
    return %c0_i32, %c0_i32_0 : i32, i32
  }
  func.func @transform_5(%arg0: i32) -> (i32, i32) {
    %c0_i32 = arith.constant 0 : i32
    %c0_i32_0 = arith.constant 0 : i32
    %c0_i32_1 = arith.constant 0 : i32
    return %c0_i32, %c0_i32_0 : i32, i32
  }
  func.func @transform_6(%arg0: i32) -> (i32, i32) {
    %c0_i32 = arith.constant 0 : i32
    %c0_i32_0 = arith.constant 0 : i32
    %c0_i32_1 = arith.constant 0 : i32
    return %c0_i32, %c0_i32_0 : i32, i32
  }
  func.func @transform_7(%arg0: i32) -> (i32, i32) {
    %c0_i32 = arith.constant 0 : i32
    %c0_i32_0 = arith.constant 0 : i32
    %c0_i32_1 = arith.constant 0 : i32
    return %c0_i32, %c0_i32_0 : i32, i32
  }
  func.func @transform_8(%arg0: i32) -> (i32, i32) {
    %c0_i32 = arith.constant 0 : i32
    %c0_i32_0 = arith.constant 0 : i32
    %c0_i32_1 = arith.constant 0 : i32
    return %c0_i32, %c0_i32_0 : i32, i32
  }
  func.func @transform_9(%arg0: i32) -> (i32, i32) {
    %c0_i32 = arith.constant 0 : i32
    %c0_i32_0 = arith.constant 0 : i32
    %c0_i32_1 = arith.constant 0 : i32
    return %c0_i32, %c0_i32_0 : i32, i32
  }
  func.func @transform_10(%arg0: i32) -> (i32, i32) {
    %c0_i32 = arith.constant 0 : i32
    %c0_i32_0 = arith.constant 0 : i32
    return %arg0, %c0_i32 : i32, i32
  }
}

module attributes {stable_mosaic.version = 14 : i64} {
  func.func @_node_body(%arg0: i32, %arg1: memref<2000x128xf32, #tpu.memory_space<vmem>>, %arg2: memref<2000x128xf32, #tpu.memory_space<vmem>>, %arg3: memref<128x256xbf16, #tpu.memory_space<vmem>>, %arg4: memref<128x256xbf16, #tpu.memory_space<vmem>>, %arg5: memref<1x256xbf16, #tpu.memory_space<vmem>>, %arg6: memref<256x128xbf16, #tpu.memory_space<vmem>>, %arg7: memref<1x128xbf16, #tpu.memory_space<vmem>>, %arg8: memref<2000x128xf32, #tpu.memory_space<vmem>>) attributes {dimension_semantics = [#tpu.dimension_semantics<arbitrary>], iteration_bounds = array<i64: 60>, scalar_prefetch = 0 : i64, scratch_operands = 0 : i64, tpu.core_type = #tpu.core_type<tc>, window_params = [{transform_indices = @transform_0, window_bounds = array<i64: 2000, 128>}, {transform_indices = @transform_1, window_bounds = array<i64: 2000, 128>}, {pipeline_mode = #tpu.pipeline_mode<synchronous>, transform_indices = @transform_2, window_bounds = array<i64: 128, 256>}, {pipeline_mode = #tpu.pipeline_mode<synchronous>, transform_indices = @transform_3, window_bounds = array<i64: 128, 256>}, {pipeline_mode = #tpu.pipeline_mode<synchronous>, transform_indices = @transform_4, window_bounds = array<i64: 1, 256>}, {pipeline_mode = #tpu.pipeline_mode<synchronous>, transform_indices = @transform_5, window_bounds = array<i64: 256, 128>}, {pipeline_mode = #tpu.pipeline_mode<synchronous>, transform_indices = @transform_6, window_bounds = array<i64: 1, 128>}, {transform_indices = @transform_7, window_bounds = array<i64: 2000, 128>}]} {
    %get3A = arith.constant 0 : index
    %get3A_0 = arith.constant 0 : index
    %get3A_1 = vector.load %arg1[%get3A, %get3A_0] : memref<2000x128xf32, #tpu.memory_space<vmem>>, vector<2000x128xf32>
    %get3A_2 = arith.constant 0 : index
    %get3A_3 = arith.constant 0 : index
    %get3A_4 = vector.load %arg2[%get3A_2, %get3A_3] : memref<2000x128xf32, #tpu.memory_space<vmem>>, vector<2000x128xf32>
    %convert_element_type3A = arith.truncf %get3A_1 : vector<2000x128xf32> to vector<2000x128xbf16>
    %get3A_5 = arith.constant 0 : index
    %get3A_6 = arith.constant 0 : index
    %get3A_7 = vector.load %arg3[%get3A_5, %get3A_6] : memref<128x256xbf16, #tpu.memory_space<vmem>>, vector<128x256xbf16>
    %dot_general3A = arith.constant dense<0.000000e+00> : vector<2000x256xf32>
    %dot_general3A_8 = tpu.matmul %convert_element_type3A, %get3A_7, %dot_general3A {dimension_numbers = #tpu.dot_dimension_numbers<[1], [0], [0], [1], [0, 0, 1, 1], [], []>, transpose_lhs_hint = false} : vector<2000x128xbf16>, vector<128x256xbf16>, vector<2000x256xf32> -> vector<2000x256xf32>
    %convert_element_type3A_9 = arith.truncf %get3A_4 : vector<2000x128xf32> to vector<2000x128xbf16>
    %get3A_10 = arith.constant 0 : index
    %get3A_11 = arith.constant 0 : index
    %get3A_12 = vector.load %arg4[%get3A_10, %get3A_11] : memref<128x256xbf16, #tpu.memory_space<vmem>>, vector<128x256xbf16>
    %dot_general3A_13 = arith.constant dense<0.000000e+00> : vector<2000x256xf32>
    %dot_general3A_14 = tpu.matmul %convert_element_type3A_9, %get3A_12, %dot_general3A_13 {dimension_numbers = #tpu.dot_dimension_numbers<[1], [0], [0], [1], [0, 0, 1, 1], [], []>, transpose_lhs_hint = false} : vector<2000x128xbf16>, vector<128x256xbf16>, vector<2000x256xf32> -> vector<2000x256xf32>
    %add3A = arith.addf %dot_general3A_8, %dot_general3A_14 : vector<2000x256xf32>
    %get3A_15 = arith.constant 0 : index
    %get3A_16 = arith.constant 0 : index
    %get3A_17 = vector.load %arg5[%get3A_15, %get3A_16] : memref<1x256xbf16, #tpu.memory_space<vmem>>, vector<1x256xbf16>
    %convert_element_type3A_18 = arith.extf %get3A_17 : vector<1x256xbf16> to vector<1x256xf32>
    %add3A_19 = vector.broadcast %convert_element_type3A_18 : vector<1x256xf32> to vector<2000x256xf32>
    %add3A_20 = arith.addf %add3A, %add3A_19 : vector<2000x256xf32>
    %logistic3A = arith.negf %add3A_20 : vector<2000x256xf32>
    %logistic3A_21 = math.exp %logistic3A : vector<2000x256xf32>
    %logistic3A_22 = arith.constant 1.000000e+00 : f32
    %logistic3A_23 = vector.broadcast %logistic3A_22 : f32 to vector<2000x256xf32>
    %logistic3A_24 = arith.addf %logistic3A_23, %logistic3A_21 : vector<2000x256xf32>
    %logistic3A_25 = arith.divf %logistic3A_23, %logistic3A_24 : vector<2000x256xf32>
    %mul3A = arith.mulf %add3A_20, %logistic3A_25 : vector<2000x256xf32>
    %convert_element_type3A_26 = arith.truncf %mul3A : vector<2000x256xf32> to vector<2000x256xbf16>
    %get3A_27 = arith.constant 0 : index
    %get3A_28 = arith.constant 0 : index
    %get3A_29 = vector.load %arg6[%get3A_27, %get3A_28] : memref<256x128xbf16, #tpu.memory_space<vmem>>, vector<256x128xbf16>
    %dot_general3A_30 = arith.constant dense<0.000000e+00> : vector<2000x128xf32>
    %dot_general3A_31 = tpu.matmul %convert_element_type3A_26, %get3A_29, %dot_general3A_30 {dimension_numbers = #tpu.dot_dimension_numbers<[1], [0], [0], [1], [0, 0, 1, 1], [], []>, transpose_lhs_hint = false} : vector<2000x256xbf16>, vector<256x128xbf16>, vector<2000x128xf32> -> vector<2000x128xf32>
    %get3A_32 = arith.constant 0 : index
    %get3A_33 = arith.constant 0 : index
    %get3A_34 = vector.load %arg7[%get3A_32, %get3A_33] : memref<1x128xbf16, #tpu.memory_space<vmem>>, vector<1x128xbf16>
    %convert_element_type3A_35 = arith.extf %get3A_34 : vector<1x128xbf16> to vector<1x128xf32>
    %add3A_36 = vector.broadcast %convert_element_type3A_35 : vector<1x128xf32> to vector<2000x128xf32>
    %add3A_37 = arith.addf %dot_general3A_31, %add3A_36 : vector<2000x128xf32>
    %add3A_38 = arith.addf %get3A_1, %add3A_37 : vector<2000x128xf32>
    %swap3A = arith.constant 0 : index
    %swap3A_39 = arith.constant 0 : index
    %swap3A_40 = vector.load %arg8[%swap3A, %swap3A_39] : memref<2000x128xf32, #tpu.memory_space<vmem>>, vector<2000x128xf32>
    tpu.vector_store %arg8[%swap3A, %swap3A_39], %add3A_38 {strides = array<i32>} : memref<2000x128xf32, #tpu.memory_space<vmem>>, vector<2000x128xf32>,
    return
  }
  func.func @transform_0(%arg0: i32) -> (i32, i32) {
    %c0_i32 = arith.constant 0 : i32
    %c0_i32_0 = arith.constant 0 : i32
    return %arg0, %c0_i32 : i32, i32
  }
  func.func @transform_1(%arg0: i32) -> (i32, i32) {
    %c0_i32 = arith.constant 0 : i32
    %c0_i32_0 = arith.constant 0 : i32
    return %arg0, %c0_i32 : i32, i32
  }
  func.func @transform_2(%arg0: i32) -> (i32, i32) {
    %c0_i32 = arith.constant 0 : i32
    %c0_i32_0 = arith.constant 0 : i32
    %c0_i32_1 = arith.constant 0 : i32
    return %c0_i32, %c0_i32_0 : i32, i32
  }
  func.func @transform_3(%arg0: i32) -> (i32, i32) {
    %c0_i32 = arith.constant 0 : i32
    %c0_i32_0 = arith.constant 0 : i32
    %c0_i32_1 = arith.constant 0 : i32
    return %c0_i32, %c0_i32_0 : i32, i32
  }
  func.func @transform_4(%arg0: i32) -> (i32, i32) {
    %c0_i32 = arith.constant 0 : i32
    %c0_i32_0 = arith.constant 0 : i32
    %c0_i32_1 = arith.constant 0 : i32
    return %c0_i32, %c0_i32_0 : i32, i32
  }
  func.func @transform_5(%arg0: i32) -> (i32, i32) {
    %c0_i32 = arith.constant 0 : i32
    %c0_i32_0 = arith.constant 0 : i32
    %c0_i32_1 = arith.constant 0 : i32
    return %c0_i32, %c0_i32_0 : i32, i32
  }
  func.func @transform_6(%arg0: i32) -> (i32, i32) {
    %c0_i32 = arith.constant 0 : i32
    %c0_i32_0 = arith.constant 0 : i32
    %c0_i32_1 = arith.constant 0 : i32
    return %c0_i32, %c0_i32_0 : i32, i32
  }
  func.func @transform_7(%arg0: i32) -> (i32, i32) {
    %c0_i32 = arith.constant 0 : i32
    %c0_i32_0 = arith.constant 0 : i32
    return %arg0, %c0_i32 : i32, i32
  }
}

module attributes {stable_mosaic.version = 14 : i64} {
  func.func @_node_body(%arg0: i32, %arg1: memref<2000x128xf32, #tpu.memory_space<vmem>>, %arg2: memref<2000x128xf32, #tpu.memory_space<vmem>>, %arg3: memref<128x256xbf16, #tpu.memory_space<vmem>>, %arg4: memref<128x256xbf16, #tpu.memory_space<vmem>>, %arg5: memref<1x256xbf16, #tpu.memory_space<vmem>>, %arg6: memref<256x128xbf16, #tpu.memory_space<vmem>>, %arg7: memref<1x128xbf16, #tpu.memory_space<vmem>>, %arg8: memref<2000x128xf32, #tpu.memory_space<vmem>>) attributes {dimension_semantics = [#tpu.dimension_semantics<arbitrary>], iteration_bounds = array<i64: 40>, scalar_prefetch = 0 : i64, scratch_operands = 0 : i64, tpu.core_type = #tpu.core_type<tc>, window_params = [{transform_indices = @transform_0, window_bounds = array<i64: 2000, 128>}, {transform_indices = @transform_1, window_bounds = array<i64: 2000, 128>}, {pipeline_mode = #tpu.pipeline_mode<synchronous>, transform_indices = @transform_2, window_bounds = array<i64: 128, 256>}, {pipeline_mode = #tpu.pipeline_mode<synchronous>, transform_indices = @transform_3, window_bounds = array<i64: 128, 256>}, {pipeline_mode = #tpu.pipeline_mode<synchronous>, transform_indices = @transform_4, window_bounds = array<i64: 1, 256>}, {pipeline_mode = #tpu.pipeline_mode<synchronous>, transform_indices = @transform_5, window_bounds = array<i64: 256, 128>}, {pipeline_mode = #tpu.pipeline_mode<synchronous>, transform_indices = @transform_6, window_bounds = array<i64: 1, 128>}, {transform_indices = @transform_7, window_bounds = array<i64: 2000, 128>}]} {
    %get3A = arith.constant 0 : index
    %get3A_0 = arith.constant 0 : index
    %get3A_1 = vector.load %arg1[%get3A, %get3A_0] : memref<2000x128xf32, #tpu.memory_space<vmem>>, vector<2000x128xf32>
    %get3A_2 = arith.constant 0 : index
    %get3A_3 = arith.constant 0 : index
    %get3A_4 = vector.load %arg2[%get3A_2, %get3A_3] : memref<2000x128xf32, #tpu.memory_space<vmem>>, vector<2000x128xf32>
    %convert_element_type3A = arith.truncf %get3A_1 : vector<2000x128xf32> to vector<2000x128xbf16>
    %get3A_5 = arith.constant 0 : index
    %get3A_6 = arith.constant 0 : index
    %get3A_7 = vector.load %arg3[%get3A_5, %get3A_6] : memref<128x256xbf16, #tpu.memory_space<vmem>>, vector<128x256xbf16>
    %dot_general3A = arith.constant dense<0.000000e+00> : vector<2000x256xf32>
    %dot_general3A_8 = tpu.matmul %convert_element_type3A, %get3A_7, %dot_general3A {dimension_numbers = #tpu.dot_dimension_numbers<[1], [0], [0], [1], [0, 0, 1, 1], [], []>, transpose_lhs_hint = false} : vector<2000x128xbf16>, vector<128x256xbf16>, vector<2000x256xf32> -> vector<2000x256xf32>
    %convert_element_type3A_9 = arith.truncf %get3A_4 : vector<2000x128xf32> to vector<2000x128xbf16>
    %get3A_10 = arith.constant 0 : index
    %get3A_11 = arith.constant 0 : index
    %get3A_12 = vector.load %arg4[%get3A_10, %get3A_11] : memref<128x256xbf16, #tpu.memory_space<vmem>>, vector<128x256xbf16>
    %dot_general3A_13 = arith.constant dense<0.000000e+00> : vector<2000x256xf32>
    %dot_general3A_14 = tpu.matmul %convert_element_type3A_9, %get3A_12, %dot_general3A_13 {dimension_numbers = #tpu.dot_dimension_numbers<[1], [0], [0], [1], [0, 0, 1, 1], [], []>, transpose_lhs_hint = false} : vector<2000x128xbf16>, vector<128x256xbf16>, vector<2000x256xf32> -> vector<2000x256xf32>
    %add3A = arith.addf %dot_general3A_8, %dot_general3A_14 : vector<2000x256xf32>
    %get3A_15 = arith.constant 0 : index
    %get3A_16 = arith.constant 0 : index
    %get3A_17 = vector.load %arg5[%get3A_15, %get3A_16] : memref<1x256xbf16, #tpu.memory_space<vmem>>, vector<1x256xbf16>
    %convert_element_type3A_18 = arith.extf %get3A_17 : vector<1x256xbf16> to vector<1x256xf32>
    %add3A_19 = vector.broadcast %convert_element_type3A_18 : vector<1x256xf32> to vector<2000x256xf32>
    %add3A_20 = arith.addf %add3A, %add3A_19 : vector<2000x256xf32>
    %logistic3A = arith.negf %add3A_20 : vector<2000x256xf32>
    %logistic3A_21 = math.exp %logistic3A : vector<2000x256xf32>
    %logistic3A_22 = arith.constant 1.000000e+00 : f32
    %logistic3A_23 = vector.broadcast %logistic3A_22 : f32 to vector<2000x256xf32>
    %logistic3A_24 = arith.addf %logistic3A_23, %logistic3A_21 : vector<2000x256xf32>
    %logistic3A_25 = arith.divf %logistic3A_23, %logistic3A_24 : vector<2000x256xf32>
    %mul3A = arith.mulf %add3A_20, %logistic3A_25 : vector<2000x256xf32>
    %convert_element_type3A_26 = arith.truncf %mul3A : vector<2000x256xf32> to vector<2000x256xbf16>
    %get3A_27 = arith.constant 0 : index
    %get3A_28 = arith.constant 0 : index
    %get3A_29 = vector.load %arg6[%get3A_27, %get3A_28] : memref<256x128xbf16, #tpu.memory_space<vmem>>, vector<256x128xbf16>
    %dot_general3A_30 = arith.constant dense<0.000000e+00> : vector<2000x128xf32>
    %dot_general3A_31 = tpu.matmul %convert_element_type3A_26, %get3A_29, %dot_general3A_30 {dimension_numbers = #tpu.dot_dimension_numbers<[1], [0], [0], [1], [0, 0, 1, 1], [], []>, transpose_lhs_hint = false} : vector<2000x256xbf16>, vector<256x128xbf16>, vector<2000x128xf32> -> vector<2000x128xf32>
    %get3A_32 = arith.constant 0 : index
    %get3A_33 = arith.constant 0 : index
    %get3A_34 = vector.load %arg7[%get3A_32, %get3A_33] : memref<1x128xbf16, #tpu.memory_space<vmem>>, vector<1x128xbf16>
    %convert_element_type3A_35 = arith.extf %get3A_34 : vector<1x128xbf16> to vector<1x128xf32>
    %add3A_36 = vector.broadcast %convert_element_type3A_35 : vector<1x128xf32> to vector<2000x128xf32>
    %add3A_37 = arith.addf %dot_general3A_31, %add3A_36 : vector<2000x128xf32>
    %add3A_38 = arith.addf %get3A_1, %add3A_37 : vector<2000x128xf32>
    %swap3A = arith.constant 0 : index
    %swap3A_39 = arith.constant 0 : index
    %swap3A_40 = vector.load %arg8[%swap3A, %swap3A_39] : memref<2000x128xf32, #tpu.memory_space<vmem>>, vector<2000x128xf32>
    tpu.vector_store %arg8[%swap3A, %swap3A_39], %add3A_38 {strides = array<i32>} : memref<2000x128xf32, #tpu.memory_space<vmem>>, vector<2000x128xf32>,
    return
  }
  func.func @transform_0(%arg0: i32) -> (i32, i32) {
    %c0_i32 = arith.constant 0 : i32
    %c0_i32_0 = arith.constant 0 : i32
    return %arg0, %c0_i32 : i32, i32
  }
  func.func @transform_1(%arg0: i32) -> (i32, i32) {
    %c0_i32 = arith.constant 0 : i32
    %c0_i32_0 = arith.constant 0 : i32
    return %arg0, %c0_i32 : i32, i32
  }
  func.func @transform_2(%arg0: i32) -> (i32, i32) {
    %c0_i32 = arith.constant 0 : i32
    %c0_i32_0 = arith.constant 0 : i32
    %c0_i32_1 = arith.constant 0 : i32
    return %c0_i32, %c0_i32_0 : i32, i32
  }
  func.func @transform_3(%arg0: i32) -> (i32, i32) {
    %c0_i32 = arith.constant 0 : i32
    %c0_i32_0 = arith.constant 0 : i32
    %c0_i32_1 = arith.constant 0 : i32
    return %c0_i32, %c0_i32_0 : i32, i32
  }
  func.func @transform_4(%arg0: i32) -> (i32, i32) {
    %c0_i32 = arith.constant 0 : i32
    %c0_i32_0 = arith.constant 0 : i32
    %c0_i32_1 = arith.constant 0 : i32
    return %c0_i32, %c0_i32_0 : i32, i32
  }
  func.func @transform_5(%arg0: i32) -> (i32, i32) {
    %c0_i32 = arith.constant 0 : i32
    %c0_i32_0 = arith.constant 0 : i32
    %c0_i32_1 = arith.constant 0 : i32
    return %c0_i32, %c0_i32_0 : i32, i32
  }
  func.func @transform_6(%arg0: i32) -> (i32, i32) {
    %c0_i32 = arith.constant 0 : i32
    %c0_i32_0 = arith.constant 0 : i32
    %c0_i32_1 = arith.constant 0 : i32
    return %c0_i32, %c0_i32_0 : i32, i32
  }
  func.func @transform_7(%arg0: i32) -> (i32, i32) {
    %c0_i32 = arith.constant 0 : i32
    %c0_i32_0 = arith.constant 0 : i32
    return %arg0, %c0_i32 : i32, i32
  }
}

</mosaic_0001>

<sc_bundles>
// kernel: kernel.11.cloned.1.call-start
scs
__scs_entry_jumppad:
0x0: {  	(pc) =	sbr.rel $0x88, $3  }
0x1: {  	(tag) =	ssettag $0x0;
	lr =	simm.s32 $0x1  }
0x2: {  	[smem:$0x3F87] =	sst lr;
	_ =	strace $0xD0000000  }
0x3: {  	_ = 	snop  }
0x4: {  	_ = 	snop  }
0x5: {  	_ = 	snop  }
0x6: {  	_ = 	snop  }
0x7: {  	_ = 	snop  }
__scs_overlays_trampoline_lowered:
0x8: {  	[smem:$0x3F96] =	sst s0  }
0x9: {  	[smem:$0x3F97] =	sst s1  }
0xa: {  	[smem:$0x3F98] =	sst s2  }
0xb: {  	[smem:$0x3F99] =	sst s3  }
0xc: {  	[smem:$0x3F9A] =	sst s4  }
0xd: {  	[smem:$0x3F9B] =	sst s5  }
0xe: {  	[smem:$0x3F9C] =	sst s6  }
0xf: {  	[smem:$0x3F9D] =	sst s7  }
0x10: {  	[smem:$0x3F9E] =	sst s8  }
0x11: {  	[smem:$0x3F9F] =	sst s9;
	s0 =	simm.s32 @!p0 $0x0  }
0x12: {  	s1 =	sld [smem:$0x3F85];
	s0 =	simm.s32 @p0 $0x1  }
0x13: {  	[smem:$0x3FA0] =	sst s0;
	s0 =	simm.s32 @!p1 $0x0  }
0x14: {  	s2 =	sld [smem:$0x3F84];
	s0 =	simm.s32 @p1 $0x1  }
0x15: {  	[smem:$0x3FA1] =	sst s0;
	s0 =	simm.s32 @!p2 $0x0  }
0x16: {  	s3 =	sld [smem:$0x3FDB];
	s0 =	simm.s32 @p2 $0x1  }
0x17: {  	s4 =	simm.s32 $0x1BF5;
	[smem:$0x3FA3] =	sst s0  }
0x18: {  	s0 =	sld [smem:$0x3F86];
	_ =	swait.ge [sflag:s4], $0x0  }
0x19: {  	s7 =	sld [smem:$0x3F87]  }
0x1a: {  	s8 =	sadd.s32 $0xFFFFE003, lr  }
0x1b: {  	s9 =	sadd.s32 $0xFFFFFEF7, lr;
	s5 =	simm.s32 $0xFFFFFFFF;
	p2 =	slt.u32 s8, $0xFFFFF086  }
0x1c: {  	p1 =	slt.u32 s9, $0xF7A;
	s5 =	simm.s32 @!p2 $0x0  }
0x1d: {  	s5 =	simm.s32 @p1 $0x1;
	p0 =	seq.s32 s7, s2  }
0x1e: {  	s7 =	smul.u32 @!p0 $0xF7A, s2;
	p2 =	seq.s32 @!p0 s5, $0x0  }
0x1f: {  	s9 =	smul.u32 $0xF7A, s1;
	s8 =	simm.s32 @!p0 $0x1BF5;
	p2 =	por !p2, p0  }
0x20: {  	[sflag:s8] =	ssyncset.s32 @!p0 $0xFFFFF086;
	s6 =	sadd.s32 @!p0 s3, s7;
	s7 =	simm.s32 @!p0 $0x108  }
0x21: {  	s3 =	sadd.s32 s3, s9;
	s6 =	sadd.s32 @!p0 $0x88, s6;
	s7 =	simm.s32 @p2 $0x1082  }
0x22: {  	[simem:s7], [sflag:s8] =	dma.local @!p0 [hbm:s6], $0xF7A  }
0x23: {  	s9 =	sor.u32 $0xD0000000, s2;
	s6 =	simm.s32 $0x108;
	_ =	swait.ge @!p0 [sflag:s8], $0x0  }
0x24: {  	s3 =	sadd.s32 $0x88, s3;
	s6 =	simm.s32 @!p1 $0x1082;
	[sflag:s4] =	ssyncset.s32 $0xFFFFF086  }
0x25: {  	[simem:s6], [sflag:s4] =	dma.local [hbm:s3], $0xF7A  }
0x26: {  	[smem:$0x3F87] =	sst s1;
	(tag) =	ssettag s2;
	_ =	strace s9  }
0x27: {  	s1 =	sld [smem:$0x3F97]  }
0x28: {  	s2 =	sld [smem:$0x3F98]  }
0x29: {  	s4 =	sld [smem:$0x3F9A]  }
0x2a: {  	p0 =	seq.s32 s5, $0x0;
	s5 =	sld [smem:$0x3F9B]  }
0x2b: {  	s6 =	sld [smem:$0x3F9C]  }
0x2c: {  	s7 =	sld [smem:$0x3F9D]  }
0x2d: {  	s3 =	simm.s32 $0x108;
	s8 =	sld [smem:$0x3F9E]  }
0x2e: {  	s3 =	simm.s32 @!p0 $0x1082;
	s9 =	sld [smem:$0x3F9F]  }
0x2f: {  	lr =	sadd.s32 s0, s3;
	s0 =	sld [smem:$0x3F96]  }
0x30: {  	s3 =	sld [smem:$0x3F99]  }
0x31: {  	[smem:$0x3FA2] =	sst s10  }
0x32: {  	s10 =	sld [smem:$0x3FA0];
	_ =	sdelay $0x3  }
0x33: {  	p0 =	seq.s32 s10, $0x1;
	s10 =	sld [smem:$0x3FA2];
	_ =	sdelay $0x3  }
0x34: {  	[smem:$0x3FA2] =	sst s10  }
0x35: {  	s10 =	sld [smem:$0x3FA1];
	_ =	sdelay $0x3  }
0x36: {  	p1 =	seq.s32 s10, $0x1;
	s10 =	sld [smem:$0x3FA2];
	_ =	sdelay $0x3  }
0x37: {  	[smem:$0x3FA2] =	sst s10  }
0x38: {  	s10 =	sld [smem:$0x3FA3]  }
0x39: {  	_ = 	snop;
	(pc) =	sbr.ind lr, $3  }
0x3a: {  	_ = 	snop  }
0x3b: {  	_ = 	snop  }
0x3c: {  	p2 =	seq.s32 s10, $0x1;
	s10 =	sld [smem:$0x3FA2]  }
0x3d: {  	_ =	shalt  }
0x3e: {  	_ =	shalt  }
0x3f: {  	_ =	shalt  }
0x40: {  	_ =	shalt  }
0x41: {  	_ =	shalt  }
0x42: {  	_ =	shalt  }
0x43: {  	_ =	shalt  }
0x44: {  	_ =	shalt  }
0x45: {  	_ =	shalt  }
0x46: {  	_ =	shalt  }
0x47: {  	_ =	shalt  }
0x48: {  	_ =	shalt  }
0x49: {  	_ =	shalt  }
0x4a: {  	_ =	shalt  }
0x4b: {  	_ =	shalt  }
0x4c: {  	_ =	shalt  }
0x4d: {  	_ =	shalt  }
0x4e: {  	_ =	shalt  }
0x4f: {  	_ =	shalt  }
0x50: {  	_ =	shalt  }
0x51: {  	_ =	shalt  }
0x52: {  	_ =	shalt  }
0x53: {  	_ =	shalt  }
0x54: {  	_ =	shalt  }
0x55: {  	_ =	shalt  }
0x56: {  	_ =	shalt  }
0x57: {  	_ =	shalt  }
0x58: {  	_ =	shalt  }
0x59: {  	_ =	shalt  }
0x5a: {  	_ =	shalt  }
0x5b: {  	_ =	shalt  }
0x5c: {  	_ =	shalt  }
0x5d: {  	_ =	shalt  }
0x5e: {  	_ =	shalt  }
0x5f: {  	_ =	shalt  }
0x60: {  	_ =	shalt  }
0x61: {  	_ =	shalt  }
0x62: {  	_ =	shalt  }
0x63: {  	_ =	shalt  }
0x64: {  	_ =	shalt  }
0x65: {  	_ =	shalt  }
0x66: {  	_ =	shalt  }
0x67: {  	_ =	shalt  }
0x68: {  	_ =	shalt  }
0x69: {  	_ =	shalt  }
0x6a: {  	_ =	shalt  }
0x6b: {  	_ =	shalt  }
0x6c: {  	_ =	shalt  }
0x6d: {  	_ =	shalt  }
0x6e: {  	_ =	shalt  }
0x6f: {  	_ =	shalt  }
0x70: {  	_ =	shalt  }
0x71: {  	_ =	shalt  }
0x72: {  	_ =	shalt  }
0x73: {  	_ =	shalt  }
0x74: {  	_ =	shalt  }
0x75: {  	_ =	shalt  }
0x76: {  	_ =	shalt  }
0x77: {  	_ =	shalt  }
0x78: {  	_ =	shalt  }
0x79: {  	_ =	shalt  }
0x7a: {  	_ =	shalt  }
0x7b: {  	_ =	shalt  }
0x7c: {  	_ =	shalt  }
0x7d: {  	_ =	shalt  }
0x7e: {  	_ =	shalt  }
0x7f: {  	_ =	shalt  }
0x80: {  	_ =	shalt  }
0x81: {  	_ =	shalt  }
0x82: {  	_ =	shalt  }
0x83: {  	_ =	shalt  }
0x84: {  	_ =	shalt  }
0x85: {  	_ =	shalt  }
0x86: {  	_ =	shalt  }
0x87: {  	_ =	shalt  }
.Lfunc_end0:
.L_simem_size_0:
called_computation.4_lowered:
.L_overlay_start_0:
0x88: {  	s2 =	sld [smem:$0x3FD9]  }
0x89: {  	s3 =	sld [smem:$0x3FFE];
	_ =	sdelay $0x1  }
0x8a: {  	s1 =	srdreg.scid  }
0x8b: {  	s0 =	sand.u32 $0x1, s1  }
0x8c: {  	s15 =	sshll.u32 s0, $0xA;
	s2 =	sadd.s32 s3, s2  }
0x8d: {  	s2 =	sadd.s32 s2, s15  }
0x8e: {  	[smem:$0x3FAE] =	sst s2  }
0x8f: {  	_ = 	snop  }
0x90: {  	s4 =	sld [smem:$0x3FD0];
	_ =	sdelay $0x1  }
0x91: {  	s2 =	sld [smem:$0x3FC7]  }
0x92: {  	s5 =	simm.s32 $0xC;
	s6 =	simm.s32 $0x10;
	s16 =	sld [smem:$0x3FC6]  }
0x93: {  	[smem:s6], [sflag:s5] =	dma.local [hbm:s4], $0x1  }
0x94: {  	_ =	swait.eq [sflag:s5], $0x1  }
0x95: {  	[sflag:s5] =	ssyncset.done $0x0  }
0x96: {  	[sflag:s5] =	ssyncadd.s32 $0xFFFFFFFF  }
0x97: {  	s17 =	sld [smem:$0x12];
	(tm) =	ssettm $0x1  }
0x98: {  	s18 =	sld [smem:$0x3FFB];
	_ =	sdelay $0x3  }
0x99: {  	_ =	strace s18  }
0x9a: {  	s4 =	sld [smem:$0x3FFC];
	_ =	sdelay $0x3  }
0x9b: {  	_ =	strace s4  }
0x9c: {  	s4 =	sld [smem:$0x3FFD];
	_ =	sdelay $0x3  }
0x9d: {  	_ =	strace s4  }
0x9e: {  	_ =	strace $0x8FFFFFFF  }
0x9f: {  	s19 =	sld [smem:$0x3FDB];
	_ =	sdelay $0x1  }
0xa0: {  	s20 =	simm.s32 $_scs_section_size  }
0xa1: {  	s7 =	simm.s32 $_size__tile_overlayer_lowered;
	s8 =	simm.s32 $_tile_overlayer_lowered  }
0xa2: {  	s9 =	simm.s32 $0x1BFF;
	s21 =	sshll.u32 s8, $0x1;
	s6 =	sadd.s32 s20, s19  }
0xa3: {  	s22 =	simm.s32 $0x0;
	s7 =	sshll.u32 s7, $0x1;
	s8 =	sadd.s32 s21, s6  }
0xa4: {  	[timem:s22], [sflag:s9] =	dma.local [hbm:s8], s7  }
0xa5: {  	_ =	swait.ge [sflag:s9], s7  }
0xa6: {  	s7 =	ssub.s32 $0x0, s7;
	[sflag:s9] =	ssyncset.done $0x0  }
0xa7: {  	[sflag:s9] =	ssyncadd.s32 s7;
	_ =	sdelay $0x1  }
0xa8: {  	s23 =	simm.s32 $0x1B8B  }
0xa9: {  	_ =	swait.ge [sflag:s23], $0x1  }
0xaa: {  	[sflag:s23] =	ssyncset.done $0x0  }
0xab: {  	[sflag:s23] =	ssyncadd.s32 $0xFFFFFFFF  }
0xac: {  	s7 =	sld [smem:$0x0]  }
0xad: {  	s8 =	sand.u32 $0xFFFFFFFE, s1  }
0xae: {  	p0 =	sne.s32 s1, s8  }
0xaf: {  	s8 =	sshll.u32 @p0 s8, $0xE  }
0xb0: {  	s8 =	sadd.s32 @p0 $0x11B8D, s8;
	s9 =	sshll.u32 @p0 s7, $0x11  }
0xb1: {  	s8 =	sor.u32 @p0 s9, s8  }
0xb2: {  	[sflag:s8] =	ssyncadd.remote.s32 @p0 $0x1;
	_ =	sdelay $0x1  }
0xb3: {  	s8 =	simm.s32 @p0 $0x1B8D  }
0xb4: {  	_ =	swait.eq @p0 [sflag:s8], $0x1  }
0xb5: {  	[sflag:s8] =	ssyncadd.s32 @p0 $0xFFFFFFFF  }
0xb6: {  	s9 =	sshll.u32 @!p0 s1, $0xE  }
0xb7: {  	s9 =	sor.u32 @!p0 $0x4000, s9;
	s8 =	simm.s32 @!p0 $0x1B8D  }
0xb8: {  	s7 =	sshll.u32 @!p0 s7, $0x11;
	s9 =	sadd.s32 @!p0 $0x11B8D, s9;
	_ =	swait.eq @!p0 [sflag:s8], $0x1  }
0xb9: {  	s7 =	sor.u32 @!p0 s7, s9;
	[sflag:s8] =	ssyncadd.s32 @!p0 $0xFFFFFFFF  }
0xba: {  	s25 =	simm.s32 $0x1B8E;
	s24 =	sld [smem:$0x3FFE];
	[sflag:s7] =	ssyncadd.remote.s32 @!p0 $0x1  }
0xbb: {  	s26 =	simm.s32 $execute0_lowered;
	[smem:$0x3FD2] =	sst s25  }
0xbc: {  	s8 =	sshll.u32 s26, $0x1;
	_ =	strace $0x80000049;
	[dreg:$0x1] =	wrdreg $0xFFFFFFFF  }
0xbd: {  	s28 =	simm.s32 $_size_execute0_lowered;
	s6 =	sadd.s32 s6, s8;
	[dreg:$0x0] =	wrdreg $0x0  }
0xbe: {  	s8 =	sshll.u32 s28, $0x1;
	[dreg:$0x2] =	wrdreg s6  }
0xbf: {  	[dreg:$0x3] =	wrdreg s8  }
0xc0: {  	[dreg:$0x4] =	wrdreg $0xC0  }
0xc1: {  	_ =	task [dreg:s22], $0x5FFFF  }
0xc2: {  	[dreg:$0x1] =	wrdreg $0xFFFFFFFF  }
0xc3: {  	[dreg:$0x0] =	wrdreg $0x60  }
0xc4: {  	[dreg:$0x2] =	wrdreg s24  }
0xc5: {  	[dreg:$0x3] =	wrdreg s16  }
0xc6: {  	[dreg:$0x4] =	wrdreg s2  }
0xc7: {  	[dreg:$0x5] =	wrdreg s17  }
0xc8: {  	[dreg:$0x6] =	wrdreg $0xB  }
0xc9: {  	_ =	task.clear_ibuf [dreg:s22], $0x7FFFF;
	_ =	strace $0x90000049  }
0xca: {  	s29 =	simm.s32 $0xB;
	_ =	strace $0x8000004B  }
0xcb: {  	_ =	swait.ge [sflag:s29], $0x1  }
0xcc: {  	[sflag:s29] =	ssyncadd.s32 $0xFFFFFFFF  }
0xcd: {  	_ =	strace $0x9000004B  }
0xce: {  	_ =	sfence  }
0xcf: {  	s30 =	sld [smem:$0x0];
	_ =	sdelay $0x2  }
0xd0: {  	s31 =	sshll.u32 s1, $0xD;
	s1 =	sshrl.u32 s1, $0x2  }
0xd1: {  	s3 =	sand.u32 $0x4000, s31;
	s1 =	sadd.s32 s1, s30  }
0xd2: {  	s0 =	sor.u32 s3, s0;
	s1 =	sshll.u32 s1, $0x11  }
0xd3: {  	s0 =	sor.u32 s1, s0  }
0xd4: {  	s0 =	sadd.s32 $0x8F2B, s0  }
0xd5: {  	[sflag:s0] =	ssyncadd.remote.s32 $0x1  }
0xd6: {  	_ =	sfence.sel $0xFFFF  }
0xd7: {  	[dreg:$0x0] =	wrdreg $0xFFFFFFFF;
	(pc) =	sbr.abs _section_cstart, $3  }
0xd8: {  	[dreg:$0x1] =	wrdreg $0xFFFFFFFF  }
0xd9: {  	_ =	task.clear_ibuf [dreg:s22], $0x2FFFF;
	_ =	strace $0x9FFFFFFF  }
0xda: {  	(tm) =	ssettm $0x7FFFFFFF  }
0xdb: {  	_ =	shalt  }
tec
execute0_lowered:
.L_overlay_start_1:
0x0: {  	(tag) =	ssettag $0x1  }
0x1: {  	s6 =	rddreg [dreg:$0x0]  }
0x2: {  	s1 =	rddreg [dreg:$0x1]  }
0x3: {  	s3 =	rddreg [dreg:$0x2];
	s2 =	srdreg.scid  }
0x4: {  	s0 =	stileid.u32;
	s4 =	rddreg [dreg:$0x3]  }
0x5: {  	s5 =	simm.s32 $0x0;
	s14 =	simm.s32 $0x2;
	s15 =	simm.s32 $0xC0  }
0x6: {  	s16 =	simm.s32 $0x3C00;
	s17 =	simm.s32 $0x9C00;
	s18 =	simm.s32 $0xFC00  }
0x7: {  	s19 =	simm.s32 $0x15C00;
	s20 =	simm.s32 $0x1;
	s7 =	sand.u32 $0x1, s2  }
0x8: {  	s8 =	sshll.u32 s0, $0x1;
	s2 =	rddreg [dreg:$0x4];
	s9 =	smul.u32 $0x3C000, s0  }
0x9: {  	s8 =	sor.u32 s7, s8;
	s10 =	ssub.s32 $0x2, s7;
	s7 =	smul.u32 $0x1E000, s7  }
0xa: {  	s21 =	simm.s32 $0x0;
	[smem:$0x7FF] =	sst s5;
	s8 =	smul.u32 $0x1E00, s8  }
0xb: {  	_ =	strace $0x8000004A;
	s9 =	sadd.s32 s9, s6;
	s11 =	sshrl.u32 s10, $0x1  }
0xc: {  	s10 =	ssub.s32 s10, s11;
	s13 =	sadd.s32 s7, s9;
	s8 =	sshrl.u32 s8, $0x3  }
0xd: {  	s9 =	sadd.s32 $0x10FD400, s13;
	s10 =	smax.u32 s10, $0x1;
	s11 =	sadd.s32 $0x14BD400, s13  }
0xe: {  	s12 =	sadd.s32 $0x187D400, s13;
	s13 =	sadd.s32 $0x1C3D400, s13;
	s8 =	sadd.s32 s8, s6  }
0xf: {  	s6 =	sadd.s32 $0x28800, s6;
	s7 =	sadd.s32 $0x19800, s8;
	s8 =	sadd.s32 $0x3000, s8  }
.LBB2_1:
0x10: {  	[tilespmem:s5], [sflag:$0x2] =	stream.linear.gather [hbm4b:s7+s5], $0x1E00, $0x38;
	[tilespmem:$0x1BC00] =	vst v63  }
0x11: {  	_ =	swait.ge [sflag:s14], $0x1E00  }
0x12: {  	[sflag:s14] =	ssyncset.done $0x0  }
0x13: {  	s22 =	simm.s32 $0x1E00;
	[sflag:s14] =	ssyncadd.s32 $0xFFFFE200  }
0x14: {  	[tilespmem:s22], [sflag:$0x2] =	stream.linear.gather [hbm4b:s8+s5], $0x1E00, $0x38;
	[tilespmem:$0x1BC00] =	vst v63  }
0x15: {  	_ =	swait.ge [sflag:s14], $0x1E00  }
0x16: {  	[sflag:s14] =	ssyncset.done $0x0  }
0x17: {  	[sflag:s14] =	ssyncadd.s32 $0xFFFFE200  }
0x18: {  	[tilespmem:s16], [sflag:$0x1] =	stream.indirect.gather [hbm4b:s1+s15], $0x80, s5, s15, $0xb8;
	[tilespmem:$0x1BC00] =	vst v63  }
0x19: {  	_ = 	snop  }
0x1a: {  	[tilespmem:s17], [sflag:$0x1] =	stream.indirect.gather [hbm4b:s3+s15], $0x80, s22, s15, $0xb8;
	[tilespmem:$0x1BC00] =	vst v63  }
0x1b: {  	_ = 	snop  }
0x1c: {  	[tilespmem:s18], [sflag:$0x1] =	stream.indirect.gather [hbm4b:s6+s15], $0x80, s5, s15, $0xb8;
	[tilespmem:$0x1BC00] =	vst v63  }
0x1d: {  	_ = 	snop  }
0x1e: {  	[tilespmem:s19], [sflag:$0x1] =	stream.indirect.gather [hbm4b:s4+s15], $0x80, s22, s15, $0xb8;
	[tilespmem:$0x1BC00] =	vst v63  }
0x1f: {  	_ =	swait.ge [sflag:s20], $0x6000  }
0x20: {  	[sflag:s20] =	ssyncset.done $0x0  }
0x21: {  	[sflag:s20] =	ssyncadd.s32 $0xFFFFA000  }
0x22: {  	_ =	swait.ge [sflag:s20], $0x6000  }
0x23: {  	[sflag:s20] =	ssyncset.done $0x0  }
0x24: {  	[sflag:s20] =	ssyncadd.s32 $0xFFFFA000  }
0x25: {  	_ =	swait.ge [sflag:s20], $0x6000  }
0x26: {  	[sflag:s20] =	ssyncset.done $0x0  }
0x27: {  	[sflag:s20] =	ssyncadd.s32 $0xFFFFA000  }
0x28: {  	_ =	swait.ge [sflag:s20], $0x6000  }
0x29: {  	[sflag:s20] =	ssyncset.done $0x0  }
0x2a: {  	s23 =	sadd.s32 $0x0, s9;
	[sflag:s20] =	ssyncadd.s32 $0xFFFFA000  }
0x2b: {  	[hbm4b:s23+s5] =	stream.linear.scatter [tilespmem:s16], [sflag:$0x2], $0x6000, $0x38;
	[tilespmem:$0x1BC00] =	vst v63  }
0x2c: {  	_ =	swait.ge [sflag:s14], $0x6000  }
0x2d: {  	[sflag:s14] =	ssyncset.done $0x0  }
0x2e: {  	s29 =	sadd.s32 $0x0, s11;
	[sflag:s14] =	ssyncadd.s32 $0xFFFFA000  }
0x2f: {  	[hbm4b:s29+s5] =	stream.linear.scatter [tilespmem:s17], [sflag:$0x2], $0x6000, $0x38;
	[tilespmem:$0x1BC00] =	vst v63  }
0x30: {  	_ =	swait.ge [sflag:s14], $0x6000  }
0x31: {  	[sflag:s14] =	ssyncset.done $0x0  }
0x32: {  	s30 =	sadd.s32 $0x0, s12;
	[sflag:s14] =	ssyncadd.s32 $0xFFFFA000  }
0x33: {  	[hbm4b:s30+s5] =	stream.linear.scatter [tilespmem:s18], [sflag:$0x2], $0x6000, $0x38;
	[tilespmem:$0x1BC00] =	vst v63  }
0x34: {  	_ =	swait.ge [sflag:s14], $0x6000  }
0x35: {  	[sflag:s14] =	ssyncset.done $0x0  }
0x36: {  	s31 =	sadd.s32 $0x0, s13;
	[sflag:s14] =	ssyncadd.s32 $0xFFFFA000  }
0x37: {  	[hbm4b:s31+s5] =	stream.linear.scatter [tilespmem:s19], [sflag:$0x2], $0x6000, $0x38;
	[tilespmem:$0x1BC00] =	vst v63  }
0x38: {  	_ =	swait.ge [sflag:s14], $0x6000  }
0x39: {  	s24 =	simm.s32 $0x0;
	s23 =	simm.s32 $0xC00;
	[sflag:s14] =	ssyncset.done $0x0  }
.LBB2_2:
0x3a: {  	[sflag:s14] =	ssyncadd.s32 $0xFFFFA000;
	s22 =	sadd.s32 $0xC0, s22;
	s24 =	sadd.s32 $0xC0, s24  }
0x3b: {  	[tilespmem:s16], [sflag:$0x1] =	stream.indirect.gather [hbm4b:s1+s15], $0x80, s24, s15, $0xb8;
	[tilespmem:$0x1BC00] =	vst v63  }
0x3c: {  	p0 =	sne.s32 s23, $0x1D400;
	s25 =	smov.u32 s23;
	s23 =	sadd.s32 $0xC00, s23  }
0x3d: {  	[tilespmem:s17], [sflag:$0x1] =	stream.indirect.gather [hbm4b:s3+s15], $0x80, s22, s15, $0xb8;
	[tilespmem:$0x1BC00] =	vst v63  }
0x3e: {  	_ = 	snop  }
0x3f: {  	[tilespmem:s18], [sflag:$0x1] =	stream.indirect.gather [hbm4b:s6+s15], $0x80, s24, s15, $0xb8;
	[tilespmem:$0x1BC00] =	vst v63  }
0x40: {  	_ = 	snop  }
0x41: {  	[tilespmem:s19], [sflag:$0x1] =	stream.indirect.gather [hbm4b:s4+s15], $0x80, s22, s15, $0xb8;
	[tilespmem:$0x1BC00] =	vst v63  }
0x42: {  	_ =	swait.ge [sflag:s20], $0x6000  }
0x43: {  	[sflag:s20] =	ssyncset.done $0x0  }
0x44: {  	[sflag:s20] =	ssyncadd.s32 $0xFFFFA000  }
0x45: {  	_ =	swait.ge [sflag:s20], $0x6000  }
0x46: {  	[sflag:s20] =	ssyncset.done $0x0  }
0x47: {  	[sflag:s20] =	ssyncadd.s32 $0xFFFFA000  }
0x48: {  	_ =	swait.ge [sflag:s20], $0x6000  }
0x49: {  	[sflag:s20] =	ssyncset.done $0x0  }
0x4a: {  	[sflag:s20] =	ssyncadd.s32 $0xFFFFA000  }
0x4b: {  	_ =	swait.ge [sflag:s20], $0x6000  }
0x4c: {  	[sflag:s20] =	ssyncset.done $0x0  }
0x4d: {  	s26 =	sadd.s32 s25, s9;
	[sflag:s20] =	ssyncadd.s32 $0xFFFFA000  }
0x4e: {  	[hbm4b:s26+s5] =	stream.linear.scatter [tilespmem:s16], [sflag:$0x2], $0x6000, $0x38;
	[tilespmem:$0x1BC00] =	vst v63  }
0x4f: {  	_ =	swait.ge [sflag:s14], $0x6000  }
0x50: {  	[sflag:s14] =	ssyncset.done $0x0  }
0x51: {  	s26 =	sadd.s32 s25, s11;
	[sflag:s14] =	ssyncadd.s32 $0xFFFFA000  }
0x52: {  	[hbm4b:s26+s5] =	stream.linear.scatter [tilespmem:s17], [sflag:$0x2], $0x6000, $0x38;
	[tilespmem:$0x1BC00] =	vst v63  }
0x53: {  	_ =	swait.ge [sflag:s14], $0x6000  }
0x54: {  	[sflag:s14] =	ssyncset.done $0x0  }
0x55: {  	s26 =	sadd.s32 s25, s12;
	[sflag:s14] =	ssyncadd.s32 $0xFFFFA000  }
0x56: {  	[hbm4b:s26+s5] =	stream.linear.scatter [tilespmem:s18], [sflag:$0x2], $0x6000, $0x38;
	[tilespmem:$0x1BC00] =	vst v63  }
0x57: {  	_ =	swait.ge [sflag:s14], $0x6000  }
.Ltmp0:
0x58: {  	[sflag:s14] =	ssyncset.done $0x0;
	(pc) =	sbr.rel @p0 .LBB2_2-.Ltmp0, $4  }
0x59: {  	s25 =	sadd.s32 s25, s13;
	[sflag:s14] =	ssyncadd.s32 $0xFFFFA000  }
0x5a: {  	[hbm4b:s25+s5] =	stream.linear.scatter [tilespmem:s19], [sflag:$0x2], $0x6000, $0x38;
	[tilespmem:$0x1BC00] =	vst v63  }
0x5b: {  	_ =	swait.ge [sflag:s14], $0x6000  }
0x5c: {  	[sflag:s14] =	ssyncset.done $0x0  }
0x5d: {  	s21 =	sadd.s32 $0x1, s21  }
0x5e: {  	p0 =	sne.s32 s21, s10  }
.Ltmp1:
0x5f: {  	_ = 	snop;
	(pc) =	sbr.rel @p0 .LBB2_1-.Ltmp1, $2  }
0x60: {  	_ =	sdelay $0x2  }
0x61: {  	[sflag:s14] =	ssyncadd.s32 $0xFFFFA000  }
0x62: {  	_ =	sfence.sel $0x180000  }
0x63: {  	[bflag:$0x0] =	sbarrier.arrive $0xFFFF  }
0x64: {  	p0 =	sne.s32 s0, $0x0;
	_ =	strace $0x9000004A  }
0x65: {  	s0 =	sadd.s32 @!p0 $0x100000, s2;
	[bflag:$0x2] =	sbarrier.arrive $0xFFFF  }
0x66: {  	[sflag:s0] =	ssyncadd.tile.s32 @!p0 $0x1;
	_ =	shalt  }
.Lfunc_end2:
_tile_overlayer_lowered:
.L_overlay_start_2:
0x67: {  	(tag) =	ssettag $0x2  }
0x68: {  	s0 =	rddreg [dreg:$0x0];
	s2 =	stileid.u32  }
0x69: {  	s1 =	rddreg [dreg:$0x1];
	p0 =	sne.s32 s2, $0x0  }
0x6a: {  	s3 =	rddreg [dreg:$0x2];
	[bflag:$0x3] =	sbarrier.arrive $0xFFFF;
	s2 =	simm.s32 @!p0 $0x1C02  }
0x6b: {  	[timem:s3], [sflag:s2] =	dma.local @!p0 [hbm:s0], s1  }
0x6c: {  	s0 =	simm.s32 @!p0 $0x2  }
0x6d: {  	_ =	swait.ge @!p0 [sflag:s0], s1  }
0x6e: {  	s1 =	ssub.s32 @!p0 $0x0, s1;
	[sflag:s0] =	ssyncset.done @!p0 $0x0  }
0x6f: {  	[sflag:s0] =	ssyncadd.s32 @!p0 s1  }
0x70: {  	[bflag:$0x3] =	sbarrier.arrive $0xFFFF  }
0x71: {  	_ =	shalt  }

// kernel: kernel.8.cloned.1.call-start
scs
__scs_entry_jumppad:
0x0: {  	(pc) =	sbr.rel $0x88, $3  }
0x1: {  	(tag) =	ssettag $0x0;
	lr =	simm.s32 $0x1  }
0x2: {  	[smem:$0x3F87] =	sst lr;
	_ =	strace $0xD0000000  }
0x3: {  	_ = 	snop  }
0x4: {  	_ = 	snop  }
0x5: {  	_ = 	snop  }
0x6: {  	_ = 	snop  }
0x7: {  	_ = 	snop  }
__scs_overlays_trampoline_lowered:
0x8: {  	[smem:$0x3F96] =	sst s0  }
0x9: {  	[smem:$0x3F97] =	sst s1  }
0xa: {  	[smem:$0x3F98] =	sst s2  }
0xb: {  	[smem:$0x3F99] =	sst s3  }
0xc: {  	[smem:$0x3F9A] =	sst s4  }
0xd: {  	[smem:$0x3F9B] =	sst s5  }
0xe: {  	[smem:$0x3F9C] =	sst s6  }
0xf: {  	[smem:$0x3F9D] =	sst s7  }
0x10: {  	[smem:$0x3F9E] =	sst s8  }
0x11: {  	[smem:$0x3F9F] =	sst s9;
	s0 =	simm.s32 @!p0 $0x0  }
0x12: {  	s1 =	sld [smem:$0x3F85];
	s0 =	simm.s32 @p0 $0x1  }
0x13: {  	[smem:$0x3FA0] =	sst s0;
	s0 =	simm.s32 @!p1 $0x0  }
0x14: {  	s2 =	sld [smem:$0x3F84];
	s0 =	simm.s32 @p1 $0x1  }
0x15: {  	[smem:$0x3FA1] =	sst s0;
	s0 =	simm.s32 @!p2 $0x0  }
0x16: {  	s3 =	sld [smem:$0x3FDB];
	s0 =	simm.s32 @p2 $0x1  }
0x17: {  	s4 =	simm.s32 $0x1BF5;
	[smem:$0x3FA3] =	sst s0  }
0x18: {  	s0 =	sld [smem:$0x3F86];
	_ =	swait.ge [sflag:s4], $0x0  }
0x19: {  	s7 =	sld [smem:$0x3F87]  }
0x1a: {  	s8 =	sadd.s32 $0xFFFFE003, lr  }
0x1b: {  	s9 =	sadd.s32 $0xFFFFFEF7, lr;
	s5 =	simm.s32 $0xFFFFFFFF;
	p2 =	slt.u32 s8, $0xFFFFF086  }
0x1c: {  	p1 =	slt.u32 s9, $0xF7A;
	s5 =	simm.s32 @!p2 $0x0  }
0x1d: {  	s5 =	simm.s32 @p1 $0x1;
	p0 =	seq.s32 s7, s2  }
0x1e: {  	s7 =	smul.u32 @!p0 $0xF7A, s2;
	p2 =	seq.s32 @!p0 s5, $0x0  }
0x1f: {  	s9 =	smul.u32 $0xF7A, s1;
	s8 =	simm.s32 @!p0 $0x1BF5;
	p2 =	por !p2, p0  }
0x20: {  	[sflag:s8] =	ssyncset.s32 @!p0 $0xFFFFF086;
	s6 =	sadd.s32 @!p0 s3, s7;
	s7 =	simm.s32 @!p0 $0x108  }
0x21: {  	s3 =	sadd.s32 s3, s9;
	s6 =	sadd.s32 @!p0 $0x88, s6;
	s7 =	simm.s32 @p2 $0x1082  }
0x22: {  	[simem:s7], [sflag:s8] =	dma.local @!p0 [hbm:s6], $0xF7A  }
0x23: {  	s9 =	sor.u32 $0xD0000000, s2;
	s6 =	simm.s32 $0x108;
	_ =	swait.ge @!p0 [sflag:s8], $0x0  }
0x24: {  	s3 =	sadd.s32 $0x88, s3;
	s6 =	simm.s32 @!p1 $0x1082;
	[sflag:s4] =	ssyncset.s32 $0xFFFFF086  }
0x25: {  	[simem:s6], [sflag:s4] =	dma.local [hbm:s3], $0xF7A  }
0x26: {  	[smem:$0x3F87] =	sst s1;
	(tag) =	ssettag s2;
	_ =	strace s9  }
0x27: {  	s1 =	sld [smem:$0x3F97]  }
0x28: {  	s2 =	sld [smem:$0x3F98]  }
0x29: {  	s4 =	sld [smem:$0x3F9A]  }
0x2a: {  	p0 =	seq.s32 s5, $0x0;
	s5 =	sld [smem:$0x3F9B]  }
0x2b: {  	s6 =	sld [smem:$0x3F9C]  }
0x2c: {  	s7 =	sld [smem:$0x3F9D]  }
0x2d: {  	s3 =	simm.s32 $0x108;
	s8 =	sld [smem:$0x3F9E]  }
0x2e: {  	s3 =	simm.s32 @!p0 $0x1082;
	s9 =	sld [smem:$0x3F9F]  }
0x2f: {  	lr =	sadd.s32 s0, s3;
	s0 =	sld [smem:$0x3F96]  }
0x30: {  	s3 =	sld [smem:$0x3F99]  }
0x31: {  	[smem:$0x3FA2] =	sst s10  }
0x32: {  	s10 =	sld [smem:$0x3FA0];
	_ =	sdelay $0x3  }
0x33: {  	p0 =	seq.s32 s10, $0x1;
	s10 =	sld [smem:$0x3FA2];
	_ =	sdelay $0x3  }
0x34: {  	[smem:$0x3FA2] =	sst s10  }
0x35: {  	s10 =	sld [smem:$0x3FA1];
	_ =	sdelay $0x3  }
0x36: {  	p1 =	seq.s32 s10, $0x1;
	s10 =	sld [smem:$0x3FA2];
	_ =	sdelay $0x3  }
0x37: {  	[smem:$0x3FA2] =	sst s10  }
0x38: {  	s10 =	sld [smem:$0x3FA3]  }
0x39: {  	_ = 	snop;
	(pc) =	sbr.ind lr, $3  }
0x3a: {  	_ = 	snop  }
0x3b: {  	_ = 	snop  }
0x3c: {  	p2 =	seq.s32 s10, $0x1;
	s10 =	sld [smem:$0x3FA2]  }
0x3d: {  	_ =	shalt  }
0x3e: {  	_ =	shalt  }
0x3f: {  	_ =	shalt  }
0x40: {  	_ =	shalt  }
0x41: {  	_ =	shalt  }
0x42: {  	_ =	shalt  }
0x43: {  	_ =	shalt  }
0x44: {  	_ =	shalt  }
0x45: {  	_ =	shalt  }
0x46: {  	_ =	shalt  }
0x47: {  	_ =	shalt  }
0x48: {  	_ =	shalt  }
0x49: {  	_ =	shalt  }
0x4a: {  	_ =	shalt  }
0x4b: {  	_ =	shalt  }
0x4c: {  	_ =	shalt  }
0x4d: {  	_ =	shalt  }
0x4e: {  	_ =	shalt  }
0x4f: {  	_ =	shalt  }
0x50: {  	_ =	shalt  }
0x51: {  	_ =	shalt  }
0x52: {  	_ =	shalt  }
0x53: {  	_ =	shalt  }
0x54: {  	_ =	shalt  }
0x55: {  	_ =	shalt  }
0x56: {  	_ =	shalt  }
0x57: {  	_ =	shalt  }
0x58: {  	_ =	shalt  }
0x59: {  	_ =	shalt  }
0x5a: {  	_ =	shalt  }
0x5b: {  	_ =	shalt  }
0x5c: {  	_ =	shalt  }
0x5d: {  	_ =	shalt  }
0x5e: {  	_ =	shalt  }
0x5f: {  	_ =	shalt  }
0x60: {  	_ =	shalt  }
0x61: {  	_ =	shalt  }
0x62: {  	_ =	shalt  }
0x63: {  	_ =	shalt  }
0x64: {  	_ =	shalt  }
0x65: {  	_ =	shalt  }
0x66: {  	_ =	shalt  }
0x67: {  	_ =	shalt  }
0x68: {  	_ =	shalt  }
0x69: {  	_ =	shalt  }
0x6a: {  	_ =	shalt  }
0x6b: {  	_ =	shalt  }
0x6c: {  	_ =	shalt  }
0x6d: {  	_ =	shalt  }
0x6e: {  	_ =	shalt  }
0x6f: {  	_ =	shalt  }
0x70: {  	_ =	shalt  }
0x71: {  	_ =	shalt  }
0x72: {  	_ =	shalt  }
0x73: {  	_ =	shalt  }
0x74: {  	_ =	shalt  }
0x75: {  	_ =	shalt  }
0x76: {  	_ =	shalt  }
0x77: {  	_ =	shalt  }
0x78: {  	_ =	shalt  }
0x79: {  	_ =	shalt  }
0x7a: {  	_ =	shalt  }
0x7b: {  	_ =	shalt  }
0x7c: {  	_ =	shalt  }
0x7d: {  	_ =	shalt  }
0x7e: {  	_ =	shalt  }
0x7f: {  	_ =	shalt  }
0x80: {  	_ =	shalt  }
0x81: {  	_ =	shalt  }
0x82: {  	_ =	shalt  }
0x83: {  	_ =	shalt  }
0x84: {  	_ =	shalt  }
0x85: {  	_ =	shalt  }
0x86: {  	_ =	shalt  }
0x87: {  	_ =	shalt  }
.Lfunc_end0:
.L_simem_size_0:
called_computation.3_lowered:
.L_overlay_start_0:
0x88: {  	s2 =	sld [smem:$0x3FD9]  }
0x89: {  	s3 =	sld [smem:$0x3FFE];
	_ =	sdelay $0x1  }
0x8a: {  	s1 =	srdreg.scid  }
0x8b: {  	s0 =	sand.u32 $0x1, s1  }
0x8c: {  	s14 =	sshll.u32 s0, $0xA;
	s2 =	sadd.s32 s3, s2  }
0x8d: {  	s2 =	sadd.s32 s2, s14  }
0x8e: {  	[smem:$0x3FAE] =	sst s2  }
0x8f: {  	_ = 	snop  }
0x90: {  	s2 =	sld [smem:$0x3FD0];
	_ =	sdelay $0x1  }
0x91: {  	s15 =	sld [smem:$0x3FC7]  }
0x92: {  	s5 =	simm.s32 $0xC;
	s6 =	simm.s32 $0x10;
	s4 =	sld [smem:$0x3FC6]  }
0x93: {  	[smem:s6], [sflag:s5] =	dma.local [hbm:s2], $0x1  }
0x94: {  	_ =	swait.eq [sflag:s5], $0x1  }
0x95: {  	[sflag:s5] =	ssyncset.done $0x0  }
0x96: {  	[sflag:s5] =	ssyncadd.s32 $0xFFFFFFFF  }
0x97: {  	s16 =	sld [smem:$0x12];
	(tm) =	ssettm $0x1  }
0x98: {  	s17 =	sld [smem:$0x3FFB];
	_ =	sdelay $0x3  }
0x99: {  	_ =	strace s17  }
0x9a: {  	s5 =	sld [smem:$0x3FFC];
	_ =	sdelay $0x3  }
0x9b: {  	_ =	strace s5  }
0x9c: {  	s5 =	sld [smem:$0x3FFD];
	_ =	sdelay $0x3  }
0x9d: {  	_ =	strace s5  }
0x9e: {  	_ =	strace $0x8FFFFFFF  }
0x9f: {  	s18 =	sld [smem:$0x3FDB];
	_ =	sdelay $0x1  }
0xa0: {  	s19 =	simm.s32 $_scs_section_size  }
0xa1: {  	s7 =	simm.s32 $_size__tile_overlayer_lowered;
	s8 =	simm.s32 $_tile_overlayer_lowered  }
0xa2: {  	s22 =	simm.s32 $0x1BFF;
	s21 =	sshll.u32 s8, $0x1;
	s5 =	sadd.s32 s19, s18  }
0xa3: {  	s9 =	simm.s32 $0x0;
	s20 =	sshll.u32 s7, $0x1;
	s7 =	sadd.s32 s21, s5  }
0xa4: {  	[timem:s9], [sflag:s22] =	dma.local [hbm:s7], s20  }
0xa5: {  	_ =	swait.ge [sflag:s22], s20  }
0xa6: {  	s6 =	ssub.s32 $0x0, s20;
	[sflag:s22] =	ssyncset.done $0x0  }
0xa7: {  	[sflag:s22] =	ssyncadd.s32 s6;
	_ =	sdelay $0x1  }
0xa8: {  	s23 =	simm.s32 $0x1B8B  }
0xa9: {  	_ =	swait.ge [sflag:s23], $0x1  }
0xaa: {  	[sflag:s23] =	ssyncset.done $0x0  }
0xab: {  	s25 =	simm.s32 $0x1B8E;
	s24 =	sld [smem:$0x3FFE];
	[sflag:s23] =	ssyncadd.s32 $0xFFFFFFFF  }
0xac: {  	s26 =	simm.s32 $execute0_lowered;
	[smem:$0x3FD2] =	sst s25  }
0xad: {  	s7 =	sshll.u32 s26, $0x1;
	_ =	strace $0x80000046;
	[dreg:$0x1] =	wrdreg $0xFFFFFFFF  }
0xae: {  	s28 =	simm.s32 $_size_execute0_lowered;
	s5 =	sadd.s32 s5, s7;
	[dreg:$0x0] =	wrdreg $0x0  }
0xaf: {  	s7 =	sshll.u32 s28, $0x1;
	[dreg:$0x2] =	wrdreg s5  }
0xb0: {  	[dreg:$0x3] =	wrdreg s7  }
0xb1: {  	[dreg:$0x4] =	wrdreg $0xC0  }
0xb2: {  	_ =	task [dreg:s9], $0x5FFFF  }
0xb3: {  	[dreg:$0x1] =	wrdreg $0xFFFFFFFF  }
0xb4: {  	[dreg:$0x0] =	wrdreg $0x60  }
0xb5: {  	[dreg:$0x2] =	wrdreg s24  }
0xb6: {  	[dreg:$0x3] =	wrdreg s15  }
0xb7: {  	[dreg:$0x4] =	wrdreg s4  }
0xb8: {  	[dreg:$0x5] =	wrdreg s16  }
0xb9: {  	[dreg:$0x6] =	wrdreg $0x9  }
0xba: {  	_ =	task.clear_ibuf [dreg:s9], $0x7FFFF;
	_ =	strace $0x90000046  }
0xbb: {  	s29 =	simm.s32 $0x9;
	_ =	strace $0x80000048  }
0xbc: {  	_ =	swait.ge [sflag:s29], $0x1  }
0xbd: {  	[sflag:s29] =	ssyncadd.s32 $0xFFFFFFFF  }
0xbe: {  	_ =	strace $0x90000048  }
0xbf: {  	_ =	sfence  }
0xc0: {  	s30 =	sld [smem:$0x0];
	_ =	sdelay $0x2  }
0xc1: {  	s31 =	sshll.u32 s1, $0xD;
	s1 =	sshrl.u32 s1, $0x2  }
0xc2: {  	s3 =	sand.u32 $0x4000, s31;
	s1 =	sadd.s32 s1, s30  }
0xc3: {  	s0 =	sor.u32 s3, s0;
	s1 =	sshll.u32 s1, $0x11  }
0xc4: {  	s0 =	sor.u32 s1, s0  }
0xc5: {  	s0 =	sadd.s32 $0x8F2B, s0  }
0xc6: {  	[sflag:s0] =	ssyncadd.remote.s32 $0x1  }
0xc7: {  	_ =	sfence.sel $0xFFFF  }
0xc8: {  	[dreg:$0x0] =	wrdreg $0xFFFFFFFF;
	(pc) =	sbr.abs _section_cstart, $3  }
0xc9: {  	[dreg:$0x1] =	wrdreg $0xFFFFFFFF  }
0xca: {  	_ =	task.clear_ibuf [dreg:s9], $0x2FFFF;
	_ =	strace $0x9FFFFFFF  }
0xcb: {  	(tm) =	ssettm $0x7FFFFFFF  }
tec
execute0_lowered:
.L_overlay_start_1:
0x0: {  	(tag) =	ssettag $0x1  }
0x1: {  	s6 =	rddreg [dreg:$0x0]  }
0x2: {  	s1 =	rddreg [dreg:$0x1]  }
0x3: {  	s3 =	rddreg [dreg:$0x2];
	s2 =	srdreg.scid  }
0x4: {  	s0 =	stileid.u32;
	s4 =	rddreg [dreg:$0x3]  }
0x5: {  	s5 =	simm.s32 $0x0;
	s14 =	simm.s32 $0x2;
	s15 =	simm.s32 $0xC0  }
0x6: {  	s16 =	simm.s32 $0x3C00;
	s17 =	simm.s32 $0x9C00;
	s18 =	simm.s32 $0xFC00  }
0x7: {  	s19 =	simm.s32 $0x15C00;
	s20 =	simm.s32 $0x1;
	s7 =	sand.u32 $0x1, s2  }
0x8: {  	s8 =	sshll.u32 s0, $0x1;
	s2 =	rddreg [dreg:$0x4];
	s9 =	smul.u32 $0x3C000, s0  }
0x9: {  	s8 =	sor.u32 s7, s8;
	s10 =	ssub.s32 $0x2, s7;
	s7 =	smul.u32 $0x1E000, s7  }
0xa: {  	s21 =	simm.s32 $0x0;
	[smem:$0x7FF] =	sst s5;
	s8 =	smul.u32 $0x1E00, s8  }
0xb: {  	_ =	strace $0x80000047;
	s9 =	sadd.s32 s9, s6;
	s11 =	sshrl.u32 s10, $0x1  }
0xc: {  	s10 =	ssub.s32 s10, s11;
	s13 =	sadd.s32 s7, s9;
	s8 =	sshrl.u32 s8, $0x3  }
0xd: {  	s9 =	sadd.s32 $0x1FD400, s13;
	s10 =	smax.u32 s10, $0x1;
	s11 =	sadd.s32 $0x5BD400, s13  }
0xe: {  	s12 =	sadd.s32 $0x97D400, s13;
	s13 =	sadd.s32 $0xD3D400, s13;
	s8 =	sadd.s32 s8, s6  }
0xf: {  	s6 =	sadd.s32 $0x28800, s6;
	s7 =	sadd.s32 $0x12000, s8;
	s8 =	sadd.s32 $0x21000, s8  }
.LBB2_1:
0x10: {  	[tilespmem:s5], [sflag:$0x2] =	stream.linear.gather [hbm4b:s7+s5], $0x1E00, $0x38;
	[tilespmem:$0x1BC00] =	vst v63  }
0x11: {  	_ =	swait.ge [sflag:s14], $0x1E00  }
0x12: {  	[sflag:s14] =	ssyncset.done $0x0  }
0x13: {  	s22 =	simm.s32 $0x1E00;
	[sflag:s14] =	ssyncadd.s32 $0xFFFFE200  }
0x14: {  	[tilespmem:s22], [sflag:$0x2] =	stream.linear.gather [hbm4b:s8+s5], $0x1E00, $0x38;
	[tilespmem:$0x1BC00] =	vst v63  }
0x15: {  	_ =	swait.ge [sflag:s14], $0x1E00  }
0x16: {  	[sflag:s14] =	ssyncset.done $0x0  }
0x17: {  	[sflag:s14] =	ssyncadd.s32 $0xFFFFE200  }
0x18: {  	[tilespmem:s16], [sflag:$0x1] =	stream.indirect.gather [hbm4b:s1+s15], $0x80, s5, s15, $0xb8;
	[tilespmem:$0x1BC00] =	vst v63  }
0x19: {  	_ = 	snop  }
0x1a: {  	[tilespmem:s17], [sflag:$0x1] =	stream.indirect.gather [hbm4b:s3+s15], $0x80, s22, s15, $0xb8;
	[tilespmem:$0x1BC00] =	vst v63  }
0x1b: {  	_ = 	snop  }
0x1c: {  	[tilespmem:s18], [sflag:$0x1] =	stream.indirect.gather [hbm4b:s4+s15], $0x80, s5, s15, $0xb8;
	[tilespmem:$0x1BC00] =	vst v63  }
0x1d: {  	_ = 	snop  }
0x1e: {  	[tilespmem:s19], [sflag:$0x1] =	stream.indirect.gather [hbm4b:s6+s15], $0x80, s22, s15, $0xb8;
	[tilespmem:$0x1BC00] =	vst v63  }
0x1f: {  	_ =	swait.ge [sflag:s20], $0x6000  }
0x20: {  	[sflag:s20] =	ssyncset.done $0x0  }
0x21: {  	[sflag:s20] =	ssyncadd.s32 $0xFFFFA000  }
0x22: {  	_ =	swait.ge [sflag:s20], $0x6000  }
0x23: {  	[sflag:s20] =	ssyncset.done $0x0  }
0x24: {  	[sflag:s20] =	ssyncadd.s32 $0xFFFFA000  }
0x25: {  	_ =	swait.ge [sflag:s20], $0x6000  }
0x26: {  	[sflag:s20] =	ssyncset.done $0x0  }
0x27: {  	[sflag:s20] =	ssyncadd.s32 $0xFFFFA000  }
0x28: {  	_ =	swait.ge [sflag:s20], $0x6000  }
0x29: {  	[sflag:s20] =	ssyncset.done $0x0  }
0x2a: {  	s23 =	sadd.s32 $0x0, s9;
	[sflag:s20] =	ssyncadd.s32 $0xFFFFA000  }
0x2b: {  	[hbm4b:s23+s5] =	stream.linear.scatter [tilespmem:s16], [sflag:$0x2], $0x6000, $0x38;
	[tilespmem:$0x1BC00] =	vst v63  }
0x2c: {  	_ =	swait.ge [sflag:s14], $0x6000  }
0x2d: {  	[sflag:s14] =	ssyncset.done $0x0  }
0x2e: {  	s29 =	sadd.s32 $0x0, s11;
	[sflag:s14] =	ssyncadd.s32 $0xFFFFA000  }
0x2f: {  	[hbm4b:s29+s5] =	stream.linear.scatter [tilespmem:s17], [sflag:$0x2], $0x6000, $0x38;
	[tilespmem:$0x1BC00] =	vst v63  }
0x30: {  	_ =	swait.ge [sflag:s14], $0x6000  }
0x31: {  	[sflag:s14] =	ssyncset.done $0x0  }
0x32: {  	s30 =	sadd.s32 $0x0, s12;
	[sflag:s14] =	ssyncadd.s32 $0xFFFFA000  }
0x33: {  	[hbm4b:s30+s5] =	stream.linear.scatter [tilespmem:s18], [sflag:$0x2], $0x6000, $0x38;
	[tilespmem:$0x1BC00] =	vst v63  }
0x34: {  	_ =	swait.ge [sflag:s14], $0x6000  }
0x35: {  	[sflag:s14] =	ssyncset.done $0x0  }
0x36: {  	s31 =	sadd.s32 $0x0, s13;
	[sflag:s14] =	ssyncadd.s32 $0xFFFFA000  }
0x37: {  	[hbm4b:s31+s5] =	stream.linear.scatter [tilespmem:s19], [sflag:$0x2], $0x6000, $0x38;
	[tilespmem:$0x1BC00] =	vst v63  }
0x38: {  	_ =	swait.ge [sflag:s14], $0x6000  }
0x39: {  	s24 =	simm.s32 $0x0;
	s23 =	simm.s32 $0xC00;
	[sflag:s14] =	ssyncset.done $0x0  }
.LBB2_2:
0x3a: {  	[sflag:s14] =	ssyncadd.s32 $0xFFFFA000;
	s22 =	sadd.s32 $0xC0, s22;
	s24 =	sadd.s32 $0xC0, s24  }
0x3b: {  	[tilespmem:s16], [sflag:$0x1] =	stream.indirect.gather [hbm4b:s1+s15], $0x80, s24, s15, $0xb8;
	[tilespmem:$0x1BC00] =	vst v63  }
0x3c: {  	p0 =	sne.s32 s23, $0x1D400;
	s25 =	smov.u32 s23;
	s23 =	sadd.s32 $0xC00, s23  }
0x3d: {  	[tilespmem:s17], [sflag:$0x1] =	stream.indirect.gather [hbm4b:s3+s15], $0x80, s22, s15, $0xb8;
	[tilespmem:$0x1BC00] =	vst v63  }
0x3e: {  	_ = 	snop  }
0x3f: {  	[tilespmem:s18], [sflag:$0x1] =	stream.indirect.gather [hbm4b:s4+s15], $0x80, s24, s15, $0xb8;
	[tilespmem:$0x1BC00] =	vst v63  }
0x40: {  	_ = 	snop  }
0x41: {  	[tilespmem:s19], [sflag:$0x1] =	stream.indirect.gather [hbm4b:s6+s15], $0x80, s22, s15, $0xb8;
	[tilespmem:$0x1BC00] =	vst v63  }
0x42: {  	_ =	swait.ge [sflag:s20], $0x6000  }
0x43: {  	[sflag:s20] =	ssyncset.done $0x0  }
0x44: {  	[sflag:s20] =	ssyncadd.s32 $0xFFFFA000  }
0x45: {  	_ =	swait.ge [sflag:s20], $0x6000  }
0x46: {  	[sflag:s20] =	ssyncset.done $0x0  }
0x47: {  	[sflag:s20] =	ssyncadd.s32 $0xFFFFA000  }
0x48: {  	_ =	swait.ge [sflag:s20], $0x6000  }
0x49: {  	[sflag:s20] =	ssyncset.done $0x0  }
0x4a: {  	[sflag:s20] =	ssyncadd.s32 $0xFFFFA000  }
0x4b: {  	_ =	swait.ge [sflag:s20], $0x6000  }
0x4c: {  	[sflag:s20] =	ssyncset.done $0x0  }
0x4d: {  	s26 =	sadd.s32 s25, s9;
	[sflag:s20] =	ssyncadd.s32 $0xFFFFA000  }
0x4e: {  	[hbm4b:s26+s5] =	stream.linear.scatter [tilespmem:s16], [sflag:$0x2], $0x6000, $0x38;
	[tilespmem:$0x1BC00] =	vst v63  }
0x4f: {  	_ =	swait.ge [sflag:s14], $0x6000  }
0x50: {  	[sflag:s14] =	ssyncset.done $0x0  }
0x51: {  	s26 =	sadd.s32 s25, s11;
	[sflag:s14] =	ssyncadd.s32 $0xFFFFA000  }
0x52: {  	[hbm4b:s26+s5] =	stream.linear.scatter [tilespmem:s17], [sflag:$0x2], $0x6000, $0x38;
	[tilespmem:$0x1BC00] =	vst v63  }
0x53: {  	_ =	swait.ge [sflag:s14], $0x6000  }
0x54: {  	[sflag:s14] =	ssyncset.done $0x0  }
0x55: {  	s26 =	sadd.s32 s25, s12;
	[sflag:s14] =	ssyncadd.s32 $0xFFFFA000  }
0x56: {  	[hbm4b:s26+s5] =	stream.linear.scatter [tilespmem:s18], [sflag:$0x2], $0x6000, $0x38;
	[tilespmem:$0x1BC00] =	vst v63  }
0x57: {  	_ =	swait.ge [sflag:s14], $0x6000  }
.Ltmp0:
0x58: {  	[sflag:s14] =	ssyncset.done $0x0;
	(pc) =	sbr.rel @p0 .LBB2_2-.Ltmp0, $4  }
0x59: {  	s25 =	sadd.s32 s25, s13;
	[sflag:s14] =	ssyncadd.s32 $0xFFFFA000  }
0x5a: {  	[hbm4b:s25+s5] =	stream.linear.scatter [tilespmem:s19], [sflag:$0x2], $0x6000, $0x38;
	[tilespmem:$0x1BC00] =	vst v63  }
0x5b: {  	_ =	swait.ge [sflag:s14], $0x6000  }
0x5c: {  	[sflag:s14] =	ssyncset.done $0x0  }
0x5d: {  	s21 =	sadd.s32 $0x1, s21  }
0x5e: {  	p0 =	sne.s32 s21, s10  }
.Ltmp1:
0x5f: {  	_ = 	snop;
	(pc) =	sbr.rel @p0 .LBB2_1-.Ltmp1, $2  }
0x60: {  	_ =	sdelay $0x2  }
0x61: {  	[sflag:s14] =	ssyncadd.s32 $0xFFFFA000  }
0x62: {  	_ =	sfence.sel $0x180000  }
0x63: {  	[bflag:$0x0] =	sbarrier.arrive $0xFFFF  }
0x64: {  	p0 =	sne.s32 s0, $0x0;
	_ =	strace $0x90000047  }
0x65: {  	s0 =	sadd.s32 @!p0 $0x100000, s2;
	[bflag:$0x2] =	sbarrier.arrive $0xFFFF  }
0x66: {  	[sflag:s0] =	ssyncadd.tile.s32 @!p0 $0x1;
	_ =	shalt  }
.Lfunc_end2:
_tile_overlayer_lowered:
.L_overlay_start_2:
0x67: {  	(tag) =	ssettag $0x2  }
0x68: {  	s0 =	rddreg [dreg:$0x0];
	s2 =	stileid.u32  }
0x69: {  	s1 =	rddreg [dreg:$0x1];
	p0 =	sne.s32 s2, $0x0  }
0x6a: {  	s3 =	rddreg [dreg:$0x2];
	[bflag:$0x3] =	sbarrier.arrive $0xFFFF;
	s2 =	simm.s32 @!p0 $0x1C02  }
0x6b: {  	[timem:s3], [sflag:s2] =	dma.local @!p0 [hbm:s0], s1  }
0x6c: {  	s0 =	simm.s32 @!p0 $0x2  }
0x6d: {  	_ =	swait.ge @!p0 [sflag:s0], s1  }
0x6e: {  	s1 =	ssub.s32 @!p0 $0x0, s1;
	[sflag:s0] =	ssyncset.done @!p0 $0x0  }
0x6f: {  	[sflag:s0] =	ssyncadd.s32 @!p0 s1  }
0x70: {  	[bflag:$0x3] =	sbarrier.arrive $0xFFFF  }
0x71: {  	_ =	shalt  }

// kernel: scatter_offload_async_start.1
scs
__scs_entry_jumppad:
0x0: {  	(pc) =	sbr.rel $0x88, $3  }
0x1: {  	(tag) =	ssettag $0x0;
	lr =	simm.s32 $0x1  }
0x2: {  	[smem:$0x3F87] =	sst lr;
	_ =	strace $0xD0000000  }
0x3: {  	_ = 	snop  }
0x4: {  	_ = 	snop  }
0x5: {  	_ = 	snop  }
0x6: {  	_ = 	snop  }
0x7: {  	_ = 	snop  }
__scs_overlays_trampoline_lowered:
0x8: {  	[smem:$0x3F96] =	sst s0  }
0x9: {  	[smem:$0x3F97] =	sst s1  }
0xa: {  	[smem:$0x3F98] =	sst s2  }
0xb: {  	[smem:$0x3F99] =	sst s3  }
0xc: {  	[smem:$0x3F9A] =	sst s4  }
0xd: {  	[smem:$0x3F9B] =	sst s5  }
0xe: {  	[smem:$0x3F9C] =	sst s6  }
0xf: {  	[smem:$0x3F9D] =	sst s7  }
0x10: {  	[smem:$0x3F9E] =	sst s8  }
0x11: {  	[smem:$0x3F9F] =	sst s9;
	s0 =	simm.s32 @!p0 $0x0  }
0x12: {  	s1 =	sld [smem:$0x3F85];
	s0 =	simm.s32 @p0 $0x1  }
0x13: {  	[smem:$0x3FA0] =	sst s0;
	s0 =	simm.s32 @!p1 $0x0  }
0x14: {  	s2 =	sld [smem:$0x3F84];
	s0 =	simm.s32 @p1 $0x1  }
0x15: {  	[smem:$0x3FA1] =	sst s0;
	s0 =	simm.s32 @!p2 $0x0  }
0x16: {  	s3 =	sld [smem:$0x3FDB];
	s0 =	simm.s32 @p2 $0x1  }
0x17: {  	s4 =	simm.s32 $0x1BF5;
	[smem:$0x3FA3] =	sst s0  }
0x18: {  	s0 =	sld [smem:$0x3F86];
	_ =	swait.ge [sflag:s4], $0x0  }
0x19: {  	s7 =	sld [smem:$0x3F87]  }
0x1a: {  	s8 =	sadd.s32 $0xFFFFE003, lr  }
0x1b: {  	s9 =	sadd.s32 $0xFFFFFEF7, lr;
	s5 =	simm.s32 $0xFFFFFFFF;
	p2 =	slt.u32 s8, $0xFFFFF086  }
0x1c: {  	p1 =	slt.u32 s9, $0xF7A;
	s5 =	simm.s32 @!p2 $0x0  }
0x1d: {  	s5 =	simm.s32 @p1 $0x1;
	p0 =	seq.s32 s7, s2  }
0x1e: {  	s7 =	smul.u32 @!p0 $0xF7A, s2;
	p2 =	seq.s32 @!p0 s5, $0x0  }
0x1f: {  	s9 =	smul.u32 $0xF7A, s1;
	s8 =	simm.s32 @!p0 $0x1BF5;
	p2 =	por !p2, p0  }
0x20: {  	[sflag:s8] =	ssyncset.s32 @!p0 $0xFFFFF086;
	s6 =	sadd.s32 @!p0 s3, s7;
	s7 =	simm.s32 @!p0 $0x108  }
0x21: {  	s3 =	sadd.s32 s3, s9;
	s6 =	sadd.s32 @!p0 $0x88, s6;
	s7 =	simm.s32 @p2 $0x1082  }
0x22: {  	[simem:s7], [sflag:s8] =	dma.local @!p0 [hbm:s6], $0xF7A  }
0x23: {  	s9 =	sor.u32 $0xD0000000, s2;
	s6 =	simm.s32 $0x108;
	_ =	swait.ge @!p0 [sflag:s8], $0x0  }
0x24: {  	s3 =	sadd.s32 $0x88, s3;
	s6 =	simm.s32 @!p1 $0x1082;
	[sflag:s4] =	ssyncset.s32 $0xFFFFF086  }
0x25: {  	[simem:s6], [sflag:s4] =	dma.local [hbm:s3], $0xF7A  }
0x26: {  	[smem:$0x3F87] =	sst s1;
	(tag) =	ssettag s2;
	_ =	strace s9  }
0x27: {  	s1 =	sld [smem:$0x3F97]  }
0x28: {  	s2 =	sld [smem:$0x3F98]  }
0x29: {  	s4 =	sld [smem:$0x3F9A]  }
0x2a: {  	p0 =	seq.s32 s5, $0x0;
	s5 =	sld [smem:$0x3F9B]  }
0x2b: {  	s6 =	sld [smem:$0x3F9C]  }
0x2c: {  	s7 =	sld [smem:$0x3F9D]  }
0x2d: {  	s3 =	simm.s32 $0x108;
	s8 =	sld [smem:$0x3F9E]  }
0x2e: {  	s3 =	simm.s32 @!p0 $0x1082;
	s9 =	sld [smem:$0x3F9F]  }
0x2f: {  	lr =	sadd.s32 s0, s3;
	s0 =	sld [smem:$0x3F96]  }
0x30: {  	s3 =	sld [smem:$0x3F99]  }
0x31: {  	[smem:$0x3FA2] =	sst s10  }
0x32: {  	s10 =	sld [smem:$0x3FA0];
	_ =	sdelay $0x3  }
0x33: {  	p0 =	seq.s32 s10, $0x1;
	s10 =	sld [smem:$0x3FA2];
	_ =	sdelay $0x3  }
0x34: {  	[smem:$0x3FA2] =	sst s10  }
0x35: {  	s10 =	sld [smem:$0x3FA1];
	_ =	sdelay $0x3  }
0x36: {  	p1 =	seq.s32 s10, $0x1;
	s10 =	sld [smem:$0x3FA2];
	_ =	sdelay $0x3  }
0x37: {  	[smem:$0x3FA2] =	sst s10  }
0x38: {  	s10 =	sld [smem:$0x3FA3]  }
0x39: {  	_ = 	snop;
	(pc) =	sbr.ind lr, $3  }
0x3a: {  	_ = 	snop  }
0x3b: {  	_ = 	snop  }
0x3c: {  	p2 =	seq.s32 s10, $0x1;
	s10 =	sld [smem:$0x3FA2]  }
0x3d: {  	_ =	shalt  }
0x3e: {  	_ =	shalt  }
0x3f: {  	_ =	shalt  }
0x40: {  	_ =	shalt  }
0x41: {  	_ =	shalt  }
0x42: {  	_ =	shalt  }
0x43: {  	_ =	shalt  }
0x44: {  	_ =	shalt  }
0x45: {  	_ =	shalt  }
0x46: {  	_ =	shalt  }
0x47: {  	_ =	shalt  }
0x48: {  	_ =	shalt  }
0x49: {  	_ =	shalt  }
0x4a: {  	_ =	shalt  }
0x4b: {  	_ =	shalt  }
0x4c: {  	_ =	shalt  }
0x4d: {  	_ =	shalt  }
0x4e: {  	_ =	shalt  }
0x4f: {  	_ =	shalt  }
0x50: {  	_ =	shalt  }
0x51: {  	_ =	shalt  }
0x52: {  	_ =	shalt  }
0x53: {  	_ =	shalt  }
0x54: {  	_ =	shalt  }
0x55: {  	_ =	shalt  }
0x56: {  	_ =	shalt  }
0x57: {  	_ =	shalt  }
0x58: {  	_ =	shalt  }
0x59: {  	_ =	shalt  }
0x5a: {  	_ =	shalt  }
0x5b: {  	_ =	shalt  }
0x5c: {  	_ =	shalt  }
0x5d: {  	_ =	shalt  }
0x5e: {  	_ =	shalt  }
0x5f: {  	_ =	shalt  }
0x60: {  	_ =	shalt  }
0x61: {  	_ =	shalt  }
0x62: {  	_ =	shalt  }
0x63: {  	_ =	shalt  }
0x64: {  	_ =	shalt  }
0x65: {  	_ =	shalt  }
0x66: {  	_ =	shalt  }
0x67: {  	_ =	shalt  }
0x68: {  	_ =	shalt  }
0x69: {  	_ =	shalt  }
0x6a: {  	_ =	shalt  }
0x6b: {  	_ =	shalt  }
0x6c: {  	_ =	shalt  }
0x6d: {  	_ =	shalt  }
0x6e: {  	_ =	shalt  }
0x6f: {  	_ =	shalt  }
0x70: {  	_ =	shalt  }
0x71: {  	_ =	shalt  }
0x72: {  	_ =	shalt  }
0x73: {  	_ =	shalt  }
0x74: {  	_ =	shalt  }
0x75: {  	_ =	shalt  }
0x76: {  	_ =	shalt  }
0x77: {  	_ =	shalt  }
0x78: {  	_ =	shalt  }
0x79: {  	_ =	shalt  }
0x7a: {  	_ =	shalt  }
0x7b: {  	_ =	shalt  }
0x7c: {  	_ =	shalt  }
0x7d: {  	_ =	shalt  }
0x7e: {  	_ =	shalt  }
0x7f: {  	_ =	shalt  }
0x80: {  	_ =	shalt  }
0x81: {  	_ =	shalt  }
0x82: {  	_ =	shalt  }
0x83: {  	_ =	shalt  }
0x84: {  	_ =	shalt  }
0x85: {  	_ =	shalt  }
0x86: {  	_ =	shalt  }
0x87: {  	_ =	shalt  }
.Lfunc_end0:
.L_simem_size_0:
called_computation.1_lowered:
.L_overlay_start_0:
0x88: {  	s2 =	sld [smem:$0x3FD9]  }
0x89: {  	s3 =	sld [smem:$0x3FFE];
	_ =	sdelay $0x1  }
0x8a: {  	s1 =	srdreg.scid  }
0x8b: {  	s0 =	sand.u32 $0x1, s1  }
0x8c: {  	s15 =	sshll.u32 s0, $0xA;
	s2 =	sadd.s32 s3, s2  }
0x8d: {  	s2 =	sadd.s32 s2, s15  }
0x8e: {  	[smem:$0x3FAE] =	sst s2  }
0x8f: {  	_ = 	snop  }
0x90: {  	s2 =	sld [smem:$0x3FD0];
	_ =	sdelay $0x2  }
0x91: {  	s4 =	simm.s32 $0xC;
	s16 =	simm.s32 $0x10  }
0x92: {  	[smem:s16], [sflag:s4] =	dma.local [hbm:s2], $0x1  }
0x93: {  	_ =	swait.eq [sflag:s4], $0x1  }
0x94: {  	[sflag:s4] =	ssyncset.done $0x0  }
0x95: {  	s17 =	sld [smem:$0x10];
	[sflag:s4] =	ssyncadd.s32 $0xFFFFFFFF  }
0x96: {  	s18 =	sld [smem:$0x13];
	(tm) =	ssettm $0x1  }
0x97: {  	s19 =	sld [smem:$0x3FFB];
	_ =	sdelay $0x3  }
0x98: {  	_ =	strace s19  }
0x99: {  	s2 =	sld [smem:$0x3FFC];
	_ =	sdelay $0x3  }
0x9a: {  	_ =	strace s2  }
0x9b: {  	s2 =	sld [smem:$0x3FFD];
	_ =	sdelay $0x3  }
0x9c: {  	_ =	strace s2  }
0x9d: {  	_ =	strace $0x8FFFFFFF  }
0x9e: {  	s20 =	sld [smem:$0x3FDB];
	_ =	sdelay $0x1  }
0x9f: {  	s5 =	simm.s32 $_scs_section_size  }
0xa0: {  	s6 =	simm.s32 $_size__tile_overlayer_lowered;
	s7 =	simm.s32 $_tile_overlayer_lowered  }
0xa1: {  	s8 =	simm.s32 $0x1BFF;
	s21 =	sshll.u32 s7, $0x1;
	s5 =	sadd.s32 s5, s20  }
0xa2: {  	s22 =	simm.s32 $0x0;
	s6 =	sshll.u32 s6, $0x1;
	s7 =	sadd.s32 s21, s5  }
0xa3: {  	[timem:s22], [sflag:s8] =	dma.local [hbm:s7], s6  }
0xa4: {  	_ =	swait.ge [sflag:s8], s6  }
0xa5: {  	s6 =	ssub.s32 $0x0, s6;
	[sflag:s8] =	ssyncset.done $0x0  }
0xa6: {  	[sflag:s8] =	ssyncadd.s32 s6;
	_ =	sdelay $0x1  }
0xa7: {  	s23 =	simm.s32 $0x1B8B  }
0xa8: {  	_ =	swait.ge [sflag:s23], $0x1  }
0xa9: {  	[sflag:s23] =	ssyncset.done $0x0  }
0xaa: {  	[sflag:s23] =	ssyncadd.s32 $0xFFFFFFFF  }
0xab: {  	s6 =	sld [smem:$0x0]  }
0xac: {  	s7 =	sand.u32 $0xFFFFFFFE, s1  }
0xad: {  	p0 =	sne.s32 s1, s7  }
0xae: {  	s7 =	sshll.u32 @p0 s7, $0xE  }
0xaf: {  	s7 =	sadd.s32 @p0 $0x11B8D, s7;
	s8 =	sshll.u32 @p0 s6, $0x11  }
0xb0: {  	s7 =	sor.u32 @p0 s8, s7  }
0xb1: {  	[sflag:s7] =	ssyncadd.remote.s32 @p0 $0x1;
	_ =	sdelay $0x1  }
0xb2: {  	s7 =	simm.s32 @p0 $0x1B8D  }
0xb3: {  	_ =	swait.eq @p0 [sflag:s7], $0x1  }
0xb4: {  	[sflag:s7] =	ssyncadd.s32 @p0 $0xFFFFFFFF  }
0xb5: {  	s8 =	sshll.u32 @!p0 s1, $0xE  }
0xb6: {  	s8 =	sor.u32 @!p0 $0x4000, s8;
	s7 =	simm.s32 @!p0 $0x1B8D  }
0xb7: {  	s9 =	sshll.u32 @!p0 s6, $0x11;
	s8 =	sadd.s32 @!p0 $0x11B8D, s8;
	_ =	swait.eq @!p0 [sflag:s7], $0x1  }
0xb8: {  	[sflag:s7] =	ssyncadd.s32 @!p0 $0xFFFFFFFF;
	s7 =	sor.u32 @!p0 s9, s8  }
0xb9: {  	s25 =	simm.s32 $0x1B8E;
	s24 =	sld [smem:$0x3FFE];
	[sflag:s7] =	ssyncadd.remote.s32 @!p0 $0x1  }
0xba: {  	s26 =	simm.s32 $execute0_lowered;
	[smem:$0x3FD2] =	sst s25  }
0xbb: {  	s8 =	sshll.u32 s26, $0x1;
	_ =	strace $0x8000004C;
	[dreg:$0x1] =	wrdreg $0xFFFFFFFF  }
0xbc: {  	s28 =	simm.s32 $_size_execute0_lowered;
	s5 =	sadd.s32 s5, s8;
	[dreg:$0x0] =	wrdreg $0x0  }
0xbd: {  	s8 =	sshll.u32 s28, $0x1;
	[dreg:$0x2] =	wrdreg s5  }
0xbe: {  	[dreg:$0x3] =	wrdreg s8  }
0xbf: {  	[dreg:$0x4] =	wrdreg $0xC0  }
0xc0: {  	_ =	task [dreg:s22], $0x5FFFF  }
0xc1: {  	[dreg:$0x1] =	wrdreg $0xFFFFFFFF  }
0xc2: {  	[dreg:$0x0] =	wrdreg $0x60  }
0xc3: {  	[dreg:$0x2] =	wrdreg s18  }
0xc4: {  	[dreg:$0x3] =	wrdreg s17  }
0xc5: {  	[dreg:$0x4] =	wrdreg s24  }
0xc6: {  	[dreg:$0x5] =	wrdreg s1  }
0xc7: {  	[dreg:$0x6] =	wrdreg s6  }
0xc8: {  	[dreg:$0x7] =	wrdreg $0xA  }
0xc9: {  	_ =	task.clear_ibuf [dreg:s22], $0x8FFFF;
	_ =	strace $0x9000004C  }
0xca: {  	s29 =	simm.s32 $0xA;
	_ =	strace $0x8000004E  }
0xcb: {  	_ =	swait.ge [sflag:s29], $0x1  }
0xcc: {  	[sflag:s29] =	ssyncadd.s32 $0xFFFFFFFF  }
0xcd: {  	_ =	strace $0x9000004E  }
0xce: {  	_ =	sfence  }
0xcf: {  	s30 =	sld [smem:$0x0];
	_ =	sdelay $0x2  }
0xd0: {  	s31 =	sshll.u32 s1, $0xD;
	s1 =	sshrl.u32 s1, $0x2  }
0xd1: {  	s4 =	sand.u32 $0x4000, s31;
	s1 =	sadd.s32 s1, s30  }
0xd2: {  	s0 =	sor.u32 s4, s0;
	s1 =	sshll.u32 s1, $0x11  }
0xd3: {  	s0 =	sor.u32 s1, s0  }
0xd4: {  	s0 =	sadd.s32 $0x8F2B, s0  }
0xd5: {  	[sflag:s0] =	ssyncadd.remote.s32 $0x1  }
0xd6: {  	_ =	sfence.sel $0xFFFF  }
0xd7: {  	[dreg:$0x0] =	wrdreg $0xFFFFFFFF;
	(pc) =	sbr.abs _section_cstart, $3  }
0xd8: {  	[dreg:$0x1] =	wrdreg $0xFFFFFFFF  }
0xd9: {  	_ =	task.clear_ibuf [dreg:s22], $0x2FFFF;
	_ =	strace $0x9FFFFFFF  }
0xda: {  	(tm) =	ssettm $0x7FFFFFFF  }
0xdb: {  	_ =	shalt  }
tec
execute0_lowered:
.L_overlay_start_1:
0x0: {  	(tag) =	ssettag $0x1  }
0x1: {  	s1 =	rddreg [dreg:$0x0]  }
0x2: {  	s14 =	rddreg [dreg:$0x1]  }
0x3: {  	s12 =	rddreg [dreg:$0x2]  }
0x4: {  	s3 =	rddreg [dreg:$0x3];
	_ =	strace $0x8000004D;
	s13 =	simm.s32 $0x1  }
0x5: {  	v0 =	vimm.s32 $0x0;
	[sflag:s13] =	ssyncpa.u1 $0x0  }
0x6: {  	[tilespmem:$0x28] =	vst v0  }
0x7: {  	[tilespmem:$0x38] =	vst v0  }
0x8: {  	[tilespmem:$0x48] =	vst v0  }
0x9: {  	[tilespmem:$0x58] =	vst v0  }
0xa: {  	[tilespmem:$0x68] =	vst v0  }
0xb: {  	[tilespmem:$0x78] =	vst v0  }
0xc: {  	[tilespmem:$0x88] =	vst v0  }
0xd: {  	[tilespmem:$0x98] =	vst v0  }
0xe: {  	[tilespmem:$0xA8] =	vst v0  }
0xf: {  	[tilespmem:$0xB8] =	vst v0  }
0x10: {  	[tilespmem:$0xC8] =	vst v0  }
0x11: {  	[tilespmem:$0xD8] =	vst v0  }
0x12: {  	[tilespmem:$0xE8] =	vst v0  }
0x13: {  	[tilespmem:$0xF8] =	vst v0  }
0x14: {  	[tilespmem:$0x108] =	vst v0  }
0x15: {  	[tilespmem:$0x118] =	vst v0  }
0x16: {  	[tilespmem:$0x128] =	vst v0  }
0x17: {  	[tilespmem:$0x138] =	vst v0  }
0x18: {  	[tilespmem:$0x148] =	vst v0  }
0x19: {  	[tilespmem:$0x158] =	vst v0  }
0x1a: {  	[tilespmem:$0x168] =	vst v0  }
0x1b: {  	[tilespmem:$0x178] =	vst v0  }
0x1c: {  	[tilespmem:$0x188] =	vst v0  }
0x1d: {  	[tilespmem:$0x198] =	vst v0  }
0x1e: {  	[tilespmem:$0x1A8] =	vst v0  }
0x1f: {  	[tilespmem:$0x1B8] =	vst v0  }
0x20: {  	[tilespmem:$0x1C8] =	vst v0  }
0x21: {  	[tilespmem:$0x1D8] =	vst v0  }
0x22: {  	[tilespmem:$0x1E8] =	vst v0  }
0x23: {  	[tilespmem:$0x1F8] =	vst v0  }
0x24: {  	[tilespmem:$0x208] =	vst v0  }
0x25: {  	[tilespmem:$0x218] =	vst v0  }
0x26: {  	[tilespmem:$0x228] =	vst v0  }
0x27: {  	[tilespmem:$0x238] =	vst v0  }
0x28: {  	[tilespmem:$0x248] =	vst v0  }
0x29: {  	[tilespmem:$0x258] =	vst v0  }
0x2a: {  	[tilespmem:$0x268] =	vst v0  }
0x2b: {  	[tilespmem:$0x278] =	vst v0  }
0x2c: {  	[tilespmem:$0x288] =	vst v0  }
0x2d: {  	[tilespmem:$0x298] =	vst v0  }
0x2e: {  	[tilespmem:$0x2A8] =	vst v0  }
0x2f: {  	[tilespmem:$0x2B8] =	vst v0  }
0x30: {  	[tilespmem:$0x2C8] =	vst v0  }
0x31: {  	[tilespmem:$0x2D8] =	vst v0  }
0x32: {  	[tilespmem:$0x2E8] =	vst v0  }
0x33: {  	[tilespmem:$0x2F8] =	vst v0  }
0x34: {  	[tilespmem:$0x308] =	vst v0  }
0x35: {  	[tilespmem:$0x318] =	vst v0  }
0x36: {  	[tilespmem:$0x328] =	vst v0  }
0x37: {  	[tilespmem:$0x338] =	vst v0  }
0x38: {  	[tilespmem:$0x348] =	vst v0  }
0x39: {  	[tilespmem:$0x358] =	vst v0  }
0x3a: {  	[tilespmem:$0x368] =	vst v0  }
0x3b: {  	[tilespmem:$0x378] =	vst v0  }
0x3c: {  	[tilespmem:$0x388] =	vst v0  }
0x3d: {  	[tilespmem:$0x398] =	vst v0  }
0x3e: {  	[tilespmem:$0x3A8] =	vst v0  }
0x3f: {  	[tilespmem:$0x3B8] =	vst v0  }
0x40: {  	[tilespmem:$0x3C8] =	vst v0  }
0x41: {  	[tilespmem:$0x3D8] =	vst v0  }
0x42: {  	[tilespmem:$0x3E8] =	vst v0  }
0x43: {  	[tilespmem:$0x3F8] =	vst v0  }
0x44: {  	[tilespmem:$0x408] =	vst v0  }
0x45: {  	[tilespmem:$0x418] =	vst v0  }
0x46: {  	[tilespmem:$0x428] =	vst v0  }
0x47: {  	[tilespmem:$0x438] =	vst v0  }
0x48: {  	[tilespmem:$0x448] =	vst v0  }
0x49: {  	[tilespmem:$0x458] =	vst v0  }
0x4a: {  	[tilespmem:$0x468] =	vst v0  }
0x4b: {  	[tilespmem:$0x478] =	vst v0  }
0x4c: {  	[tilespmem:$0x488] =	vst v0  }
0x4d: {  	[tilespmem:$0x498] =	vst v0  }
0x4e: {  	[tilespmem:$0x4A8] =	vst v0  }
0x4f: {  	[tilespmem:$0x4B8] =	vst v0  }
0x50: {  	[tilespmem:$0x4C8] =	vst v0  }
0x51: {  	[tilespmem:$0x4D8] =	vst v0  }
0x52: {  	[tilespmem:$0x4E8] =	vst v0  }
0x53: {  	[tilespmem:$0x4F8] =	vst v0  }
0x54: {  	[tilespmem:$0x508] =	vst v0  }
0x55: {  	[tilespmem:$0x518] =	vst v0  }
0x56: {  	[tilespmem:$0x528] =	vst v0  }
0x57: {  	[tilespmem:$0x538] =	vst v0  }
0x58: {  	[tilespmem:$0x548] =	vst v0  }
0x59: {  	[tilespmem:$0x558] =	vst v0  }
0x5a: {  	[tilespmem:$0x568] =	vst v0  }
0x5b: {  	[tilespmem:$0x578] =	vst v0  }
0x5c: {  	[tilespmem:$0x588] =	vst v0  }
0x5d: {  	[tilespmem:$0x598] =	vst v0  }
0x5e: {  	[tilespmem:$0x5A8] =	vst v0  }
0x5f: {  	[tilespmem:$0x5B8] =	vst v0  }
0x60: {  	[tilespmem:$0x5C8] =	vst v0  }
0x61: {  	[tilespmem:$0x5D8] =	vst v0  }
0x62: {  	[tilespmem:$0x5E8] =	vst v0  }
0x63: {  	[tilespmem:$0x5F8] =	vst v0  }
0x64: {  	[tilespmem:$0x608] =	vst v0  }
0x65: {  	[tilespmem:$0x618] =	vst v0  }
0x66: {  	[tilespmem:$0x628] =	vst v0  }
0x67: {  	[tilespmem:$0x638] =	vst v0  }
0x68: {  	[tilespmem:$0x648] =	vst v0  }
0x69: {  	[tilespmem:$0x658] =	vst v0  }
0x6a: {  	[tilespmem:$0x668] =	vst v0  }
0x6b: {  	[tilespmem:$0x678] =	vst v0  }
0x6c: {  	[tilespmem:$0x688] =	vst v0  }
0x6d: {  	[tilespmem:$0x698] =	vst v0  }
0x6e: {  	[tilespmem:$0x6A8] =	vst v0  }
0x6f: {  	[tilespmem:$0x6B8] =	vst v0  }
0x70: {  	[tilespmem:$0x6C8] =	vst v0  }
0x71: {  	[tilespmem:$0x6D8] =	vst v0  }
0x72: {  	[tilespmem:$0x6E8] =	vst v0  }
0x73: {  	[tilespmem:$0x6F8] =	vst v0  }
0x74: {  	[tilespmem:$0x708] =	vst v0  }
0x75: {  	[tilespmem:$0x718] =	vst v0  }
0x76: {  	[tilespmem:$0x728] =	vst v0  }
0x77: {  	[tilespmem:$0x738] =	vst v0  }
0x78: {  	[tilespmem:$0x748] =	vst v0  }
0x79: {  	[tilespmem:$0x758] =	vst v0  }
0x7a: {  	[tilespmem:$0x768] =	vst v0  }
0x7b: {  	[tilespmem:$0x778] =	vst v0  }
0x7c: {  	[tilespmem:$0x788] =	vst v0  }
0x7d: {  	[tilespmem:$0x798] =	vst v0  }
0x7e: {  	[tilespmem:$0x7A8] =	vst v0  }
0x7f: {  	[tilespmem:$0x7B8] =	vst v0  }
0x80: {  	[tilespmem:$0x7C8] =	vst v0  }
0x81: {  	[tilespmem:$0x7D8] =	vst v0  }
0x82: {  	[tilespmem:$0x7E8] =	vst v0  }
0x83: {  	[tilespmem:$0x7F8] =	vst v0  }
0x84: {  	[tilespmem:$0x808] =	vst v0  }
0x85: {  	[tilespmem:$0x818] =	vst v0  }
0x86: {  	[tilespmem:$0x828] =	vst v0  }
0x87: {  	[tilespmem:$0x838] =	vst v0  }
0x88: {  	[tilespmem:$0x848] =	vst v0  }
0x89: {  	[tilespmem:$0x858] =	vst v0  }
0x8a: {  	[tilespmem:$0x868] =	vst v0  }
0x8b: {  	[tilespmem:$0x878] =	vst v0  }
0x8c: {  	[tilespmem:$0x888] =	vst v0  }
0x8d: {  	[tilespmem:$0x898] =	vst v0  }
0x8e: {  	[tilespmem:$0x8A8] =	vst v0  }
0x8f: {  	[tilespmem:$0x8B8] =	vst v0  }
0x90: {  	[tilespmem:$0x8C8] =	vst v0  }
0x91: {  	[tilespmem:$0x8D8] =	vst v0  }
0x92: {  	[tilespmem:$0x8E8] =	vst v0  }
0x93: {  	[tilespmem:$0x8F8] =	vst v0  }
0x94: {  	[tilespmem:$0x908] =	vst v0  }
0x95: {  	[tilespmem:$0x918] =	vst v0  }
0x96: {  	[tilespmem:$0x928] =	vst v0  }
0x97: {  	[tilespmem:$0x938] =	vst v0  }
0x98: {  	[tilespmem:$0x948] =	vst v0  }
0x99: {  	[tilespmem:$0x958] =	vst v0  }
0x9a: {  	[tilespmem:$0x968] =	vst v0  }
0x9b: {  	[tilespmem:$0x978] =	vst v0  }
0x9c: {  	[tilespmem:$0x988] =	vst v0  }
0x9d: {  	[tilespmem:$0x998] =	vst v0  }
0x9e: {  	[tilespmem:$0x9A8] =	vst v0  }
0x9f: {  	[tilespmem:$0x9B8] =	vst v0  }
0xa0: {  	[tilespmem:$0x9C8] =	vst v0  }
0xa1: {  	[tilespmem:$0x9D8] =	vst v0  }
0xa2: {  	[tilespmem:$0x9E8] =	vst v0  }
0xa3: {  	[tilespmem:$0x9F8] =	vst v0  }
0xa4: {  	[tilespmem:$0xA08] =	vst v0  }
0xa5: {  	[tilespmem:$0xA18] =	vst v0  }
0xa6: {  	[tilespmem:$0xA28] =	vst v0  }
0xa7: {  	[tilespmem:$0xA38] =	vst v0  }
0xa8: {  	[tilespmem:$0xA48] =	vst v0  }
0xa9: {  	[tilespmem:$0xA58] =	vst v0  }
0xaa: {  	[tilespmem:$0xA68] =	vst v0  }
0xab: {  	[tilespmem:$0xA78] =	vst v0  }
0xac: {  	[tilespmem:$0xA88] =	vst v0  }
0xad: {  	[tilespmem:$0xA98] =	vst v0  }
0xae: {  	[tilespmem:$0xAA8] =	vst v0  }
0xaf: {  	[tilespmem:$0xAB8] =	vst v0  }
0xb0: {  	[tilespmem:$0xAC8] =	vst v0  }
0xb1: {  	[tilespmem:$0xAD8] =	vst v0  }
0xb2: {  	[tilespmem:$0xAE8] =	vst v0  }
0xb3: {  	[tilespmem:$0xAF8] =	vst v0  }
0xb4: {  	[tilespmem:$0xB08] =	vst v0  }
0xb5: {  	[tilespmem:$0xB18] =	vst v0  }
0xb6: {  	[tilespmem:$0xB28] =	vst v0  }
0xb7: {  	[tilespmem:$0xB38] =	vst v0  }
0xb8: {  	[tilespmem:$0xB48] =	vst v0  }
0xb9: {  	[tilespmem:$0xB58] =	vst v0  }
0xba: {  	[tilespmem:$0xB68] =	vst v0  }
0xbb: {  	[tilespmem:$0xB78] =	vst v0  }
0xbc: {  	[tilespmem:$0xB88] =	vst v0  }
0xbd: {  	[tilespmem:$0xB98] =	vst v0  }
0xbe: {  	[tilespmem:$0xBA8] =	vst v0  }
0xbf: {  	[tilespmem:$0xBB8] =	vst v0  }
0xc0: {  	[tilespmem:$0xBC8] =	vst v0  }
0xc1: {  	[tilespmem:$0xBD8] =	vst v0  }
0xc2: {  	[tilespmem:$0xBE8] =	vst v0  }
0xc3: {  	[tilespmem:$0xBF8] =	vst v0  }
0xc4: {  	[tilespmem:$0xC08] =	vst v0  }
0xc5: {  	[tilespmem:$0xC18] =	vst v0  }
0xc6: {  	[tilespmem:$0xC28] =	vst v0  }
0xc7: {  	[tilespmem:$0xC38] =	vst v0  }
0xc8: {  	[tilespmem:$0xC48] =	vst v0  }
0xc9: {  	[tilespmem:$0xC58] =	vst v0  }
0xca: {  	[tilespmem:$0xC68] =	vst v0  }
0xcb: {  	[tilespmem:$0xC78] =	vst v0  }
0xcc: {  	[tilespmem:$0xC88] =	vst v0  }
0xcd: {  	[tilespmem:$0xC98] =	vst v0  }
0xce: {  	[tilespmem:$0xCA8] =	vst v0  }
0xcf: {  	[tilespmem:$0xCB8] =	vst v0  }
0xd0: {  	[tilespmem:$0xCC8] =	vst v0  }
0xd1: {  	[tilespmem:$0xCD8] =	vst v0  }
0xd2: {  	[tilespmem:$0xCE8] =	vst v0  }
0xd3: {  	[tilespmem:$0xCF8] =	vst v0  }
0xd4: {  	[tilespmem:$0xD08] =	vst v0  }
0xd5: {  	[tilespmem:$0xD18] =	vst v0  }
0xd6: {  	[tilespmem:$0xD28] =	vst v0  }
0xd7: {  	[tilespmem:$0xD38] =	vst v0  }
0xd8: {  	[tilespmem:$0xD48] =	vst v0  }
0xd9: {  	[tilespmem:$0xD58] =	vst v0  }
0xda: {  	[tilespmem:$0xD68] =	vst v0  }
0xdb: {  	[tilespmem:$0xD78] =	vst v0  }
0xdc: {  	[tilespmem:$0xD88] =	vst v0  }
0xdd: {  	[tilespmem:$0xD98] =	vst v0  }
0xde: {  	[tilespmem:$0xDA8] =	vst v0  }
0xdf: {  	[tilespmem:$0xDB8] =	vst v0  }
0xe0: {  	[tilespmem:$0xDC8] =	vst v0  }
0xe1: {  	[tilespmem:$0xDD8] =	vst v0  }
0xe2: {  	[tilespmem:$0xDE8] =	vst v0  }
0xe3: {  	[tilespmem:$0xDF8] =	vst v0  }
0xe4: {  	[tilespmem:$0xE08] =	vst v0  }
0xe5: {  	[tilespmem:$0xE18] =	vst v0  }
0xe6: {  	[tilespmem:$0xE28] =	vst v0  }
0xe7: {  	[tilespmem:$0xE38] =	vst v0  }
0xe8: {  	[tilespmem:$0xE48] =	vst v0  }
0xe9: {  	[tilespmem:$0xE58] =	vst v0  }
0xea: {  	[tilespmem:$0xE68] =	vst v0  }
0xeb: {  	[tilespmem:$0xE78] =	vst v0  }
0xec: {  	[tilespmem:$0xE88] =	vst v0  }
0xed: {  	[tilespmem:$0xE98] =	vst v0  }
0xee: {  	[tilespmem:$0xEA8] =	vst v0  }
0xef: {  	[tilespmem:$0xEB8] =	vst v0  }
0xf0: {  	[tilespmem:$0xEC8] =	vst v0  }
0xf1: {  	[tilespmem:$0xED8] =	vst v0  }
0xf2: {  	[tilespmem:$0xEE8] =	vst v0  }
0xf3: {  	[tilespmem:$0xEF8] =	vst v0  }
0xf4: {  	[tilespmem:$0xF08] =	vst v0  }
0xf5: {  	[tilespmem:$0xF18] =	vst v0  }
0xf6: {  	[tilespmem:$0xF28] =	vst v0  }
0xf7: {  	[tilespmem:$0xF38] =	vst v0  }
0xf8: {  	[tilespmem:$0xF48] =	vst v0  }
0xf9: {  	[tilespmem:$0xF58] =	vst v0  }
0xfa: {  	[tilespmem:$0xF68] =	vst v0  }
0xfb: {  	[tilespmem:$0xF78] =	vst v0  }
0xfc: {  	[tilespmem:$0xF88] =	vst v0  }
0xfd: {  	[tilespmem:$0xF98] =	vst v0  }
0xfe: {  	[tilespmem:$0xFA8] =	vst v0  }
0xff: {  	[tilespmem:$0xFB8] =	vst v0  }
0x100: {  	[tilespmem:$0xFC8] =	vst v0  }
0x101: {  	[tilespmem:$0xFD8] =	vst v0  }
0x102: {  	[tilespmem:$0xFE8] =	vst v0  }
0x103: {  	[tilespmem:$0xFF8] =	vst v0  }
0x104: {  	[tilespmem:$0x1008] =	vst v0  }
0x105: {  	[tilespmem:$0x10D8] =	vst v0  }
0x106: {  	[tilespmem:$0x1048] =	vst v0  }
0x107: {  	[tilespmem:$0x1B28] =	vst v0  }
0x108: {  	[tilespmem:$0x1B18] =	vst v0  }
0x109: {  	[tilespmem:$0x1B08] =	vst v0  }
0x10a: {  	[tilespmem:$0x1AF8] =	vst v0  }
0x10b: {  	[tilespmem:$0x1AE8] =	vst v0  }
0x10c: {  	[tilespmem:$0x1AD8] =	vst v0  }
0x10d: {  	[tilespmem:$0x1AC8] =	vst v0  }
0x10e: {  	[tilespmem:$0x1AB8] =	vst v0  }
0x10f: {  	[tilespmem:$0x1AA8] =	vst v0  }
0x110: {  	[tilespmem:$0x1A98] =	vst v0  }
0x111: {  	[tilespmem:$0x1A88] =	vst v0  }
0x112: {  	[tilespmem:$0x1A78] =	vst v0  }
0x113: {  	[tilespmem:$0x1A68] =	vst v0  }
0x114: {  	[tilespmem:$0x1A58] =	vst v0  }
0x115: {  	[tilespmem:$0x1A48] =	vst v0  }
0x116: {  	[tilespmem:$0x1A38] =	vst v0  }
0x117: {  	[tilespmem:$0x1A28] =	vst v0  }
0x118: {  	[tilespmem:$0x1A18] =	vst v0  }
0x119: {  	[tilespmem:$0x1A08] =	vst v0  }
0x11a: {  	[tilespmem:$0x19F8] =	vst v0  }
0x11b: {  	[tilespmem:$0x19E8] =	vst v0  }
0x11c: {  	[tilespmem:$0x19D8] =	vst v0  }
0x11d: {  	[tilespmem:$0x19C8] =	vst v0  }
0x11e: {  	[tilespmem:$0x19B8] =	vst v0  }
0x11f: {  	[tilespmem:$0x19A8] =	vst v0  }
0x120: {  	[tilespmem:$0x1998] =	vst v0  }
0x121: {  	[tilespmem:$0x1988] =	vst v0  }
0x122: {  	[tilespmem:$0x1978] =	vst v0  }
0x123: {  	[tilespmem:$0x1968] =	vst v0  }
0x124: {  	[tilespmem:$0x1958] =	vst v0  }
0x125: {  	[tilespmem:$0x1948] =	vst v0  }
0x126: {  	[tilespmem:$0x1938] =	vst v0  }
0x127: {  	[tilespmem:$0x1928] =	vst v0  }
0x128: {  	[tilespmem:$0x1918] =	vst v0  }
0x129: {  	[tilespmem:$0x1908] =	vst v0  }
0x12a: {  	[tilespmem:$0x18F8] =	vst v0  }
0x12b: {  	[tilespmem:$0x18E8] =	vst v0  }
0x12c: {  	[tilespmem:$0x18D8] =	vst v0  }
0x12d: {  	[tilespmem:$0x18C8] =	vst v0  }
0x12e: {  	[tilespmem:$0x18B8] =	vst v0  }
0x12f: {  	[tilespmem:$0x18A8] =	vst v0  }
0x130: {  	[tilespmem:$0x1898] =	vst v0  }
0x131: {  	[tilespmem:$0x1888] =	vst v0  }
0x132: {  	[tilespmem:$0x1878] =	vst v0  }
0x133: {  	[tilespmem:$0x1868] =	vst v0  }
0x134: {  	[tilespmem:$0x1858] =	vst v0  }
0x135: {  	[tilespmem:$0x1848] =	vst v0  }
0x136: {  	[tilespmem:$0x1838] =	vst v0  }
0x137: {  	[tilespmem:$0x1828] =	vst v0  }
0x138: {  	[tilespmem:$0x1818] =	vst v0  }
0x139: {  	[tilespmem:$0x1808] =	vst v0  }
0x13a: {  	[tilespmem:$0x17F8] =	vst v0  }
0x13b: {  	[tilespmem:$0x17E8] =	vst v0  }
0x13c: {  	[tilespmem:$0x17D8] =	vst v0  }
0x13d: {  	[tilespmem:$0x17C8] =	vst v0  }
0x13e: {  	[tilespmem:$0x17B8] =	vst v0  }
0x13f: {  	[tilespmem:$0x17A8] =	vst v0  }
0x140: {  	[tilespmem:$0x1798] =	vst v0  }
0x141: {  	[tilespmem:$0x1788] =	vst v0  }
0x142: {  	[tilespmem:$0x1778] =	vst v0  }
0x143: {  	[tilespmem:$0x1768] =	vst v0  }
0x144: {  	[tilespmem:$0x1758] =	vst v0  }
0x145: {  	[tilespmem:$0x1748] =	vst v0  }
0x146: {  	[tilespmem:$0x1738] =	vst v0  }
0x147: {  	[tilespmem:$0x1728] =	vst v0  }
0x148: {  	[tilespmem:$0x1718] =	vst v0  }
0x149: {  	[tilespmem:$0x1708] =	vst v0  }
0x14a: {  	[tilespmem:$0x16F8] =	vst v0  }
0x14b: {  	[tilespmem:$0x16E8] =	vst v0  }
0x14c: {  	[tilespmem:$0x16D8] =	vst v0  }
0x14d: {  	[tilespmem:$0x16C8] =	vst v0  }
0x14e: {  	[tilespmem:$0x16B8] =	vst v0  }
0x14f: {  	[tilespmem:$0x16A8] =	vst v0  }
0x150: {  	[tilespmem:$0x1698] =	vst v0  }
0x151: {  	[tilespmem:$0x1688] =	vst v0  }
0x152: {  	[tilespmem:$0x1678] =	vst v0  }
0x153: {  	[tilespmem:$0x1668] =	vst v0  }
0x154: {  	[tilespmem:$0x1658] =	vst v0  }
0x155: {  	[tilespmem:$0x1648] =	vst v0  }
0x156: {  	[tilespmem:$0x1638] =	vst v0  }
0x157: {  	[tilespmem:$0x1628] =	vst v0  }
0x158: {  	[tilespmem:$0x1618] =	vst v0  }
0x159: {  	[tilespmem:$0x1608] =	vst v0  }
0x15a: {  	[tilespmem:$0x15F8] =	vst v0  }
0x15b: {  	[tilespmem:$0x15E8] =	vst v0  }
0x15c: {  	[tilespmem:$0x15D8] =	vst v0  }
0x15d: {  	[tilespmem:$0x15C8] =	vst v0  }
0x15e: {  	[tilespmem:$0x15B8] =	vst v0  }
0x15f: {  	[tilespmem:$0x15A8] =	vst v0  }
0x160: {  	[tilespmem:$0x1598] =	vst v0  }
0x161: {  	[tilespmem:$0x1588] =	vst v0  }
0x162: {  	[tilespmem:$0x1578] =	vst v0  }
0x163: {  	[tilespmem:$0x1568] =	vst v0  }
0x164: {  	[tilespmem:$0x1558] =	vst v0  }
0x165: {  	[tilespmem:$0x1548] =	vst v0  }
0x166: {  	[tilespmem:$0x1538] =	vst v0  }
0x167: {  	[tilespmem:$0x1528] =	vst v0  }
0x168: {  	[tilespmem:$0x1518] =	vst v0  }
0x169: {  	[tilespmem:$0x1508] =	vst v0  }
0x16a: {  	[tilespmem:$0x14F8] =	vst v0  }
0x16b: {  	[tilespmem:$0x14E8] =	vst v0  }
0x16c: {  	[tilespmem:$0x14D8] =	vst v0  }
0x16d: {  	[tilespmem:$0x14C8] =	vst v0  }
0x16e: {  	[tilespmem:$0x14B8] =	vst v0  }
0x16f: {  	[tilespmem:$0x14A8] =	vst v0  }
0x170: {  	[tilespmem:$0x1498] =	vst v0  }
0x171: {  	[tilespmem:$0x1488] =	vst v0  }
0x172: {  	[tilespmem:$0x1478] =	vst v0  }
0x173: {  	[tilespmem:$0x1468] =	vst v0  }
0x174: {  	[tilespmem:$0x1458] =	vst v0  }
0x175: {  	[tilespmem:$0x1448] =	vst v0  }
0x176: {  	[tilespmem:$0x1438] =	vst v0  }
0x177: {  	[tilespmem:$0x1428] =	vst v0  }
0x178: {  	[tilespmem:$0x1418] =	vst v0  }
0x179: {  	[tilespmem:$0x1408] =	vst v0  }
0x17a: {  	[tilespmem:$0x13F8] =	vst v0  }
0x17b: {  	[tilespmem:$0x13E8] =	vst v0  }
0x17c: {  	[tilespmem:$0x13D8] =	vst v0  }
0x17d: {  	[tilespmem:$0x13C8] =	vst v0  }
0x17e: {  	[tilespmem:$0x13B8] =	vst v0  }
0x17f: {  	[tilespmem:$0x13A8] =	vst v0  }
0x180: {  	[tilespmem:$0x1398] =	vst v0  }
0x181: {  	[tilespmem:$0x1388] =	vst v0  }
0x182: {  	[tilespmem:$0x1378] =	vst v0  }
0x183: {  	[tilespmem:$0x1368] =	vst v0  }
0x184: {  	[tilespmem:$0x1358] =	vst v0  }
0x185: {  	[tilespmem:$0x1348] =	vst v0  }
0x186: {  	[tilespmem:$0x1338] =	vst v0  }
0x187: {  	[tilespmem:$0x1328] =	vst v0  }
0x188: {  	[tilespmem:$0x1318] =	vst v0  }
0x189: {  	[tilespmem:$0x1308] =	vst v0  }
0x18a: {  	[tilespmem:$0x12F8] =	vst v0  }
0x18b: {  	[tilespmem:$0x12E8] =	vst v0  }
0x18c: {  	[tilespmem:$0x12D8] =	vst v0  }
0x18d: {  	[tilespmem:$0x12C8] =	vst v0  }
0x18e: {  	[tilespmem:$0x12B8] =	vst v0  }
0x18f: {  	[tilespmem:$0x12A8] =	vst v0  }
0x190: {  	[tilespmem:$0x1298] =	vst v0  }
0x191: {  	[tilespmem:$0x1288] =	vst v0  }
0x192: {  	[tilespmem:$0x1278] =	vst v0  }
0x193: {  	[tilespmem:$0x1268] =	vst v0  }
0x194: {  	[tilespmem:$0x1258] =	vst v0  }
0x195: {  	[tilespmem:$0x1248] =	vst v0  }
0x196: {  	[tilespmem:$0x1238] =	vst v0  }
0x197: {  	[tilespmem:$0x1228] =	vst v0  }
0x198: {  	[tilespmem:$0x1218] =	vst v0  }
0x199: {  	[tilespmem:$0x1208] =	vst v0  }
0x19a: {  	[tilespmem:$0x11F8] =	vst v0  }
0x19b: {  	[tilespmem:$0x11E8] =	vst v0  }
0x19c: {  	[tilespmem:$0x11D8] =	vst v0  }
0x19d: {  	[tilespmem:$0x11C8] =	vst v0  }
0x19e: {  	[tilespmem:$0x11B8] =	vst v0  }
0x19f: {  	[tilespmem:$0x11A8] =	vst v0  }
0x1a0: {  	[tilespmem:$0x1198] =	vst v0  }
0x1a1: {  	[tilespmem:$0x1188] =	vst v0  }
0x1a2: {  	[tilespmem:$0x1178] =	vst v0  }
0x1a3: {  	[tilespmem:$0x1168] =	vst v0  }
0x1a4: {  	[tilespmem:$0x1158] =	vst v0  }
0x1a5: {  	[tilespmem:$0x1148] =	vst v0  }
0x1a6: {  	[tilespmem:$0x1138] =	vst v0  }
0x1a7: {  	[tilespmem:$0x1128] =	vst v0  }
0x1a8: {  	s4 =	stileid.u32;
	[tilespmem:$0x1118] =	vst v0  }
0x1a9: {  	s0 =	smul.u32 $0x11, s4;
	[tilespmem:$0x1108] =	vst v0  }
0x1aa: {  	s2 =	smin.u32 s4, $0x6;
	[tilespmem:$0x10F8] =	vst v0  }
0x1ab: {  	[tilespmem:$0x10E8] =	vst v0;
	s0 =	sadd.s32 s2, s0  }
0x1ac: {  	p0 =	slt.u32 s4, $0x6;
	[tilespmem:$0x10B8] =	vst v0;
	s2 =	simm.s32 $0x1E60;
	s6 =	smul.u32 $0x1B0, s0  }
0x1ad: {  	s2 =	simm.s32 @!p0 $0x1CB0;
	[tilespmem:$0x10C8] =	vst v0  }
0x1ae: {  	[tilespmem:$0x10A8] =	vst v0;
	s0 =	sadd.s32 s2, s6  }
0x1af: {  	s8 =	simm.s32 $0x2;
	[tilespmem:$0x1038] =	vst v0;
	s7 =	smin.u32 s0, $0x1D4C0  }
0x1b0: {  	s28 =	simm.s32 $0x9;
	s11 =	simm.s32 $0xA;
	[tilespmem:$0x1098] =	vst v0;
	s0 =	ssub.s32 s7, s6  }
0x1b1: {  	s29 =	simm.s32 $0xB;
	s16 =	simm.s32 $0x0;
	[tilespmem:$0x1088] =	vst v0;
	p0 =	sgt.s32 s0, $0x0  }
0x1b2: {  	p4 =	por $0x0, $0x0;
	s17 =	simm.s32 $0xC;
	[tilespmem:$0x1078] =	vst v0;
	s0 =	simm.s32 @!p0 $0x0  }
0x1b3: {  	s21 =	simm.s32 $0x0;
	s18 =	simm.s32 $0x0;
	[tilespmem:$0x1068] =	vst v0;
	s25 =	smulhi.u32 $0x4BDA12F7, s0  }
0x1b4: {  	s20 =	simm.s32 $0x0;
	s5 =	sand.u32 $0x1, s3;
	s9 =	sadd.s32 $0x1FD400, s12;
	[tilespmem:$0x1058] =	vst v0  }
0x1b5: {  	[dreg:$0x7] =	wrdreg s5;
	s5 =	smul.u32 $0x3A98, s5;
	[tilespmem:$0x1028] =	vst v0;
	s2 =	sshrl.u32 s25, $0x7  }
0x1b6: {  	s31 =	sshll.u32 s4, $0x5;
	[tilespmem:$0x1018] =	vst v0;
	[sflag:s8] =	ssyncpa.u1 $0x0;
	v0 =	vimm.s32 $0xFFFFFFFF;
	s26 =	smul.u32 $0x1B0, s2  }
.Ltmp0:
0x1b7: {  	[dreg:$0x6] =	wrdreg s31;
	[tilespmem:$0x3648] =	vst v0;
	[sflag:s28] =	ssyncpa.u1 $0x0;
	(pc) =	sbr.rel .LBB2_1-.Ltmp0, $4  }
0x1b8: {  	[sflag:s11] =	ssyncpa.u1 $0x0;
	s30 =	sadd.s32 s5, s12;
	p0 =	sne.s32 s0, s26  }
0x1b9: {  	s15 =	sadd.s32 s5, s14;
	[sflag:s29] =	ssyncpa.u1 $0x0;
	s13 =	simm.s32 @!p0 $0x0  }
0x1ba: {  	s8 =	sadd.s32 $0x1FFD400, s30;
	s19 =	smov.u32 s6;
	s12 =	sadd.s32 s13, s2  }
0x1bb: {  	v0 =	vlaneseq.u32;
	[dreg:$0x8] =	wrdreg s6;
	p0 =	por $0x1, $0x1;
	s4 =	sadd.s32 $0x1, s12  }
.LBB2_18:
0x1bc: {  	s0 =	simm.s32 $0x2  }
0x1bd: {  	_ =	swait.ge [sflag:s0], $0x0  }
0x1be: {  	[sflag:s0] =	ssyncset.done $0x0;
	s0 =	simm.s32 $0x0  }
.LBB2_19:
0x1bf: {  	_ =	swait.ge [sflag:s17], s0  }
0x1c0: {  	s31 =	ssub.s32 $0x0, s0;
	v1 =	vmov s23;
	vm0 =	veq.s32 v0, $0x0;
	[sflag:s17] =	ssyncset.done $0x0  }
0x1c1: {  	vm15 =	veq.s32 v0, $0x2;
	v1 =	vsel vm0, s28, v1;
	[sflag:s17] =	ssyncadd.s32 s31  }
0x1c2: {  	v1 =	vsel vm15, s21, v1;
	[sflag:s17] =	ssyncpa.u1 $0x1  }
0x1c3: {  	[tilespmem:$0x3648] =	vst v1  }
.LBB2_20:
0x1c4: {  	s0 =	sadd.s32 $0x1B0, s19  }
0x1c5: {  	s2 =	smov.u32 s6;
	p1 =	slt.s32 s0, s7  }
0x1c6: {  	s2 =	smov.u32 @p1 s0;
	p1 =	sne.s32 s20, s4  }
.Ltmp1:
0x1c7: {  	_ = 	snop;
	(pc) =	sbr.rel @!p1 .LBB2_21-.Ltmp1, $4  }
0x1c8: {  	_ = 	snop  }
0x1c9: {  	s21 =	smov.u32 s18  }
0x1ca: {  	s31 =	sadd.s32 $0x1, s20;
	s18 =	smov.u32 s19;
	p0 =	por !p0, !p0  }
0x1cb: {  	p4 =	por !p4, !p4;
	s20 =	smov.u32 s31;
	s19 =	smov.u32 s2  }
.LBB2_1:
0x1cc: {  	p2 =	sge.u32 s20, s12  }
0x1cd: {  	s0 =	smulhi.u32 @!p2 $0xAAAAAAAB, s20  }
0x1ce: {  	s2 =	smov.u32 s19;
	p3 =	sgt.s32 @!p2 s19, $0x1D310  }
0x1cf: {  	s3 =	sshra.s32 @!p2 s19, $0x1F;
	p3 =	por !p3, p2;
	s0 =	sshrl.u32 @!p2 s0, $0x1  }
0x1d0: {  	s3 =	sand.u32 @!p2 s3, s19;
	s2 =	simm.s32 @p3 $0x1D310;
	s0 =	smul.u32 @!p2 $0x3, s0  }
0x1d1: {  	s2 =	ssub.s32 @!p2 s2, s3  }
0x1d2: {  	s23 =	sadd.s32 $0xFFFFFFFF, s20;
	s2 =	sadd.s32 @!p2 $0xFFFE2CF0, s2;
	s0 =	ssub.s32 @!p2 s20, s0  }
0x1d3: {  	s3 =	sshll.u32 @!p2 s2, $0x2;
	p3 =	sgt.s32 @!p2 s2, $0x1AF;
	s0 =	smul.u32 @!p2 $0x6C0, s0  }
0x1d4: {  	s5 =	sand.u32 @!p2 $0x7, s19;
	s2 =	ssub.s32 @!p2 $0x6C0, s3;
	p3 =	por !p3, p2  }
0x1d5: {  	s3 =	sshrl.u32 @!p2 s19, $0x3;
	s2 =	sshrl.u32 @!p2 s2, $0x2;
	s0 =	sshrl.u32 @!p2 s0, $0x2  }
0x1d6: {  	s3 =	sadd.s32 @!p2 s3, s8;
	s2 =	simm.s32 @!p3 $0x0;
	s0 =	sadd.s32 @!p2 $0x3888, s0  }
0x1d7: {  	[tilespmem:s0], [sflag:$0xA] =	stream.linear.gather @!p2 [hbm4b:s3+s5], s2, $0x38;
	[tilespmem:$0x1F0F8] =	vst v63  }
0x1d8: {  	p2 =	sge.u32 s23, s12  }
0x1d9: {  	p3 =	sgt.s32 @!p2 s18, $0x1D310  }
0x1da: {  	s0 =	smov.u32 s18;
	s2 =	sshra.s32 @!p2 s18, $0x1F;
	p3 =	por !p3, p2  }
0x1db: {  	s2 =	sand.u32 @!p2 s2, s18;
	s0 =	simm.s32 @p3 $0x1D310  }
0x1dc: {  	s0 =	ssub.s32 @!p2 s0, s2  }
0x1dd: {  	s0 =	sadd.s32 @!p2 $0xFFFE2CF0, s0  }
0x1de: {  	s2 =	sshll.u32 @!p2 s0, $0x2  }
0x1df: {  	p3 =	sgt.s32 @!p2 s0, $0x1AF;
	s0 =	ssub.s32 @!p2 $0x6C0, s2  }
0x1e0: {  	s22 =	ssub.s32 @!p2 $0x1D4C0, s18;
	p3 =	por !p3, p2;
	s0 =	sshrl.u32 @!p2 s0, $0x2  }
0x1e1: {  	s2 =	sand.u32 @!p2 $0x1, s23;
	s0 =	simm.s32 @!p3 $0x0;
	p3 =	slt.s32 @!p2 s22, $0x1  }
0x1e2: {  	s3 =	simm.s32 @!p2 $0xA;
	s2 =	smul.u32 @!p2 $0x6C0, s2;
	p3 =	por p2, p3  }
.Ltmp2:
0x1e3: {  	_ =	swait.ge @!p2 [sflag:s3], s0;
	(pc) =	sbr.rel @p3 .LBB2_7-.Ltmp2, $4  }
0x1e4: {  	s5 =	ssub.s32 @!p2 $0x0, s0;
	[sflag:s3] =	ssyncset.done @!p2 $0x0  }
0x1e5: {  	s2 =	sshrl.u32 @!p2 s2, $0x2;
	[sflag:s3] =	ssyncadd.s32 @!p2 s5;
	s3 =	sshrl.u32 @!p2 s18, $0x3  }
0x1e6: {  	s2 =	sadd.s32 @!p2 $0x3D98, s2;
	s5 =	sand.u32 @!p2 $0x7, s18;
	s3 =	sadd.s32 @!p2 s3, s15  }
0x1e7: {  	[tilespmem:s2], [sflag:$0xB] =	stream.linear.gather @!p2 [hbm4b:s3+s5], s0, $0x38;
	[tilespmem:$0x1F0F8] =	vst v63  }
0x1e8: {  	s0 =	smulhi.u32 $0xAAAAAAAB, s23;
	_ =	sdelay $0x1  }
0x1e9: {  	s0 =	sshrl.u32 s0, $0x1  }
0x1ea: {  	s0 =	smul.u32 $0x3, s0;
	_ =	sdelay $0x1  }
0x1eb: {  	s0 =	ssub.s32 s23, s0  }
0x1ec: {  	s2 =	simm.s32 $0x1;
	s0 =	smul.u32 $0x6C0, s0  }
.Ltmp3:
0x1ed: {  	s2 =	simm.s32 @!p0 $0x0;
	(pc) =	sbr.rel .LBB2_4-.Ltmp3, $4  }
0x1ee: {  	s2 =	smul.u32 $0x36000, s2  }
0x1ef: {  	p3 =	slt.s32 @!p2 s22, $0x1B0;
	s0 =	sshrl.u32 s0, $0x2  }
0x1f0: {  	p2 =	por !p3, p2;
	s2 =	sshrl.u32 s2, $0x2;
	s0 =	sadd.s32 $0x3888, s0  }
0x1f1: {  	s24 =	simm.s32 $0x0;
	s22 =	simm.s32 @p2 $0x1B0;
	s23 =	sadd.s32 $0x40F8, s2;
	v1 =	vmov s0  }
.LBB2_3:
0x1f2: {  	p2 =	sge.s32 s24, s22  }
.Ltmp4:
0x1f3: {  	_ = 	snop;
	(pc) =	sbr.rel @p2 .LBB2_7-.Ltmp4, $2  }
0x1f4: {  	_ =	sdelay $0x2  }
0x1f5: {  	s23 =	sadd.s32 $0x800, s23  }
.LBB2_4:
0x1f6: {  	p2 =	sle.s32 s22, s24  }
.Ltmp5:
0x1f7: {  	_ = 	snop;
	(pc) =	sbr.rel @p2 .LBB2_3-.Ltmp5, $2  }
0x1f8: {  	_ =	sdelay $0x2  }
0x1f9: {  	s0 =	smov.u32 s24;
	s24 =	sadd.s32 $0x10, s24  }
0x1fa: {  	s2 =	ssub.s32 s22, s0  }
0x1fb: {  	p2 =	slt.s32 s2, $0x10  }
0x1fc: {  	s2 =	simm.s32 @!p2 $0x10  }
0x1fd: {  	v2 =	vmov s2  }
0x1fe: {  	vm0 =	vgt.s32 v2, v0;
	_ =	sdelay $0x5  }
0x1ff: {  	v2 =	vld.idx.msk [tilespmem:v1+s0+$0x0 ss:$0x1], vm0;
	_ =	sdelay $0x2  }
0x200: {  	p2 =	slt.s32 s24, s22;
	s2 =	smov.u32 s22  }
0x201: {  	s3 =	smov.u32 s23;
	s25 =	simm.s32 $0x0;
	s2 =	smov.u32 @p2 s24  }
.LBB2_6:
0x202: {  	(v2sf) =	vpush v2, s25;
	_ =	sdelay $0xc  }
0x203: {  	s25 =	sadd.s32 $0x1, s25  }
0x204: {  	s31 =	sadd.s32 s25, s0  }
0x205: {  	p2 =	slt.s32 s31, s2;
	s5 =	spop (v2sf)  }
.Ltmp6:
0x206: {  	s5 =	sshll.u32 s5, $0x4;
	(pc) =	sbr.rel @p2 .LBB2_6-.Ltmp6, $4  }
0x207: {  	s5 =	sand.u32 $0x1FFFFFF0, s5  }
0x208: {  	s5 =	sadd.s32 s9, s5  }
0x209: {  	[tilespmem:s3], [sflag:$0x9] =	stream.linear.gather [hbm4b:s5+s16], $0x10, $0x38;
	[tilespmem:$0x1F0F8] =	vst v63  }
0x20a: {  	s3 =	sadd.s32 $0x80, s3  }
.Ltmp7:
0x20b: {  	_ = 	snop;
	(pc) =	sbr.rel .LBB2_3-.Ltmp7, $1  }
0x20c: {  	_ =	sdelay $0x3  }
.LBB2_7:
0x20d: {  	p2 =	slt.u32 s20, $0x2  }
.Ltmp8:
0x20e: {  	_ = 	snop;
	(pc) =	sbr.rel @p2 .LBB2_20-.Ltmp8, $1  }
0x20f: {  	_ =	sdelay $0x3  }
0x210: {  	p2 =	sgt.s32 s21, $0x1D310  }
0x211: {  	s0 =	smov.u32 s21;
	s2 =	sshra.s32 s21, $0x1F;
	s3 =	ssub.s32 $0x1D4C0, s21  }
0x212: {  	s0 =	simm.s32 @!p2 $0x1D310;
	s2 =	sand.u32 s2, s21;
	p2 =	slt.s32 s3, $0x1B0  }
0x213: {  	s0 =	ssub.s32 s0, s2;
	s3 =	simm.s32 @!p2 $0x1B0  }
0x214: {  	s0 =	sadd.s32 $0xFFFE2CF0, s0;
	s24 =	sshll.u32 s3, $0x4  }
0x215: {  	s28 =	simm.s32 $0x9;
	s25 =	sshll.u32 s0, $0x2;
	s2 =	sand.u32 $0x3FFFFFF0, s24  }
0x216: {  	p2 =	sgt.s32 s0, $0x1AF;
	s26 =	ssub.s32 $0x6C0, s25;
	_ =	swait.ge [sflag:s28], s2  }
0x217: {  	s2 =	ssub.s32 $0x0, s2;
	[sflag:s28] =	ssyncset.done $0x0;
	s0 =	sshrl.u32 s26, $0x2  }
0x218: {  	s30 =	simm.s32 $0xB;
	[sflag:s28] =	ssyncadd.s32 s2;
	s0 =	simm.s32 @p2 $0x0  }
0x219: {  	_ =	swait.ge [sflag:s30], s0  }
0x21a: {  	s0 =	ssub.s32 $0x0, s0;
	[sflag:s30] =	ssyncset.done $0x0  }
0x21b: {  	[sflag:s30] =	ssyncadd.s32 s0  }
0x21c: {  	v1 =	vld [tilespmem:$0x3648];
	_ =	sdelay $0x4  }
0x21d: {  	(v2sf) =	vpush v1, $0x0  }
0x21e: {  	(v2sf) =	vpush v1, $0x1  }
0x21f: {  	(v2sf) =	vpush v1, $0x2;
	_ =	sdelay $0x3  }
0x220: {  	s0 =	sadd.s32 $0x1B0, s21  }
0x221: {  	s2 =	ssub.s32 $0x3A980, s21;
	p2 =	slt.s32 s7, s0  }
0x222: {  	s0 =	smov.u32 @p2 s7;
	p2 =	sgt.s32 s2, $0x0  }
0x223: {  	s25 =	ssub.s32 s0, s21;
	s2 =	simm.s32 @!p2 $0x0  }
0x224: {  	p2 =	slt.s32 s2, s25  }
0x225: {  	s25 =	smov.u32 @p2 s2  }
0x226: {  	s24 =	simm.s32 $0x1;
	p2 =	slt.s32 s25, $0x1  }
.Ltmp9:
0x227: {  	s24 =	simm.s32 @!p4 $0x0;
	(pc) =	sbr.rel @p2 .LBB2_12-.Ltmp9, $4  }
0x228: {  	s31 =	smul.u32 $0x6C0, s24  }
0x229: {  	s26 =	spop (v2sf)  }
0x22a: {  	s0 =	sshrl.u32 s31, $0x2;
	s29 =	spop (v2sf)  }
0x22b: {  	s22 =	sadd.s32 $0x3D98, s0;
	s21 =	spop (v2sf)  }
0x22c: {  	s0 =	smin.u32 s25, $0x10  }
0x22d: {  	v1 =	vmov s0  }
0x22e: {  	p3 =	sgt.s32 s25, $0x10;
	vm1 =	vgt.u32 v1, v0  }
.Ltmp10:
0x22f: {  	_ = 	snop;
	(pc) =	sbr.rel @!p3 .LBB2_11-.Ltmp10, $2  }
0x230: {  	_ =	sdelay $0x2  }
0x231: {  	s23 =	simm.s32 $0x10;
	s28 =	sadd.s32 $0xFFFFFFF0, s25;
	s0 =	smov.u32 s22;
	vm0 =	vmmov vm1  }
.LBB2_10:
0x232: {  	s2 =	smin.u32 s28, $0x10;
	s23 =	sadd.s32 $0x10, s23;
	v1 =	vld.msk [tilespmem:s0+$0x0 ss:$0x1], vm1  }
0x233: {  	v2 =	vmov s2;
	p3 =	slt.s32 s23, s25  }
0x234: {  	vm1 =	vgt.u32 v2, v0  }
.Ltmp11:
0x235: {  	(pc) =	sbr.rel @p3 .LBB2_10-.Ltmp11, $3  }
0x236: {  	_ =	sdelay $0x1  }
0x237: {  	v1 =	vshll.u32 v1, $0x4  }
0x238: {  	s28 =	sadd.s32 $0xFFFFFFF0, s28;
	[tilespmem:s0+$0x0] =	vst.msk vm0, v1;
	s0 =	sadd.s32 $0x10, s0;
	vm0 =	vmmov vm1  }
.LBB2_11:
0x239: {  	_ =	sdelay $0x4  }
0x23a: {  	v1 =	vld.msk [tilespmem:s0+$0x0 ss:$0x1], vm1;
	_ =	sdelay $0x4  }
0x23b: {  	v1 =	vshll.u32 v1, $0x4  }
0x23c: {  	[tilespmem:s0+$0x0] =	vst.msk vm0, v1  }
.LBB2_12:
0x23d: {  	s0 =	sand.u32 $0x1, s20  }
0x23e: {  	s0 =	smul.u32 $0x1B0, s0  }
0x23f: {  	p3 =	sne.s32 s29, $0xFFFFFFFF  }
0x240: {  	v1 =	vld.msk @!p3 [tilespmem:s0+$0x3D98], $0x1;
	_ =	sdelay $0x4  }
0x241: {  	(v2sf) =	vpush @!p3 v1, $0x0;
	_ =	sdelay $0xc  }
.Ltmp12:
0x242: {  	_ = 	snop;
	(pc) =	sbr.rel @p2 .LBB2_18-.Ltmp12, $4  }
0x243: {  	_ = 	snop  }
0x244: {  	s28 =	spop @!p3 (v2sf)  }
0x245: {  	s21 =	simm.s32 @!p3 $0x0;
	s23 =	smov.u32 s28  }
0x246: {  	[sflag:s17] =	ssyncpa.u1 $0x0;
	s28 =	smov.u32 @p3 s26;
	s23 =	smov.u32 @p3 s29  }
0x247: {  	v1 =	vld.msk [tilespmem:s22+$0x0], $0x1;
	_ =	sdelay $0x4  }
0x248: {  	(v2sf) =	vpush v1, $0x0;
	_ =	sdelay $0xe  }
0x249: {  	s0 =	simm.s32 @!p4 $0x0;
	s26 =	smul.u32 $0x36000, s24;
	s31 =	spop (v2sf)  }
0x24a: {  	s29 =	ssub.s32 $0x0, s25;
	s0 =	simm.s32 @p4 $0x1;
	p2 =	seq.s32 s28, s31  }
0x24b: {  	s2 =	smov.u32 s28;
	[smem:$0x7FD] =	sst s0;
	p3 =	sgt.s32 @!p2 s28, $0x0  }
0x24c: {  	s0 =	sshrl.u32 s26, $0x2;
	s26 =	sadd.s32 $0x1, s29;
	p3 =	por !p3, p2  }
0x24d: {  	s2 =	simm.s32 @p3 $0x0;
	p3 =	seq.s32 s26, $0x0  }
.Ltmp13:
0x24e: {  	_ = 	snop;
	(pc) =	sbr.rel @p3 .LBB2_15-.Ltmp13, $4  }
0x24f: {  	s6 =	smov.u32 s4;
	s14 =	smov.u32 s8;
	s25 =	simm.s32 $0x0  }
0x250: {  	s24 =	sadd.s32 $0x40F8, s0;
	s0 =	simm.s32 @!p2 $0x1;
	s3 =	smin.u32 @!p2 s2, $0x1D4BFE  }
0x251: {  	s30 =	sadd.s32 $0x1, s22;
	s0 =	smov.u32 @p2 s25;
	s5 =	sand.u32 @!p2 $0x1FFFF8, s3  }
0x252: {  	s2 =	simm.s32 @!p2 $0x1B38;
	s3 =	sand.u32 @!p2 $0x7, s3;
	s5 =	sadd.s32 @!p2 s1, s5  }
.LBB2_14:
0x253: {  	s4 =	smov.u32 s0  }
0x254: {  	[tilespmem:s2], [sflag:$0x2] =	stream.linear.gather @!p2 [hbm4b:s5+s3], $0x10, $0x38;
	[tilespmem:$0x1F0F8] =	vst v63  }
0x255: {  	s26 =	sadd.s32 $0x1, s26;
	s3 =	smov.u32 s31;
	v1 =	vld.msk [tilespmem:s30+$0x0], $0x1  }
0x256: {  	p3 =	seq.s32 s26, $0x0;
	_ =	sdelay $0x3  }
0x257: {  	(v2sf) =	vpush v1, $0x0;
	_ =	sdelay $0xe  }
0x258: {  	s31 =	spop (v2sf)  }
0x259: {  	p2 =	seq.s32 s3, s31  }
0x25a: {  	p4 =	sgt.s32 @!p2 s3, $0x0;
	s2 =	sshll.u32 @!p2 s0, $0x6;
	s0 =	sadd.s32 @!p2 $0x1, s0  }
.Ltmp14:
0x25b: {  	p4 =	por !p4, p2;
	s2 =	sshra.s32 @!p2 s2, $0x2;
	(pc) =	sbr.rel @!p3 .LBB2_14-.Ltmp14, $4  }
0x25c: {  	s0 =	smov.u32 @p2 s4;
	s3 =	simm.s32 @p4 $0x0;
	s2 =	sadd.s32 @!p2 $0x1B38, s2  }
0x25d: {  	s3 =	smin.u32 @!p2 s3, $0x1D4BFE  }
0x25e: {  	s4 =	sand.u32 @!p2 $0x1FFFF8, s3;
	s3 =	sand.u32 @!p2 $0x7, s3  }
0x25f: {  	s30 =	sadd.s32 $0x1, s30;
	s5 =	sadd.s32 @!p2 s1, s4  }
.LBB2_15:
0x260: {  	[tilespmem:s2], [sflag:$0x2] =	stream.linear.gather @!p2 [hbm4b:s5+s3], $0x10, $0x38;
	[tilespmem:$0x1F0F8] =	vst v63  }
0x261: {  	s0 =	sshll.u32 s0, $0x4  }
0x262: {  	s31 =	simm.s32 $0x2;
	s0 =	sand.u32 $0x3FFFFFF0, s0  }
0x263: {  	_ =	swait.ge [sflag:s31], s0  }
0x264: {  	s0 =	ssub.s32 $0x0, s0;
	[sflag:s31] =	ssyncset.done $0x0  }
0x265: {  	[sflag:s31] =	ssyncadd.s32 s0  }
0x266: {  	v1 =	vld.msk [tilespmem:s22+$0x0], $0x1;
	_ =	sdelay $0x4  }
0x267: {  	(v2sf) =	vpush v1, $0x0;
	_ =	sdelay $0xe  }
0x268: {  	s26 =	spop (v2sf)  }
0x269: {  	p2 =	sne.s32 s28, s26  }
0x26a: {  	p4 =	sne.s32 @p2 s28, s23  }
0x26b: {  	p3 =	por !p4, !p2  }
0x26c: {  	s0 =	simm.s32 @!p3 $0x0  }
0x26d: {  	v1 =	vld @!p3 [tilespmem:s0+$0x1B38]  }
0x26e: {  	p5 =	sgt.u32 @!p3 s28, $0x1D4BFE  }
0x26f: {  	s2 =	sshll.u32 @!p3 s21, $0x6;
	p6 =	por @p2 p5, !p4  }
0x270: {  	s2 =	sshra.s32 @!p3 s2, $0x2;
	p1 =	por p6, !p2;
	p6 =	por p4, !p2  }
0x271: {  	s3 =	sadd.s32 @!p3 $0x28, s2;
	s4 =	sand.u32 @!p1 $0x1FFFF8, s28;
	s5 =	sshll.u32 @!p6 s21, $0x6  }
0x272: {  	s28 =	sand.u32 @!p1 $0x7, s28;
	[tilespmem:s2+$0x28] =	vst.add.f32.msk @!p3 $0xffff, v1;
	s2 =	sadd.s32 @!p1 s1, s4;
	s4 =	sshra.s32 @!p6 s5, $0x2  }
0x273: {  	[hbm4b:s2+s28] =	stream.linear.scatter @!p1 [tilespmem:s3], [sflag:$0xC], $0x10, $0x38;
	[tilespmem:$0x1F0F8] =	vst v63  }
0x274: {  	s0 =	rddreg [dreg:$0x6];
	s2 =	sadd.s32 @!p6 $0x28, s4;
	s3 =	simm.s32 @!p6 $0x1  }
0x275: {  	[spmem:s0] =	stream.linear.scatter @!p6 [tilespmem:s2], [sflag:$0x1], $0x10, $0x38;
	[tilespmem:$0x1F0F8] =	vst v63  }
0x276: {  	s0 =	sadd.s32 @p2 $0x1, s21;
	_ =	swait.ge @!p6 [sflag:s3], $0x10  }
0x277: {  	s2 =	sshrl.u32 @p2 s0, $0x4;
	[sflag:s3] =	ssyncset.done @!p6 $0x0  }
0x278: {  	s2 =	smulhi.u32 @p2 $0x97B425F, s2;
	[sflag:s3] =	ssyncadd.s32 @!p6 $0xFFFFFFF0  }
0x279: {  	s28 =	sadd.s32 $0x1, s29;
	v1 =	vld @p2 [tilespmem:s24+$0x0]  }
0x27a: {  	p1 =	por @p2 !p5, !p4;
	p4 =	seq.s32 s28, $0x0;
	s2 =	smul.u32 @p2 $0x1B0, s2  }
.Ltmp15:
0x27b: {  	p1 =	por !p1, !p2;
	s3 =	simm.s32 @!p3 $0x0;
	(pc) =	sbr.rel @p4 .LBB2_17-.Ltmp15, $4  }
0x27c: {  	s4 =	sshll.u32 @!p2 s21, $0x6;
	s3 =	simm.s32 @!p1 $0x40;
	s0 =	ssub.s32 @p2 s0, s2  }
0x27d: {  	s29 =	simm.s32 $0x0;
	s3 =	sadd.s32 @!p3 $0x0, s3;
	s5 =	sshll.u32 @p2 s0, $0x4  }
0x27e: {  	s30 =	sshra.s32 @!p2 s4, $0x2;
	s2 =	simm.s32 @p2 $0x1;
	s3 =	smov.u32 @p3 s25;
	[tilespmem:s5+$0x28] =	vst @p2 v1  }
0x27f: {  	s21 =	smov.u32 @p2 s0;
	s29 =	smov.u32 @p2 s3;
	s25 =	smov.u32 @p2 s2;
	v1 =	vld @!p2 [tilespmem:s24+$0x0]  }
.LBB2_16:
0x280: {  	_ =	sdelay $0x3  }
0x281: {  	s22 =	sadd.s32 $0x1, s22;
	[tilespmem:s30+$0x28] =	vst.add.f32.msk @!p2 $0xffff, v1  }
0x282: {  	v1 =	vld.msk [tilespmem:s22+$0x0], $0x1;
	_ =	sdelay $0x4  }
0x283: {  	(v2sf) =	vpush v1, $0x0;
	_ =	sdelay $0xe  }
0x284: {  	s0 =	smov.u32 s26;
	s26 =	spop (v2sf)  }
0x285: {  	p2 =	sne.s32 s0, s26  }
0x286: {  	p5 =	sne.s32 @p2 s0, s23  }
0x287: {  	s4 =	sshll.u32 @!p2 s21, $0x6;
	p4 =	por !p5, !p2  }
0x288: {  	s30 =	sshra.s32 @!p2 s4, $0x2;
	s4 =	sshll.u32 @!p4 s25, $0x6  }
0x289: {  	s4 =	sshra.s32 @!p4 s4, $0x2  }
0x28a: {  	p1 =	sgt.u32 @!p4 s0, $0x1D4BFE;
	v1 =	vld @!p4 [tilespmem:s4+$0x1B38]  }
0x28b: {  	s31 =	sshll.u32 @!p4 s21, $0x6;
	p6 =	por @p2 p1, !p5;
	p1 =	por @p2 !p1, !p5  }
0x28c: {  	s8 =	simm.s32 @!p4 $0x0;
	s31 =	sshra.s32 @!p4 s31, $0x2;
	p1 =	por !p1, !p2  }
0x28d: {  	p5 =	por p5, !p2;
	s8 =	simm.s32 @!p1 $0x40;
	p1 =	por p6, !p2  }
0x28e: {  	s4 =	sadd.s32 @!p4 $0x28, s31;
	s13 =	sshll.u32 @!p5 s21, $0x6;
	s11 =	sand.u32 @!p1 $0x1FFFF8, s0  }
0x28f: {  	s13 =	sshra.s32 @!p5 s13, $0x2;
	s0 =	sand.u32 @!p1 $0x7, s0;
	s11 =	sadd.s32 @!p1 s1, s11;
	[tilespmem:s31+$0x28] =	vst.add.f32.msk @!p4 $0xffff, v1  }
0x290: {  	[hbm4b:s11+s0] =	stream.linear.scatter @!p1 [tilespmem:s4], [sflag:$0xC], $0x10, $0x38;
	[tilespmem:$0x1F0F8] =	vst v63  }
0x291: {  	s2 =	rddreg [dreg:$0x6];
	s0 =	sadd.s32 @!p5 $0x28, s13;
	s4 =	simm.s32 @!p5 $0x1  }
0x292: {  	[spmem:s2] =	stream.linear.scatter @!p5 [tilespmem:s0], [sflag:$0x1], $0x10, $0x38;
	[tilespmem:$0x1F0F8] =	vst v63  }
0x293: {  	s3 =	sadd.s32 @p2 $0x1, s21;
	_ =	swait.ge @!p5 [sflag:s4], $0x10  }
0x294: {  	s5 =	sshrl.u32 @p2 s3, $0x4;
	[sflag:s4] =	ssyncset.done @!p5 $0x0  }
0x295: {  	s24 =	sadd.s32 $0x80, s24;
	s5 =	smulhi.u32 @p2 $0x97B425F, s5;
	[sflag:s4] =	ssyncadd.s32 @!p5 $0xFFFFFFF0  }
0x296: {  	s28 =	sadd.s32 $0x1, s28;
	v1 =	vld @p2 [tilespmem:s24+$0x0]  }
0x297: {  	p3 =	seq.s32 s28, $0x0;
	s5 =	smul.u32 @p2 $0x1B0, s5  }
.Ltmp16:
0x298: {  	_ = 	snop;
	(pc) =	sbr.rel @!p3 .LBB2_16-.Ltmp16, $4  }
0x299: {  	s3 =	ssub.s32 @p2 s3, s5  }
0x29a: {  	s8 =	sadd.s32 @!p4 s8, s29;
	s5 =	sshll.u32 @p2 s3, $0x4  }
0x29b: {  	s10 =	sadd.s32 @p2 $0x1, s25;
	s8 =	smov.u32 @p4 s29;
	[tilespmem:s5+$0x28] =	vst @p2 v1  }
0x29c: {  	s25 =	smov.u32 @p2 s10;
	s21 =	smov.u32 @p2 s3;
	s29 =	smov.u32 @p2 s8;
	v1 =	vld @!p2 [tilespmem:s24+$0x0]  }
.LBB2_17:
.Ltmp17:
0x29d: {  	_ = 	snop;
	(pc) =	sbr.rel .LBB2_19-.Ltmp17, $3  }
0x29e: {  	s2 =	sld [smem:$0x7FD];
	_ =	sdelay $0x1  }
0x29f: {  	s0 =	sshrl.u32 s29, $0x2;
	s28 =	smov.u32 s26;
	s8 =	smov.u32 s14  }
0x2a0: {  	s4 =	smov.u32 s6;
	s6 =	rddreg [dreg:$0x8];
	p4 =	seq.s32 s2, $0x1;
	[tilespmem:s30+$0x28] =	vst.add.f32.msk @!p2 $0xffff, v1  }
.LBB2_21:
0x2a1: {  	_ =	sfence.sel $0x180000  }
0x2a2: {  	s0 =	simm.s32 $0x9;
	[bflag:$0x0] =	sbarrier.arrive $0xFFFF  }
0x2a3: {  	s24 =	simm.s32 $0xA;
	[sflag:s0] =	ssyncpa.u1 $0x1  }
0x2a4: {  	s25 =	simm.s32 $0xB;
	[sflag:s24] =	ssyncpa.u1 $0x1  }
0x2a5: {  	s26 =	simm.s32 $0x2;
	[sflag:s25] =	ssyncpa.u1 $0x1  }
0x2a6: {  	[sflag:s26] =	ssyncpa.u1 $0x1  }
0x2a7: {  	v0 =	vld [tilespmem:$0x3648];
	_ =	sdelay $0x4  }
0x2a8: {  	(v2sf) =	vpush v0, $0x0  }
0x2a9: {  	(v2sf) =	vpush v0, $0x1;
	_ =	sdelay $0x1  }
0x2aa: {  	(v2sf) =	vpush v0, $0x2;
	_ =	sdelay $0xb  }
0x2ab: {  	s0 =	spop (v2sf)  }
0x2ac: {  	s2 =	spop (v2sf)  }
0x2ad: {  	s3 =	smov.u32 s0;
	p0 =	sne.s32 s0, s2  }
0x2ae: {  	s4 =	spop (v2sf);
	s3 =	simm.s32 @!p0 $0xFFFFFFFF  }
0x2af: {  	v2 =	vimm.s32 $0x1;
	v3 =	vlaneseq.u32;
	p0 =	seq.s32 s4, $0xFFFFFFFF;
	v1 =	vmov s3  }
0x2b0: {  	s16 =	stileid.u32;
	v0 =	vperm.xlane v0, v2;
	p1 =	sne.s32 @!p0 s0, s2;
	v1 =	vperm.xlane v1, v3  }
0x2b1: {  	vm0 =	vcmask $0x3F04;
	s6 =	simm.s32 $0x3648;
	s0 =	simm.s32 @!p0 $0x1;
	p1 =	por !p1, p0  }
0x2b2: {  	s3 =	sshll.u32 s16, $0x1;
	s2 =	sshll.u32 @!p0 s4, $0x6;
	s0 =	simm.s32 @p1 $0x0;
	v0 =	vsel vm0, v1, v0  }
0x2b3: {  	s5 =	sor.u32 $0x200, s3;
	s2 =	sshra.s32 @!p0 s2, $0x2;
	s0 =	sor.u32 @!p0 s0, s3;
	[tilespmem:$0x3648] =	vst v0  }
0x2b4: {  	[spmem:s5] =	stream.linear.scatter [tilespmem:s6], [sflag:$0x1], $0x2, $0x38;
	[tilespmem:$0x1F0F8] =	vst v63  }
0x2b5: {  	s2 =	sadd.s32 @!p0 $0x28, s2;
	s0 =	sshll.u32 @!p0 s0, $0x4  }
0x2b6: {  	[spmem:s0] =	stream.linear.scatter @!p0 [tilespmem:s2], [sflag:$0x1], $0x10, $0x38;
	[tilespmem:$0x1F0F8] =	vst v63  }
0x2b7: {  	s0 =	simm.s32 @!p0 $0x12  }
0x2b8: {  	s28 =	simm.s32 $0x1;
	s0 =	simm.s32 @p0 $0x2  }
0x2b9: {  	_ =	swait.ge [sflag:s28], s0  }
0x2ba: {  	s0 =	ssub.s32 $0x0, s0;
	[sflag:s28] =	ssyncset.done $0x0  }
0x2bb: {  	p0 =	sne.s32 s16, $0x0;
	[sflag:s28] =	ssyncadd.s32 s0  }
.Ltmp18:
0x2bc: {  	_ =	sfence.stream.spmem;
	(pc) =	sbr.rel @p0 .LBB2_38-.Ltmp18, $4  }
0x2bd: {  	s29 =	simm.s32 $0x3;
	[bflag:$0x0] =	sbarrier.arrive $0xFFFF  }
0x2be: {  	s30 =	simm.s32 $0x4;
	[sflag:s29] =	ssyncpa.u1 $0x1  }
0x2bf: {  	s31 =	simm.s32 $0x3C;
	[sflag:s30] =	ssyncpa.u1 $0x1  }
0x2c0: {  	s17 =	rddreg [dreg:$0x7];
	[sflag:s31] =	ssyncpa.u1 $0x1  }
0x2c1: {  	_ =	sfence.stream.spmem;
	s0 =	simm.s32 $0x5  }
0x2c2: {  	s2 =	simm.s32 $0x200;
	s3 =	simm.s32 $0x3658;
	[sflag:s0] =	ssyncpa.u1 $0x0  }
0x2c3: {  	[tilespmem:s3], [sflag:$0x5] =	stream.linear.gather [spmem:s2], $0x20, $0x38;
	[tilespmem:$0x1F0F8] =	vst v63  }
0x2c4: {  	s26 =	simm.s32 $0x0;
	s28 =	simm.s32 $0x3678  }
0x2c5: {  	[tilespmem:s28], [sflag:$0x5] =	stream.linear.gather [spmem:s26], $0x200, $0x38;
	[tilespmem:$0x1F0F8] =	vst v63  }
0x2c6: {  	_ =	swait.ge [sflag:s0], $0x220  }
0x2c7: {  	[sflag:s0] =	ssyncset.done $0x0  }
0x2c8: {  	s29 =	simm.s32 $0x0;
	[sflag:s0] =	ssyncadd.s32 $0xFFFFFDE0  }
0x2c9: {  	v0 =	vld.msk [tilespmem:s29+$0x3658], $0x1;
	_ =	sdelay $0x1  }
0x2ca: {  	s30 =	simm.s32 $0x1  }
0x2cb: {  	v1 =	vld.msk [tilespmem:s30+$0x3658], $0x1;
	_ =	sdelay $0x1  }
0x2cc: {  	(v2sf) =	vpush v0, $0x0;
	_ =	sdelay $0x2  }
0x2cd: {  	(v2sf) =	vpush v1, $0x0;
	_ =	sdelay $0x2  }
0x2ce: {  	s31 =	simm.s32 $0x2  }
0x2cf: {  	v0 =	vld.msk [tilespmem:s31+$0x3658], $0x1;
	_ =	sdelay $0x2  }
0x2d0: {  	s6 =	simm.s32 $0xFFFFFFFF;
	s2 =	simm.s32 $0xFFFFFFFF;
	s0 =	simm.s32 $0xC  }
.LBB2_23:
0x2d1: {  	s3 =	smov.u32 s6;
	s4 =	smov.u32 s2  }
0x2d2: {  	s2 =	sshra.s32 s0, $0x2;
	p1 =	sne.s32 s0, $0x7C;
	s0 =	sadd.s32 $0x4, s0;
	(v2sf) =	vpush v0, $0x0  }
0x2d3: {  	v0 =	vld.msk [tilespmem:s2+$0x3658], $0x1  }
.Ltmp19:
0x2d4: {  	(pc) =	sbr.rel @p1 .LBB2_23-.Ltmp19, $4  }
0x2d5: {  	s6 =	spop (v2sf)  }
0x2d6: {  	p2 =	sne.s32 s4, $0xFFFFFFFF;
	s2 =	smov.u32 s6  }
0x2d7: {  	p3 =	seq.s32 s6, $0xFFFFFFFF;
	s2 =	smov.u32 @p2 s4  }
0x2d8: {  	s6 =	smov.u32 @p3 s3;
	s2 =	smov.u32 @p3 s4  }
0x2d9: {  	(v2sf) =	vpush v0, $0x0;
	_ =	sdelay $0x8  }
0x2da: {  	s0 =	spop (v2sf)  }
0x2db: {  	p1 =	sne.s32 s2, $0xFFFFFFFF;
	s3 =	smov.u32 s0  }
0x2dc: {  	s9 =	simm.s32 $0x6;
	p2 =	seq.s32 s0, $0xFFFFFFFF;
	s3 =	smov.u32 @p1 s2  }
0x2dd: {  	s10 =	simm.s32 $0x3638;
	s3 =	smov.u32 @p2 s2;
	s2 =	spop (v2sf)  }
0x2de: {  	s0 =	smov.u32 @p2 s6;
	p1 =	sne.s32 s3, $0xFFFFFFFF;
	s4 =	smov.u32 s2  }
.Ltmp20:
0x2df: {  	p2 =	seq.s32 s2, $0xFFFFFFFF;
	s4 =	smov.u32 @p1 s3;
	(pc) =	sbr.rel .LBB2_25-.Ltmp20, $4  }
0x2e0: {  	s11 =	simm.s32 $0x0;
	s4 =	smov.u32 @p2 s3;
	s7 =	spop (v2sf)  }
0x2e1: {  	[sflag:s9] =	ssyncpa.u1 $0x0;
	p1 =	sne.s32 s4, $0xFFFFFFFF;
	s8 =	smov.u32 s7  }
0x2e2: {  	s2 =	smov.u32 @p2 s0;
	p2 =	seq.s32 s7, $0xFFFFFFFF;
	s8 =	smov.u32 @p1 s4  }
0x2e3: {  	s6 =	simm.s32 $0x0;
	s7 =	smov.u32 @p2 s2;
	s8 =	smov.u32 @p2 s4  }
.LBB2_30:
0x2e4: {  	p1 =	sgt.u32 s12, $0x1D4BFE  }
0x2e5: {  	p2 =	seq.s32 @!p1 s12, s8  }
0x2e6: {  	p1 =	por p1, p2  }
0x2e7: {  	p2 =	sne.s32 @!p1 s12, s7  }
0x2e8: {  	p1 =	por p1, !p2  }
0x2e9: {  	s0 =	sshll.u32 @p1 s11, $0x6  }
0x2ea: {  	s0 =	sand.u32 @!p1 $0x1FFFF8, s12  }
0x2eb: {  	s2 =	sand.u32 @!p1 $0x7, s12;
	s0 =	sadd.s32 @!p1 s1, s0  }
0x2ec: {  	[tilespmem:s10], [sflag:$0x6] =	stream.linear.gather @!p1 [hbm4b:s0+s2], $0x10, $0x38;
	[tilespmem:$0x1F0F8] =	vst v63  }
0x2ed: {  	_ =	swait.ge @!p1 [sflag:s9], $0x10  }
0x2ee: {  	[sflag:s9] =	ssyncset.done @!p1 $0x0  }
0x2ef: {  	[sflag:s9] =	ssyncadd.s32 @!p1 $0xFFFFFFF0  }
0x2f0: {  	v1 =	vld @!p1 [tilespmem:$0x3638];
	_ =	sdelay $0x2  }
0x2f1: {  	s0 =	sshll.u32 @!p1 s11, $0x6  }
0x2f2: {  	s2 =	sshrl.u32 @!p1 s0, $0x2  }
0x2f3: {  	[tilespmem:s2+$0x3678] =	vst.add.f32.msk @!p1 $0xffff, v1  }
0x2f4: {  	s0 =	sshrl.u32 s0, $0x2;
	[tilespmem:s6+$0x3658] =	vst.msk $0x1, v0  }
0x2f5: {  	v0 =	vld [tilespmem:s0+$0x3678];
	_ =	sdelay $0x2  }
0x2f6: {  	s31 =	sshll.u32 s6, $0x6  }
0x2f7: {  	s0 =	sshra.s32 s31, $0x2  }
0x2f8: {  	s6 =	sadd.s32 $0x1, s6;
	[tilespmem:s0+$0x3678] =	vst v0  }
.LBB2_32:
0x2f9: {  	s11 =	sadd.s32 $0x1, s11  }
0x2fa: {  	p1 =	sne.s32 s11, $0x20  }
.Ltmp21:
0x2fb: {  	_ = 	snop;
	(pc) =	sbr.rel @!p1 .LBB2_33-.Ltmp21, $1  }
0x2fc: {  	_ =	sdelay $0x3  }
.LBB2_25:
0x2fd: {  	v0 =	vld.msk [tilespmem:s11+$0x3658], $0x1;
	_ =	sdelay $0x4  }
0x2fe: {  	(v2sf) =	vpush v0, $0x0;
	_ =	sdelay $0xe  }
0x2ff: {  	s12 =	spop (v2sf)  }
0x300: {  	p1 =	seq.s32 s12, $0xFFFFFFFF  }
.Ltmp22:
0x301: {  	_ = 	snop;
	(pc) =	sbr.rel @p1 .LBB2_32-.Ltmp22, $1  }
0x302: {  	_ =	sdelay $0x3  }
0x303: {  	p1 =	slt.s32 s6, $0x1  }
.Ltmp23:
0x304: {  	_ = 	snop;
	(pc) =	sbr.rel @p1 .LBB2_30-.Ltmp23, $1  }
0x305: {  	_ =	sdelay $0x3  }
0x306: {  	s13 =	simm.s32 $0x3658;
	p1 =	por $0x0, $0x0  }
0x307: {  	v1 =	vld.msk @!p1 [tilespmem:s13+$0x0], $0x1;
	_ =	sdelay $0x4  }
0x308: {  	(v2sf) =	vpush @!p1 v1, $0x0;
	_ =	sdelay $0xd  }
0x309: {  	p3 =	sne.s32 s6, $0x1  }
.Ltmp24:
0x30a: {  	s0 =	spop @!p1 (v2sf);
	(pc) =	sbr.rel @!p3 .LBB2_29-.Ltmp24, $4  }
0x30b: {  	p2 =	seq.s32 @!p1 s12, s0  }
0x30c: {  	s14 =	simm.s32 $0x0;
	p2 =	por !p2, p1  }
0x30d: {  	s0 =	simm.s32 $0xFFFFFFFF;
	s14 =	simm.s32 @p2 $0xFFFFFFFF  }
0x30e: {  	s15 =	simm.s32 $0x1;
	s14 =	smov.u32 @p1 s0  }
.LBB2_28:
0x30f: {  	s0 =	smov.u32 s14;
	p1 =	sne.s32 s14, $0xFFFFFFFF  }
0x310: {  	s13 =	sadd.s32 $0x1, s13;
	s14 =	smov.u32 s15;
	s15 =	sadd.s32 $0x1, s15  }
0x311: {  	p2 =	sne.s32 s6, s15;
	v1 =	vld.msk @!p1 [tilespmem:s13+$0x0], $0x1;
	_ =	sdelay $0x4  }
0x312: {  	(v2sf) =	vpush @!p1 v1, $0x0;
	_ =	sdelay $0xe  }
.Ltmp25:
0x313: {  	s2 =	spop @!p1 (v2sf);
	(pc) =	sbr.rel @p2 .LBB2_28-.Ltmp25, $4  }
0x314: {  	p3 =	seq.s32 @!p1 s12, s2  }
0x315: {  	p3 =	por !p3, p1  }
0x316: {  	s14 =	simm.s32 @p3 $0xFFFFFFFF  }
0x317: {  	s14 =	smov.u32 @p1 s0  }
.LBB2_29:
0x318: {  	p1 =	sne.s32 s14, $0xFFFFFFFF  }
.Ltmp26:
0x319: {  	_ = 	snop;
	(pc) =	sbr.rel @!p1 .LBB2_30-.Ltmp26, $1  }
0x31a: {  	_ =	sdelay $0x3  }
0x31b: {  	s0 =	sshll.u32 s11, $0x4  }
0x31c: {  	s0 =	sand.u32 $0x3FFFFFF0, s0  }
0x31d: {  	v0 =	vld [tilespmem:s0+$0x3678]  }
.Ltmp27:
0x31e: {  	_ = 	snop;
	(pc) =	sbr.rel .LBB2_32-.Ltmp27, $4  }
0x31f: {  	_ = 	snop  }
0x320: {  	s31 =	sshll.u32 s14, $0x6  }
0x321: {  	s0 =	sshra.s32 s31, $0x2  }
0x322: {  	[tilespmem:s0+$0x3678] =	vst.add.f32.msk $0xffff, v0  }
.LBB2_33:
0x323: {  	s0 =	simm.s32 $0x6;
	p1 =	seq.s32 s6, $0x0  }
0x324: {  	[sflag:s0] =	ssyncpa.u1 $0x1;
	v0 =	vimm.s32 @p1 $0xFFFFFFFF  }
0x325: {  	s9 =	sadd.s32 $0xFFFFFFFF, s6;
	[tilespmem:$0x3878] =	vst @p1 v0  }
0x326: {  	v0 =	vld.msk @!p1 [tilespmem:s9+$0x3658], $0x1;
	_ =	sdelay $0x1  }
0x327: {  	v1 =	vld.msk @!p1 [tilespmem:$0x3658], $0x1;
	_ =	sdelay $0x2  }
0x328: {  	p2 =	seq.s32 @!p1 s9, $0x0;
	v0 =	vbroadcast @!p1 v0, $0x0  }
0x329: {  	vm0 =	vmmov @!p1 $0x1;
	p2 =	por !p2, p1  }
0x32a: {  	v1 =	vnsel @!p1 vm0, $0xFFFFFFFF, v1;
	vm0 =	vcmask @!p1 $0x308;
	v0 =	vpsel !p2, $0xFFFFFFFF, v0  }
0x32b: {  	p2 =	sne.s32 @!p1 s8, s7;
	v0 =	vsel @!p1 vm0, v1, v0  }
0x32c: {  	s0 =	simm.s32 @!p1 $0x3678;
	s2 =	simm.s32 @!p1 $0x0;
	p3 =	por !p2, p1;
	[tilespmem:$0x3878] =	vst @!p1 v0  }
0x32d: {  	[spmem:s2] =	stream.linear.scatter @!p1 [tilespmem:s0], [sflag:$0x1], $0x10, $0x38;
	[tilespmem:$0x1F0F8] =	vst v63  }
0x32e: {  	s0 =	sshll.u32 @!p3 s9, $0x6  }
0x32f: {  	s0 =	sshra.s32 @!p3 s0, $0x2  }
0x330: {  	s2 =	simm.s32 @!p3 $0x10;
	s0 =	sadd.s32 @!p3 $0x3678, s0  }
0x331: {  	[spmem:s2] =	stream.linear.scatter @!p3 [tilespmem:s0], [sflag:$0x1], $0x10, $0x38;
	[tilespmem:$0x1F0F8] =	vst v63  }
0x332: {  	s0 =	simm.s32 @!p3 $0x1  }
0x333: {  	_ =	swait.ge @!p3 [sflag:s0], $0x20  }
0x334: {  	p1 =	por p2, p1;
	[sflag:s0] =	ssyncset.done @!p3 $0x0  }
0x335: {  	[sflag:s0] =	ssyncadd.s32 @!p3 $0xFFFFFFE0;
	s0 =	simm.s32 @!p1 $0x1  }
0x336: {  	_ =	swait.ge @!p1 [sflag:s0], $0x10  }
0x337: {  	s29 =	simm.s32 $0x3878;
	[sflag:s0] =	ssyncset.done @!p1 $0x0  }
0x338: {  	s30 =	simm.s32 $0x200;
	s31 =	simm.s32 $0x1;
	[sflag:s0] =	ssyncadd.s32 @!p1 $0xFFFFFFF0  }
0x339: {  	[spmem:s30] =	stream.linear.scatter [tilespmem:s29], [sflag:$0x1], $0x10, $0x38;
	[tilespmem:$0x1F0F8] =	vst v63  }
0x33a: {  	_ =	swait.ge [sflag:s31], $0x10  }
0x33b: {  	[sflag:s31] =	ssyncset.done $0x0  }
0x33c: {  	p1 =	seq.s32 s17, $0x0;
	s8 =	rddreg [dreg:$0x3];
	[sflag:s31] =	ssyncadd.s32 $0xFFFFFFF0  }
0x33d: {  	s2 =	sshll.u32 @p1 s8, $0xE;
	s7 =	rddreg [dreg:$0x4]  }
0x33e: {  	s0 =	sadd.s32 @p1 $0x15C3C, s2;
	s2 =	sshll.u32 @p1 s7, $0x11  }
0x33f: {  	_ =	sfence.stream.spmem;
	s0 =	sor.u32 @p1 s2, s0  }
0x340: {  	[sflag:s0] =	ssyncadd.remote.s32 @p1 $0x1;
	s0 =	simm.s32 @p1 $0x4  }
0x341: {  	s3 =	simm.s32 @!p1 $0x3C;
	s2 =	sand.u32 $0xFFFFFFFE, s8;
	_ =	swait.ge @p1 [sflag:s0], $0x6  }
0x342: {  	s4 =	simm.s32 @!p1 $0x0;
	s2 =	sadd.s32 @!p1 $0x4, s2;
	[sflag:s0] =	ssyncset.done @p1 $0x0  }
0x343: {  	s5 =	simm.s32 @!p1 $0x20;
	[sflag:s0] =	ssyncadd.s32 @p1 $0xFFFFFFFA;
	s0 =	sshll.u32 @!p1 s2, $0x1A  }
0x344: {  	s2 =	sshll.u32 @!p1 s2, $0xD;
	s0 =	sor.u32 @!p1 s0, s7;
	_ =	swait.eq @!p1 [sflag:s3], $0x1  }
0x345: {  	s2 =	sor.u32 @!p1 $0x1C04, s2;
	s3 =	simm.s32 @!p1 $0x1C03;
	s0 =	sor.u32 @!p1 $0x80004000, s0  }
0x346: {  	[spmem:s5], [sflag:s2] =	dma.general @!p1 [spmem:s4], [sflag:s3], length:$0x4, [dreg:$0x0], stride_count:$0x0, ici_dest:s0, dma_misc:DstOpCode:WRITE  }
0x347: {  	p2 =	slt.s32 s9, $0x2;
	s4 =	simm.s32 @!p1 $0x40;
	s5 =	simm.s32 @!p1 $0x42  }
0x348: {  	[spmem:s5], [sflag:s2] =	dma.general @!p1 [spmem:s4], [sflag:s3], length:$0x2, [dreg:$0x0], stride_count:$0x0, ici_dest:s0, dma_misc:DstOpCode:WRITE  }
.Ltmp28:
0x349: {  	s0 =	simm.s32 @!p1 $0x3;
	(pc) =	sbr.rel @p2 .LBB2_37-.Ltmp28, $4  }
0x34a: {  	s2 =	sshll.u32 @!p1 s8, $0xE;
	_ =	swait.ge @!p1 [sflag:s0], $0x6  }
0x34b: {  	s3 =	sshll.u32 @!p1 s7, $0x11;
	s2 =	sadd.s32 @!p1 $0x11C3C, s2;
	[sflag:s0] =	ssyncset.done @!p1 $0x0  }
0x34c: {  	[sflag:s0] =	ssyncadd.s32 @!p1 $0xFFFFFFFA;
	s0 =	sor.u32 @!p1 s3, s2  }
0x34d: {  	[sflag:s0] =	ssyncadd.remote.s32 @!p1 $0xFFFFFFFF;
	s0 =	simm.s32 $0x0  }
0x34e: {  	s0 =	simm.s32 $0x3659  }
0x34f: {  	v0 =	vld.msk [tilespmem:s0+$0x0], $0x1;
	_ =	sdelay $0x4  }
0x350: {  	(v2sf) =	vpush v0, $0x0;
	_ =	sdelay $0xd  }
0x351: {  	s3 =	sadd.s32 $0xFFFFFFFE, s6  }
0x352: {  	s3 =	sadd.s32 $0xFFFFFFFF, s3;
	s0 =	spop (v2sf)  }
0x353: {  	p2 =	sne.s32 s3, $0x0;
	p1 =	sgt.u32 s0, $0x1D4BFE  }
.Ltmp29:
0x354: {  	s4 =	sand.u32 @!p1 $0x1FFFF8, s0;
	(pc) =	sbr.rel @!p2 .LBB2_36-.Ltmp29, $4  }
0x355: {  	s2 =	simm.s32 $0x3688;
	s0 =	sand.u32 @!p1 $0x7, s0;
	s4 =	sadd.s32 @!p1 s1, s4  }
0x356: {  	[hbm4b:s4+s0] =	stream.linear.scatter @!p1 [tilespmem:s2], [sflag:$0x5], $0x10, $0x38;
	[tilespmem:$0x1F0F8] =	vst v63  }
0x357: {  	s0 =	simm.s32 $0x0  }
0x358: {  	s6 =	simm.s32 $0x0;
	s7 =	simm.s32 $0x365A;
	s0 =	simm.s32 @!p1 $0x40  }
.LBB2_35:
0x359: {  	v0 =	vld.msk [tilespmem:s7+$0x0], $0x1;
	s3 =	sadd.s32 $0xFFFFFFFF, s3;
	s6 =	sadd.s32 s6, s0  }
0x35a: {  	p1 =	sne.s32 s3, $0x0;
	_ =	sdelay $0x3  }
0x35b: {  	(v2sf) =	vpush v0, $0x0;
	_ =	sdelay $0xe  }
.Ltmp30:
0x35c: {  	s4 =	spop (v2sf);
	(pc) =	sbr.rel @p1 .LBB2_35-.Ltmp30, $4  }
0x35d: {  	s0 =	simm.s32 $0x0;
	p2 =	sgt.u32 s4, $0x1D4BFE  }
0x35e: {  	s2 =	sadd.s32 $0x10, s2;
	s0 =	simm.s32 @!p2 $0x40;
	s5 =	sand.u32 @!p2 $0x1FFFF8, s4  }
0x35f: {  	s7 =	sadd.s32 $0x1, s7;
	s4 =	sand.u32 @!p2 $0x7, s4;
	s5 =	sadd.s32 @!p2 s1, s5  }
0x360: {  	[hbm4b:s5+s4] =	stream.linear.scatter @!p2 [tilespmem:s2], [sflag:$0x5], $0x10, $0x38;
	[tilespmem:$0x1F0F8] =	vst v63  }
.LBB2_36:
0x361: {  	s0 =	sadd.s32 s6, s0  }
0x362: {  	s0 =	sshrl.u32 s0, $0x2  }
.LBB2_37:
0x363: {  	s2 =	simm.s32 $0x5  }
0x364: {  	_ =	swait.ge [sflag:s2], s0  }
0x365: {  	s31 =	ssub.s32 $0x0, s0;
	[sflag:s2] =	ssyncset.done $0x0  }
0x366: {  	[sflag:s2] =	ssyncadd.s32 s31  }
0x367: {  	[sflag:s2] =	ssyncpa.u1 $0x1  }
.LBB2_38:
0x368: {  	s0 =	sor.u32 s17, s16  }
0x369: {  	p1 =	sne.s32 s0, $0x0  }
.Ltmp31:
0x36a: {  	_ = 	snop;
	(pc) =	sbr.rel @p1 .LBB2_53-.Ltmp31, $3  }
0x36b: {  	_ =	sdelay $0x1  }
0x36c: {  	[bflag:$0x0] =	sbarrier.arrive $0xFFFF  }
0x36d: {  	_ =	sfence  }
0x36e: {  	s0 =	simm.s32 $0x7  }
0x36f: {  	s2 =	simm.s32 $0x200;
	s3 =	simm.s32 $0x3658;
	[sflag:s0] =	ssyncpa.u1 $0x0  }
0x370: {  	[tilespmem:s3], [sflag:$0x7] =	stream.linear.gather [spmem:s2], $0x20, $0x38;
	[tilespmem:$0x1F0F8] =	vst v63  }
0x371: {  	s30 =	simm.s32 $0x3678;
	s2 =	simm.s32 $0x0  }
0x372: {  	[tilespmem:s30], [sflag:$0x7] =	stream.linear.gather [spmem:s2], $0x200, $0x38;
	[tilespmem:$0x1F0F8] =	vst v63  }
.Ltmp32:
0x373: {  	_ = 	snop;
	(pc) =	sbr.rel .LBB2_40-.Ltmp32, $4  }
0x374: {  	_ =	swait.ge [sflag:s0], $0x220  }
0x375: {  	[sflag:s0] =	ssyncset.done $0x0  }
0x376: {  	s31 =	simm.s32 $0x8;
	[sflag:s0] =	ssyncadd.s32 $0xFFFFFDE0  }
0x377: {  	s3 =	simm.s32 $0x0;
	[sflag:s31] =	ssyncpa.u1 $0x0  }
.LBB2_45:
0x378: {  	p1 =	slt.u32 s4, $0x1D4BFF  }
0x379: {  	s0 =	sand.u32 @p1 $0x1FFFF8, s4  }
0x37a: {  	s4 =	sand.u32 @p1 $0x7, s4;
	s5 =	simm.s32 @p1 $0x3638;
	s0 =	sadd.s32 @p1 s1, s0  }
0x37b: {  	[tilespmem:s5], [sflag:$0x8] =	stream.linear.gather @p1 [hbm4b:s0+s4], $0x10, $0x38;
	[tilespmem:$0x1F0F8] =	vst v63  }
0x37c: {  	s0 =	simm.s32 @p1 $0x8  }
0x37d: {  	_ =	swait.ge @p1 [sflag:s0], $0x10  }
0x37e: {  	[sflag:s0] =	ssyncset.done @p1 $0x0  }
0x37f: {  	[sflag:s0] =	ssyncadd.s32 @p1 $0xFFFFFFF0  }
0x380: {  	v1 =	vld @p1 [tilespmem:$0x3638];
	_ =	sdelay $0x2  }
0x381: {  	s0 =	sshll.u32 @p1 s3, $0x6  }
0x382: {  	s5 =	sshll.u32 @!p1 s3, $0x6;
	s4 =	sshrl.u32 @p1 s0, $0x2  }
0x383: {  	s5 =	smov.u32 @p1 s0;
	[tilespmem:s4+$0x3678] =	vst.add.f32.msk @p1 $0xffff, v1  }
0x384: {  	s0 =	sshrl.u32 s5, $0x2;
	[tilespmem:s2+$0x3658] =	vst.msk $0x1, v0  }
0x385: {  	v0 =	vld [tilespmem:s0+$0x3678];
	_ =	sdelay $0x2  }
0x386: {  	s31 =	sshll.u32 s2, $0x6  }
0x387: {  	s0 =	sshra.s32 s31, $0x2  }
0x388: {  	s2 =	sadd.s32 $0x1, s2;
	[tilespmem:s0+$0x3678] =	vst v0  }
.LBB2_47:
0x389: {  	s3 =	sadd.s32 $0x1, s3  }
0x38a: {  	p1 =	sne.s32 s3, $0x20  }
.Ltmp33:
0x38b: {  	_ = 	snop;
	(pc) =	sbr.rel @!p1 .LBB2_48-.Ltmp33, $1  }
0x38c: {  	_ =	sdelay $0x3  }
.LBB2_40:
0x38d: {  	v0 =	vld.msk [tilespmem:s3+$0x3658], $0x1;
	_ =	sdelay $0x4  }
0x38e: {  	(v2sf) =	vpush v0, $0x0;
	_ =	sdelay $0xe  }
0x38f: {  	s4 =	spop (v2sf)  }
0x390: {  	p1 =	seq.s32 s4, $0xFFFFFFFF  }
.Ltmp34:
0x391: {  	_ = 	snop;
	(pc) =	sbr.rel @p1 .LBB2_47-.Ltmp34, $1  }
0x392: {  	_ =	sdelay $0x3  }
0x393: {  	p1 =	slt.s32 s2, $0x1  }
.Ltmp35:
0x394: {  	_ = 	snop;
	(pc) =	sbr.rel @p1 .LBB2_45-.Ltmp35, $1  }
0x395: {  	_ =	sdelay $0x3  }
0x396: {  	s5 =	simm.s32 $0x3658;
	p1 =	por $0x0, $0x0  }
0x397: {  	v1 =	vld.msk @!p1 [tilespmem:s5+$0x0], $0x1;
	_ =	sdelay $0x4  }
0x398: {  	(v2sf) =	vpush @!p1 v1, $0x0;
	_ =	sdelay $0xd  }
0x399: {  	p3 =	sne.s32 s2, $0x1  }
.Ltmp36:
0x39a: {  	s0 =	spop @!p1 (v2sf);
	(pc) =	sbr.rel @!p3 .LBB2_44-.Ltmp36, $4  }
0x39b: {  	p2 =	seq.s32 @!p1 s4, s0  }
0x39c: {  	s6 =	simm.s32 $0x0;
	p2 =	por !p2, p1  }
0x39d: {  	s0 =	simm.s32 $0xFFFFFFFF;
	s6 =	simm.s32 @p2 $0xFFFFFFFF  }
0x39e: {  	s7 =	simm.s32 $0x1;
	s6 =	smov.u32 @p1 s0  }
.LBB2_43:
0x39f: {  	s0 =	smov.u32 s6;
	p1 =	sne.s32 s6, $0xFFFFFFFF  }
0x3a0: {  	s5 =	sadd.s32 $0x1, s5;
	s6 =	smov.u32 s7;
	s7 =	sadd.s32 $0x1, s7  }
0x3a1: {  	p2 =	sne.s32 s2, s7;
	v1 =	vld.msk @!p1 [tilespmem:s5+$0x0], $0x1;
	_ =	sdelay $0x4  }
0x3a2: {  	(v2sf) =	vpush @!p1 v1, $0x0;
	_ =	sdelay $0xe  }
.Ltmp37:
0x3a3: {  	s8 =	spop @!p1 (v2sf);
	(pc) =	sbr.rel @p2 .LBB2_43-.Ltmp37, $4  }
0x3a4: {  	p3 =	seq.s32 @!p1 s4, s8  }
0x3a5: {  	p3 =	por !p3, p1  }
0x3a6: {  	s6 =	simm.s32 @p3 $0xFFFFFFFF  }
0x3a7: {  	s6 =	smov.u32 @p1 s0  }
.LBB2_44:
0x3a8: {  	p1 =	sne.s32 s6, $0xFFFFFFFF  }
.Ltmp38:
0x3a9: {  	_ = 	snop;
	(pc) =	sbr.rel @!p1 .LBB2_45-.Ltmp38, $1  }
0x3aa: {  	_ =	sdelay $0x3  }
0x3ab: {  	s0 =	sshll.u32 s3, $0x4  }
0x3ac: {  	s0 =	sand.u32 $0x3FFFFFF0, s0  }
0x3ad: {  	v0 =	vld [tilespmem:s0+$0x3678]  }
.Ltmp39:
0x3ae: {  	_ = 	snop;
	(pc) =	sbr.rel .LBB2_47-.Ltmp39, $4  }
0x3af: {  	_ = 	snop  }
0x3b0: {  	s31 =	sshll.u32 s6, $0x6  }
0x3b1: {  	s0 =	sshra.s32 s31, $0x2  }
0x3b2: {  	[tilespmem:s0+$0x3678] =	vst.add.f32.msk $0xffff, v0  }
.LBB2_48:
0x3b3: {  	p1 =	slt.s32 s2, $0x1  }
.Ltmp40:
0x3b4: {  	_ = 	snop;
	(pc) =	sbr.rel @p1 .LBB2_52-.Ltmp40, $3  }
0x3b5: {  	_ =	sdelay $0x1  }
0x3b6: {  	s0 =	simm.s32 $0x8  }
0x3b7: {  	s3 =	simm.s32 $0x0;
	[sflag:s0] =	ssyncpa.u1 $0x1  }
0x3b8: {  	s0 =	simm.s32 $0x3658  }
0x3b9: {  	v0 =	vld.msk [tilespmem:s0+$0x0], $0x1;
	_ =	sdelay $0x4  }
0x3ba: {  	(v2sf) =	vpush v0, $0x0;
	_ =	sdelay $0xe  }
0x3bb: {  	s2 =	sadd.s32 $0xFFFFFFFF, s2;
	s0 =	spop (v2sf)  }
0x3bc: {  	p2 =	sne.s32 s2, $0x0;
	p1 =	sgt.u32 s0, $0x1D4BFE  }
.Ltmp41:
0x3bd: {  	s5 =	sand.u32 @!p1 $0x1FFFF8, s0;
	(pc) =	sbr.rel @!p2 .LBB2_51-.Ltmp41, $4  }
0x3be: {  	s4 =	simm.s32 $0x3678;
	s0 =	sand.u32 @!p1 $0x7, s0;
	s5 =	sadd.s32 @!p1 s1, s5  }
0x3bf: {  	[hbm4b:s5+s0] =	stream.linear.scatter @!p1 [tilespmem:s4], [sflag:$0x7], $0x10, $0x38;
	[tilespmem:$0x1F0F8] =	vst v63  }
0x3c0: {  	s0 =	simm.s32 $0x0  }
0x3c1: {  	s5 =	simm.s32 $0x3659;
	s0 =	simm.s32 @!p1 $0x40  }
.LBB2_50:
0x3c2: {  	v0 =	vld.msk [tilespmem:s5+$0x0], $0x1;
	s2 =	sadd.s32 $0xFFFFFFFF, s2;
	s3 =	sadd.s32 s3, s0  }
0x3c3: {  	p1 =	sne.s32 s2, $0x0;
	_ =	sdelay $0x3  }
0x3c4: {  	(v2sf) =	vpush v0, $0x0;
	_ =	sdelay $0xe  }
.Ltmp42:
0x3c5: {  	s6 =	spop (v2sf);
	(pc) =	sbr.rel @p1 .LBB2_50-.Ltmp42, $4  }
0x3c6: {  	s0 =	simm.s32 $0x0;
	p2 =	sgt.u32 s6, $0x1D4BFE  }
0x3c7: {  	s4 =	sadd.s32 $0x10, s4;
	s0 =	simm.s32 @!p2 $0x40;
	s7 =	sand.u32 @!p2 $0x1FFFF8, s6  }
0x3c8: {  	s5 =	sadd.s32 $0x1, s5;
	s6 =	sand.u32 @!p2 $0x7, s6;
	s7 =	sadd.s32 @!p2 s1, s7  }
0x3c9: {  	[hbm4b:s7+s6] =	stream.linear.scatter @!p2 [tilespmem:s4], [sflag:$0x7], $0x10, $0x38;
	[tilespmem:$0x1F0F8] =	vst v63  }
.LBB2_51:
0x3ca: {  	s0 =	sadd.s32 s3, s0  }
0x3cb: {  	s3 =	sshrl.u32 s0, $0x2  }
.LBB2_52:
0x3cc: {  	s0 =	simm.s32 $0x7  }
0x3cd: {  	_ =	swait.ge [sflag:s0], s3  }
0x3ce: {  	s1 =	ssub.s32 $0x0, s3;
	[sflag:s0] =	ssyncset.done $0x0  }
0x3cf: {  	[sflag:s0] =	ssyncadd.s32 s1  }
0x3d0: {  	[sflag:s0] =	ssyncpa.u1 $0x1  }
.LBB2_53:
0x3d1: {  	_ =	sfence;
	s0 =	simm.s32 $0x1  }
0x3d2: {  	[sflag:s0] =	ssyncpa.u1 $0x1  }
0x3d3: {  	_ =	strace $0x9000004D  }
0x3d4: {  	[bflag:$0x2] =	sbarrier.arrive $0xFFFF  }
0x3d5: {  	s0 =	rddreg [dreg:$0x5]  }
0x3d6: {  	s0 =	sadd.s32 @!p0 $0x100000, s0  }
0x3d7: {  	[sflag:s0] =	ssyncadd.tile.s32 @!p0 $0x1;
	_ =	shalt  }
.Lfunc_end2:
_tile_overlayer_lowered:
.L_overlay_start_2:
0x3d8: {  	(tag) =	ssettag $0x2  }
0x3d9: {  	s0 =	rddreg [dreg:$0x0];
	s2 =	stileid.u32  }
0x3da: {  	s1 =	rddreg [dreg:$0x1];
	p0 =	sne.s32 s2, $0x0  }
0x3db: {  	s3 =	rddreg [dreg:$0x2];
	[bflag:$0x3] =	sbarrier.arrive $0xFFFF;
	s2 =	simm.s32 @!p0 $0x1C01  }
0x3dc: {  	[timem:s3], [sflag:s2] =	dma.local @!p0 [hbm:s0], s1  }
0x3dd: {  	s0 =	simm.s32 @!p0 $0x1  }
0x3de: {  	_ =	swait.ge @!p0 [sflag:s0], s1  }
0x3df: {  	s1 =	ssub.s32 @!p0 $0x0, s1;
	[sflag:s0] =	ssyncset.done @!p0 $0x0  }
0x3e0: {  	[sflag:s0] =	ssyncadd.s32 @!p0 s1  }
0x3e1: {  	[bflag:$0x3] =	sbarrier.arrive $0xFFFF  }
0x3e2: {  	_ =	shalt  }

// kernel: scatter_offload_async_start.2
scs
__scs_entry_jumppad:
0x0: {  	(pc) =	sbr.rel $0x88, $3  }
0x1: {  	(tag) =	ssettag $0x0;
	lr =	simm.s32 $0x1  }
0x2: {  	[smem:$0x3F87] =	sst lr;
	_ =	strace $0xD0000000  }
0x3: {  	_ = 	snop  }
0x4: {  	_ = 	snop  }
0x5: {  	_ = 	snop  }
0x6: {  	_ = 	snop  }
0x7: {  	_ = 	snop  }
__scs_overlays_trampoline_lowered:
0x8: {  	[smem:$0x3F96] =	sst s0  }
0x9: {  	[smem:$0x3F97] =	sst s1  }
0xa: {  	[smem:$0x3F98] =	sst s2  }
0xb: {  	[smem:$0x3F99] =	sst s3  }
0xc: {  	[smem:$0x3F9A] =	sst s4  }
0xd: {  	[smem:$0x3F9B] =	sst s5  }
0xe: {  	[smem:$0x3F9C] =	sst s6  }
0xf: {  	[smem:$0x3F9D] =	sst s7  }
0x10: {  	[smem:$0x3F9E] =	sst s8  }
0x11: {  	[smem:$0x3F9F] =	sst s9;
	s0 =	simm.s32 @!p0 $0x0  }
0x12: {  	s1 =	sld [smem:$0x3F85];
	s0 =	simm.s32 @p0 $0x1  }
0x13: {  	[smem:$0x3FA0] =	sst s0;
	s0 =	simm.s32 @!p1 $0x0  }
0x14: {  	s2 =	sld [smem:$0x3F84];
	s0 =	simm.s32 @p1 $0x1  }
0x15: {  	[smem:$0x3FA1] =	sst s0;
	s0 =	simm.s32 @!p2 $0x0  }
0x16: {  	s3 =	sld [smem:$0x3FDB];
	s0 =	simm.s32 @p2 $0x1  }
0x17: {  	s4 =	simm.s32 $0x1BF5;
	[smem:$0x3FA3] =	sst s0  }
0x18: {  	s0 =	sld [smem:$0x3F86];
	_ =	swait.ge [sflag:s4], $0x0  }
0x19: {  	s7 =	sld [smem:$0x3F87]  }
0x1a: {  	s8 =	sadd.s32 $0xFFFFE003, lr  }
0x1b: {  	s9 =	sadd.s32 $0xFFFFFEF7, lr;
	s5 =	simm.s32 $0xFFFFFFFF;
	p2 =	slt.u32 s8, $0xFFFFF086  }
0x1c: {  	p1 =	slt.u32 s9, $0xF7A;
	s5 =	simm.s32 @!p2 $0x0  }
0x1d: {  	s5 =	simm.s32 @p1 $0x1;
	p0 =	seq.s32 s7, s2  }
0x1e: {  	s7 =	smul.u32 @!p0 $0xF7A, s2;
	p2 =	seq.s32 @!p0 s5, $0x0  }
0x1f: {  	s9 =	smul.u32 $0xF7A, s1;
	s8 =	simm.s32 @!p0 $0x1BF5;
	p2 =	por !p2, p0  }
0x20: {  	[sflag:s8] =	ssyncset.s32 @!p0 $0xFFFFF086;
	s6 =	sadd.s32 @!p0 s3, s7;
	s7 =	simm.s32 @!p0 $0x108  }
0x21: {  	s3 =	sadd.s32 s3, s9;
	s6 =	sadd.s32 @!p0 $0x88, s6;
	s7 =	simm.s32 @p2 $0x1082  }
0x22: {  	[simem:s7], [sflag:s8] =	dma.local @!p0 [hbm:s6], $0xF7A  }
0x23: {  	s9 =	sor.u32 $0xD0000000, s2;
	s6 =	simm.s32 $0x108;
	_ =	swait.ge @!p0 [sflag:s8], $0x0  }
0x24: {  	s3 =	sadd.s32 $0x88, s3;
	s6 =	simm.s32 @!p1 $0x1082;
	[sflag:s4] =	ssyncset.s32 $0xFFFFF086  }
0x25: {  	[simem:s6], [sflag:s4] =	dma.local [hbm:s3], $0xF7A  }
0x26: {  	[smem:$0x3F87] =	sst s1;
	(tag) =	ssettag s2;
	_ =	strace s9  }
0x27: {  	s1 =	sld [smem:$0x3F97]  }
0x28: {  	s2 =	sld [smem:$0x3F98]  }
0x29: {  	s4 =	sld [smem:$0x3F9A]  }
0x2a: {  	p0 =	seq.s32 s5, $0x0;
	s5 =	sld [smem:$0x3F9B]  }
0x2b: {  	s6 =	sld [smem:$0x3F9C]  }
0x2c: {  	s7 =	sld [smem:$0x3F9D]  }
0x2d: {  	s3 =	simm.s32 $0x108;
	s8 =	sld [smem:$0x3F9E]  }
0x2e: {  	s3 =	simm.s32 @!p0 $0x1082;
	s9 =	sld [smem:$0x3F9F]  }
0x2f: {  	lr =	sadd.s32 s0, s3;
	s0 =	sld [smem:$0x3F96]  }
0x30: {  	s3 =	sld [smem:$0x3F99]  }
0x31: {  	[smem:$0x3FA2] =	sst s10  }
0x32: {  	s10 =	sld [smem:$0x3FA0];
	_ =	sdelay $0x3  }
0x33: {  	p0 =	seq.s32 s10, $0x1;
	s10 =	sld [smem:$0x3FA2];
	_ =	sdelay $0x3  }
0x34: {  	[smem:$0x3FA2] =	sst s10  }
0x35: {  	s10 =	sld [smem:$0x3FA1];
	_ =	sdelay $0x3  }
0x36: {  	p1 =	seq.s32 s10, $0x1;
	s10 =	sld [smem:$0x3FA2];
	_ =	sdelay $0x3  }
0x37: {  	[smem:$0x3FA2] =	sst s10  }
0x38: {  	s10 =	sld [smem:$0x3FA3]  }
0x39: {  	_ = 	snop;
	(pc) =	sbr.ind lr, $3  }
0x3a: {  	_ = 	snop  }
0x3b: {  	_ = 	snop  }
0x3c: {  	p2 =	seq.s32 s10, $0x1;
	s10 =	sld [smem:$0x3FA2]  }
0x3d: {  	_ =	shalt  }
0x3e: {  	_ =	shalt  }
0x3f: {  	_ =	shalt  }
0x40: {  	_ =	shalt  }
0x41: {  	_ =	shalt  }
0x42: {  	_ =	shalt  }
0x43: {  	_ =	shalt  }
0x44: {  	_ =	shalt  }
0x45: {  	_ =	shalt  }
0x46: {  	_ =	shalt  }
0x47: {  	_ =	shalt  }
0x48: {  	_ =	shalt  }
0x49: {  	_ =	shalt  }
0x4a: {  	_ =	shalt  }
0x4b: {  	_ =	shalt  }
0x4c: {  	_ =	shalt  }
0x4d: {  	_ =	shalt  }
0x4e: {  	_ =	shalt  }
0x4f: {  	_ =	shalt  }
0x50: {  	_ =	shalt  }
0x51: {  	_ =	shalt  }
0x52: {  	_ =	shalt  }
0x53: {  	_ =	shalt  }
0x54: {  	_ =	shalt  }
0x55: {  	_ =	shalt  }
0x56: {  	_ =	shalt  }
0x57: {  	_ =	shalt  }
0x58: {  	_ =	shalt  }
0x59: {  	_ =	shalt  }
0x5a: {  	_ =	shalt  }
0x5b: {  	_ =	shalt  }
0x5c: {  	_ =	shalt  }
0x5d: {  	_ =	shalt  }
0x5e: {  	_ =	shalt  }
0x5f: {  	_ =	shalt  }
0x60: {  	_ =	shalt  }
0x61: {  	_ =	shalt  }
0x62: {  	_ =	shalt  }
0x63: {  	_ =	shalt  }
0x64: {  	_ =	shalt  }
0x65: {  	_ =	shalt  }
0x66: {  	_ =	shalt  }
0x67: {  	_ =	shalt  }
0x68: {  	_ =	shalt  }
0x69: {  	_ =	shalt  }
0x6a: {  	_ =	shalt  }
0x6b: {  	_ =	shalt  }
0x6c: {  	_ =	shalt  }
0x6d: {  	_ =	shalt  }
0x6e: {  	_ =	shalt  }
0x6f: {  	_ =	shalt  }
0x70: {  	_ =	shalt  }
0x71: {  	_ =	shalt  }
0x72: {  	_ =	shalt  }
0x73: {  	_ =	shalt  }
0x74: {  	_ =	shalt  }
0x75: {  	_ =	shalt  }
0x76: {  	_ =	shalt  }
0x77: {  	_ =	shalt  }
0x78: {  	_ =	shalt  }
0x79: {  	_ =	shalt  }
0x7a: {  	_ =	shalt  }
0x7b: {  	_ =	shalt  }
0x7c: {  	_ =	shalt  }
0x7d: {  	_ =	shalt  }
0x7e: {  	_ =	shalt  }
0x7f: {  	_ =	shalt  }
0x80: {  	_ =	shalt  }
0x81: {  	_ =	shalt  }
0x82: {  	_ =	shalt  }
0x83: {  	_ =	shalt  }
0x84: {  	_ =	shalt  }
0x85: {  	_ =	shalt  }
0x86: {  	_ =	shalt  }
0x87: {  	_ =	shalt  }
.Lfunc_end0:
.L_simem_size_0:
called_computation.2_lowered:
.L_overlay_start_0:
0x88: {  	s2 =	sld [smem:$0x3FD9]  }
0x89: {  	s3 =	sld [smem:$0x3FFE];
	_ =	sdelay $0x1  }
0x8a: {  	s1 =	srdreg.scid  }
0x8b: {  	s0 =	sand.u32 $0x1, s1  }
0x8c: {  	s17 =	sshll.u32 s0, $0xA;
	s2 =	sadd.s32 s3, s2  }
0x8d: {  	s2 =	sadd.s32 s2, s17  }
0x8e: {  	[smem:$0x3FAE] =	sst s2  }
0x8f: {  	_ = 	snop  }
0x90: {  	(tm) =	ssettm $0x1  }
0x91: {  	s18 =	sld [smem:$0x3FFB];
	_ =	sdelay $0x3  }
0x92: {  	_ =	strace s18  }
0x93: {  	s2 =	sld [smem:$0x3FFC];
	_ =	sdelay $0x3  }
0x94: {  	_ =	strace s2  }
0x95: {  	s2 =	sld [smem:$0x3FFD];
	_ =	sdelay $0x3  }
0x96: {  	_ =	strace s2  }
0x97: {  	_ =	strace $0x8FFFFFFF  }
0x98: {  	s19 =	sld [smem:$0x3FDB];
	_ =	sdelay $0x1  }
0x99: {  	s20 =	simm.s32 $_scs_section_size  }
0x9a: {  	s4 =	simm.s32 $_size__tile_overlayer_lowered;
	s5 =	simm.s32 $_tile_overlayer_lowered  }
0x9b: {  	s6 =	simm.s32 $0x1BFF;
	s21 =	sshll.u32 s5, $0x1;
	s3 =	sadd.s32 s20, s19  }
0x9c: {  	s22 =	simm.s32 $0x0;
	s4 =	sshll.u32 s4, $0x1;
	s5 =	sadd.s32 s21, s3  }
0x9d: {  	[timem:s22], [sflag:s6] =	dma.local [hbm:s5], s4  }
0x9e: {  	_ =	swait.ge [sflag:s6], s4  }
0x9f: {  	s4 =	ssub.s32 $0x0, s4;
	[sflag:s6] =	ssyncset.done $0x0  }
0xa0: {  	[sflag:s6] =	ssyncadd.s32 s4;
	_ =	sdelay $0x1  }
0xa1: {  	s23 =	simm.s32 $0x1B8B  }
0xa2: {  	_ =	swait.ge [sflag:s23], $0x1  }
0xa3: {  	[sflag:s23] =	ssyncset.done $0x0  }
0xa4: {  	[sflag:s23] =	ssyncadd.s32 $0xFFFFFFFF  }
0xa5: {  	s4 =	sld [smem:$0x0]  }
0xa6: {  	s5 =	sand.u32 $0xFFFFFFFE, s1  }
0xa7: {  	p0 =	sne.s32 s1, s5  }
0xa8: {  	s5 =	sshll.u32 @p0 s5, $0xE  }
0xa9: {  	s5 =	sadd.s32 @p0 $0x11B8D, s5;
	s6 =	sshll.u32 @p0 s4, $0x11  }
0xaa: {  	s5 =	sor.u32 @p0 s6, s5  }
0xab: {  	[sflag:s5] =	ssyncadd.remote.s32 @p0 $0x1;
	_ =	sdelay $0x1  }
0xac: {  	s5 =	simm.s32 @p0 $0x1B8D  }
0xad: {  	_ =	swait.eq @p0 [sflag:s5], $0x1  }
0xae: {  	[sflag:s5] =	ssyncadd.s32 @p0 $0xFFFFFFFF  }
0xaf: {  	s6 =	sshll.u32 @!p0 s1, $0xE  }
0xb0: {  	s6 =	sor.u32 @!p0 $0x4000, s6;
	s5 =	simm.s32 @!p0 $0x1B8D  }
0xb1: {  	s7 =	sshll.u32 @!p0 s4, $0x11;
	s6 =	sadd.s32 @!p0 $0x11B8D, s6;
	_ =	swait.eq @!p0 [sflag:s5], $0x1  }
0xb2: {  	[sflag:s5] =	ssyncadd.s32 @!p0 $0xFFFFFFFF;
	s5 =	sor.u32 @!p0 s7, s6  }
0xb3: {  	s25 =	simm.s32 $0x1B8E;
	s24 =	sld [smem:$0x3FFE];
	[sflag:s5] =	ssyncadd.remote.s32 @!p0 $0x1  }
0xb4: {  	s26 =	simm.s32 $execute0_lowered;
	[smem:$0x3FD2] =	sst s25  }
0xb5: {  	s6 =	sshll.u32 s26, $0x1;
	_ =	strace $0x80000052;
	[dreg:$0x1] =	wrdreg $0xFFFFFFFF  }
0xb6: {  	s28 =	simm.s32 $_size_execute0_lowered;
	s3 =	sadd.s32 s3, s6;
	[dreg:$0x0] =	wrdreg $0x0  }
0xb7: {  	s6 =	sshll.u32 s28, $0x1;
	[dreg:$0x2] =	wrdreg s3  }
0xb8: {  	[dreg:$0x3] =	wrdreg s6  }
0xb9: {  	[dreg:$0x4] =	wrdreg $0xC0  }
0xba: {  	_ =	task [dreg:s22], $0x5FFFF  }
0xbb: {  	[dreg:$0x1] =	wrdreg $0xFFFFFFFF  }
0xbc: {  	[dreg:$0x0] =	wrdreg $0x60  }
0xbd: {  	[dreg:$0x2] =	wrdreg s24  }
0xbe: {  	[dreg:$0x3] =	wrdreg s1  }
0xbf: {  	[dreg:$0x4] =	wrdreg s4  }
0xc0: {  	[dreg:$0x5] =	wrdreg $0xB  }
0xc1: {  	_ =	task.clear_ibuf [dreg:s22], $0x6FFFF;
	_ =	strace $0x90000052  }
0xc2: {  	s29 =	simm.s32 $0xB;
	_ =	strace $0x80000054  }
0xc3: {  	_ =	swait.ge [sflag:s29], $0x1  }
0xc4: {  	[sflag:s29] =	ssyncadd.s32 $0xFFFFFFFF  }
0xc5: {  	_ =	strace $0x90000054  }
0xc6: {  	_ =	sfence  }
0xc7: {  	s30 =	sld [smem:$0x0];
	_ =	sdelay $0x2  }
0xc8: {  	s31 =	sshll.u32 s1, $0xD;
	s1 =	sshrl.u32 s1, $0x2  }
0xc9: {  	s4 =	sand.u32 $0x4000, s31;
	s1 =	sadd.s32 s1, s30  }
0xca: {  	s0 =	sor.u32 s4, s0;
	s1 =	sshll.u32 s1, $0x11  }
0xcb: {  	s0 =	sor.u32 s1, s0  }
0xcc: {  	s0 =	sadd.s32 $0x8F2B, s0  }
0xcd: {  	[sflag:s0] =	ssyncadd.remote.s32 $0x1  }
0xce: {  	_ =	sfence.sel $0xFFFF  }
0xcf: {  	[dreg:$0x0] =	wrdreg $0xFFFFFFFF;
	(pc) =	sbr.abs _section_cstart, $3  }
0xd0: {  	[dreg:$0x1] =	wrdreg $0xFFFFFFFF  }
0xd1: {  	_ =	task.clear_ibuf [dreg:s22], $0x2FFFF;
	_ =	strace $0x9FFFFFFF  }
0xd2: {  	(tm) =	ssettm $0x7FFFFFFF  }
0xd3: {  	_ =	shalt  }
tec
execute0_lowered:
.L_overlay_start_1:
0x0: {  	(tag) =	ssettag $0x1  }
0x1: {  	s2 =	rddreg [dreg:$0x0]  }
0x2: {  	s3 =	rddreg [dreg:$0x1];
	_ =	strace $0x80000053;
	s0 =	simm.s32 $0x1  }
0x3: {  	v0 =	vimm.s32 $0x0;
	[sflag:s0] =	ssyncpa.u1 $0x0;
	s0 =	simm.s32 $0x108  }
0x4: {  	[tilespmem:s0+$0x70] =	vst v0  }
0x5: {  	[tilespmem:s0+$0x60] =	vst v0  }
0x6: {  	[tilespmem:s0+$0x50] =	vst v0  }
0x7: {  	[tilespmem:s0+$0x40] =	vst v0  }
0x8: {  	[tilespmem:s0+$0x30] =	vst v0  }
0x9: {  	s1 =	sadd.s32 $0x28600, s2;
	s15 =	sadd.s32 $0x21000, s2;
	s6 =	sadd.s32 $0xB3B800, s2;
	[tilespmem:s0+$0x20] =	vst v0  }
0xa: {  	s14 =	sadd.s32 $0xA800, s2;
	s5 =	sand.u32 $0x1, s3;
	s3 =	simm.s32 $0x40;
	[tilespmem:s0+$0x10] =	vst v0  }
.LBB2_1:
0xb: {  	s3 =	sadd.s32 $0x40, s3;
	[tilespmem:s0+$0x0] =	vst v0;
	s0 =	sadd.s32 $0x80, s0  }
0xc: {  	p0 =	slt.u32 s3, $0x3C40;
	[tilespmem:s0+$0x70] =	vst v0  }
0xd: {  	[tilespmem:s0+$0x60] =	vst v0  }
.Ltmp0:
0xe: {  	[tilespmem:s0+$0x50] =	vst v0;
	(pc) =	sbr.rel @p0 .LBB2_1-.Ltmp0, $4  }
0xf: {  	[tilespmem:s0+$0x40] =	vst v0  }
0x10: {  	[tilespmem:s0+$0x30] =	vst v0  }
0x11: {  	[tilespmem:s0+$0x20] =	vst v0  }
0x12: {  	[tilespmem:s0+$0x10] =	vst v0  }
0x13: {  	s9 =	stileid.u32  }
0x14: {  	s2 =	smul.u32 $0x1F, s9  }
0x15: {  	s3 =	smin.u32 s9, $0x4  }
0x16: {  	s2 =	sadd.s32 s3, s2  }
0x17: {  	p0 =	slt.u32 s9, $0x4;
	s7 =	smul.u32 $0xF0, s2;
	s2 =	simm.s32 $0x1E00  }
0x18: {  	s2 =	simm.s32 @!p0 $0x1D10  }
0x19: {  	s2 =	sadd.s32 s2, s7  }
0x1a: {  	s8 =	smin.u32 s2, $0x1D4C0  }
0x1b: {  	s2 =	ssub.s32 s8, s7  }
0x1c: {  	p0 =	sgt.s32 s2, $0x0  }
0x1d: {  	s29 =	simm.s32 $0x2;
	s10 =	simm.s32 $0x9;
	s2 =	simm.s32 @!p0 $0x0  }
0x1e: {  	s4 =	simm.s32 $0xA;
	s11 =	simm.s32 $0xB;
	s28 =	smulhi.u32 $0x88888889, s2  }
0x1f: {  	[dreg:$0x4] =	wrdreg s5;
	s31 =	smul.u32 $0x3A98, s5;
	s12 =	simm.s32 $0x1  }
0x20: {  	s22 =	simm.s32 $0x0;
	s18 =	simm.s32 $0xC;
	s30 =	sshrl.u32 s28, $0x7  }
0x21: {  	s20 =	simm.s32 $0x0;
	s21 =	simm.s32 $0x0;
	s3 =	smul.u32 $0xF0, s30  }
.Ltmp1:
0x22: {  	[tilespmem:s0+$0x0] =	vst v0;
	v0 =	vimm.s32 $0xFFFFFFFF;
	[sflag:s29] =	ssyncpa.u1 $0x0;
	s16 =	sshll.u32 s9, $0x8;
	(pc) =	sbr.rel .LBB2_3-.Ltmp1, $4  }
0x23: {  	[tilespmem:$0xF208] =	vst v0;
	[sflag:s10] =	ssyncpa.u1 $0x0;
	p0 =	sne.s32 s2, s3;
	s2 =	simm.s32 $0x1  }
0x24: {  	s14 =	sadd.s32 s31, s14;
	[sflag:s4] =	ssyncpa.u1 $0x0;
	s2 =	simm.s32 @!p0 $0x0  }
0x25: {  	s15 =	sadd.s32 s31, s15;
	[sflag:s11] =	ssyncpa.u1 $0x0;
	s13 =	sadd.s32 s2, s30  }
0x26: {  	v0 =	vlaneseq.u32;
	s19 =	smov.u32 s7;
	p0 =	por $0x0, $0x0;
	s17 =	sadd.s32 $0x1, s13  }
.LBB2_18:
0x27: {  	s0 =	sshrl.u32 s31, $0x2  }
.LBB2_20:
0x28: {  	_ =	swait.ge [sflag:s18], s0  }
0x29: {  	s31 =	ssub.s32 $0x0, s0;
	v1 =	vmov s24;
	vm0 =	veq.s32 v0, $0x0;
	[sflag:s18] =	ssyncset.done $0x0  }
0x2a: {  	vm15 =	veq.s32 v0, $0x2;
	v1 =	vsel vm0, s30, v1;
	[sflag:s18] =	ssyncadd.s32 s31  }
0x2b: {  	v1 =	vsel vm15, s22, v1;
	[sflag:s18] =	ssyncpa.u1 $0x1  }
0x2c: {  	[tilespmem:$0xF208] =	vst v1  }
.LBB2_21:
0x2d: {  	s0 =	sadd.s32 $0xF0, s19  }
0x2e: {  	s2 =	smov.u32 s7;
	p1 =	slt.s32 s0, s8  }
0x2f: {  	s2 =	smov.u32 @p1 s0;
	p1 =	sne.s32 s21, s17  }
.Ltmp2:
0x30: {  	_ = 	snop;
	(pc) =	sbr.rel @!p1 .LBB2_22-.Ltmp2, $3  }
0x31: {  	_ =	sdelay $0x1  }
0x32: {  	s22 =	smov.u32 s20;
	s31 =	sadd.s32 $0x1, s21;
	s20 =	smov.u32 s19  }
0x33: {  	p0 =	por !p0, !p0;
	s21 =	smov.u32 s31;
	s19 =	smov.u32 s2  }
.LBB2_3:
0x34: {  	p1 =	sge.u32 s21, s13  }
0x35: {  	s0 =	smulhi.u32 @!p1 $0xAAAAAAAB, s21  }
0x36: {  	s2 =	smov.u32 s19;
	p2 =	sgt.s32 @!p1 s19, $0x1D3D0  }
0x37: {  	s3 =	sshra.s32 @!p1 s19, $0x1F;
	p2 =	por !p2, p1;
	s0 =	sshrl.u32 @!p1 s0, $0x1  }
0x38: {  	s3 =	sand.u32 @!p1 s3, s19;
	s2 =	simm.s32 @p2 $0x1D3D0;
	s0 =	smul.u32 @!p1 $0x3, s0  }
0x39: {  	s2 =	ssub.s32 @!p1 s2, s3  }
0x3a: {  	s2 =	sadd.s32 @!p1 $0xFFFE2C30, s2;
	s0 =	ssub.s32 @!p1 s21, s0  }
0x3b: {  	s3 =	sshll.u32 @!p1 s2, $0x2;
	p2 =	sgt.s32 @!p1 s2, $0xEF;
	s0 =	smul.u32 @!p1 $0x3C0, s0  }
0x3c: {  	s4 =	sand.u32 @!p1 $0x7, s19;
	s2 =	ssub.s32 @!p1 $0x3C0, s3;
	p2 =	por !p2, p1  }
0x3d: {  	s3 =	sshrl.u32 @!p1 s19, $0x3;
	s2 =	sshrl.u32 @!p1 s2, $0x2;
	s0 =	sshrl.u32 @!p1 s0, $0x2  }
0x3e: {  	s3 =	sadd.s32 @!p1 s3, s14;
	s2 =	simm.s32 @!p2 $0x0;
	s0 =	sadd.s32 @!p1 $0x10248, s0  }
0x3f: {  	[tilespmem:s0], [sflag:$0xA] =	stream.linear.gather @!p1 [hbm4b:s3+s4], s2, $0x38;
	[tilespmem:$0x1F6F8] =	vst v63  }
0x40: {  	s0 =	sadd.s32 $0xFFFFFFFF, s21  }
0x41: {  	p1 =	sge.u32 s0, s13  }
0x42: {  	p2 =	sgt.s32 @!p1 s20, $0x1D3D0  }
0x43: {  	s2 =	smov.u32 s20;
	s3 =	sshra.s32 @!p1 s20, $0x1F;
	p2 =	por !p2, p1  }
0x44: {  	s3 =	sand.u32 @!p1 s3, s20;
	s2 =	simm.s32 @p2 $0x1D3D0  }
0x45: {  	s2 =	ssub.s32 @!p1 s2, s3  }
0x46: {  	s2 =	sadd.s32 @!p1 $0xFFFE2C30, s2  }
0x47: {  	s4 =	smulhi.u32 @!p1 $0xAAAAAAAB, s0;
	s5 =	sand.u32 @!p1 $0x1, s0;
	s3 =	sshll.u32 @!p1 s2, $0x2  }
0x48: {  	s24 =	smul.u32 @!p1 $0x3C0, s5;
	p2 =	sgt.s32 @!p1 s2, $0xEF;
	s2 =	ssub.s32 @!p1 $0x3C0, s3  }
0x49: {  	p2 =	por !p2, p1;
	s3 =	sshrl.u32 @!p1 s4, $0x1;
	s2 =	sshrl.u32 @!p1 s2, $0x2  }
0x4a: {  	s4 =	simm.s32 @!p1 $0xA;
	s3 =	smul.u32 @!p1 $0x3, s3;
	s2 =	simm.s32 @!p2 $0x0  }
0x4b: {  	s5 =	smul.u32 @!p1 $0x1E000, s5;
	_ =	swait.ge @!p1 [sflag:s4], s2;
	s23 =	ssub.s32 @!p1 $0x0, s2  }
0x4c: {  	s0 =	ssub.s32 @!p1 s0, s3;
	s3 =	sshrl.u32 @!p1 s20, $0x3;
	[sflag:s4] =	ssyncset.done @!p1 $0x0  }
0x4d: {  	s3 =	sadd.s32 @!p1 s3, s15;
	[sflag:s4] =	ssyncadd.s32 @!p1 s23;
	s4 =	sshrl.u32 @!p1 s24, $0x2  }
0x4e: {  	s0 =	smul.u32 @!p1 $0x3C0, s0;
	s23 =	sand.u32 @!p1 $0x7, s20;
	s4 =	sadd.s32 @!p1 $0x10518, s4  }
0x4f: {  	[tilespmem:s4], [sflag:$0xB] =	stream.linear.gather @!p1 [hbm4b:s3+s23], s2, $0x38;
	[tilespmem:$0x1F6F8] =	vst v63  }
0x50: {  	s0 =	sshrl.u32 @!p1 s0, $0x2;
	s2 =	sshrl.u32 @!p1 s5, $0x2  }
0x51: {  	s0 =	sadd.s32 @!p1 $0x10248, s0;
	s3 =	simm.s32 @!p1 $0xF0;
	s2 =	sor.u32 @!p1 $0x106F8, s2  }
0x52: {  	[tilespmem:s2], [sflag:$0x9] =	stream.indirect.gather @!p1 [hbm4b:s6+s3], $0x80, s0, s3, $0xb8;
	[tilespmem:$0x1F6F8] =	vst v63  }
0x53: {  	p1 =	slt.u32 s21, $0x2  }
.Ltmp3:
0x54: {  	_ = 	snop;
	(pc) =	sbr.rel @p1 .LBB2_21-.Ltmp3, $1  }
0x55: {  	_ =	sdelay $0x3  }
0x56: {  	p1 =	sgt.s32 s22, $0x1D3D0;
	s0 =	smov.u32 s22;
	s2 =	sshra.s32 s22, $0x1F  }
0x57: {  	s0 =	simm.s32 @!p1 $0x1D3D0;
	s2 =	sand.u32 s2, s22  }
0x58: {  	s0 =	ssub.s32 s0, s2  }
0x59: {  	s0 =	sadd.s32 $0xFFFE2C30, s0  }
0x5a: {  	s29 =	sshll.u32 s0, $0x2  }
0x5b: {  	_ =	swait.ge [sflag:s10], $0x7800;
	s2 =	ssub.s32 $0x3C0, s29  }
0x5c: {  	[sflag:s10] =	ssyncset.done $0x0;
	p1 =	sgt.s32 s0, $0xEF;
	s0 =	sshrl.u32 s2, $0x2  }
0x5d: {  	[sflag:s10] =	ssyncadd.s32 $0xFFFF8800;
	s0 =	simm.s32 @p1 $0x0  }
0x5e: {  	_ =	swait.ge [sflag:s11], s0  }
0x5f: {  	s0 =	ssub.s32 $0x0, s0;
	[sflag:s11] =	ssyncset.done $0x0  }
0x60: {  	[sflag:s11] =	ssyncadd.s32 s0  }
0x61: {  	v1 =	vld [tilespmem:$0xF208];
	_ =	sdelay $0x4  }
0x62: {  	(v2sf) =	vpush v1, $0x0  }
0x63: {  	(v2sf) =	vpush v1, $0x1  }
0x64: {  	(v2sf) =	vpush v1, $0x2;
	_ =	sdelay $0x3  }
0x65: {  	s0 =	sadd.s32 $0xF0, s22  }
0x66: {  	s2 =	ssub.s32 $0x3A980, s22;
	p1 =	slt.s32 s8, s0  }
0x67: {  	s0 =	smov.u32 @p1 s8;
	p1 =	sgt.s32 s2, $0x0  }
0x68: {  	s26 =	ssub.s32 s0, s22;
	s2 =	simm.s32 @!p1 $0x0  }
0x69: {  	p1 =	slt.s32 s2, s26  }
0x6a: {  	s26 =	smov.u32 @p1 s2  }
0x6b: {  	s25 =	simm.s32 $0x1;
	p1 =	slt.s32 s26, $0x1  }
.Ltmp4:
0x6c: {  	s25 =	simm.s32 @!p0 $0x0;
	(pc) =	sbr.rel @p1 .LBB2_8-.Ltmp4, $4  }
0x6d: {  	s31 =	smul.u32 $0x3C0, s25  }
0x6e: {  	s28 =	spop (v2sf)  }
0x6f: {  	s0 =	sshrl.u32 s31, $0x2;
	s30 =	spop (v2sf)  }
0x70: {  	s23 =	sadd.s32 $0x10518, s0;
	s22 =	spop (v2sf)  }
0x71: {  	s0 =	smin.u32 s26, $0x10  }
0x72: {  	v1 =	vmov s0  }
0x73: {  	p2 =	sgt.s32 s26, $0x10;
	vm1 =	vgt.u32 v1, v0  }
.Ltmp5:
0x74: {  	_ = 	snop;
	(pc) =	sbr.rel @!p2 .LBB2_7-.Ltmp5, $2  }
0x75: {  	_ =	sdelay $0x2  }
0x76: {  	s4 =	simm.s32 $0x10;
	s24 =	sadd.s32 $0xFFFFFFF0, s26;
	s0 =	smov.u32 s23;
	vm0 =	vmmov vm1  }
.LBB2_6:
0x77: {  	s2 =	smin.u32 s24, $0x10;
	s4 =	sadd.s32 $0x10, s4;
	v1 =	vld.msk [tilespmem:s0+$0x0 ss:$0x1], vm1  }
0x78: {  	v2 =	vmov s2;
	p2 =	slt.s32 s4, s26  }
0x79: {  	vm1 =	vgt.u32 v2, v0  }
.Ltmp6:
0x7a: {  	(pc) =	sbr.rel @p2 .LBB2_6-.Ltmp6, $3  }
0x7b: {  	_ =	sdelay $0x1  }
0x7c: {  	v1 =	vshll.u32 v1, $0x4  }
0x7d: {  	s24 =	sadd.s32 $0xFFFFFFF0, s24;
	[tilespmem:s0+$0x0] =	vst.msk vm0, v1;
	s0 =	sadd.s32 $0x10, s0;
	vm0 =	vmmov vm1  }
.LBB2_7:
0x7e: {  	_ =	sdelay $0x4  }
0x7f: {  	v1 =	vld.msk [tilespmem:s0+$0x0 ss:$0x1], vm1;
	_ =	sdelay $0x4  }
0x80: {  	v1 =	vshll.u32 v1, $0x4  }
0x81: {  	[tilespmem:s0+$0x0] =	vst.msk vm0, v1  }
.LBB2_8:
0x82: {  	s0 =	sand.u32 $0x1, s21  }
0x83: {  	s0 =	smul.u32 $0xF0, s0  }
0x84: {  	p2 =	sne.s32 s30, $0xFFFFFFFF  }
0x85: {  	v1 =	vld.msk @!p2 [tilespmem:s0+$0x10518], $0x1;
	_ =	sdelay $0x4  }
0x86: {  	(v2sf) =	vpush @!p2 v1, $0x0;
	_ =	sdelay $0xc  }
.Ltmp7:
0x87: {  	_ = 	snop;
	(pc) =	sbr.rel @p1 .LBB2_19-.Ltmp7, $4  }
0x88: {  	_ = 	snop  }
0x89: {  	s29 =	spop @!p2 (v2sf)  }
0x8a: {  	s22 =	simm.s32 @!p2 $0x0;
	s24 =	smov.u32 s29  }
0x8b: {  	[sflag:s18] =	ssyncpa.u1 $0x0;
	s29 =	smov.u32 @p2 s28;
	s24 =	smov.u32 @p2 s30  }
0x8c: {  	v1 =	vld.msk [tilespmem:s23+$0x0], $0x1;
	_ =	sdelay $0x4  }
0x8d: {  	(v2sf) =	vpush v1, $0x0;
	_ =	sdelay $0xe  }
0x8e: {  	s2 =	smul.u32 $0x1E000, s25;
	s0 =	spop (v2sf)  }
0x8f: {  	s26 =	ssub.s32 $0x0, s26;
	p1 =	seq.s32 s29, s0  }
0x90: {  	s30 =	sadd.s32 $0x1, s26;
	s2 =	sshrl.u32 s2, $0x2;
	p2 =	sgt.s32 @!p1 s29, $0x0  }
0x91: {  	s25 =	sor.u32 $0x10738, s2;
	s2 =	smov.u32 s29;
	p2 =	por !p2, p1  }
0x92: {  	s2 =	simm.s32 @p2 $0x0;
	p2 =	seq.s32 s30, $0x0  }
.Ltmp8:
0x93: {  	_ = 	snop;
	(pc) =	sbr.rel @p2 .LBB2_11-.Ltmp8, $4  }
0x94: {  	_ = 	snop  }
0x95: {  	s28 =	simm.s32 $0x0;
	s31 =	sadd.s32 $0x1, s23;
	s2 =	smin.u32 @!p1 s2, $0x1387F0  }
0x96: {  	s4 =	simm.s32 @!p1 $0x1;
	s5 =	simm.s32 @!p1 $0x7988;
	s3 =	sand.u32 @!p1 $0x1FFFF8, s2  }
0x97: {  	s4 =	smov.u32 @p1 s28;
	s2 =	sand.u32 @!p1 $0x7, s2;
	s3 =	sadd.s32 @!p1 s1, s3  }
.LBB2_10:
0x98: {  	s9 =	smov.u32 s4  }
0x99: {  	[tilespmem:s5], [sflag:$0x2] =	stream.linear.gather @!p1 [hbm4b:s3+s2], $0x80, $0x38;
	[tilespmem:$0x1F6F8] =	vst v63  }
0x9a: {  	s30 =	sadd.s32 $0x1, s30;
	s2 =	smov.u32 s0;
	v1 =	vld.msk [tilespmem:s31+$0x0], $0x1  }
0x9b: {  	p2 =	seq.s32 s30, $0x0;
	_ =	sdelay $0x3  }
0x9c: {  	(v2sf) =	vpush v1, $0x0;
	_ =	sdelay $0xe  }
0x9d: {  	s0 =	spop (v2sf)  }
0x9e: {  	p1 =	seq.s32 s2, s0  }
0x9f: {  	p3 =	sgt.s32 @!p1 s2, $0x0;
	s3 =	sshll.u32 @!p1 s4, $0x9;
	s4 =	sadd.s32 @!p1 $0x1, s4  }
.Ltmp9:
0xa0: {  	p3 =	por !p3, p1;
	s3 =	sshra.s32 @!p1 s3, $0x2;
	(pc) =	sbr.rel @!p2 .LBB2_10-.Ltmp9, $4  }
0xa1: {  	s4 =	smov.u32 @p1 s9;
	s2 =	simm.s32 @p3 $0x0;
	s5 =	sadd.s32 @!p1 $0x7988, s3  }
0xa2: {  	s2 =	smin.u32 @!p1 s2, $0x1387F0  }
0xa3: {  	s3 =	sand.u32 @!p1 $0x1FFFF8, s2;
	s2 =	sand.u32 @!p1 $0x7, s2  }
0xa4: {  	s31 =	sadd.s32 $0x1, s31;
	s3 =	sadd.s32 @!p1 s1, s3  }
.LBB2_11:
0xa5: {  	[tilespmem:s5], [sflag:$0x2] =	stream.linear.gather @!p1 [hbm4b:s3+s2], $0x80, $0x38;
	[tilespmem:$0x1F6F8] =	vst v63  }
.Ltmp10:
0xa6: {  	s0 =	sshll.u32 s4, $0x7;
	(pc) =	sbr.rel .LBB2_12-.Ltmp10, $4  }
0xa7: {  	s30 =	simm.s32 $0x2;
	s0 =	sand.u32 $0x3FFFFF80, s0  }
0xa8: {  	_ =	swait.ge [sflag:s30], s0  }
0xa9: {  	s0 =	ssub.s32 $0x0, s0;
	[sflag:s30] =	ssyncset.done $0x0  }
0xaa: {  	s31 =	simm.s32 $0x0;
	[sflag:s30] =	ssyncadd.s32 s0  }
.LBB2_13:
0xab: {  	v1 =	vld [tilespmem:s25+$0xFFFFFFC0];
	_ =	sdelay $0x3  }
0xac: {  	s0 =	sshra.s32 s0, $0x2  }
0xad: {  	[tilespmem:s0+$0x108] =	vst.add.f32.msk $0xffff, v1  }
0xae: {  	v1 =	vld [tilespmem:s25+$0xFFFFFFD0];
	_ =	sdelay $0x4  }
0xaf: {  	[tilespmem:s0+$0x118] =	vst.add.f32.msk $0xffff, v1  }
0xb0: {  	v1 =	vld [tilespmem:s25+$0xFFFFFFE0];
	_ =	sdelay $0x4  }
0xb1: {  	[tilespmem:s0+$0x128] =	vst.add.f32.msk $0xffff, v1  }
0xb2: {  	v1 =	vld [tilespmem:s25+$0xFFFFFFF0];
	_ =	sdelay $0x4  }
0xb3: {  	[tilespmem:s0+$0x138] =	vst.add.f32.msk $0xffff, v1  }
0xb4: {  	v1 =	vld [tilespmem:s25+$0x0];
	_ =	sdelay $0x4  }
0xb5: {  	[tilespmem:s0+$0x148] =	vst.add.f32.msk $0xffff, v1  }
0xb6: {  	v1 =	vld [tilespmem:s25+$0x10];
	_ =	sdelay $0x4  }
0xb7: {  	[tilespmem:s0+$0x158] =	vst.add.f32.msk $0xffff, v1  }
0xb8: {  	v1 =	vld [tilespmem:s25+$0x20];
	_ =	sdelay $0x4  }
0xb9: {  	[tilespmem:s0+$0x168] =	vst.add.f32.msk $0xffff, v1  }
0xba: {  	v1 =	vld [tilespmem:s25+$0x30];
	_ =	sdelay $0x4  }
0xbb: {  	[tilespmem:s0+$0x178] =	vst.add.f32.msk $0xffff, v1  }
.LBB2_17:
0xbc: {  	s26 =	sadd.s32 $0x1, s26  }
0xbd: {  	p1 =	seq.s32 s26, $0x0  }
.Ltmp11:
0xbe: {  	_ = 	snop;
	(pc) =	sbr.rel @p1 .LBB2_18-.Ltmp11, $2  }
0xbf: {  	_ =	sdelay $0x2  }
0xc0: {  	s23 =	sadd.s32 $0x1, s23;
	s25 =	sadd.s32 $0x80, s25;
	s29 =	smov.u32 s30  }
.LBB2_12:
0xc1: {  	v1 =	vld.msk [tilespmem:s23+$0x0], $0x1;
	_ =	sdelay $0x4  }
0xc2: {  	(v2sf) =	vpush v1, $0x0;
	_ =	sdelay $0xe  }
0xc3: {  	s30 =	spop (v2sf)  }
0xc4: {  	p1 =	sne.s32 s29, s30  }
.Ltmp12:
0xc5: {  	_ = 	snop;
	(pc) =	sbr.rel @!p1 .LBB2_13-.Ltmp12, $2  }
0xc6: {  	_ =	sdelay $0x2  }
0xc7: {  	s0 =	sshll.u32 s22, $0x9  }
0xc8: {  	p1 =	seq.s32 s29, s24  }
.Ltmp13:
0xc9: {  	_ = 	snop;
	(pc) =	sbr.rel @!p1 .LBB2_15-.Ltmp13, $1  }
0xca: {  	_ =	sdelay $0x3  }
0xcb: {  	s0 =	sshra.s32 s0, $0x2  }
.Ltmp14:
0xcc: {  	s0 =	sadd.s32 $0x108, s0;
	(pc) =	sbr.rel .LBB2_16-.Ltmp14, $4  }
0xcd: {  	[spmem:s16] =	stream.linear.scatter [tilespmem:s0], [sflag:$0x1], $0x80, $0x38;
	[tilespmem:$0x1F6F8] =	vst v63  }
0xce: {  	_ =	swait.ge [sflag:s12], $0x80  }
0xcf: {  	[sflag:s12] =	ssyncset.done $0x0  }
0xd0: {  	[sflag:s12] =	ssyncadd.s32 $0xFFFFFF80  }
.LBB2_15:
0xd1: {  	s2 =	sshll.u32 s28, $0x9  }
0xd2: {  	s2 =	sshra.s32 s2, $0x2  }
0xd3: {  	v1 =	vld [tilespmem:s2+$0x7988];
	_ =	sdelay $0x3  }
0xd4: {  	s0 =	sshra.s32 s0, $0x2  }
0xd5: {  	[tilespmem:s0+$0x108] =	vst.add.f32.msk $0xffff, v1  }
0xd6: {  	v1 =	vld [tilespmem:s2+$0x7998];
	_ =	sdelay $0x4  }
0xd7: {  	[tilespmem:s0+$0x118] =	vst.add.f32.msk $0xffff, v1  }
0xd8: {  	v1 =	vld [tilespmem:s2+$0x79A8];
	_ =	sdelay $0x4  }
0xd9: {  	[tilespmem:s0+$0x128] =	vst.add.f32.msk $0xffff, v1  }
0xda: {  	v1 =	vld [tilespmem:s2+$0x79B8];
	_ =	sdelay $0x4  }
0xdb: {  	[tilespmem:s0+$0x138] =	vst.add.f32.msk $0xffff, v1  }
0xdc: {  	v1 =	vld [tilespmem:s2+$0x79C8];
	_ =	sdelay $0x4  }
0xdd: {  	[tilespmem:s0+$0x148] =	vst.add.f32.msk $0xffff, v1  }
0xde: {  	v1 =	vld [tilespmem:s2+$0x79D8];
	_ =	sdelay $0x4  }
0xdf: {  	[tilespmem:s0+$0x158] =	vst.add.f32.msk $0xffff, v1  }
0xe0: {  	v1 =	vld [tilespmem:s2+$0x79E8];
	_ =	sdelay $0x4  }
0xe1: {  	[tilespmem:s0+$0x168] =	vst.add.f32.msk $0xffff, v1  }
0xe2: {  	v1 =	vld [tilespmem:s2+$0x79F8];
	_ =	sdelay $0x2  }
0xe3: {  	p1 =	sgt.u32 s29, $0x1387F0  }
0xe4: {  	s2 =	sand.u32 @!p1 $0x1FFFF8, s29  }
0xe5: {  	s3 =	sadd.s32 $0x108, s0;
	[tilespmem:s0+$0x178] =	vst.add.f32.msk $0xffff, v1;
	s0 =	sadd.s32 @!p1 s1, s2;
	s2 =	sand.u32 @!p1 $0x7, s29  }
0xe6: {  	[hbm4b:s0+s2] =	stream.linear.scatter @!p1 [tilespmem:s3], [sflag:$0xC], $0x80, $0x38;
	[tilespmem:$0x1F6F8] =	vst v63  }
0xe7: {  	s0 =	simm.s32 $0x0  }
0xe8: {  	s0 =	simm.s32 @!p1 $0x200  }
0xe9: {  	s31 =	sadd.s32 s0, s31  }
.LBB2_16:
0xea: {  	s0 =	sadd.s32 $0x1, s22  }
0xeb: {  	s2 =	smulhi.u32 $0x88888889, s0;
	_ =	sdelay $0x1  }
0xec: {  	v1 =	vld [tilespmem:s25+$0xFFFFFFC0];
	s2 =	sshrl.u32 s2, $0x7  }
0xed: {  	s2 =	smul.u32 $0xF0, s2;
	_ =	sdelay $0x1  }
0xee: {  	s22 =	ssub.s32 s0, s2  }
0xef: {  	s0 =	sshll.u32 s22, $0x7  }
0xf0: {  	[tilespmem:s0+$0x108] =	vst v1  }
0xf1: {  	v1 =	vld [tilespmem:s25+$0xFFFFFFD0];
	_ =	sdelay $0x4  }
0xf2: {  	[tilespmem:s0+$0x118] =	vst v1  }
0xf3: {  	v1 =	vld [tilespmem:s25+$0xFFFFFFE0];
	_ =	sdelay $0x4  }
0xf4: {  	[tilespmem:s0+$0x128] =	vst v1  }
0xf5: {  	v1 =	vld [tilespmem:s25+$0xFFFFFFF0];
	_ =	sdelay $0x4  }
0xf6: {  	[tilespmem:s0+$0x138] =	vst v1  }
0xf7: {  	v1 =	vld [tilespmem:s25+$0x0];
	_ =	sdelay $0x4  }
0xf8: {  	[tilespmem:s0+$0x148] =	vst v1  }
0xf9: {  	v1 =	vld [tilespmem:s25+$0x10];
	_ =	sdelay $0x4  }
0xfa: {  	[tilespmem:s0+$0x158] =	vst v1  }
0xfb: {  	v1 =	vld [tilespmem:s25+$0x20];
	_ =	sdelay $0x4  }
0xfc: {  	[tilespmem:s0+$0x168] =	vst v1  }
0xfd: {  	v1 =	vld [tilespmem:s25+$0x30]  }
.Ltmp15:
0xfe: {  	_ = 	snop;
	(pc) =	sbr.rel .LBB2_17-.Ltmp15, $2  }
0xff: {  	_ =	sdelay $0x2  }
0x100: {  	s28 =	sadd.s32 $0x1, s28;
	[tilespmem:s0+$0x178] =	vst v1  }
.LBB2_19:
.Ltmp16:
0x101: {  	(pc) =	sbr.rel .LBB2_20-.Ltmp16, $4  }
0x102: {  	_ = 	snop  }
0x103: {  	s0 =	simm.s32 $0x2  }
0x104: {  	_ =	swait.ge [sflag:s0], $0x0  }
0x105: {  	s30 =	smov.u32 s29;
	[sflag:s0] =	ssyncset.done $0x0;
	s0 =	simm.s32 $0x0  }
.LBB2_22:
0x106: {  	_ =	sfence.sel $0x180000  }
0x107: {  	s0 =	simm.s32 $0x9;
	[bflag:$0x0] =	sbarrier.arrive $0xFFFF  }
0x108: {  	s24 =	simm.s32 $0xA;
	[sflag:s0] =	ssyncpa.u1 $0x1  }
0x109: {  	s25 =	simm.s32 $0xB;
	[sflag:s24] =	ssyncpa.u1 $0x1  }
0x10a: {  	s26 =	simm.s32 $0x2;
	[sflag:s25] =	ssyncpa.u1 $0x1  }
0x10b: {  	[sflag:s26] =	ssyncpa.u1 $0x1  }
0x10c: {  	v0 =	vld [tilespmem:$0xF208];
	_ =	sdelay $0x4  }
0x10d: {  	(v2sf) =	vpush v0, $0x0  }
0x10e: {  	(v2sf) =	vpush v0, $0x1;
	_ =	sdelay $0x1  }
0x10f: {  	(v2sf) =	vpush v0, $0x2;
	_ =	sdelay $0xb  }
0x110: {  	s0 =	spop (v2sf)  }
0x111: {  	s2 =	spop (v2sf)  }
0x112: {  	s3 =	smov.u32 s0;
	p0 =	sne.s32 s0, s2  }
0x113: {  	s4 =	spop (v2sf);
	s3 =	simm.s32 @!p0 $0xFFFFFFFF  }
0x114: {  	v2 =	vimm.s32 $0x1;
	v3 =	vlaneseq.u32;
	p0 =	seq.s32 s4, $0xFFFFFFFF;
	v1 =	vmov s3  }
0x115: {  	s16 =	stileid.u32;
	v0 =	vperm.xlane v0, v2;
	p1 =	sne.s32 @!p0 s0, s2;
	v1 =	vperm.xlane v1, v3  }
0x116: {  	vm0 =	vcmask $0x3F04;
	s6 =	simm.s32 $0xF208;
	s0 =	simm.s32 @!p0 $0x1;
	p1 =	por !p1, p0  }
0x117: {  	s3 =	sshll.u32 s16, $0x1;
	s2 =	sshll.u32 @!p0 s4, $0x9;
	s0 =	simm.s32 @p1 $0x0;
	v0 =	vsel vm0, v1, v0  }
0x118: {  	s5 =	sor.u32 $0x1000, s3;
	s2 =	sshra.s32 @!p0 s2, $0x2;
	s0 =	sor.u32 @!p0 s0, s3;
	[tilespmem:$0xF208] =	vst v0  }
0x119: {  	[spmem:s5] =	stream.linear.scatter [tilespmem:s6], [sflag:$0x1], $0x2, $0x38;
	[tilespmem:$0x1F6F8] =	vst v63  }
0x11a: {  	s2 =	sadd.s32 @!p0 $0x108, s2;
	s0 =	sshll.u32 @!p0 s0, $0x7  }
0x11b: {  	[spmem:s0] =	stream.linear.scatter @!p0 [tilespmem:s2], [sflag:$0x1], $0x80, $0x38;
	[tilespmem:$0x1F6F8] =	vst v63  }
0x11c: {  	s0 =	simm.s32 @!p0 $0x82  }
0x11d: {  	s28 =	simm.s32 $0x1;
	s0 =	simm.s32 @p0 $0x2  }
0x11e: {  	_ =	swait.ge [sflag:s28], s0  }
0x11f: {  	s0 =	ssub.s32 $0x0, s0;
	[sflag:s28] =	ssyncset.done $0x0  }
0x120: {  	p0 =	sne.s32 s16, $0x0;
	[sflag:s28] =	ssyncadd.s32 s0  }
.Ltmp17:
0x121: {  	_ =	sfence.stream.spmem;
	(pc) =	sbr.rel @p0 .LBB2_39-.Ltmp17, $4  }
0x122: {  	s29 =	simm.s32 $0x3;
	[bflag:$0x0] =	sbarrier.arrive $0xFFFF  }
0x123: {  	s30 =	simm.s32 $0x4;
	[sflag:s29] =	ssyncpa.u1 $0x1  }
0x124: {  	s31 =	simm.s32 $0x3C;
	[sflag:s30] =	ssyncpa.u1 $0x1  }
0x125: {  	s15 =	rddreg [dreg:$0x4];
	[sflag:s31] =	ssyncpa.u1 $0x1  }
0x126: {  	_ =	sfence.stream.spmem;
	s0 =	simm.s32 $0x5  }
0x127: {  	s2 =	simm.s32 $0x1000;
	s3 =	simm.s32 $0xF218;
	[sflag:s0] =	ssyncpa.u1 $0x0  }
0x128: {  	[tilespmem:s3], [sflag:$0x5] =	stream.linear.gather [spmem:s2], $0x20, $0x38;
	[tilespmem:$0x1F6F8] =	vst v63  }
0x129: {  	s26 =	simm.s32 $0x0;
	s28 =	simm.s32 $0xF238  }
0x12a: {  	[tilespmem:s28], [sflag:$0x5] =	stream.linear.gather [spmem:s26], $0x1000, $0x38;
	[tilespmem:$0x1F6F8] =	vst v63  }
0x12b: {  	_ =	swait.ge [sflag:s0], $0x1020  }
0x12c: {  	[sflag:s0] =	ssyncset.done $0x0  }
0x12d: {  	s29 =	simm.s32 $0x0;
	[sflag:s0] =	ssyncadd.s32 $0xFFFFEFE0  }
0x12e: {  	v0 =	vld.msk [tilespmem:s29+$0xF218], $0x1;
	_ =	sdelay $0x1  }
0x12f: {  	s30 =	simm.s32 $0x1  }
0x130: {  	v1 =	vld.msk [tilespmem:s30+$0xF218], $0x1;
	_ =	sdelay $0x1  }
0x131: {  	(v2sf) =	vpush v0, $0x0;
	_ =	sdelay $0x2  }
0x132: {  	(v2sf) =	vpush v1, $0x0;
	_ =	sdelay $0x2  }
0x133: {  	s31 =	simm.s32 $0x2  }
0x134: {  	v0 =	vld.msk [tilespmem:s31+$0xF218], $0x1;
	_ =	sdelay $0x2  }
0x135: {  	s4 =	simm.s32 $0xFFFFFFFF;
	s5 =	simm.s32 $0xFFFFFFFF;
	s0 =	simm.s32 $0xC  }
.LBB2_24:
0x136: {  	s2 =	smov.u32 s5;
	s3 =	smov.u32 s4  }
0x137: {  	s4 =	sshra.s32 s0, $0x2;
	p1 =	sne.s32 s0, $0x7C;
	s0 =	sadd.s32 $0x4, s0;
	(v2sf) =	vpush v0, $0x0  }
0x138: {  	v0 =	vld.msk [tilespmem:s4+$0xF218], $0x1  }
.Ltmp18:
0x139: {  	(pc) =	sbr.rel @p1 .LBB2_24-.Ltmp18, $4  }
0x13a: {  	s5 =	spop (v2sf)  }
0x13b: {  	p2 =	sne.s32 s3, $0xFFFFFFFF;
	s4 =	smov.u32 s5  }
0x13c: {  	p3 =	seq.s32 s5, $0xFFFFFFFF;
	s4 =	smov.u32 @p2 s3  }
0x13d: {  	s5 =	smov.u32 @p3 s2;
	s4 =	smov.u32 @p3 s3  }
0x13e: {  	(v2sf) =	vpush v0, $0x0;
	_ =	sdelay $0x8  }
0x13f: {  	s0 =	spop (v2sf)  }
0x140: {  	p1 =	sne.s32 s4, $0xFFFFFFFF;
	s2 =	smov.u32 s0  }
0x141: {  	s9 =	simm.s32 $0x6;
	p2 =	seq.s32 s0, $0xFFFFFFFF;
	s2 =	smov.u32 @p1 s4  }
0x142: {  	s6 =	simm.s32 $0x0;
	s2 =	smov.u32 @p2 s4;
	s3 =	spop (v2sf)  }
0x143: {  	s0 =	smov.u32 @p2 s5;
	p1 =	sne.s32 s2, $0xFFFFFFFF;
	s4 =	smov.u32 s3  }
.Ltmp19:
0x144: {  	p2 =	seq.s32 s3, $0xFFFFFFFF;
	s4 =	smov.u32 @p1 s2;
	(pc) =	sbr.rel .LBB2_26-.Ltmp19, $4  }
0x145: {  	s10 =	simm.s32 $0xF188;
	s4 =	smov.u32 @p2 s2;
	s7 =	spop (v2sf)  }
0x146: {  	s11 =	simm.s32 $0x0;
	p1 =	sne.s32 s4, $0xFFFFFFFF;
	s8 =	smov.u32 s7  }
0x147: {  	s3 =	smov.u32 @p2 s0;
	p2 =	seq.s32 s7, $0xFFFFFFFF;
	s8 =	smov.u32 @p1 s4  }
0x148: {  	[sflag:s9] =	ssyncpa.u1 $0x0;
	s7 =	smov.u32 @p2 s3;
	s8 =	smov.u32 @p2 s4  }
.LBB2_32:
0x149: {  	p1 =	sgt.u32 s12, $0x1387F0  }
0x14a: {  	p2 =	seq.s32 @!p1 s12, s8  }
0x14b: {  	p1 =	por p1, p2  }
0x14c: {  	p2 =	sne.s32 @!p1 s12, s7  }
0x14d: {  	p1 =	por p1, !p2  }
0x14e: {  	s0 =	sshll.u32 @p1 s11, $0x9  }
0x14f: {  	s0 =	sand.u32 @!p1 $0x1FFFF8, s12  }
0x150: {  	s2 =	sand.u32 @!p1 $0x7, s12;
	s0 =	sadd.s32 @!p1 s1, s0  }
0x151: {  	[tilespmem:s10], [sflag:$0x6] =	stream.linear.gather @!p1 [hbm4b:s0+s2], $0x80, $0x38;
	[tilespmem:$0x1F6F8] =	vst v63  }
0x152: {  	_ =	swait.ge @!p1 [sflag:s9], $0x80  }
0x153: {  	[sflag:s9] =	ssyncset.done @!p1 $0x0  }
0x154: {  	[sflag:s9] =	ssyncadd.s32 @!p1 $0xFFFFFF80  }
0x155: {  	v1 =	vld @!p1 [tilespmem:$0xF188];
	_ =	sdelay $0x2  }
0x156: {  	s0 =	sshll.u32 @!p1 s11, $0x9  }
0x157: {  	s2 =	sshrl.u32 @!p1 s0, $0x2  }
0x158: {  	[tilespmem:s2+$0xF238] =	vst.add.f32.msk @!p1 $0xffff, v1  }
0x159: {  	v1 =	vld @!p1 [tilespmem:$0xF198];
	_ =	sdelay $0x4  }
0x15a: {  	[tilespmem:s2+$0xF248] =	vst.add.f32.msk @!p1 $0xffff, v1  }
0x15b: {  	v1 =	vld @!p1 [tilespmem:$0xF1A8];
	_ =	sdelay $0x4  }
0x15c: {  	[tilespmem:s2+$0xF258] =	vst.add.f32.msk @!p1 $0xffff, v1  }
0x15d: {  	v1 =	vld @!p1 [tilespmem:$0xF1B8];
	_ =	sdelay $0x4  }
0x15e: {  	[tilespmem:s2+$0xF268] =	vst.add.f32.msk @!p1 $0xffff, v1  }
0x15f: {  	v1 =	vld @!p1 [tilespmem:$0xF1C8];
	_ =	sdelay $0x4  }
0x160: {  	[tilespmem:s2+$0xF278] =	vst.add.f32.msk @!p1 $0xffff, v1  }
0x161: {  	v1 =	vld @!p1 [tilespmem:$0xF1D8];
	_ =	sdelay $0x4  }
0x162: {  	[tilespmem:s2+$0xF288] =	vst.add.f32.msk @!p1 $0xffff, v1  }
0x163: {  	v1 =	vld @!p1 [tilespmem:$0xF1E8];
	_ =	sdelay $0x4  }
0x164: {  	[tilespmem:s2+$0xF298] =	vst.add.f32.msk @!p1 $0xffff, v1  }
0x165: {  	v1 =	vld @!p1 [tilespmem:$0xF1F8];
	_ =	sdelay $0x4  }
0x166: {  	[tilespmem:s2+$0xF2A8] =	vst.add.f32.msk @!p1 $0xffff, v1  }
0x167: {  	s0 =	sshrl.u32 s0, $0x2;
	[tilespmem:s6+$0xF218] =	vst.msk $0x1, v0  }
0x168: {  	v0 =	vld [tilespmem:s0+$0xF238];
	_ =	sdelay $0x2  }
0x169: {  	s31 =	sshll.u32 s6, $0x9  }
0x16a: {  	s2 =	sshra.s32 s31, $0x2  }
0x16b: {  	[tilespmem:s2+$0xF238] =	vst v0  }
0x16c: {  	v0 =	vld [tilespmem:s0+$0xF248];
	_ =	sdelay $0x4  }
0x16d: {  	[tilespmem:s2+$0xF248] =	vst v0  }
0x16e: {  	v0 =	vld [tilespmem:s0+$0xF258];
	_ =	sdelay $0x4  }
0x16f: {  	[tilespmem:s2+$0xF258] =	vst v0  }
0x170: {  	v0 =	vld [tilespmem:s0+$0xF268];
	_ =	sdelay $0x4  }
0x171: {  	[tilespmem:s2+$0xF268] =	vst v0  }
0x172: {  	v0 =	vld [tilespmem:s0+$0xF278];
	_ =	sdelay $0x4  }
0x173: {  	[tilespmem:s2+$0xF278] =	vst v0  }
0x174: {  	v0 =	vld [tilespmem:s0+$0xF288];
	_ =	sdelay $0x4  }
0x175: {  	[tilespmem:s2+$0xF288] =	vst v0  }
0x176: {  	v0 =	vld [tilespmem:s0+$0xF298];
	_ =	sdelay $0x4  }
0x177: {  	[tilespmem:s2+$0xF298] =	vst v0  }
0x178: {  	v0 =	vld [tilespmem:s0+$0xF2A8];
	_ =	sdelay $0x4  }
0x179: {  	s6 =	sadd.s32 $0x1, s6;
	[tilespmem:s2+$0xF2A8] =	vst v0  }
.LBB2_33:
0x17a: {  	s11 =	sadd.s32 $0x1, s11  }
0x17b: {  	p1 =	sne.s32 s11, $0x20  }
.Ltmp20:
0x17c: {  	_ = 	snop;
	(pc) =	sbr.rel @!p1 .LBB2_34-.Ltmp20, $1  }
0x17d: {  	_ =	sdelay $0x3  }
.LBB2_26:
0x17e: {  	v0 =	vld.msk [tilespmem:s11+$0xF218], $0x1;
	_ =	sdelay $0x4  }
0x17f: {  	(v2sf) =	vpush v0, $0x0;
	_ =	sdelay $0xe  }
0x180: {  	s12 =	spop (v2sf)  }
0x181: {  	p1 =	seq.s32 s12, $0xFFFFFFFF  }
.Ltmp21:
0x182: {  	_ = 	snop;
	(pc) =	sbr.rel @p1 .LBB2_33-.Ltmp21, $1  }
0x183: {  	_ =	sdelay $0x3  }
0x184: {  	p1 =	slt.s32 s6, $0x1  }
.Ltmp22:
0x185: {  	_ = 	snop;
	(pc) =	sbr.rel @p1 .LBB2_32-.Ltmp22, $1  }
0x186: {  	_ =	sdelay $0x3  }
0x187: {  	s13 =	simm.s32 $0xF218;
	p1 =	por $0x0, $0x0  }
0x188: {  	v1 =	vld.msk @!p1 [tilespmem:s13+$0x0], $0x1;
	_ =	sdelay $0x4  }
0x189: {  	(v2sf) =	vpush @!p1 v1, $0x0;
	_ =	sdelay $0xd  }
0x18a: {  	p3 =	sne.s32 s6, $0x1  }
.Ltmp23:
0x18b: {  	s0 =	spop @!p1 (v2sf);
	(pc) =	sbr.rel @!p3 .LBB2_30-.Ltmp23, $4  }
0x18c: {  	p2 =	seq.s32 @!p1 s12, s0  }
0x18d: {  	s14 =	simm.s32 $0x0;
	p2 =	por !p2, p1  }
0x18e: {  	s2 =	simm.s32 $0xFFFFFFFF;
	s14 =	simm.s32 @p2 $0xFFFFFFFF  }
0x18f: {  	s0 =	simm.s32 $0x1;
	s14 =	smov.u32 @p1 s2  }
.LBB2_29:
0x190: {  	s2 =	smov.u32 s14;
	p1 =	sne.s32 s14, $0xFFFFFFFF  }
0x191: {  	s13 =	sadd.s32 $0x1, s13;
	s14 =	smov.u32 s0;
	s0 =	sadd.s32 $0x1, s0  }
0x192: {  	p2 =	sne.s32 s6, s0;
	v1 =	vld.msk @!p1 [tilespmem:s13+$0x0], $0x1;
	_ =	sdelay $0x4  }
0x193: {  	(v2sf) =	vpush @!p1 v1, $0x0;
	_ =	sdelay $0xe  }
.Ltmp24:
0x194: {  	s3 =	spop @!p1 (v2sf);
	(pc) =	sbr.rel @p2 .LBB2_29-.Ltmp24, $4  }
0x195: {  	p3 =	seq.s32 @!p1 s12, s3  }
0x196: {  	p3 =	por !p3, p1  }
0x197: {  	s14 =	simm.s32 @p3 $0xFFFFFFFF  }
0x198: {  	s14 =	smov.u32 @p1 s2  }
.LBB2_30:
0x199: {  	p1 =	seq.s32 s14, $0xFFFFFFFF  }
.Ltmp25:
0x19a: {  	_ = 	snop;
	(pc) =	sbr.rel @p1 .LBB2_32-.Ltmp25, $1  }
0x19b: {  	_ =	sdelay $0x3  }
0x19c: {  	s0 =	sshll.u32 s11, $0x7  }
0x19d: {  	s0 =	sand.u32 $0x3FFFFF80, s0  }
0x19e: {  	v0 =	vld [tilespmem:s0+$0xF238];
	_ =	sdelay $0x2  }
0x19f: {  	s2 =	sshll.u32 s14, $0x9  }
0x1a0: {  	s2 =	sshra.s32 s2, $0x2  }
0x1a1: {  	[tilespmem:s2+$0xF238] =	vst.add.f32.msk $0xffff, v0  }
0x1a2: {  	v0 =	vld [tilespmem:s0+$0xF248];
	_ =	sdelay $0x4  }
0x1a3: {  	[tilespmem:s2+$0xF248] =	vst.add.f32.msk $0xffff, v0  }
0x1a4: {  	v0 =	vld [tilespmem:s0+$0xF258];
	_ =	sdelay $0x4  }
0x1a5: {  	[tilespmem:s2+$0xF258] =	vst.add.f32.msk $0xffff, v0  }
0x1a6: {  	v0 =	vld [tilespmem:s0+$0xF268];
	_ =	sdelay $0x4  }
0x1a7: {  	[tilespmem:s2+$0xF268] =	vst.add.f32.msk $0xffff, v0  }
0x1a8: {  	v0 =	vld [tilespmem:s0+$0xF278];
	_ =	sdelay $0x4  }
0x1a9: {  	[tilespmem:s2+$0xF278] =	vst.add.f32.msk $0xffff, v0  }
0x1aa: {  	v0 =	vld [tilespmem:s0+$0xF288];
	_ =	sdelay $0x4  }
0x1ab: {  	[tilespmem:s2+$0xF288] =	vst.add.f32.msk $0xffff, v0  }
0x1ac: {  	v0 =	vld [tilespmem:s0+$0xF298];
	_ =	sdelay $0x4  }
0x1ad: {  	[tilespmem:s2+$0xF298] =	vst.add.f32.msk $0xffff, v0  }
0x1ae: {  	v0 =	vld [tilespmem:s0+$0xF2A8]  }
.Ltmp26:
0x1af: {  	_ = 	snop;
	(pc) =	sbr.rel .LBB2_33-.Ltmp26, $2  }
0x1b0: {  	_ =	sdelay $0x2  }
0x1b1: {  	[tilespmem:s2+$0xF2A8] =	vst.add.f32.msk $0xffff, v0  }
.LBB2_34:
0x1b2: {  	s0 =	simm.s32 $0x6;
	p1 =	seq.s32 s6, $0x0  }
0x1b3: {  	[sflag:s0] =	ssyncpa.u1 $0x1;
	v0 =	vimm.s32 @p1 $0xFFFFFFFF  }
0x1b4: {  	s9 =	sadd.s32 $0xFFFFFFFF, s6;
	[tilespmem:$0x10238] =	vst @p1 v0  }
0x1b5: {  	v0 =	vld.msk @!p1 [tilespmem:s9+$0xF218], $0x1;
	_ =	sdelay $0x1  }
0x1b6: {  	v1 =	vld.msk @!p1 [tilespmem:$0xF218], $0x1;
	_ =	sdelay $0x2  }
0x1b7: {  	p2 =	seq.s32 @!p1 s9, $0x0;
	v0 =	vbroadcast @!p1 v0, $0x0  }
0x1b8: {  	vm0 =	vmmov @!p1 $0x1;
	p2 =	por !p2, p1  }
0x1b9: {  	v1 =	vnsel @!p1 vm0, $0xFFFFFFFF, v1;
	vm0 =	vcmask @!p1 $0x308;
	v0 =	vpsel !p2, $0xFFFFFFFF, v0  }
0x1ba: {  	p2 =	sne.s32 @!p1 s8, s7;
	v0 =	vsel @!p1 vm0, v1, v0  }
0x1bb: {  	s0 =	simm.s32 @!p1 $0xF238;
	s2 =	simm.s32 @!p1 $0x0;
	p3 =	por !p2, p1;
	[tilespmem:$0x10238] =	vst @!p1 v0  }
0x1bc: {  	[spmem:s2] =	stream.linear.scatter @!p1 [tilespmem:s0], [sflag:$0x1], $0x80, $0x38;
	[tilespmem:$0x1F6F8] =	vst v63  }
0x1bd: {  	s0 =	sshll.u32 @!p3 s9, $0x9  }
0x1be: {  	s0 =	sshra.s32 @!p3 s0, $0x2  }
0x1bf: {  	s2 =	simm.s32 @!p3 $0x80;
	s0 =	sadd.s32 @!p3 $0xF238, s0  }
0x1c0: {  	[spmem:s2] =	stream.linear.scatter @!p3 [tilespmem:s0], [sflag:$0x1], $0x80, $0x38;
	[tilespmem:$0x1F6F8] =	vst v63  }
0x1c1: {  	s0 =	simm.s32 @!p3 $0x1  }
0x1c2: {  	_ =	swait.ge @!p3 [sflag:s0], $0x100  }
0x1c3: {  	p1 =	por p2, p1;
	[sflag:s0] =	ssyncset.done @!p3 $0x0  }
0x1c4: {  	[sflag:s0] =	ssyncadd.s32 @!p3 $0xFFFFFF00;
	s0 =	simm.s32 @!p1 $0x1  }
0x1c5: {  	_ =	swait.ge @!p1 [sflag:s0], $0x80  }
0x1c6: {  	s29 =	simm.s32 $0x10238;
	[sflag:s0] =	ssyncset.done @!p1 $0x0  }
0x1c7: {  	s30 =	simm.s32 $0x1000;
	s31 =	simm.s32 $0x1;
	[sflag:s0] =	ssyncadd.s32 @!p1 $0xFFFFFF80  }
0x1c8: {  	[spmem:s30] =	stream.linear.scatter [tilespmem:s29], [sflag:$0x1], $0x10, $0x38;
	[tilespmem:$0x1F6F8] =	vst v63  }
0x1c9: {  	_ =	swait.ge [sflag:s31], $0x10  }
0x1ca: {  	[sflag:s31] =	ssyncset.done $0x0  }
0x1cb: {  	p1 =	seq.s32 s15, $0x0;
	s8 =	rddreg [dreg:$0x1];
	[sflag:s31] =	ssyncadd.s32 $0xFFFFFFF0  }
0x1cc: {  	s2 =	sshll.u32 @p1 s8, $0xE;
	s7 =	rddreg [dreg:$0x2]  }
0x1cd: {  	s0 =	sadd.s32 @p1 $0x15C3C, s2;
	s2 =	sshll.u32 @p1 s7, $0x11  }
0x1ce: {  	_ =	sfence.stream.spmem;
	s0 =	sor.u32 @p1 s2, s0  }
0x1cf: {  	[sflag:s0] =	ssyncadd.remote.s32 @p1 $0x1;
	s0 =	simm.s32 @p1 $0x4  }
0x1d0: {  	s3 =	simm.s32 @!p1 $0x3C;
	s2 =	sand.u32 $0xFFFFFFFE, s8;
	_ =	swait.ge @p1 [sflag:s0], $0x22  }
0x1d1: {  	s4 =	simm.s32 @!p1 $0x0;
	s2 =	sadd.s32 @!p1 $0x4, s2;
	[sflag:s0] =	ssyncset.done @p1 $0x0  }
0x1d2: {  	s5 =	simm.s32 @!p1 $0x100;
	[sflag:s0] =	ssyncadd.s32 @p1 $0xFFFFFFDE;
	s0 =	sshll.u32 @!p1 s2, $0x1A  }
0x1d3: {  	s2 =	sshll.u32 @!p1 s2, $0xD;
	s0 =	sor.u32 @!p1 s0, s7;
	_ =	swait.eq @!p1 [sflag:s3], $0x1  }
0x1d4: {  	s2 =	sor.u32 @!p1 $0x1C04, s2;
	s3 =	simm.s32 @!p1 $0x1C03;
	s0 =	sor.u32 @!p1 $0x80004000, s0  }
0x1d5: {  	[spmem:s5], [sflag:s2] =	dma.general @!p1 [spmem:s4], [sflag:s3], length:$0x20, [dreg:$0x0], stride_count:$0x0, ici_dest:s0, dma_misc:DstOpCode:WRITE  }
0x1d6: {  	p2 =	slt.s32 s9, $0x2;
	s4 =	simm.s32 @!p1 $0x200;
	s5 =	simm.s32 @!p1 $0x202  }
0x1d7: {  	[spmem:s5], [sflag:s2] =	dma.general @!p1 [spmem:s4], [sflag:s3], length:$0x2, [dreg:$0x0], stride_count:$0x0, ici_dest:s0, dma_misc:DstOpCode:WRITE  }
.Ltmp27:
0x1d8: {  	s0 =	simm.s32 @!p1 $0x3;
	(pc) =	sbr.rel @p2 .LBB2_38-.Ltmp27, $4  }
0x1d9: {  	s2 =	sshll.u32 @!p1 s8, $0xE;
	_ =	swait.ge @!p1 [sflag:s0], $0x22  }
0x1da: {  	s3 =	sshll.u32 @!p1 s7, $0x11;
	s2 =	sadd.s32 @!p1 $0x11C3C, s2;
	[sflag:s0] =	ssyncset.done @!p1 $0x0  }
0x1db: {  	[sflag:s0] =	ssyncadd.s32 @!p1 $0xFFFFFFDE;
	s0 =	sor.u32 @!p1 s3, s2  }
0x1dc: {  	[sflag:s0] =	ssyncadd.remote.s32 @!p1 $0xFFFFFFFF;
	s0 =	simm.s32 $0x0  }
0x1dd: {  	s0 =	simm.s32 $0xF219  }
0x1de: {  	v0 =	vld.msk [tilespmem:s0+$0x0], $0x1;
	_ =	sdelay $0x4  }
0x1df: {  	(v2sf) =	vpush v0, $0x0;
	_ =	sdelay $0xb  }
0x1e0: {  	s31 =	sadd.s32 $0xFFFFFFFE, s6  }
0x1e1: {  	s0 =	sadd.s32 $0xFFFFFFFF, s31  }
0x1e2: {  	p2 =	sne.s32 s0, $0x0  }
.Ltmp28:
0x1e3: {  	s2 =	spop (v2sf);
	(pc) =	sbr.rel @!p2 .LBB2_37-.Ltmp28, $4  }
0x1e4: {  	s4 =	simm.s32 $0xF2B8;
	s7 =	simm.s32 $0x0;
	p1 =	sgt.u32 s2, $0x1387F0  }
0x1e5: {  	s5 =	simm.s32 $0x0;
	s6 =	simm.s32 $0xF21A;
	s3 =	sand.u32 @!p1 $0x1FFFF8, s2  }
0x1e6: {  	s2 =	sand.u32 @!p1 $0x7, s2;
	s7 =	simm.s32 @!p1 $0x200;
	s3 =	sadd.s32 @!p1 s1, s3  }
0x1e7: {  	[hbm4b:s3+s2] =	stream.linear.scatter @!p1 [tilespmem:s4], [sflag:$0x5], $0x80, $0x38;
	[tilespmem:$0x1F6F8] =	vst v63  }
.LBB2_36:
0x1e8: {  	v0 =	vld.msk [tilespmem:s6+$0x0], $0x1;
	s0 =	sadd.s32 $0xFFFFFFFF, s0;
	s5 =	sadd.s32 s5, s7  }
0x1e9: {  	p1 =	sne.s32 s0, $0x0;
	_ =	sdelay $0x3  }
0x1ea: {  	(v2sf) =	vpush v0, $0x0;
	_ =	sdelay $0xe  }
.Ltmp29:
0x1eb: {  	s2 =	spop (v2sf);
	(pc) =	sbr.rel @p1 .LBB2_36-.Ltmp29, $4  }
0x1ec: {  	s7 =	simm.s32 $0x0;
	p2 =	sgt.u32 s2, $0x1387F0  }
0x1ed: {  	s4 =	sadd.s32 $0x80, s4;
	s7 =	simm.s32 @!p2 $0x200;
	s3 =	sand.u32 @!p2 $0x1FFFF8, s2  }
0x1ee: {  	s6 =	sadd.s32 $0x1, s6;
	s2 =	sand.u32 @!p2 $0x7, s2;
	s3 =	sadd.s32 @!p2 s1, s3  }
0x1ef: {  	[hbm4b:s3+s2] =	stream.linear.scatter @!p2 [tilespmem:s4], [sflag:$0x5], $0x80, $0x38;
	[tilespmem:$0x1F6F8] =	vst v63  }
.LBB2_37:
0x1f0: {  	s0 =	sadd.s32 s5, s7  }
0x1f1: {  	s0 =	sshrl.u32 s0, $0x2  }
.LBB2_38:
0x1f2: {  	s2 =	simm.s32 $0x5  }
0x1f3: {  	_ =	swait.ge [sflag:s2], s0  }
0x1f4: {  	s31 =	ssub.s32 $0x0, s0;
	[sflag:s2] =	ssyncset.done $0x0  }
0x1f5: {  	[sflag:s2] =	ssyncadd.s32 s31  }
0x1f6: {  	[sflag:s2] =	ssyncpa.u1 $0x1  }
.LBB2_39:
0x1f7: {  	s0 =	sor.u32 s15, s16  }
0x1f8: {  	p1 =	sne.s32 s0, $0x0  }
.Ltmp30:
0x1f9: {  	_ = 	snop;
	(pc) =	sbr.rel @p1 .LBB2_54-.Ltmp30, $3  }
0x1fa: {  	_ =	sdelay $0x1  }
0x1fb: {  	[bflag:$0x0] =	sbarrier.arrive $0xFFFF  }
0x1fc: {  	_ =	sfence  }
0x1fd: {  	s0 =	simm.s32 $0x7  }
0x1fe: {  	s2 =	simm.s32 $0x1000;
	s3 =	simm.s32 $0xF218;
	[sflag:s0] =	ssyncpa.u1 $0x0  }
0x1ff: {  	[tilespmem:s3], [sflag:$0x7] =	stream.linear.gather [spmem:s2], $0x20, $0x38;
	[tilespmem:$0x1F6F8] =	vst v63  }
0x200: {  	s30 =	simm.s32 $0xF238;
	s2 =	simm.s32 $0x0  }
0x201: {  	[tilespmem:s30], [sflag:$0x7] =	stream.linear.gather [spmem:s2], $0x1000, $0x38;
	[tilespmem:$0x1F6F8] =	vst v63  }
.Ltmp31:
0x202: {  	_ = 	snop;
	(pc) =	sbr.rel .LBB2_41-.Ltmp31, $4  }
0x203: {  	_ =	swait.ge [sflag:s0], $0x1020  }
0x204: {  	[sflag:s0] =	ssyncset.done $0x0  }
0x205: {  	s31 =	simm.s32 $0x8;
	[sflag:s0] =	ssyncadd.s32 $0xFFFFEFE0  }
0x206: {  	s3 =	simm.s32 $0x0;
	[sflag:s31] =	ssyncpa.u1 $0x0  }
.LBB2_47:
0x207: {  	p1 =	slt.u32 s4, $0x1387F1  }
0x208: {  	s0 =	sand.u32 @p1 $0x1FFFF8, s4  }
0x209: {  	s4 =	sand.u32 @p1 $0x7, s4;
	s5 =	simm.s32 @p1 $0xF188;
	s0 =	sadd.s32 @p1 s1, s0  }
0x20a: {  	[tilespmem:s5], [sflag:$0x8] =	stream.linear.gather @p1 [hbm4b:s0+s4], $0x80, $0x38;
	[tilespmem:$0x1F6F8] =	vst v63  }
0x20b: {  	s0 =	simm.s32 @p1 $0x8  }
0x20c: {  	_ =	swait.ge @p1 [sflag:s0], $0x80  }
0x20d: {  	[sflag:s0] =	ssyncset.done @p1 $0x0  }
0x20e: {  	[sflag:s0] =	ssyncadd.s32 @p1 $0xFFFFFF80  }
0x20f: {  	v1 =	vld @p1 [tilespmem:$0xF188];
	_ =	sdelay $0x2  }
0x210: {  	s0 =	sshll.u32 @p1 s3, $0x9  }
0x211: {  	s4 =	sshrl.u32 @p1 s0, $0x2  }
0x212: {  	[tilespmem:s4+$0xF238] =	vst.add.f32.msk @p1 $0xffff, v1  }
0x213: {  	v1 =	vld @p1 [tilespmem:$0xF198];
	_ =	sdelay $0x4  }
0x214: {  	[tilespmem:s4+$0xF248] =	vst.add.f32.msk @p1 $0xffff, v1  }
0x215: {  	v1 =	vld @p1 [tilespmem:$0xF1A8];
	_ =	sdelay $0x4  }
0x216: {  	[tilespmem:s4+$0xF258] =	vst.add.f32.msk @p1 $0xffff, v1  }
0x217: {  	v1 =	vld @p1 [tilespmem:$0xF1B8];
	_ =	sdelay $0x4  }
0x218: {  	[tilespmem:s4+$0xF268] =	vst.add.f32.msk @p1 $0xffff, v1  }
0x219: {  	v1 =	vld @p1 [tilespmem:$0xF1C8];
	_ =	sdelay $0x4  }
0x21a: {  	[tilespmem:s4+$0xF278] =	vst.add.f32.msk @p1 $0xffff, v1  }
0x21b: {  	v1 =	vld @p1 [tilespmem:$0xF1D8];
	_ =	sdelay $0x4  }
0x21c: {  	[tilespmem:s4+$0xF288] =	vst.add.f32.msk @p1 $0xffff, v1  }
0x21d: {  	v1 =	vld @p1 [tilespmem:$0xF1E8];
	_ =	sdelay $0x4  }
0x21e: {  	[tilespmem:s4+$0xF298] =	vst.add.f32.msk @p1 $0xffff, v1  }
0x21f: {  	v1 =	vld @p1 [tilespmem:$0xF1F8];
	_ =	sdelay $0x3  }
0x220: {  	s5 =	sshll.u32 @!p1 s3, $0x9  }
0x221: {  	s5 =	smov.u32 @p1 s0;
	[tilespmem:s4+$0xF2A8] =	vst.add.f32.msk @p1 $0xffff, v1  }
0x222: {  	s0 =	sshrl.u32 s5, $0x2;
	[tilespmem:s2+$0xF218] =	vst.msk $0x1, v0  }
0x223: {  	v0 =	vld [tilespmem:s0+$0xF238];
	_ =	sdelay $0x2  }
0x224: {  	s31 =	sshll.u32 s2, $0x9  }
0x225: {  	s4 =	sshra.s32 s31, $0x2  }
0x226: {  	[tilespmem:s4+$0xF238] =	vst v0  }
0x227: {  	v0 =	vld [tilespmem:s0+$0xF248];
	_ =	sdelay $0x4  }
0x228: {  	[tilespmem:s4+$0xF248] =	vst v0  }
0x229: {  	v0 =	vld [tilespmem:s0+$0xF258];
	_ =	sdelay $0x4  }
0x22a: {  	[tilespmem:s4+$0xF258] =	vst v0  }
0x22b: {  	v0 =	vld [tilespmem:s0+$0xF268];
	_ =	sdelay $0x4  }
0x22c: {  	[tilespmem:s4+$0xF268] =	vst v0  }
0x22d: {  	v0 =	vld [tilespmem:s0+$0xF278];
	_ =	sdelay $0x4  }
0x22e: {  	[tilespmem:s4+$0xF278] =	vst v0  }
0x22f: {  	v0 =	vld [tilespmem:s0+$0xF288];
	_ =	sdelay $0x4  }
0x230: {  	[tilespmem:s4+$0xF288] =	vst v0  }
0x231: {  	v0 =	vld [tilespmem:s0+$0xF298];
	_ =	sdelay $0x4  }
0x232: {  	[tilespmem:s4+$0xF298] =	vst v0  }
0x233: {  	v0 =	vld [tilespmem:s0+$0xF2A8];
	_ =	sdelay $0x4  }
0x234: {  	s2 =	sadd.s32 $0x1, s2;
	[tilespmem:s4+$0xF2A8] =	vst v0  }
.LBB2_48:
0x235: {  	s3 =	sadd.s32 $0x1, s3  }
0x236: {  	p1 =	sne.s32 s3, $0x20  }
.Ltmp32:
0x237: {  	_ = 	snop;
	(pc) =	sbr.rel @!p1 .LBB2_49-.Ltmp32, $1  }
0x238: {  	_ =	sdelay $0x3  }
.LBB2_41:
0x239: {  	v0 =	vld.msk [tilespmem:s3+$0xF218], $0x1;
	_ =	sdelay $0x4  }
0x23a: {  	(v2sf) =	vpush v0, $0x0;
	_ =	sdelay $0xe  }
0x23b: {  	s4 =	spop (v2sf)  }
0x23c: {  	p1 =	seq.s32 s4, $0xFFFFFFFF  }
.Ltmp33:
0x23d: {  	_ = 	snop;
	(pc) =	sbr.rel @p1 .LBB2_48-.Ltmp33, $1  }
0x23e: {  	_ =	sdelay $0x3  }
0x23f: {  	p1 =	slt.s32 s2, $0x1  }
.Ltmp34:
0x240: {  	_ = 	snop;
	(pc) =	sbr.rel @p1 .LBB2_47-.Ltmp34, $1  }
0x241: {  	_ =	sdelay $0x3  }
0x242: {  	s5 =	simm.s32 $0xF218;
	p1 =	por $0x0, $0x0  }
0x243: {  	v1 =	vld.msk @!p1 [tilespmem:s5+$0x0], $0x1;
	_ =	sdelay $0x4  }
0x244: {  	(v2sf) =	vpush @!p1 v1, $0x0;
	_ =	sdelay $0xd  }
0x245: {  	p3 =	sne.s32 s2, $0x1  }
.Ltmp35:
0x246: {  	s0 =	spop @!p1 (v2sf);
	(pc) =	sbr.rel @!p3 .LBB2_45-.Ltmp35, $4  }
0x247: {  	p2 =	seq.s32 @!p1 s4, s0  }
0x248: {  	s6 =	simm.s32 $0x0;
	p2 =	por !p2, p1  }
0x249: {  	s7 =	simm.s32 $0xFFFFFFFF;
	s6 =	simm.s32 @p2 $0xFFFFFFFF  }
0x24a: {  	s0 =	simm.s32 $0x1;
	s6 =	smov.u32 @p1 s7  }
.LBB2_44:
0x24b: {  	s7 =	smov.u32 s6;
	p1 =	sne.s32 s6, $0xFFFFFFFF  }
0x24c: {  	s5 =	sadd.s32 $0x1, s5;
	s6 =	smov.u32 s0;
	s0 =	sadd.s32 $0x1, s0  }
0x24d: {  	p2 =	sne.s32 s2, s0;
	v1 =	vld.msk @!p1 [tilespmem:s5+$0x0], $0x1;
	_ =	sdelay $0x4  }
0x24e: {  	(v2sf) =	vpush @!p1 v1, $0x0;
	_ =	sdelay $0xe  }
.Ltmp36:
0x24f: {  	s8 =	spop @!p1 (v2sf);
	(pc) =	sbr.rel @p2 .LBB2_44-.Ltmp36, $4  }
0x250: {  	p3 =	seq.s32 @!p1 s4, s8  }
0x251: {  	p3 =	por !p3, p1  }
0x252: {  	s6 =	simm.s32 @p3 $0xFFFFFFFF  }
0x253: {  	s6 =	smov.u32 @p1 s7  }
.LBB2_45:
0x254: {  	p1 =	seq.s32 s6, $0xFFFFFFFF  }
.Ltmp37:
0x255: {  	_ = 	snop;
	(pc) =	sbr.rel @p1 .LBB2_47-.Ltmp37, $1  }
0x256: {  	_ =	sdelay $0x3  }
0x257: {  	s0 =	sshll.u32 s3, $0x7  }
0x258: {  	s0 =	sand.u32 $0x3FFFFF80, s0  }
0x259: {  	v0 =	vld [tilespmem:s0+$0xF238];
	_ =	sdelay $0x2  }
0x25a: {  	s4 =	sshll.u32 s6, $0x9  }
0x25b: {  	s4 =	sshra.s32 s4, $0x2  }
0x25c: {  	[tilespmem:s4+$0xF238] =	vst.add.f32.msk $0xffff, v0  }
0x25d: {  	v0 =	vld [tilespmem:s0+$0xF248];
	_ =	sdelay $0x4  }
0x25e: {  	[tilespmem:s4+$0xF248] =	vst.add.f32.msk $0xffff, v0  }
0x25f: {  	v0 =	vld [tilespmem:s0+$0xF258];
	_ =	sdelay $0x4  }
0x260: {  	[tilespmem:s4+$0xF258] =	vst.add.f32.msk $0xffff, v0  }
0x261: {  	v0 =	vld [tilespmem:s0+$0xF268];
	_ =	sdelay $0x4  }
0x262: {  	[tilespmem:s4+$0xF268] =	vst.add.f32.msk $0xffff, v0  }
0x263: {  	v0 =	vld [tilespmem:s0+$0xF278];
	_ =	sdelay $0x4  }
0x264: {  	[tilespmem:s4+$0xF278] =	vst.add.f32.msk $0xffff, v0  }
0x265: {  	v0 =	vld [tilespmem:s0+$0xF288];
	_ =	sdelay $0x4  }
0x266: {  	[tilespmem:s4+$0xF288] =	vst.add.f32.msk $0xffff, v0  }
0x267: {  	v0 =	vld [tilespmem:s0+$0xF298];
	_ =	sdelay $0x4  }
0x268: {  	[tilespmem:s4+$0xF298] =	vst.add.f32.msk $0xffff, v0  }
0x269: {  	v0 =	vld [tilespmem:s0+$0xF2A8]  }
.Ltmp38:
0x26a: {  	_ = 	snop;
	(pc) =	sbr.rel .LBB2_48-.Ltmp38, $2  }
0x26b: {  	_ =	sdelay $0x2  }
0x26c: {  	[tilespmem:s4+$0xF2A8] =	vst.add.f32.msk $0xffff, v0  }
.LBB2_49:
0x26d: {  	p1 =	slt.s32 s2, $0x1  }
.Ltmp39:
0x26e: {  	_ = 	snop;
	(pc) =	sbr.rel @p1 .LBB2_53-.Ltmp39, $3  }
0x26f: {  	_ =	sdelay $0x1  }
0x270: {  	s0 =	simm.s32 $0x8  }
0x271: {  	s3 =	simm.s32 $0x0;
	[sflag:s0] =	ssyncpa.u1 $0x1  }
0x272: {  	s0 =	simm.s32 $0xF218  }
0x273: {  	v0 =	vld.msk [tilespmem:s0+$0x0], $0x1;
	_ =	sdelay $0x4  }
0x274: {  	(v2sf) =	vpush v0, $0x0;
	_ =	sdelay $0xe  }
0x275: {  	s0 =	sadd.s32 $0xFFFFFFFF, s2;
	s5 =	spop (v2sf)  }
0x276: {  	p2 =	sne.s32 s0, $0x0;
	p1 =	sgt.u32 s5, $0x1387F0  }
.Ltmp40:
0x277: {  	s6 =	sand.u32 @!p1 $0x1FFFF8, s5;
	(pc) =	sbr.rel @!p2 .LBB2_52-.Ltmp40, $4  }
0x278: {  	s4 =	simm.s32 $0xF238;
	s5 =	sand.u32 @!p1 $0x7, s5;
	s2 =	sadd.s32 @!p1 s1, s6  }
0x279: {  	[hbm4b:s2+s5] =	stream.linear.scatter @!p1 [tilespmem:s4], [sflag:$0x7], $0x80, $0x38;
	[tilespmem:$0x1F6F8] =	vst v63  }
0x27a: {  	s5 =	simm.s32 $0x0  }
0x27b: {  	s2 =	simm.s32 $0xF219;
	s5 =	simm.s32 @!p1 $0x200  }
.LBB2_51:
0x27c: {  	v0 =	vld.msk [tilespmem:s2+$0x0], $0x1;
	s0 =	sadd.s32 $0xFFFFFFFF, s0;
	s3 =	sadd.s32 s3, s5  }
0x27d: {  	p1 =	sne.s32 s0, $0x0;
	_ =	sdelay $0x3  }
0x27e: {  	(v2sf) =	vpush v0, $0x0;
	_ =	sdelay $0xe  }
.Ltmp41:
0x27f: {  	s6 =	spop (v2sf);
	(pc) =	sbr.rel @p1 .LBB2_51-.Ltmp41, $4  }
0x280: {  	s5 =	simm.s32 $0x0;
	p2 =	sgt.u32 s6, $0x1387F0  }
0x281: {  	s4 =	sadd.s32 $0x80, s4;
	s5 =	simm.s32 @!p2 $0x200;
	s7 =	sand.u32 @!p2 $0x1FFFF8, s6  }
0x282: {  	s2 =	sadd.s32 $0x1, s2;
	s6 =	sand.u32 @!p2 $0x7, s6;
	s7 =	sadd.s32 @!p2 s1, s7  }
0x283: {  	[hbm4b:s7+s6] =	stream.linear.scatter @!p2 [tilespmem:s4], [sflag:$0x7], $0x80, $0x38;
	[tilespmem:$0x1F6F8] =	vst v63  }
.LBB2_52:
0x284: {  	s0 =	sadd.s32 s3, s5  }
0x285: {  	s3 =	sshrl.u32 s0, $0x2  }
.LBB2_53:
0x286: {  	s0 =	simm.s32 $0x7  }
0x287: {  	_ =	swait.ge [sflag:s0], s3  }
0x288: {  	s1 =	ssub.s32 $0x0, s3;
	[sflag:s0] =	ssyncset.done $0x0  }
0x289: {  	[sflag:s0] =	ssyncadd.s32 s1  }
0x28a: {  	[sflag:s0] =	ssyncpa.u1 $0x1  }
.LBB2_54:
0x28b: {  	_ =	sfence;
	s0 =	simm.s32 $0x1  }
0x28c: {  	[sflag:s0] =	ssyncpa.u1 $0x1  }
0x28d: {  	_ =	strace $0x90000053  }
0x28e: {  	[bflag:$0x2] =	sbarrier.arrive $0xFFFF  }
0x28f: {  	s0 =	rddreg [dreg:$0x3]  }
0x290: {  	s0 =	sadd.s32 @!p0 $0x100000, s0  }
0x291: {  	[sflag:s0] =	ssyncadd.tile.s32 @!p0 $0x1;
	_ =	shalt  }
.Lfunc_end2:
_tile_overlayer_lowered:
.L_overlay_start_2:
0x292: {  	(tag) =	ssettag $0x2  }
0x293: {  	s0 =	rddreg [dreg:$0x0];
	s2 =	stileid.u32  }
0x294: {  	s1 =	rddreg [dreg:$0x1];
	p0 =	sne.s32 s2, $0x0  }
0x295: {  	s3 =	rddreg [dreg:$0x2];
	[bflag:$0x3] =	sbarrier.arrive $0xFFFF;
	s2 =	simm.s32 @!p0 $0x1C01  }
0x296: {  	[timem:s3], [sflag:s2] =	dma.local @!p0 [hbm:s0], s1  }
0x297: {  	s0 =	simm.s32 @!p0 $0x1  }
0x298: {  	_ =	swait.ge @!p0 [sflag:s0], s1  }
0x299: {  	s1 =	ssub.s32 @!p0 $0x0, s1;
	[sflag:s0] =	ssyncset.done @!p0 $0x0  }
0x29a: {  	[sflag:s0] =	ssyncadd.s32 @!p0 s1  }
0x29b: {  	[bflag:$0x3] =	sbarrier.arrive $0xFFFF  }
0x29c: {  	_ =	shalt  }

// kernel: scatter_offload_async_start
scs
__scs_entry_jumppad:
0x0: {  	(pc) =	sbr.rel $0x88, $3  }
0x1: {  	(tag) =	ssettag $0x0;
	lr =	simm.s32 $0x1  }
0x2: {  	[smem:$0x3F87] =	sst lr;
	_ =	strace $0xD0000000  }
0x3: {  	_ = 	snop  }
0x4: {  	_ = 	snop  }
0x5: {  	_ = 	snop  }
0x6: {  	_ = 	snop  }
0x7: {  	_ = 	snop  }
__scs_overlays_trampoline_lowered:
0x8: {  	[smem:$0x3F96] =	sst s0  }
0x9: {  	[smem:$0x3F97] =	sst s1  }
0xa: {  	[smem:$0x3F98] =	sst s2  }
0xb: {  	[smem:$0x3F99] =	sst s3  }
0xc: {  	[smem:$0x3F9A] =	sst s4  }
0xd: {  	[smem:$0x3F9B] =	sst s5  }
0xe: {  	[smem:$0x3F9C] =	sst s6  }
0xf: {  	[smem:$0x3F9D] =	sst s7  }
0x10: {  	[smem:$0x3F9E] =	sst s8  }
0x11: {  	[smem:$0x3F9F] =	sst s9;
	s0 =	simm.s32 @!p0 $0x0  }
0x12: {  	s1 =	sld [smem:$0x3F85];
	s0 =	simm.s32 @p0 $0x1  }
0x13: {  	[smem:$0x3FA0] =	sst s0;
	s0 =	simm.s32 @!p1 $0x0  }
0x14: {  	s2 =	sld [smem:$0x3F84];
	s0 =	simm.s32 @p1 $0x1  }
0x15: {  	[smem:$0x3FA1] =	sst s0;
	s0 =	simm.s32 @!p2 $0x0  }
0x16: {  	s3 =	sld [smem:$0x3FDB];
	s0 =	simm.s32 @p2 $0x1  }
0x17: {  	s4 =	simm.s32 $0x1BF5;
	[smem:$0x3FA3] =	sst s0  }
0x18: {  	s0 =	sld [smem:$0x3F86];
	_ =	swait.ge [sflag:s4], $0x0  }
0x19: {  	s7 =	sld [smem:$0x3F87]  }
0x1a: {  	s8 =	sadd.s32 $0xFFFFE003, lr  }
0x1b: {  	s9 =	sadd.s32 $0xFFFFFEF7, lr;
	s5 =	simm.s32 $0xFFFFFFFF;
	p2 =	slt.u32 s8, $0xFFFFF086  }
0x1c: {  	p1 =	slt.u32 s9, $0xF7A;
	s5 =	simm.s32 @!p2 $0x0  }
0x1d: {  	s5 =	simm.s32 @p1 $0x1;
	p0 =	seq.s32 s7, s2  }
0x1e: {  	s7 =	smul.u32 @!p0 $0xF7A, s2;
	p2 =	seq.s32 @!p0 s5, $0x0  }
0x1f: {  	s9 =	smul.u32 $0xF7A, s1;
	s8 =	simm.s32 @!p0 $0x1BF5;
	p2 =	por !p2, p0  }
0x20: {  	[sflag:s8] =	ssyncset.s32 @!p0 $0xFFFFF086;
	s6 =	sadd.s32 @!p0 s3, s7;
	s7 =	simm.s32 @!p0 $0x108  }
0x21: {  	s3 =	sadd.s32 s3, s9;
	s6 =	sadd.s32 @!p0 $0x88, s6;
	s7 =	simm.s32 @p2 $0x1082  }
0x22: {  	[simem:s7], [sflag:s8] =	dma.local @!p0 [hbm:s6], $0xF7A  }
0x23: {  	s9 =	sor.u32 $0xD0000000, s2;
	s6 =	simm.s32 $0x108;
	_ =	swait.ge @!p0 [sflag:s8], $0x0  }
0x24: {  	s3 =	sadd.s32 $0x88, s3;
	s6 =	simm.s32 @!p1 $0x1082;
	[sflag:s4] =	ssyncset.s32 $0xFFFFF086  }
0x25: {  	[simem:s6], [sflag:s4] =	dma.local [hbm:s3], $0xF7A  }
0x26: {  	[smem:$0x3F87] =	sst s1;
	(tag) =	ssettag s2;
	_ =	strace s9  }
0x27: {  	s1 =	sld [smem:$0x3F97]  }
0x28: {  	s2 =	sld [smem:$0x3F98]  }
0x29: {  	s4 =	sld [smem:$0x3F9A]  }
0x2a: {  	p0 =	seq.s32 s5, $0x0;
	s5 =	sld [smem:$0x3F9B]  }
0x2b: {  	s6 =	sld [smem:$0x3F9C]  }
0x2c: {  	s7 =	sld [smem:$0x3F9D]  }
0x2d: {  	s3 =	simm.s32 $0x108;
	s8 =	sld [smem:$0x3F9E]  }
0x2e: {  	s3 =	simm.s32 @!p0 $0x1082;
	s9 =	sld [smem:$0x3F9F]  }
0x2f: {  	lr =	sadd.s32 s0, s3;
	s0 =	sld [smem:$0x3F96]  }
0x30: {  	s3 =	sld [smem:$0x3F99]  }
0x31: {  	[smem:$0x3FA2] =	sst s10  }
0x32: {  	s10 =	sld [smem:$0x3FA0];
	_ =	sdelay $0x3  }
0x33: {  	p0 =	seq.s32 s10, $0x1;
	s10 =	sld [smem:$0x3FA2];
	_ =	sdelay $0x3  }
0x34: {  	[smem:$0x3FA2] =	sst s10  }
0x35: {  	s10 =	sld [smem:$0x3FA1];
	_ =	sdelay $0x3  }
0x36: {  	p1 =	seq.s32 s10, $0x1;
	s10 =	sld [smem:$0x3FA2];
	_ =	sdelay $0x3  }
0x37: {  	[smem:$0x3FA2] =	sst s10  }
0x38: {  	s10 =	sld [smem:$0x3FA3]  }
0x39: {  	_ = 	snop;
	(pc) =	sbr.ind lr, $3  }
0x3a: {  	_ = 	snop  }
0x3b: {  	_ = 	snop  }
0x3c: {  	p2 =	seq.s32 s10, $0x1;
	s10 =	sld [smem:$0x3FA2]  }
0x3d: {  	_ =	shalt  }
0x3e: {  	_ =	shalt  }
0x3f: {  	_ =	shalt  }
0x40: {  	_ =	shalt  }
0x41: {  	_ =	shalt  }
0x42: {  	_ =	shalt  }
0x43: {  	_ =	shalt  }
0x44: {  	_ =	shalt  }
0x45: {  	_ =	shalt  }
0x46: {  	_ =	shalt  }
0x47: {  	_ =	shalt  }
0x48: {  	_ =	shalt  }
0x49: {  	_ =	shalt  }
0x4a: {  	_ =	shalt  }
0x4b: {  	_ =	shalt  }
0x4c: {  	_ =	shalt  }
0x4d: {  	_ =	shalt  }
0x4e: {  	_ =	shalt  }
0x4f: {  	_ =	shalt  }
0x50: {  	_ =	shalt  }
0x51: {  	_ =	shalt  }
0x52: {  	_ =	shalt  }
0x53: {  	_ =	shalt  }
0x54: {  	_ =	shalt  }
0x55: {  	_ =	shalt  }
0x56: {  	_ =	shalt  }
0x57: {  	_ =	shalt  }
0x58: {  	_ =	shalt  }
0x59: {  	_ =	shalt  }
0x5a: {  	_ =	shalt  }
0x5b: {  	_ =	shalt  }
0x5c: {  	_ =	shalt  }
0x5d: {  	_ =	shalt  }
0x5e: {  	_ =	shalt  }
0x5f: {  	_ =	shalt  }
0x60: {  	_ =	shalt  }
0x61: {  	_ =	shalt  }
0x62: {  	_ =	shalt  }
0x63: {  	_ =	shalt  }
0x64: {  	_ =	shalt  }
0x65: {  	_ =	shalt  }
0x66: {  	_ =	shalt  }
0x67: {  	_ =	shalt  }
0x68: {  	_ =	shalt  }
0x69: {  	_ =	shalt  }
0x6a: {  	_ =	shalt  }
0x6b: {  	_ =	shalt  }
0x6c: {  	_ =	shalt  }
0x6d: {  	_ =	shalt  }
0x6e: {  	_ =	shalt  }
0x6f: {  	_ =	shalt  }
0x70: {  	_ =	shalt  }
0x71: {  	_ =	shalt  }
0x72: {  	_ =	shalt  }
0x73: {  	_ =	shalt  }
0x74: {  	_ =	shalt  }
0x75: {  	_ =	shalt  }
0x76: {  	_ =	shalt  }
0x77: {  	_ =	shalt  }
0x78: {  	_ =	shalt  }
0x79: {  	_ =	shalt  }
0x7a: {  	_ =	shalt  }
0x7b: {  	_ =	shalt  }
0x7c: {  	_ =	shalt  }
0x7d: {  	_ =	shalt  }
0x7e: {  	_ =	shalt  }
0x7f: {  	_ =	shalt  }
0x80: {  	_ =	shalt  }
0x81: {  	_ =	shalt  }
0x82: {  	_ =	shalt  }
0x83: {  	_ =	shalt  }
0x84: {  	_ =	shalt  }
0x85: {  	_ =	shalt  }
0x86: {  	_ =	shalt  }
0x87: {  	_ =	shalt  }
.Lfunc_end0:
.L_simem_size_0:
called_computation_lowered:
.L_overlay_start_0:
0x88: {  	s2 =	sld [smem:$0x3FD9]  }
0x89: {  	s3 =	sld [smem:$0x3FFE];
	_ =	sdelay $0x1  }
0x8a: {  	s1 =	srdreg.scid  }
0x8b: {  	s0 =	sand.u32 $0x1, s1  }
0x8c: {  	s15 =	sshll.u32 s0, $0xA;
	s2 =	sadd.s32 s3, s2  }
0x8d: {  	s2 =	sadd.s32 s2, s15  }
0x8e: {  	[smem:$0x3FAE] =	sst s2  }
0x8f: {  	_ = 	snop  }
0x90: {  	s2 =	sld [smem:$0x3FD0];
	_ =	sdelay $0x2  }
0x91: {  	s16 =	simm.s32 $0xC;
	s4 =	simm.s32 $0x10  }
0x92: {  	[smem:s4], [sflag:s16] =	dma.local [hbm:s2], $0x1  }
0x93: {  	_ =	swait.eq [sflag:s16], $0x1  }
0x94: {  	[sflag:s16] =	ssyncset.done $0x0  }
0x95: {  	[sflag:s16] =	ssyncadd.s32 $0xFFFFFFFF  }
0x96: {  	s17 =	sld [smem:$0x10];
	(tm) =	ssettm $0x1  }
0x97: {  	s18 =	sld [smem:$0x3FFB];
	_ =	sdelay $0x3  }
0x98: {  	_ =	strace s18  }
0x99: {  	s2 =	sld [smem:$0x3FFC];
	_ =	sdelay $0x3  }
0x9a: {  	_ =	strace s2  }
0x9b: {  	s2 =	sld [smem:$0x3FFD];
	_ =	sdelay $0x3  }
0x9c: {  	_ =	strace s2  }
0x9d: {  	_ =	strace $0x8FFFFFFF  }
0x9e: {  	s19 =	sld [smem:$0x3FDB];
	_ =	sdelay $0x1  }
0x9f: {  	s20 =	simm.s32 $_scs_section_size  }
0xa0: {  	s5 =	simm.s32 $_size__tile_overlayer_lowered;
	s6 =	simm.s32 $_tile_overlayer_lowered  }
0xa1: {  	s7 =	simm.s32 $0x1BFF;
	s21 =	sshll.u32 s6, $0x1;
	s4 =	sadd.s32 s20, s19  }
0xa2: {  	s22 =	simm.s32 $0x0;
	s5 =	sshll.u32 s5, $0x1;
	s6 =	sadd.s32 s21, s4  }
0xa3: {  	[timem:s22], [sflag:s7] =	dma.local [hbm:s6], s5  }
0xa4: {  	_ =	swait.ge [sflag:s7], s5  }
0xa5: {  	s5 =	ssub.s32 $0x0, s5;
	[sflag:s7] =	ssyncset.done $0x0  }
0xa6: {  	[sflag:s7] =	ssyncadd.s32 s5;
	_ =	sdelay $0x1  }
0xa7: {  	s23 =	simm.s32 $0x1B8B  }
0xa8: {  	_ =	swait.ge [sflag:s23], $0x1  }
0xa9: {  	[sflag:s23] =	ssyncset.done $0x0  }
0xaa: {  	[sflag:s23] =	ssyncadd.s32 $0xFFFFFFFF  }
0xab: {  	s5 =	sld [smem:$0x0]  }
0xac: {  	s6 =	sand.u32 $0xFFFFFFFE, s1  }
0xad: {  	p0 =	sne.s32 s1, s6  }
0xae: {  	s6 =	sshll.u32 @p0 s6, $0xE  }
0xaf: {  	s6 =	sadd.s32 @p0 $0x11B8D, s6;
	s7 =	sshll.u32 @p0 s5, $0x11  }
0xb0: {  	s6 =	sor.u32 @p0 s7, s6  }
0xb1: {  	[sflag:s6] =	ssyncadd.remote.s32 @p0 $0x1;
	_ =	sdelay $0x1  }
0xb2: {  	s6 =	simm.s32 @p0 $0x1B8D  }
0xb3: {  	_ =	swait.eq @p0 [sflag:s6], $0x1  }
0xb4: {  	[sflag:s6] =	ssyncadd.s32 @p0 $0xFFFFFFFF  }
0xb5: {  	s7 =	sshll.u32 @!p0 s1, $0xE  }
0xb6: {  	s7 =	sor.u32 @!p0 $0x4000, s7;
	s6 =	simm.s32 @!p0 $0x1B8D  }
0xb7: {  	s8 =	sshll.u32 @!p0 s5, $0x11;
	s7 =	sadd.s32 @!p0 $0x11B8D, s7;
	_ =	swait.eq @!p0 [sflag:s6], $0x1  }
0xb8: {  	[sflag:s6] =	ssyncadd.s32 @!p0 $0xFFFFFFFF;
	s6 =	sor.u32 @!p0 s8, s7  }
0xb9: {  	s25 =	simm.s32 $0x1B8E;
	s24 =	sld [smem:$0x3FFE];
	[sflag:s6] =	ssyncadd.remote.s32 @!p0 $0x1  }
0xba: {  	s26 =	simm.s32 $execute0_lowered;
	[smem:$0x3FD2] =	sst s25  }
0xbb: {  	s7 =	sshll.u32 s26, $0x1;
	_ =	strace $0x8000004F;
	[dreg:$0x1] =	wrdreg $0xFFFFFFFF  }
0xbc: {  	s28 =	simm.s32 $_size_execute0_lowered;
	s4 =	sadd.s32 s4, s7;
	[dreg:$0x0] =	wrdreg $0x0  }
0xbd: {  	s7 =	sshll.u32 s28, $0x1;
	[dreg:$0x2] =	wrdreg s4  }
0xbe: {  	[dreg:$0x3] =	wrdreg s7  }
0xbf: {  	[dreg:$0x4] =	wrdreg $0xC0  }
0xc0: {  	_ =	task [dreg:s22], $0x5FFFF  }
0xc1: {  	[dreg:$0x1] =	wrdreg $0xFFFFFFFF  }
0xc2: {  	[dreg:$0x0] =	wrdreg $0x60  }
0xc3: {  	[dreg:$0x2] =	wrdreg s24  }
0xc4: {  	[dreg:$0x3] =	wrdreg s17  }
0xc5: {  	[dreg:$0x4] =	wrdreg s1  }
0xc6: {  	[dreg:$0x5] =	wrdreg s5  }
0xc7: {  	[dreg:$0x6] =	wrdreg $0x9  }
0xc8: {  	_ =	task.clear_ibuf [dreg:s22], $0x7FFFF;
	_ =	strace $0x9000004F  }
0xc9: {  	s29 =	simm.s32 $0x9;
	_ =	strace $0x80000051  }
0xca: {  	_ =	swait.ge [sflag:s29], $0x1  }
0xcb: {  	[sflag:s29] =	ssyncadd.s32 $0xFFFFFFFF  }
0xcc: {  	_ =	strace $0x90000051  }
0xcd: {  	_ =	sfence  }
0xce: {  	s30 =	sld [smem:$0x0];
	_ =	sdelay $0x2  }
0xcf: {  	s31 =	sshll.u32 s1, $0xD;
	s1 =	sshrl.u32 s1, $0x2  }
0xd0: {  	s4 =	sand.u32 $0x4000, s31;
	s1 =	sadd.s32 s1, s30  }
0xd1: {  	s0 =	sor.u32 s4, s0;
	s1 =	sshll.u32 s1, $0x11  }
0xd2: {  	s0 =	sor.u32 s1, s0  }
0xd3: {  	s0 =	sadd.s32 $0x8F2B, s0  }
0xd4: {  	[sflag:s0] =	ssyncadd.remote.s32 $0x1  }
0xd5: {  	_ =	sfence.sel $0xFFFF  }
0xd6: {  	[dreg:$0x0] =	wrdreg $0xFFFFFFFF;
	(pc) =	sbr.abs _section_cstart, $3  }
0xd7: {  	[dreg:$0x1] =	wrdreg $0xFFFFFFFF  }
0xd8: {  	_ =	task.clear_ibuf [dreg:s22], $0x2FFFF;
	_ =	strace $0x9FFFFFFF  }
0xd9: {  	(tm) =	ssettm $0x7FFFFFFF  }
tec
execute0_lowered:
.L_overlay_start_1:
0x0: {  	(tag) =	ssettag $0x1  }
0x1: {  	s2 =	rddreg [dreg:$0x0]  }
0x2: {  	s15 =	rddreg [dreg:$0x1]  }
0x3: {  	s3 =	rddreg [dreg:$0x2];
	_ =	strace $0x80000050;
	s0 =	simm.s32 $0x1  }
0x4: {  	v0 =	vimm.s32 $0x0;
	[sflag:s0] =	ssyncpa.u1 $0x0;
	s0 =	simm.s32 $0x108  }
0x5: {  	[tilespmem:s0+$0x70] =	vst v0  }
0x6: {  	[tilespmem:s0+$0x60] =	vst v0  }
0x7: {  	[tilespmem:s0+$0x50] =	vst v0  }
0x8: {  	[tilespmem:s0+$0x40] =	vst v0  }
0x9: {  	[tilespmem:s0+$0x30] =	vst v0  }
0xa: {  	s1 =	sadd.s32 $0x5A6C00, s2;
	s6 =	sadd.s32 $0x2004A00, s2;
	[tilespmem:s0+$0x20] =	vst v0  }
0xb: {  	s14 =	sadd.s32 $0x1FFD400, s2;
	s5 =	sand.u32 $0x1, s3;
	s3 =	simm.s32 $0x40;
	[tilespmem:s0+$0x10] =	vst v0  }
.LBB2_1:
0xc: {  	s3 =	sadd.s32 $0x40, s3;
	[tilespmem:s0+$0x0] =	vst v0;
	s0 =	sadd.s32 $0x80, s0  }
0xd: {  	p0 =	slt.u32 s3, $0x3C40;
	[tilespmem:s0+$0x70] =	vst v0  }
0xe: {  	[tilespmem:s0+$0x60] =	vst v0  }
.Ltmp0:
0xf: {  	[tilespmem:s0+$0x50] =	vst v0;
	(pc) =	sbr.rel @p0 .LBB2_1-.Ltmp0, $4  }
0x10: {  	[tilespmem:s0+$0x40] =	vst v0  }
0x11: {  	[tilespmem:s0+$0x30] =	vst v0  }
0x12: {  	[tilespmem:s0+$0x20] =	vst v0  }
0x13: {  	[tilespmem:s0+$0x10] =	vst v0  }
0x14: {  	s9 =	stileid.u32  }
0x15: {  	s2 =	smul.u32 $0x1F, s9  }
0x16: {  	s3 =	smin.u32 s9, $0x4  }
0x17: {  	s2 =	sadd.s32 s3, s2  }
0x18: {  	p0 =	slt.u32 s9, $0x4;
	s7 =	smul.u32 $0xF0, s2;
	s2 =	simm.s32 $0x1E00  }
0x19: {  	s2 =	simm.s32 @!p0 $0x1D10  }
0x1a: {  	s2 =	sadd.s32 s2, s7  }
0x1b: {  	s8 =	smin.u32 s2, $0x1D4C0  }
0x1c: {  	s2 =	ssub.s32 s8, s7  }
0x1d: {  	p0 =	sgt.s32 s2, $0x0  }
0x1e: {  	s29 =	simm.s32 $0x2;
	s10 =	simm.s32 $0x9;
	s2 =	simm.s32 @!p0 $0x0  }
0x1f: {  	s4 =	simm.s32 $0xA;
	s11 =	simm.s32 $0xB;
	s28 =	smulhi.u32 $0x88888889, s2  }
0x20: {  	[dreg:$0x5] =	wrdreg s5;
	s31 =	smul.u32 $0x3A98, s5;
	s12 =	simm.s32 $0x1  }
0x21: {  	s22 =	simm.s32 $0x0;
	s18 =	simm.s32 $0xC;
	s30 =	sshrl.u32 s28, $0x7  }
0x22: {  	s20 =	simm.s32 $0x0;
	s21 =	simm.s32 $0x0;
	s3 =	smul.u32 $0xF0, s30  }
.Ltmp1:
0x23: {  	[tilespmem:s0+$0x0] =	vst v0;
	v0 =	vimm.s32 $0xFFFFFFFF;
	[sflag:s29] =	ssyncpa.u1 $0x0;
	s16 =	sshll.u32 s9, $0x8;
	(pc) =	sbr.rel .LBB2_3-.Ltmp1, $4  }
0x24: {  	[tilespmem:$0xF208] =	vst v0;
	[sflag:s10] =	ssyncpa.u1 $0x0;
	p0 =	sne.s32 s2, s3;
	s2 =	simm.s32 $0x1  }
0x25: {  	s14 =	sadd.s32 s31, s14;
	[sflag:s4] =	ssyncpa.u1 $0x0;
	s2 =	simm.s32 @!p0 $0x0  }
0x26: {  	s15 =	sadd.s32 s31, s15;
	[sflag:s11] =	ssyncpa.u1 $0x0;
	s13 =	sadd.s32 s2, s30  }
0x27: {  	v0 =	vlaneseq.u32;
	s19 =	smov.u32 s7;
	p0 =	por $0x0, $0x0;
	s17 =	sadd.s32 $0x1, s13  }
.LBB2_18:
0x28: {  	s0 =	sshrl.u32 s31, $0x2  }
.LBB2_20:
0x29: {  	_ =	swait.ge [sflag:s18], s0  }
0x2a: {  	s31 =	ssub.s32 $0x0, s0;
	v1 =	vmov s24;
	vm0 =	veq.s32 v0, $0x0;
	[sflag:s18] =	ssyncset.done $0x0  }
0x2b: {  	vm15 =	veq.s32 v0, $0x2;
	v1 =	vsel vm0, s30, v1;
	[sflag:s18] =	ssyncadd.s32 s31  }
0x2c: {  	v1 =	vsel vm15, s22, v1;
	[sflag:s18] =	ssyncpa.u1 $0x1  }
0x2d: {  	[tilespmem:$0xF208] =	vst v1  }
.LBB2_21:
0x2e: {  	s0 =	sadd.s32 $0xF0, s19  }
0x2f: {  	s2 =	smov.u32 s7;
	p1 =	slt.s32 s0, s8  }
0x30: {  	s2 =	smov.u32 @p1 s0;
	p1 =	sne.s32 s21, s17  }
.Ltmp2:
0x31: {  	_ = 	snop;
	(pc) =	sbr.rel @!p1 .LBB2_22-.Ltmp2, $3  }
0x32: {  	_ =	sdelay $0x1  }
0x33: {  	s22 =	smov.u32 s20;
	s31 =	sadd.s32 $0x1, s21;
	s20 =	smov.u32 s19  }
0x34: {  	p0 =	por !p0, !p0;
	s21 =	smov.u32 s31;
	s19 =	smov.u32 s2  }
.LBB2_3:
0x35: {  	p1 =	sge.u32 s21, s13  }
0x36: {  	s0 =	smulhi.u32 @!p1 $0xAAAAAAAB, s21  }
0x37: {  	s2 =	smov.u32 s19;
	p2 =	sgt.s32 @!p1 s19, $0x1D3D0  }
0x38: {  	s3 =	sshra.s32 @!p1 s19, $0x1F;
	p2 =	por !p2, p1;
	s0 =	sshrl.u32 @!p1 s0, $0x1  }
0x39: {  	s3 =	sand.u32 @!p1 s3, s19;
	s2 =	simm.s32 @p2 $0x1D3D0;
	s0 =	smul.u32 @!p1 $0x3, s0  }
0x3a: {  	s2 =	ssub.s32 @!p1 s2, s3  }
0x3b: {  	s2 =	sadd.s32 @!p1 $0xFFFE2C30, s2;
	s0 =	ssub.s32 @!p1 s21, s0  }
0x3c: {  	s3 =	sshll.u32 @!p1 s2, $0x2;
	p2 =	sgt.s32 @!p1 s2, $0xEF;
	s0 =	smul.u32 @!p1 $0x3C0, s0  }
0x3d: {  	s4 =	sand.u32 @!p1 $0x7, s19;
	s2 =	ssub.s32 @!p1 $0x3C0, s3;
	p2 =	por !p2, p1  }
0x3e: {  	s3 =	sshrl.u32 @!p1 s19, $0x3;
	s2 =	sshrl.u32 @!p1 s2, $0x2;
	s0 =	sshrl.u32 @!p1 s0, $0x2  }
0x3f: {  	s3 =	sadd.s32 @!p1 s3, s14;
	s2 =	simm.s32 @!p2 $0x0;
	s0 =	sadd.s32 @!p1 $0x10248, s0  }
0x40: {  	[tilespmem:s0], [sflag:$0xA] =	stream.linear.gather @!p1 [hbm4b:s3+s4], s2, $0x38;
	[tilespmem:$0x1F6F8] =	vst v63  }
0x41: {  	s0 =	sadd.s32 $0xFFFFFFFF, s21  }
0x42: {  	p1 =	sge.u32 s0, s13  }
0x43: {  	p2 =	sgt.s32 @!p1 s20, $0x1D3D0  }
0x44: {  	s2 =	smov.u32 s20;
	s3 =	sshra.s32 @!p1 s20, $0x1F;
	p2 =	por !p2, p1  }
0x45: {  	s3 =	sand.u32 @!p1 s3, s20;
	s2 =	simm.s32 @p2 $0x1D3D0  }
0x46: {  	s2 =	ssub.s32 @!p1 s2, s3  }
0x47: {  	s2 =	sadd.s32 @!p1 $0xFFFE2C30, s2  }
0x48: {  	s4 =	smulhi.u32 @!p1 $0xAAAAAAAB, s0;
	s5 =	sand.u32 @!p1 $0x1, s0;
	s3 =	sshll.u32 @!p1 s2, $0x2  }
0x49: {  	s24 =	smul.u32 @!p1 $0x3C0, s5;
	p2 =	sgt.s32 @!p1 s2, $0xEF;
	s2 =	ssub.s32 @!p1 $0x3C0, s3  }
0x4a: {  	p2 =	por !p2, p1;
	s3 =	sshrl.u32 @!p1 s4, $0x1;
	s2 =	sshrl.u32 @!p1 s2, $0x2  }
0x4b: {  	s4 =	simm.s32 @!p1 $0xA;
	s3 =	smul.u32 @!p1 $0x3, s3;
	s2 =	simm.s32 @!p2 $0x0  }
0x4c: {  	s5 =	smul.u32 @!p1 $0x1E000, s5;
	_ =	swait.ge @!p1 [sflag:s4], s2;
	s23 =	ssub.s32 @!p1 $0x0, s2  }
0x4d: {  	s0 =	ssub.s32 @!p1 s0, s3;
	s3 =	sshrl.u32 @!p1 s20, $0x3;
	[sflag:s4] =	ssyncset.done @!p1 $0x0  }
0x4e: {  	s3 =	sadd.s32 @!p1 s3, s15;
	[sflag:s4] =	ssyncadd.s32 @!p1 s23;
	s4 =	sshrl.u32 @!p1 s24, $0x2  }
0x4f: {  	s0 =	smul.u32 @!p1 $0x3C0, s0;
	s23 =	sand.u32 @!p1 $0x7, s20;
	s4 =	sadd.s32 @!p1 $0x10518, s4  }
0x50: {  	[tilespmem:s4], [sflag:$0xB] =	stream.linear.gather @!p1 [hbm4b:s3+s23], s2, $0x38;
	[tilespmem:$0x1F6F8] =	vst v63  }
0x51: {  	s0 =	sshrl.u32 @!p1 s0, $0x2;
	s2 =	sshrl.u32 @!p1 s5, $0x2  }
0x52: {  	s0 =	sadd.s32 @!p1 $0x10248, s0;
	s3 =	simm.s32 @!p1 $0xF0;
	s2 =	sor.u32 @!p1 $0x106F8, s2  }
0x53: {  	[tilespmem:s2], [sflag:$0x9] =	stream.indirect.gather @!p1 [hbm4b:s6+s3], $0x80, s0, s3, $0xb8;
	[tilespmem:$0x1F6F8] =	vst v63  }
0x54: {  	p1 =	slt.u32 s21, $0x2  }
.Ltmp3:
0x55: {  	_ = 	snop;
	(pc) =	sbr.rel @p1 .LBB2_21-.Ltmp3, $1  }
0x56: {  	_ =	sdelay $0x3  }
0x57: {  	p1 =	sgt.s32 s22, $0x1D3D0;
	s0 =	smov.u32 s22;
	s2 =	sshra.s32 s22, $0x1F  }
0x58: {  	s0 =	simm.s32 @!p1 $0x1D3D0;
	s2 =	sand.u32 s2, s22  }
0x59: {  	s0 =	ssub.s32 s0, s2  }
0x5a: {  	s0 =	sadd.s32 $0xFFFE2C30, s0  }
0x5b: {  	s29 =	sshll.u32 s0, $0x2  }
0x5c: {  	_ =	swait.ge [sflag:s10], $0x7800;
	s2 =	ssub.s32 $0x3C0, s29  }
0x5d: {  	[sflag:s10] =	ssyncset.done $0x0;
	p1 =	sgt.s32 s0, $0xEF;
	s0 =	sshrl.u32 s2, $0x2  }
0x5e: {  	[sflag:s10] =	ssyncadd.s32 $0xFFFF8800;
	s0 =	simm.s32 @p1 $0x0  }
0x5f: {  	_ =	swait.ge [sflag:s11], s0  }
0x60: {  	s0 =	ssub.s32 $0x0, s0;
	[sflag:s11] =	ssyncset.done $0x0  }
0x61: {  	[sflag:s11] =	ssyncadd.s32 s0  }
0x62: {  	v1 =	vld [tilespmem:$0xF208];
	_ =	sdelay $0x4  }
0x63: {  	(v2sf) =	vpush v1, $0x0  }
0x64: {  	(v2sf) =	vpush v1, $0x1  }
0x65: {  	(v2sf) =	vpush v1, $0x2;
	_ =	sdelay $0x3  }
0x66: {  	s0 =	sadd.s32 $0xF0, s22  }
0x67: {  	s2 =	ssub.s32 $0x3A980, s22;
	p1 =	slt.s32 s8, s0  }
0x68: {  	s0 =	smov.u32 @p1 s8;
	p1 =	sgt.s32 s2, $0x0  }
0x69: {  	s26 =	ssub.s32 s0, s22;
	s2 =	simm.s32 @!p1 $0x0  }
0x6a: {  	p1 =	slt.s32 s2, s26  }
0x6b: {  	s26 =	smov.u32 @p1 s2  }
0x6c: {  	s25 =	simm.s32 $0x1;
	p1 =	slt.s32 s26, $0x1  }
.Ltmp4:
0x6d: {  	s25 =	simm.s32 @!p0 $0x0;
	(pc) =	sbr.rel @p1 .LBB2_8-.Ltmp4, $4  }
0x6e: {  	s31 =	smul.u32 $0x3C0, s25  }
0x6f: {  	s28 =	spop (v2sf)  }
0x70: {  	s0 =	sshrl.u32 s31, $0x2;
	s30 =	spop (v2sf)  }
0x71: {  	s23 =	sadd.s32 $0x10518, s0;
	s22 =	spop (v2sf)  }
0x72: {  	s0 =	smin.u32 s26, $0x10  }
0x73: {  	v1 =	vmov s0  }
0x74: {  	p2 =	sgt.s32 s26, $0x10;
	vm1 =	vgt.u32 v1, v0  }
.Ltmp5:
0x75: {  	_ = 	snop;
	(pc) =	sbr.rel @!p2 .LBB2_7-.Ltmp5, $2  }
0x76: {  	_ =	sdelay $0x2  }
0x77: {  	s4 =	simm.s32 $0x10;
	s24 =	sadd.s32 $0xFFFFFFF0, s26;
	s0 =	smov.u32 s23;
	vm0 =	vmmov vm1  }
.LBB2_6:
0x78: {  	s2 =	smin.u32 s24, $0x10;
	s4 =	sadd.s32 $0x10, s4;
	v1 =	vld.msk [tilespmem:s0+$0x0 ss:$0x1], vm1  }
0x79: {  	v2 =	vmov s2;
	p2 =	slt.s32 s4, s26  }
0x7a: {  	vm1 =	vgt.u32 v2, v0  }
.Ltmp6:
0x7b: {  	(pc) =	sbr.rel @p2 .LBB2_6-.Ltmp6, $3  }
0x7c: {  	_ =	sdelay $0x1  }
0x7d: {  	v1 =	vshll.u32 v1, $0x4  }
0x7e: {  	s24 =	sadd.s32 $0xFFFFFFF0, s24;
	[tilespmem:s0+$0x0] =	vst.msk vm0, v1;
	s0 =	sadd.s32 $0x10, s0;
	vm0 =	vmmov vm1  }
.LBB2_7:
0x7f: {  	_ =	sdelay $0x4  }
0x80: {  	v1 =	vld.msk [tilespmem:s0+$0x0 ss:$0x1], vm1;
	_ =	sdelay $0x4  }
0x81: {  	v1 =	vshll.u32 v1, $0x4  }
0x82: {  	[tilespmem:s0+$0x0] =	vst.msk vm0, v1  }
.LBB2_8:
0x83: {  	s0 =	sand.u32 $0x1, s21  }
0x84: {  	s0 =	smul.u32 $0xF0, s0  }
0x85: {  	p2 =	sne.s32 s30, $0xFFFFFFFF  }
0x86: {  	v1 =	vld.msk @!p2 [tilespmem:s0+$0x10518], $0x1;
	_ =	sdelay $0x4  }
0x87: {  	(v2sf) =	vpush @!p2 v1, $0x0;
	_ =	sdelay $0xc  }
.Ltmp7:
0x88: {  	_ = 	snop;
	(pc) =	sbr.rel @p1 .LBB2_19-.Ltmp7, $4  }
0x89: {  	_ = 	snop  }
0x8a: {  	s29 =	spop @!p2 (v2sf)  }
0x8b: {  	s22 =	simm.s32 @!p2 $0x0;
	s24 =	smov.u32 s29  }
0x8c: {  	[sflag:s18] =	ssyncpa.u1 $0x0;
	s29 =	smov.u32 @p2 s28;
	s24 =	smov.u32 @p2 s30  }
0x8d: {  	v1 =	vld.msk [tilespmem:s23+$0x0], $0x1;
	_ =	sdelay $0x4  }
0x8e: {  	(v2sf) =	vpush v1, $0x0;
	_ =	sdelay $0xe  }
0x8f: {  	s2 =	smul.u32 $0x1E000, s25;
	s0 =	spop (v2sf)  }
0x90: {  	s26 =	ssub.s32 $0x0, s26;
	p1 =	seq.s32 s29, s0  }
0x91: {  	s30 =	sadd.s32 $0x1, s26;
	s2 =	sshrl.u32 s2, $0x2;
	p2 =	sgt.s32 @!p1 s29, $0x0  }
0x92: {  	s25 =	sor.u32 $0x10738, s2;
	s2 =	smov.u32 s29;
	p2 =	por !p2, p1  }
0x93: {  	s2 =	simm.s32 @p2 $0x0;
	p2 =	seq.s32 s30, $0x0  }
.Ltmp8:
0x94: {  	_ = 	snop;
	(pc) =	sbr.rel @p2 .LBB2_11-.Ltmp8, $4  }
0x95: {  	_ = 	snop  }
0x96: {  	s28 =	simm.s32 $0x0;
	s31 =	sadd.s32 $0x1, s23;
	s2 =	smin.u32 @!p1 s2, $0x1D4BF0  }
0x97: {  	s4 =	simm.s32 @!p1 $0x1;
	s5 =	simm.s32 @!p1 $0x7988;
	s3 =	sand.u32 @!p1 $0x1FFFF8, s2  }
0x98: {  	s4 =	smov.u32 @p1 s28;
	s2 =	sand.u32 @!p1 $0x7, s2;
	s3 =	sadd.s32 @!p1 s1, s3  }
.LBB2_10:
0x99: {  	s9 =	smov.u32 s4  }
0x9a: {  	[tilespmem:s5], [sflag:$0x2] =	stream.linear.gather @!p1 [hbm4b:s3+s2], $0x80, $0x38;
	[tilespmem:$0x1F6F8] =	vst v63  }
0x9b: {  	s30 =	sadd.s32 $0x1, s30;
	s2 =	smov.u32 s0;
	v1 =	vld.msk [tilespmem:s31+$0x0], $0x1  }
0x9c: {  	p2 =	seq.s32 s30, $0x0;
	_ =	sdelay $0x3  }
0x9d: {  	(v2sf) =	vpush v1, $0x0;
	_ =	sdelay $0xe  }
0x9e: {  	s0 =	spop (v2sf)  }
0x9f: {  	p1 =	seq.s32 s2, s0  }
0xa0: {  	p3 =	sgt.s32 @!p1 s2, $0x0;
	s3 =	sshll.u32 @!p1 s4, $0x9;
	s4 =	sadd.s32 @!p1 $0x1, s4  }
.Ltmp9:
0xa1: {  	p3 =	por !p3, p1;
	s3 =	sshra.s32 @!p1 s3, $0x2;
	(pc) =	sbr.rel @!p2 .LBB2_10-.Ltmp9, $4  }
0xa2: {  	s4 =	smov.u32 @p1 s9;
	s2 =	simm.s32 @p3 $0x0;
	s5 =	sadd.s32 @!p1 $0x7988, s3  }
0xa3: {  	s2 =	smin.u32 @!p1 s2, $0x1D4BF0  }
0xa4: {  	s3 =	sand.u32 @!p1 $0x1FFFF8, s2;
	s2 =	sand.u32 @!p1 $0x7, s2  }
0xa5: {  	s31 =	sadd.s32 $0x1, s31;
	s3 =	sadd.s32 @!p1 s1, s3  }
.LBB2_11:
0xa6: {  	[tilespmem:s5], [sflag:$0x2] =	stream.linear.gather @!p1 [hbm4b:s3+s2], $0x80, $0x38;
	[tilespmem:$0x1F6F8] =	vst v63  }
.Ltmp10:
0xa7: {  	s0 =	sshll.u32 s4, $0x7;
	(pc) =	sbr.rel .LBB2_12-.Ltmp10, $4  }
0xa8: {  	s30 =	simm.s32 $0x2;
	s0 =	sand.u32 $0x3FFFFF80, s0  }
0xa9: {  	_ =	swait.ge [sflag:s30], s0  }
0xaa: {  	s0 =	ssub.s32 $0x0, s0;
	[sflag:s30] =	ssyncset.done $0x0  }
0xab: {  	s31 =	simm.s32 $0x0;
	[sflag:s30] =	ssyncadd.s32 s0  }
.LBB2_13:
0xac: {  	v1 =	vld [tilespmem:s25+$0xFFFFFFC0];
	_ =	sdelay $0x3  }
0xad: {  	s0 =	sshra.s32 s0, $0x2  }
0xae: {  	[tilespmem:s0+$0x108] =	vst.add.f32.msk $0xffff, v1  }
0xaf: {  	v1 =	vld [tilespmem:s25+$0xFFFFFFD0];
	_ =	sdelay $0x4  }
0xb0: {  	[tilespmem:s0+$0x118] =	vst.add.f32.msk $0xffff, v1  }
0xb1: {  	v1 =	vld [tilespmem:s25+$0xFFFFFFE0];
	_ =	sdelay $0x4  }
0xb2: {  	[tilespmem:s0+$0x128] =	vst.add.f32.msk $0xffff, v1  }
0xb3: {  	v1 =	vld [tilespmem:s25+$0xFFFFFFF0];
	_ =	sdelay $0x4  }
0xb4: {  	[tilespmem:s0+$0x138] =	vst.add.f32.msk $0xffff, v1  }
0xb5: {  	v1 =	vld [tilespmem:s25+$0x0];
	_ =	sdelay $0x4  }
0xb6: {  	[tilespmem:s0+$0x148] =	vst.add.f32.msk $0xffff, v1  }
0xb7: {  	v1 =	vld [tilespmem:s25+$0x10];
	_ =	sdelay $0x4  }
0xb8: {  	[tilespmem:s0+$0x158] =	vst.add.f32.msk $0xffff, v1  }
0xb9: {  	v1 =	vld [tilespmem:s25+$0x20];
	_ =	sdelay $0x4  }
0xba: {  	[tilespmem:s0+$0x168] =	vst.add.f32.msk $0xffff, v1  }
0xbb: {  	v1 =	vld [tilespmem:s25+$0x30];
	_ =	sdelay $0x4  }
0xbc: {  	[tilespmem:s0+$0x178] =	vst.add.f32.msk $0xffff, v1  }
.LBB2_17:
0xbd: {  	s26 =	sadd.s32 $0x1, s26  }
0xbe: {  	p1 =	seq.s32 s26, $0x0  }
.Ltmp11:
0xbf: {  	_ = 	snop;
	(pc) =	sbr.rel @p1 .LBB2_18-.Ltmp11, $2  }
0xc0: {  	_ =	sdelay $0x2  }
0xc1: {  	s23 =	sadd.s32 $0x1, s23;
	s25 =	sadd.s32 $0x80, s25;
	s29 =	smov.u32 s30  }
.LBB2_12:
0xc2: {  	v1 =	vld.msk [tilespmem:s23+$0x0], $0x1;
	_ =	sdelay $0x4  }
0xc3: {  	(v2sf) =	vpush v1, $0x0;
	_ =	sdelay $0xe  }
0xc4: {  	s30 =	spop (v2sf)  }
0xc5: {  	p1 =	sne.s32 s29, s30  }
.Ltmp12:
0xc6: {  	_ = 	snop;
	(pc) =	sbr.rel @!p1 .LBB2_13-.Ltmp12, $2  }
0xc7: {  	_ =	sdelay $0x2  }
0xc8: {  	s0 =	sshll.u32 s22, $0x9  }
0xc9: {  	p1 =	seq.s32 s29, s24  }
.Ltmp13:
0xca: {  	_ = 	snop;
	(pc) =	sbr.rel @!p1 .LBB2_15-.Ltmp13, $1  }
0xcb: {  	_ =	sdelay $0x3  }
0xcc: {  	s0 =	sshra.s32 s0, $0x2  }
.Ltmp14:
0xcd: {  	s0 =	sadd.s32 $0x108, s0;
	(pc) =	sbr.rel .LBB2_16-.Ltmp14, $4  }
0xce: {  	[spmem:s16] =	stream.linear.scatter [tilespmem:s0], [sflag:$0x1], $0x80, $0x38;
	[tilespmem:$0x1F6F8] =	vst v63  }
0xcf: {  	_ =	swait.ge [sflag:s12], $0x80  }
0xd0: {  	[sflag:s12] =	ssyncset.done $0x0  }
0xd1: {  	[sflag:s12] =	ssyncadd.s32 $0xFFFFFF80  }
.LBB2_15:
0xd2: {  	s2 =	sshll.u32 s28, $0x9  }
0xd3: {  	s2 =	sshra.s32 s2, $0x2  }
0xd4: {  	v1 =	vld [tilespmem:s2+$0x7988];
	_ =	sdelay $0x3  }
0xd5: {  	s0 =	sshra.s32 s0, $0x2  }
0xd6: {  	[tilespmem:s0+$0x108] =	vst.add.f32.msk $0xffff, v1  }
0xd7: {  	v1 =	vld [tilespmem:s2+$0x7998];
	_ =	sdelay $0x4  }
0xd8: {  	[tilespmem:s0+$0x118] =	vst.add.f32.msk $0xffff, v1  }
0xd9: {  	v1 =	vld [tilespmem:s2+$0x79A8];
	_ =	sdelay $0x4  }
0xda: {  	[tilespmem:s0+$0x128] =	vst.add.f32.msk $0xffff, v1  }
0xdb: {  	v1 =	vld [tilespmem:s2+$0x79B8];
	_ =	sdelay $0x4  }
0xdc: {  	[tilespmem:s0+$0x138] =	vst.add.f32.msk $0xffff, v1  }
0xdd: {  	v1 =	vld [tilespmem:s2+$0x79C8];
	_ =	sdelay $0x4  }
0xde: {  	[tilespmem:s0+$0x148] =	vst.add.f32.msk $0xffff, v1  }
0xdf: {  	v1 =	vld [tilespmem:s2+$0x79D8];
	_ =	sdelay $0x4  }
0xe0: {  	[tilespmem:s0+$0x158] =	vst.add.f32.msk $0xffff, v1  }
0xe1: {  	v1 =	vld [tilespmem:s2+$0x79E8];
	_ =	sdelay $0x4  }
0xe2: {  	[tilespmem:s0+$0x168] =	vst.add.f32.msk $0xffff, v1  }
0xe3: {  	v1 =	vld [tilespmem:s2+$0x79F8];
	_ =	sdelay $0x2  }
0xe4: {  	p1 =	sgt.u32 s29, $0x1D4BF0  }
0xe5: {  	s2 =	sand.u32 @!p1 $0x1FFFF8, s29  }
0xe6: {  	s3 =	sadd.s32 $0x108, s0;
	[tilespmem:s0+$0x178] =	vst.add.f32.msk $0xffff, v1;
	s0 =	sadd.s32 @!p1 s1, s2;
	s2 =	sand.u32 @!p1 $0x7, s29  }
0xe7: {  	[hbm4b:s0+s2] =	stream.linear.scatter @!p1 [tilespmem:s3], [sflag:$0xC], $0x80, $0x38;
	[tilespmem:$0x1F6F8] =	vst v63  }
0xe8: {  	s0 =	simm.s32 $0x0  }
0xe9: {  	s0 =	simm.s32 @!p1 $0x200  }
0xea: {  	s31 =	sadd.s32 s0, s31  }
.LBB2_16:
0xeb: {  	s0 =	sadd.s32 $0x1, s22  }
0xec: {  	s2 =	smulhi.u32 $0x88888889, s0;
	_ =	sdelay $0x1  }
0xed: {  	v1 =	vld [tilespmem:s25+$0xFFFFFFC0];
	s2 =	sshrl.u32 s2, $0x7  }
0xee: {  	s2 =	smul.u32 $0xF0, s2;
	_ =	sdelay $0x1  }
0xef: {  	s22 =	ssub.s32 s0, s2  }
0xf0: {  	s0 =	sshll.u32 s22, $0x7  }
0xf1: {  	[tilespmem:s0+$0x108] =	vst v1  }
0xf2: {  	v1 =	vld [tilespmem:s25+$0xFFFFFFD0];
	_ =	sdelay $0x4  }
0xf3: {  	[tilespmem:s0+$0x118] =	vst v1  }
0xf4: {  	v1 =	vld [tilespmem:s25+$0xFFFFFFE0];
	_ =	sdelay $0x4  }
0xf5: {  	[tilespmem:s0+$0x128] =	vst v1  }
0xf6: {  	v1 =	vld [tilespmem:s25+$0xFFFFFFF0];
	_ =	sdelay $0x4  }
0xf7: {  	[tilespmem:s0+$0x138] =	vst v1  }
0xf8: {  	v1 =	vld [tilespmem:s25+$0x0];
	_ =	sdelay $0x4  }
0xf9: {  	[tilespmem:s0+$0x148] =	vst v1  }
0xfa: {  	v1 =	vld [tilespmem:s25+$0x10];
	_ =	sdelay $0x4  }
0xfb: {  	[tilespmem:s0+$0x158] =	vst v1  }
0xfc: {  	v1 =	vld [tilespmem:s25+$0x20];
	_ =	sdelay $0x4  }
0xfd: {  	[tilespmem:s0+$0x168] =	vst v1  }
0xfe: {  	v1 =	vld [tilespmem:s25+$0x30]  }
.Ltmp15:
0xff: {  	_ = 	snop;
	(pc) =	sbr.rel .LBB2_17-.Ltmp15, $2  }
0x100: {  	_ =	sdelay $0x2  }
0x101: {  	s28 =	sadd.s32 $0x1, s28;
	[tilespmem:s0+$0x178] =	vst v1  }
.LBB2_19:
.Ltmp16:
0x102: {  	(pc) =	sbr.rel .LBB2_20-.Ltmp16, $4  }
0x103: {  	_ = 	snop  }
0x104: {  	s0 =	simm.s32 $0x2  }
0x105: {  	_ =	swait.ge [sflag:s0], $0x0  }
0x106: {  	s30 =	smov.u32 s29;
	[sflag:s0] =	ssyncset.done $0x0;
	s0 =	simm.s32 $0x0  }
.LBB2_22:
0x107: {  	_ =	sfence.sel $0x180000  }
0x108: {  	s0 =	simm.s32 $0x9;
	[bflag:$0x0] =	sbarrier.arrive $0xFFFF  }
0x109: {  	s24 =	simm.s32 $0xA;
	[sflag:s0] =	ssyncpa.u1 $0x1  }
0x10a: {  	s25 =	simm.s32 $0xB;
	[sflag:s24] =	ssyncpa.u1 $0x1  }
0x10b: {  	s26 =	simm.s32 $0x2;
	[sflag:s25] =	ssyncpa.u1 $0x1  }
0x10c: {  	[sflag:s26] =	ssyncpa.u1 $0x1  }
0x10d: {  	v0 =	vld [tilespmem:$0xF208];
	_ =	sdelay $0x4  }
0x10e: {  	(v2sf) =	vpush v0, $0x0  }
0x10f: {  	(v2sf) =	vpush v0, $0x1;
	_ =	sdelay $0x1  }
0x110: {  	(v2sf) =	vpush v0, $0x2;
	_ =	sdelay $0xb  }
0x111: {  	s0 =	spop (v2sf)  }
0x112: {  	s2 =	spop (v2sf)  }
0x113: {  	s3 =	smov.u32 s0;
	p0 =	sne.s32 s0, s2  }
0x114: {  	s4 =	spop (v2sf);
	s3 =	simm.s32 @!p0 $0xFFFFFFFF  }
0x115: {  	v2 =	vimm.s32 $0x1;
	v3 =	vlaneseq.u32;
	p0 =	seq.s32 s4, $0xFFFFFFFF;
	v1 =	vmov s3  }
0x116: {  	s16 =	stileid.u32;
	v0 =	vperm.xlane v0, v2;
	p1 =	sne.s32 @!p0 s0, s2;
	v1 =	vperm.xlane v1, v3  }
0x117: {  	vm0 =	vcmask $0x3F04;
	s6 =	simm.s32 $0xF208;
	s0 =	simm.s32 @!p0 $0x1;
	p1 =	por !p1, p0  }
0x118: {  	s3 =	sshll.u32 s16, $0x1;
	s2 =	sshll.u32 @!p0 s4, $0x9;
	s0 =	simm.s32 @p1 $0x0;
	v0 =	vsel vm0, v1, v0  }
0x119: {  	s5 =	sor.u32 $0x1000, s3;
	s2 =	sshra.s32 @!p0 s2, $0x2;
	s0 =	sor.u32 @!p0 s0, s3;
	[tilespmem:$0xF208] =	vst v0  }
0x11a: {  	[spmem:s5] =	stream.linear.scatter [tilespmem:s6], [sflag:$0x1], $0x2, $0x38;
	[tilespmem:$0x1F6F8] =	vst v63  }
0x11b: {  	s2 =	sadd.s32 @!p0 $0x108, s2;
	s0 =	sshll.u32 @!p0 s0, $0x7  }
0x11c: {  	[spmem:s0] =	stream.linear.scatter @!p0 [tilespmem:s2], [sflag:$0x1], $0x80, $0x38;
	[tilespmem:$0x1F6F8] =	vst v63  }
0x11d: {  	s0 =	simm.s32 @!p0 $0x82  }
0x11e: {  	s28 =	simm.s32 $0x1;
	s0 =	simm.s32 @p0 $0x2  }
0x11f: {  	_ =	swait.ge [sflag:s28], s0  }
0x120: {  	s0 =	ssub.s32 $0x0, s0;
	[sflag:s28] =	ssyncset.done $0x0  }
0x121: {  	p0 =	sne.s32 s16, $0x0;
	[sflag:s28] =	ssyncadd.s32 s0  }
.Ltmp17:
0x122: {  	_ =	sfence.stream.spmem;
	(pc) =	sbr.rel @p0 .LBB2_39-.Ltmp17, $4  }
0x123: {  	s29 =	simm.s32 $0x3;
	[bflag:$0x0] =	sbarrier.arrive $0xFFFF  }
0x124: {  	s30 =	simm.s32 $0x4;
	[sflag:s29] =	ssyncpa.u1 $0x1  }
0x125: {  	s31 =	simm.s32 $0x3C;
	[sflag:s30] =	ssyncpa.u1 $0x1  }
0x126: {  	s15 =	rddreg [dreg:$0x5];
	[sflag:s31] =	ssyncpa.u1 $0x1  }
0x127: {  	_ =	sfence.stream.spmem;
	s0 =	simm.s32 $0x5  }
0x128: {  	s2 =	simm.s32 $0x1000;
	s3 =	simm.s32 $0xF218;
	[sflag:s0] =	ssyncpa.u1 $0x0  }
0x129: {  	[tilespmem:s3], [sflag:$0x5] =	stream.linear.gather [spmem:s2], $0x20, $0x38;
	[tilespmem:$0x1F6F8] =	vst v63  }
0x12a: {  	s26 =	simm.s32 $0x0;
	s28 =	simm.s32 $0xF238  }
0x12b: {  	[tilespmem:s28], [sflag:$0x5] =	stream.linear.gather [spmem:s26], $0x1000, $0x38;
	[tilespmem:$0x1F6F8] =	vst v63  }
0x12c: {  	_ =	swait.ge [sflag:s0], $0x1020  }
0x12d: {  	[sflag:s0] =	ssyncset.done $0x0  }
0x12e: {  	s29 =	simm.s32 $0x0;
	[sflag:s0] =	ssyncadd.s32 $0xFFFFEFE0  }
0x12f: {  	v0 =	vld.msk [tilespmem:s29+$0xF218], $0x1;
	_ =	sdelay $0x1  }
0x130: {  	s30 =	simm.s32 $0x1  }
0x131: {  	v1 =	vld.msk [tilespmem:s30+$0xF218], $0x1;
	_ =	sdelay $0x1  }
0x132: {  	(v2sf) =	vpush v0, $0x0;
	_ =	sdelay $0x2  }
0x133: {  	(v2sf) =	vpush v1, $0x0;
	_ =	sdelay $0x2  }
0x134: {  	s31 =	simm.s32 $0x2  }
0x135: {  	v0 =	vld.msk [tilespmem:s31+$0xF218], $0x1;
	_ =	sdelay $0x2  }
0x136: {  	s4 =	simm.s32 $0xFFFFFFFF;
	s5 =	simm.s32 $0xFFFFFFFF;
	s0 =	simm.s32 $0xC  }
.LBB2_24:
0x137: {  	s2 =	smov.u32 s5;
	s3 =	smov.u32 s4  }
0x138: {  	s4 =	sshra.s32 s0, $0x2;
	p1 =	sne.s32 s0, $0x7C;
	s0 =	sadd.s32 $0x4, s0;
	(v2sf) =	vpush v0, $0x0  }
0x139: {  	v0 =	vld.msk [tilespmem:s4+$0xF218], $0x1  }
.Ltmp18:
0x13a: {  	(pc) =	sbr.rel @p1 .LBB2_24-.Ltmp18, $4  }
0x13b: {  	s5 =	spop (v2sf)  }
0x13c: {  	p2 =	sne.s32 s3, $0xFFFFFFFF;
	s4 =	smov.u32 s5  }
0x13d: {  	p3 =	seq.s32 s5, $0xFFFFFFFF;
	s4 =	smov.u32 @p2 s3  }
0x13e: {  	s5 =	smov.u32 @p3 s2;
	s4 =	smov.u32 @p3 s3  }
0x13f: {  	(v2sf) =	vpush v0, $0x0;
	_ =	sdelay $0x8  }
0x140: {  	s0 =	spop (v2sf)  }
0x141: {  	p1 =	sne.s32 s4, $0xFFFFFFFF;
	s2 =	smov.u32 s0  }
0x142: {  	s9 =	simm.s32 $0x6;
	p2 =	seq.s32 s0, $0xFFFFFFFF;
	s2 =	smov.u32 @p1 s4  }
0x143: {  	s6 =	simm.s32 $0x0;
	s2 =	smov.u32 @p2 s4;
	s3 =	spop (v2sf)  }
0x144: {  	s0 =	smov.u32 @p2 s5;
	p1 =	sne.s32 s2, $0xFFFFFFFF;
	s4 =	smov.u32 s3  }
.Ltmp19:
0x145: {  	p2 =	seq.s32 s3, $0xFFFFFFFF;
	s4 =	smov.u32 @p1 s2;
	(pc) =	sbr.rel .LBB2_26-.Ltmp19, $4  }
0x146: {  	s10 =	simm.s32 $0xF188;
	s4 =	smov.u32 @p2 s2;
	s7 =	spop (v2sf)  }
0x147: {  	s11 =	simm.s32 $0x0;
	p1 =	sne.s32 s4, $0xFFFFFFFF;
	s8 =	smov.u32 s7  }
0x148: {  	s3 =	smov.u32 @p2 s0;
	p2 =	seq.s32 s7, $0xFFFFFFFF;
	s8 =	smov.u32 @p1 s4  }
0x149: {  	[sflag:s9] =	ssyncpa.u1 $0x0;
	s7 =	smov.u32 @p2 s3;
	s8 =	smov.u32 @p2 s4  }
.LBB2_32:
0x14a: {  	p1 =	sgt.u32 s12, $0x1D4BF0  }
0x14b: {  	p2 =	seq.s32 @!p1 s12, s8  }
0x14c: {  	p1 =	por p1, p2  }
0x14d: {  	p2 =	sne.s32 @!p1 s12, s7  }
0x14e: {  	p1 =	por p1, !p2  }
0x14f: {  	s0 =	sshll.u32 @p1 s11, $0x9  }
0x150: {  	s0 =	sand.u32 @!p1 $0x1FFFF8, s12  }
0x151: {  	s2 =	sand.u32 @!p1 $0x7, s12;
	s0 =	sadd.s32 @!p1 s1, s0  }
0x152: {  	[tilespmem:s10], [sflag:$0x6] =	stream.linear.gather @!p1 [hbm4b:s0+s2], $0x80, $0x38;
	[tilespmem:$0x1F6F8] =	vst v63  }
0x153: {  	_ =	swait.ge @!p1 [sflag:s9], $0x80  }
0x154: {  	[sflag:s9] =	ssyncset.done @!p1 $0x0  }
0x155: {  	[sflag:s9] =	ssyncadd.s32 @!p1 $0xFFFFFF80  }
0x156: {  	v1 =	vld @!p1 [tilespmem:$0xF188];
	_ =	sdelay $0x2  }
0x157: {  	s0 =	sshll.u32 @!p1 s11, $0x9  }
0x158: {  	s2 =	sshrl.u32 @!p1 s0, $0x2  }
0x159: {  	[tilespmem:s2+$0xF238] =	vst.add.f32.msk @!p1 $0xffff, v1  }
0x15a: {  	v1 =	vld @!p1 [tilespmem:$0xF198];
	_ =	sdelay $0x4  }
0x15b: {  	[tilespmem:s2+$0xF248] =	vst.add.f32.msk @!p1 $0xffff, v1  }
0x15c: {  	v1 =	vld @!p1 [tilespmem:$0xF1A8];
	_ =	sdelay $0x4  }
0x15d: {  	[tilespmem:s2+$0xF258] =	vst.add.f32.msk @!p1 $0xffff, v1  }
0x15e: {  	v1 =	vld @!p1 [tilespmem:$0xF1B8];
	_ =	sdelay $0x4  }
0x15f: {  	[tilespmem:s2+$0xF268] =	vst.add.f32.msk @!p1 $0xffff, v1  }
0x160: {  	v1 =	vld @!p1 [tilespmem:$0xF1C8];
	_ =	sdelay $0x4  }
0x161: {  	[tilespmem:s2+$0xF278] =	vst.add.f32.msk @!p1 $0xffff, v1  }
0x162: {  	v1 =	vld @!p1 [tilespmem:$0xF1D8];
	_ =	sdelay $0x4  }
0x163: {  	[tilespmem:s2+$0xF288] =	vst.add.f32.msk @!p1 $0xffff, v1  }
0x164: {  	v1 =	vld @!p1 [tilespmem:$0xF1E8];
	_ =	sdelay $0x4  }
0x165: {  	[tilespmem:s2+$0xF298] =	vst.add.f32.msk @!p1 $0xffff, v1  }
0x166: {  	v1 =	vld @!p1 [tilespmem:$0xF1F8];
	_ =	sdelay $0x4  }
0x167: {  	[tilespmem:s2+$0xF2A8] =	vst.add.f32.msk @!p1 $0xffff, v1  }
0x168: {  	s0 =	sshrl.u32 s0, $0x2;
	[tilespmem:s6+$0xF218] =	vst.msk $0x1, v0  }
0x169: {  	v0 =	vld [tilespmem:s0+$0xF238];
	_ =	sdelay $0x2  }
0x16a: {  	s31 =	sshll.u32 s6, $0x9  }
0x16b: {  	s2 =	sshra.s32 s31, $0x2  }
0x16c: {  	[tilespmem:s2+$0xF238] =	vst v0  }
0x16d: {  	v0 =	vld [tilespmem:s0+$0xF248];
	_ =	sdelay $0x4  }
0x16e: {  	[tilespmem:s2+$0xF248] =	vst v0  }
0x16f: {  	v0 =	vld [tilespmem:s0+$0xF258];
	_ =	sdelay $0x4  }
0x170: {  	[tilespmem:s2+$0xF258] =	vst v0  }
0x171: {  	v0 =	vld [tilespmem:s0+$0xF268];
	_ =	sdelay $0x4  }
0x172: {  	[tilespmem:s2+$0xF268] =	vst v0  }
0x173: {  	v0 =	vld [tilespmem:s0+$0xF278];
	_ =	sdelay $0x4  }
0x174: {  	[tilespmem:s2+$0xF278] =	vst v0  }
0x175: {  	v0 =	vld [tilespmem:s0+$0xF288];
	_ =	sdelay $0x4  }
0x176: {  	[tilespmem:s2+$0xF288] =	vst v0  }
0x177: {  	v0 =	vld [tilespmem:s0+$0xF298];
	_ =	sdelay $0x4  }
0x178: {  	[tilespmem:s2+$0xF298] =	vst v0  }
0x179: {  	v0 =	vld [tilespmem:s0+$0xF2A8];
	_ =	sdelay $0x4  }
0x17a: {  	s6 =	sadd.s32 $0x1, s6;
	[tilespmem:s2+$0xF2A8] =	vst v0  }
.LBB2_33:
0x17b: {  	s11 =	sadd.s32 $0x1, s11  }
0x17c: {  	p1 =	sne.s32 s11, $0x20  }
.Ltmp20:
0x17d: {  	_ = 	snop;
	(pc) =	sbr.rel @!p1 .LBB2_34-.Ltmp20, $1  }
0x17e: {  	_ =	sdelay $0x3  }
.LBB2_26:
0x17f: {  	v0 =	vld.msk [tilespmem:s11+$0xF218], $0x1;
	_ =	sdelay $0x4  }
0x180: {  	(v2sf) =	vpush v0, $0x0;
	_ =	sdelay $0xe  }
0x181: {  	s12 =	spop (v2sf)  }
0x182: {  	p1 =	seq.s32 s12, $0xFFFFFFFF  }
.Ltmp21:
0x183: {  	_ = 	snop;
	(pc) =	sbr.rel @p1 .LBB2_33-.Ltmp21, $1  }
0x184: {  	_ =	sdelay $0x3  }
0x185: {  	p1 =	slt.s32 s6, $0x1  }
.Ltmp22:
0x186: {  	_ = 	snop;
	(pc) =	sbr.rel @p1 .LBB2_32-.Ltmp22, $1  }
0x187: {  	_ =	sdelay $0x3  }
0x188: {  	s13 =	simm.s32 $0xF218;
	p1 =	por $0x0, $0x0  }
0x189: {  	v1 =	vld.msk @!p1 [tilespmem:s13+$0x0], $0x1;
	_ =	sdelay $0x4  }
0x18a: {  	(v2sf) =	vpush @!p1 v1, $0x0;
	_ =	sdelay $0xd  }
0x18b: {  	p3 =	sne.s32 s6, $0x1  }
.Ltmp23:
0x18c: {  	s0 =	spop @!p1 (v2sf);
	(pc) =	sbr.rel @!p3 .LBB2_30-.Ltmp23, $4  }
0x18d: {  	p2 =	seq.s32 @!p1 s12, s0  }
0x18e: {  	s14 =	simm.s32 $0x0;
	p2 =	por !p2, p1  }
0x18f: {  	s2 =	simm.s32 $0xFFFFFFFF;
	s14 =	simm.s32 @p2 $0xFFFFFFFF  }
0x190: {  	s0 =	simm.s32 $0x1;
	s14 =	smov.u32 @p1 s2  }
.LBB2_29:
0x191: {  	s2 =	smov.u32 s14;
	p1 =	sne.s32 s14, $0xFFFFFFFF  }
0x192: {  	s13 =	sadd.s32 $0x1, s13;
	s14 =	smov.u32 s0;
	s0 =	sadd.s32 $0x1, s0  }
0x193: {  	p2 =	sne.s32 s6, s0;
	v1 =	vld.msk @!p1 [tilespmem:s13+$0x0], $0x1;
	_ =	sdelay $0x4  }
0x194: {  	(v2sf) =	vpush @!p1 v1, $0x0;
	_ =	sdelay $0xe  }
.Ltmp24:
0x195: {  	s3 =	spop @!p1 (v2sf);
	(pc) =	sbr.rel @p2 .LBB2_29-.Ltmp24, $4  }
0x196: {  	p3 =	seq.s32 @!p1 s12, s3  }
0x197: {  	p3 =	por !p3, p1  }
0x198: {  	s14 =	simm.s32 @p3 $0xFFFFFFFF  }
0x199: {  	s14 =	smov.u32 @p1 s2  }
.LBB2_30:
0x19a: {  	p1 =	seq.s32 s14, $0xFFFFFFFF  }
.Ltmp25:
0x19b: {  	_ = 	snop;
	(pc) =	sbr.rel @p1 .LBB2_32-.Ltmp25, $1  }
0x19c: {  	_ =	sdelay $0x3  }
0x19d: {  	s0 =	sshll.u32 s11, $0x7  }
0x19e: {  	s0 =	sand.u32 $0x3FFFFF80, s0  }
0x19f: {  	v0 =	vld [tilespmem:s0+$0xF238];
	_ =	sdelay $0x2  }
0x1a0: {  	s2 =	sshll.u32 s14, $0x9  }
0x1a1: {  	s2 =	sshra.s32 s2, $0x2  }
0x1a2: {  	[tilespmem:s2+$0xF238] =	vst.add.f32.msk $0xffff, v0  }
0x1a3: {  	v0 =	vld [tilespmem:s0+$0xF248];
	_ =	sdelay $0x4  }
0x1a4: {  	[tilespmem:s2+$0xF248] =	vst.add.f32.msk $0xffff, v0  }
0x1a5: {  	v0 =	vld [tilespmem:s0+$0xF258];
	_ =	sdelay $0x4  }
0x1a6: {  	[tilespmem:s2+$0xF258] =	vst.add.f32.msk $0xffff, v0  }
0x1a7: {  	v0 =	vld [tilespmem:s0+$0xF268];
	_ =	sdelay $0x4  }
0x1a8: {  	[tilespmem:s2+$0xF268] =	vst.add.f32.msk $0xffff, v0  }
0x1a9: {  	v0 =	vld [tilespmem:s0+$0xF278];
	_ =	sdelay $0x4  }
0x1aa: {  	[tilespmem:s2+$0xF278] =	vst.add.f32.msk $0xffff, v0  }
0x1ab: {  	v0 =	vld [tilespmem:s0+$0xF288];
	_ =	sdelay $0x4  }
0x1ac: {  	[tilespmem:s2+$0xF288] =	vst.add.f32.msk $0xffff, v0  }
0x1ad: {  	v0 =	vld [tilespmem:s0+$0xF298];
	_ =	sdelay $0x4  }
0x1ae: {  	[tilespmem:s2+$0xF298] =	vst.add.f32.msk $0xffff, v0  }
0x1af: {  	v0 =	vld [tilespmem:s0+$0xF2A8]  }
.Ltmp26:
0x1b0: {  	_ = 	snop;
	(pc) =	sbr.rel .LBB2_33-.Ltmp26, $2  }
0x1b1: {  	_ =	sdelay $0x2  }
0x1b2: {  	[tilespmem:s2+$0xF2A8] =	vst.add.f32.msk $0xffff, v0  }
.LBB2_34:
0x1b3: {  	s0 =	simm.s32 $0x6;
	p1 =	seq.s32 s6, $0x0  }
0x1b4: {  	[sflag:s0] =	ssyncpa.u1 $0x1;
	v0 =	vimm.s32 @p1 $0xFFFFFFFF  }
0x1b5: {  	s9 =	sadd.s32 $0xFFFFFFFF, s6;
	[tilespmem:$0x10238] =	vst @p1 v0  }
0x1b6: {  	v0 =	vld.msk @!p1 [tilespmem:s9+$0xF218], $0x1;
	_ =	sdelay $0x1  }
0x1b7: {  	v1 =	vld.msk @!p1 [tilespmem:$0xF218], $0x1;
	_ =	sdelay $0x2  }
0x1b8: {  	p2 =	seq.s32 @!p1 s9, $0x0;
	v0 =	vbroadcast @!p1 v0, $0x0  }
0x1b9: {  	vm0 =	vmmov @!p1 $0x1;
	p2 =	por !p2, p1  }
0x1ba: {  	v1 =	vnsel @!p1 vm0, $0xFFFFFFFF, v1;
	vm0 =	vcmask @!p1 $0x308;
	v0 =	vpsel !p2, $0xFFFFFFFF, v0  }
0x1bb: {  	p2 =	sne.s32 @!p1 s8, s7;
	v0 =	vsel @!p1 vm0, v1, v0  }
0x1bc: {  	s0 =	simm.s32 @!p1 $0xF238;
	s2 =	simm.s32 @!p1 $0x0;
	p3 =	por !p2, p1;
	[tilespmem:$0x10238] =	vst @!p1 v0  }
0x1bd: {  	[spmem:s2] =	stream.linear.scatter @!p1 [tilespmem:s0], [sflag:$0x1], $0x80, $0x38;
	[tilespmem:$0x1F6F8] =	vst v63  }
0x1be: {  	s0 =	sshll.u32 @!p3 s9, $0x9  }
0x1bf: {  	s0 =	sshra.s32 @!p3 s0, $0x2  }
0x1c0: {  	s2 =	simm.s32 @!p3 $0x80;
	s0 =	sadd.s32 @!p3 $0xF238, s0  }
0x1c1: {  	[spmem:s2] =	stream.linear.scatter @!p3 [tilespmem:s0], [sflag:$0x1], $0x80, $0x38;
	[tilespmem:$0x1F6F8] =	vst v63  }
0x1c2: {  	s0 =	simm.s32 @!p3 $0x1  }
0x1c3: {  	_ =	swait.ge @!p3 [sflag:s0], $0x100  }
0x1c4: {  	p1 =	por p2, p1;
	[sflag:s0] =	ssyncset.done @!p3 $0x0  }
0x1c5: {  	[sflag:s0] =	ssyncadd.s32 @!p3 $0xFFFFFF00;
	s0 =	simm.s32 @!p1 $0x1  }
0x1c6: {  	_ =	swait.ge @!p1 [sflag:s0], $0x80  }
0x1c7: {  	s29 =	simm.s32 $0x10238;
	[sflag:s0] =	ssyncset.done @!p1 $0x0  }
0x1c8: {  	s30 =	simm.s32 $0x1000;
	s31 =	simm.s32 $0x1;
	[sflag:s0] =	ssyncadd.s32 @!p1 $0xFFFFFF80  }
0x1c9: {  	[spmem:s30] =	stream.linear.scatter [tilespmem:s29], [sflag:$0x1], $0x10, $0x38;
	[tilespmem:$0x1F6F8] =	vst v63  }
0x1ca: {  	_ =	swait.ge [sflag:s31], $0x10  }
0x1cb: {  	[sflag:s31] =	ssyncset.done $0x0  }
0x1cc: {  	p1 =	seq.s32 s15, $0x0;
	s8 =	rddreg [dreg:$0x2];
	[sflag:s31] =	ssyncadd.s32 $0xFFFFFFF0  }
0x1cd: {  	s2 =	sshll.u32 @p1 s8, $0xE;
	s7 =	rddreg [dreg:$0x3]  }
0x1ce: {  	s0 =	sadd.s32 @p1 $0x15C3C, s2;
	s2 =	sshll.u32 @p1 s7, $0x11  }
0x1cf: {  	_ =	sfence.stream.spmem;
	s0 =	sor.u32 @p1 s2, s0  }
0x1d0: {  	[sflag:s0] =	ssyncadd.remote.s32 @p1 $0x1;
	s0 =	simm.s32 @p1 $0x4  }
0x1d1: {  	s3 =	simm.s32 @!p1 $0x3C;
	s2 =	sand.u32 $0xFFFFFFFE, s8;
	_ =	swait.ge @p1 [sflag:s0], $0x22  }
0x1d2: {  	s4 =	simm.s32 @!p1 $0x0;
	s2 =	sadd.s32 @!p1 $0x4, s2;
	[sflag:s0] =	ssyncset.done @p1 $0x0  }
0x1d3: {  	s5 =	simm.s32 @!p1 $0x100;
	[sflag:s0] =	ssyncadd.s32 @p1 $0xFFFFFFDE;
	s0 =	sshll.u32 @!p1 s2, $0x1A  }
0x1d4: {  	s2 =	sshll.u32 @!p1 s2, $0xD;
	s0 =	sor.u32 @!p1 s0, s7;
	_ =	swait.eq @!p1 [sflag:s3], $0x1  }
0x1d5: {  	s2 =	sor.u32 @!p1 $0x1C04, s2;
	s3 =	simm.s32 @!p1 $0x1C03;
	s0 =	sor.u32 @!p1 $0x80004000, s0  }
0x1d6: {  	[spmem:s5], [sflag:s2] =	dma.general @!p1 [spmem:s4], [sflag:s3], length:$0x20, [dreg:$0x0], stride_count:$0x0, ici_dest:s0, dma_misc:DstOpCode:WRITE  }
0x1d7: {  	p2 =	slt.s32 s9, $0x2;
	s4 =	simm.s32 @!p1 $0x200;
	s5 =	simm.s32 @!p1 $0x202  }
0x1d8: {  	[spmem:s5], [sflag:s2] =	dma.general @!p1 [spmem:s4], [sflag:s3], length:$0x2, [dreg:$0x0], stride_count:$0x0, ici_dest:s0, dma_misc:DstOpCode:WRITE  }
.Ltmp27:
0x1d9: {  	s0 =	simm.s32 @!p1 $0x3;
	(pc) =	sbr.rel @p2 .LBB2_38-.Ltmp27, $4  }
0x1da: {  	s2 =	sshll.u32 @!p1 s8, $0xE;
	_ =	swait.ge @!p1 [sflag:s0], $0x22  }
0x1db: {  	s3 =	sshll.u32 @!p1 s7, $0x11;
	s2 =	sadd.s32 @!p1 $0x11C3C, s2;
	[sflag:s0] =	ssyncset.done @!p1 $0x0  }
0x1dc: {  	[sflag:s0] =	ssyncadd.s32 @!p1 $0xFFFFFFDE;
	s0 =	sor.u32 @!p1 s3, s2  }
0x1dd: {  	[sflag:s0] =	ssyncadd.remote.s32 @!p1 $0xFFFFFFFF;
	s0 =	simm.s32 $0x0  }
0x1de: {  	s0 =	simm.s32 $0xF219  }
0x1df: {  	v0 =	vld.msk [tilespmem:s0+$0x0], $0x1;
	_ =	sdelay $0x4  }
0x1e0: {  	(v2sf) =	vpush v0, $0x0;
	_ =	sdelay $0xb  }
0x1e1: {  	s31 =	sadd.s32 $0xFFFFFFFE, s6  }
0x1e2: {  	s0 =	sadd.s32 $0xFFFFFFFF, s31  }
0x1e3: {  	p2 =	sne.s32 s0, $0x0  }
.Ltmp28:
0x1e4: {  	s2 =	spop (v2sf);
	(pc) =	sbr.rel @!p2 .LBB2_37-.Ltmp28, $4  }
0x1e5: {  	s4 =	simm.s32 $0xF2B8;
	s7 =	simm.s32 $0x0;
	p1 =	sgt.u32 s2, $0x1D4BF0  }
0x1e6: {  	s5 =	simm.s32 $0x0;
	s6 =	simm.s32 $0xF21A;
	s3 =	sand.u32 @!p1 $0x1FFFF8, s2  }
0x1e7: {  	s2 =	sand.u32 @!p1 $0x7, s2;
	s7 =	simm.s32 @!p1 $0x200;
	s3 =	sadd.s32 @!p1 s1, s3  }
0x1e8: {  	[hbm4b:s3+s2] =	stream.linear.scatter @!p1 [tilespmem:s4], [sflag:$0x5], $0x80, $0x38;
	[tilespmem:$0x1F6F8] =	vst v63  }
.LBB2_36:
0x1e9: {  	v0 =	vld.msk [tilespmem:s6+$0x0], $0x1;
	s0 =	sadd.s32 $0xFFFFFFFF, s0;
	s5 =	sadd.s32 s5, s7  }
0x1ea: {  	p1 =	sne.s32 s0, $0x0;
	_ =	sdelay $0x3  }
0x1eb: {  	(v2sf) =	vpush v0, $0x0;
	_ =	sdelay $0xe  }
.Ltmp29:
0x1ec: {  	s2 =	spop (v2sf);
	(pc) =	sbr.rel @p1 .LBB2_36-.Ltmp29, $4  }
0x1ed: {  	s7 =	simm.s32 $0x0;
	p2 =	sgt.u32 s2, $0x1D4BF0  }
0x1ee: {  	s4 =	sadd.s32 $0x80, s4;
	s7 =	simm.s32 @!p2 $0x200;
	s3 =	sand.u32 @!p2 $0x1FFFF8, s2  }
0x1ef: {  	s6 =	sadd.s32 $0x1, s6;
	s2 =	sand.u32 @!p2 $0x7, s2;
	s3 =	sadd.s32 @!p2 s1, s3  }
0x1f0: {  	[hbm4b:s3+s2] =	stream.linear.scatter @!p2 [tilespmem:s4], [sflag:$0x5], $0x80, $0x38;
	[tilespmem:$0x1F6F8] =	vst v63  }
.LBB2_37:
0x1f1: {  	s0 =	sadd.s32 s5, s7  }
0x1f2: {  	s0 =	sshrl.u32 s0, $0x2  }
.LBB2_38:
0x1f3: {  	s2 =	simm.s32 $0x5  }
0x1f4: {  	_ =	swait.ge [sflag:s2], s0  }
0x1f5: {  	s31 =	ssub.s32 $0x0, s0;
	[sflag:s2] =	ssyncset.done $0x0  }
0x1f6: {  	[sflag:s2] =	ssyncadd.s32 s31  }
0x1f7: {  	[sflag:s2] =	ssyncpa.u1 $0x1  }
.LBB2_39:
0x1f8: {  	s0 =	sor.u32 s15, s16  }
0x1f9: {  	p1 =	sne.s32 s0, $0x0  }
.Ltmp30:
0x1fa: {  	_ = 	snop;
	(pc) =	sbr.rel @p1 .LBB2_54-.Ltmp30, $3  }
0x1fb: {  	_ =	sdelay $0x1  }
0x1fc: {  	[bflag:$0x0] =	sbarrier.arrive $0xFFFF  }
0x1fd: {  	_ =	sfence  }
0x1fe: {  	s0 =	simm.s32 $0x7  }
0x1ff: {  	s2 =	simm.s32 $0x1000;
	s3 =	simm.s32 $0xF218;
	[sflag:s0] =	ssyncpa.u1 $0x0  }
0x200: {  	[tilespmem:s3], [sflag:$0x7] =	stream.linear.gather [spmem:s2], $0x20, $0x38;
	[tilespmem:$0x1F6F8] =	vst v63  }
0x201: {  	s30 =	simm.s32 $0xF238;
	s2 =	simm.s32 $0x0  }
0x202: {  	[tilespmem:s30], [sflag:$0x7] =	stream.linear.gather [spmem:s2], $0x1000, $0x38;
	[tilespmem:$0x1F6F8] =	vst v63  }
.Ltmp31:
0x203: {  	_ = 	snop;
	(pc) =	sbr.rel .LBB2_41-.Ltmp31, $4  }
0x204: {  	_ =	swait.ge [sflag:s0], $0x1020  }
0x205: {  	[sflag:s0] =	ssyncset.done $0x0  }
0x206: {  	s31 =	simm.s32 $0x8;
	[sflag:s0] =	ssyncadd.s32 $0xFFFFEFE0  }
0x207: {  	s3 =	simm.s32 $0x0;
	[sflag:s31] =	ssyncpa.u1 $0x0  }
.LBB2_47:
0x208: {  	p1 =	slt.u32 s4, $0x1D4BF1  }
0x209: {  	s0 =	sand.u32 @p1 $0x1FFFF8, s4  }
0x20a: {  	s4 =	sand.u32 @p1 $0x7, s4;
	s5 =	simm.s32 @p1 $0xF188;
	s0 =	sadd.s32 @p1 s1, s0  }
0x20b: {  	[tilespmem:s5], [sflag:$0x8] =	stream.linear.gather @p1 [hbm4b:s0+s4], $0x80, $0x38;
	[tilespmem:$0x1F6F8] =	vst v63  }
0x20c: {  	s0 =	simm.s32 @p1 $0x8  }
0x20d: {  	_ =	swait.ge @p1 [sflag:s0], $0x80  }
0x20e: {  	[sflag:s0] =	ssyncset.done @p1 $0x0  }
0x20f: {  	[sflag:s0] =	ssyncadd.s32 @p1 $0xFFFFFF80  }
0x210: {  	v1 =	vld @p1 [tilespmem:$0xF188];
	_ =	sdelay $0x2  }
0x211: {  	s0 =	sshll.u32 @p1 s3, $0x9  }
0x212: {  	s4 =	sshrl.u32 @p1 s0, $0x2  }
0x213: {  	[tilespmem:s4+$0xF238] =	vst.add.f32.msk @p1 $0xffff, v1  }
0x214: {  	v1 =	vld @p1 [tilespmem:$0xF198];
	_ =	sdelay $0x4  }
0x215: {  	[tilespmem:s4+$0xF248] =	vst.add.f32.msk @p1 $0xffff, v1  }
0x216: {  	v1 =	vld @p1 [tilespmem:$0xF1A8];
	_ =	sdelay $0x4  }
0x217: {  	[tilespmem:s4+$0xF258] =	vst.add.f32.msk @p1 $0xffff, v1  }
0x218: {  	v1 =	vld @p1 [tilespmem:$0xF1B8];
	_ =	sdelay $0x4  }
0x219: {  	[tilespmem:s4+$0xF268] =	vst.add.f32.msk @p1 $0xffff, v1  }
0x21a: {  	v1 =	vld @p1 [tilespmem:$0xF1C8];
	_ =	sdelay $0x4  }
0x21b: {  	[tilespmem:s4+$0xF278] =	vst.add.f32.msk @p1 $0xffff, v1  }
0x21c: {  	v1 =	vld @p1 [tilespmem:$0xF1D8];
	_ =	sdelay $0x4  }
0x21d: {  	[tilespmem:s4+$0xF288] =	vst.add.f32.msk @p1 $0xffff, v1  }
0x21e: {  	v1 =	vld @p1 [tilespmem:$0xF1E8];
	_ =	sdelay $0x4  }
0x21f: {  	[tilespmem:s4+$0xF298] =	vst.add.f32.msk @p1 $0xffff, v1  }
0x220: {  	v1 =	vld @p1 [tilespmem:$0xF1F8];
	_ =	sdelay $0x3  }
0x221: {  	s5 =	sshll.u32 @!p1 s3, $0x9  }
0x222: {  	s5 =	smov.u32 @p1 s0;
	[tilespmem:s4+$0xF2A8] =	vst.add.f32.msk @p1 $0xffff, v1  }
0x223: {  	s0 =	sshrl.u32 s5, $0x2;
	[tilespmem:s2+$0xF218] =	vst.msk $0x1, v0  }
0x224: {  	v0 =	vld [tilespmem:s0+$0xF238];
	_ =	sdelay $0x2  }
0x225: {  	s31 =	sshll.u32 s2, $0x9  }
0x226: {  	s4 =	sshra.s32 s31, $0x2  }
0x227: {  	[tilespmem:s4+$0xF238] =	vst v0  }
0x228: {  	v0 =	vld [tilespmem:s0+$0xF248];
	_ =	sdelay $0x4  }
0x229: {  	[tilespmem:s4+$0xF248] =	vst v0  }
0x22a: {  	v0 =	vld [tilespmem:s0+$0xF258];
	_ =	sdelay $0x4  }
0x22b: {  	[tilespmem:s4+$0xF258] =	vst v0  }
0x22c: {  	v0 =	vld [tilespmem:s0+$0xF268];
	_ =	sdelay $0x4  }
0x22d: {  	[tilespmem:s4+$0xF268] =	vst v0  }
0x22e: {  	v0 =	vld [tilespmem:s0+$0xF278];
	_ =	sdelay $0x4  }
0x22f: {  	[tilespmem:s4+$0xF278] =	vst v0  }
0x230: {  	v0 =	vld [tilespmem:s0+$0xF288];
	_ =	sdelay $0x4  }
0x231: {  	[tilespmem:s4+$0xF288] =	vst v0  }
0x232: {  	v0 =	vld [tilespmem:s0+$0xF298];
	_ =	sdelay $0x4  }
0x233: {  	[tilespmem:s4+$0xF298] =	vst v0  }
0x234: {  	v0 =	vld [tilespmem:s0+$0xF2A8];
	_ =	sdelay $0x4  }
0x235: {  	s2 =	sadd.s32 $0x1, s2;
	[tilespmem:s4+$0xF2A8] =	vst v0  }
.LBB2_48:
0x236: {  	s3 =	sadd.s32 $0x1, s3  }
0x237: {  	p1 =	sne.s32 s3, $0x20  }
.Ltmp32:
0x238: {  	_ = 	snop;
	(pc) =	sbr.rel @!p1 .LBB2_49-.Ltmp32, $1  }
0x239: {  	_ =	sdelay $0x3  }
.LBB2_41:
0x23a: {  	v0 =	vld.msk [tilespmem:s3+$0xF218], $0x1;
	_ =	sdelay $0x4  }
0x23b: {  	(v2sf) =	vpush v0, $0x0;
	_ =	sdelay $0xe  }
0x23c: {  	s4 =	spop (v2sf)  }
0x23d: {  	p1 =	seq.s32 s4, $0xFFFFFFFF  }
.Ltmp33:
0x23e: {  	_ = 	snop;
	(pc) =	sbr.rel @p1 .LBB2_48-.Ltmp33, $1  }
0x23f: {  	_ =	sdelay $0x3  }
0x240: {  	p1 =	slt.s32 s2, $0x1  }
.Ltmp34:
0x241: {  	_ = 	snop;
	(pc) =	sbr.rel @p1 .LBB2_47-.Ltmp34, $1  }
0x242: {  	_ =	sdelay $0x3  }
0x243: {  	s5 =	simm.s32 $0xF218;
	p1 =	por $0x0, $0x0  }
0x244: {  	v1 =	vld.msk @!p1 [tilespmem:s5+$0x0], $0x1;
	_ =	sdelay $0x4  }
0x245: {  	(v2sf) =	vpush @!p1 v1, $0x0;
	_ =	sdelay $0xd  }
0x246: {  	p3 =	sne.s32 s2, $0x1  }
.Ltmp35:
0x247: {  	s0 =	spop @!p1 (v2sf);
	(pc) =	sbr.rel @!p3 .LBB2_45-.Ltmp35, $4  }
0x248: {  	p2 =	seq.s32 @!p1 s4, s0  }
0x249: {  	s6 =	simm.s32 $0x0;
	p2 =	por !p2, p1  }
0x24a: {  	s7 =	simm.s32 $0xFFFFFFFF;
	s6 =	simm.s32 @p2 $0xFFFFFFFF  }
0x24b: {  	s0 =	simm.s32 $0x1;
	s6 =	smov.u32 @p1 s7  }
.LBB2_44:
0x24c: {  	s7 =	smov.u32 s6;
	p1 =	sne.s32 s6, $0xFFFFFFFF  }
0x24d: {  	s5 =	sadd.s32 $0x1, s5;
	s6 =	smov.u32 s0;
	s0 =	sadd.s32 $0x1, s0  }
0x24e: {  	p2 =	sne.s32 s2, s0;
	v1 =	vld.msk @!p1 [tilespmem:s5+$0x0], $0x1;
	_ =	sdelay $0x4  }
0x24f: {  	(v2sf) =	vpush @!p1 v1, $0x0;
	_ =	sdelay $0xe  }
.Ltmp36:
0x250: {  	s8 =	spop @!p1 (v2sf);
	(pc) =	sbr.rel @p2 .LBB2_44-.Ltmp36, $4  }
0x251: {  	p3 =	seq.s32 @!p1 s4, s8  }
0x252: {  	p3 =	por !p3, p1  }
0x253: {  	s6 =	simm.s32 @p3 $0xFFFFFFFF  }
0x254: {  	s6 =	smov.u32 @p1 s7  }
.LBB2_45:
0x255: {  	p1 =	seq.s32 s6, $0xFFFFFFFF  }
.Ltmp37:
0x256: {  	_ = 	snop;
	(pc) =	sbr.rel @p1 .LBB2_47-.Ltmp37, $1  }
0x257: {  	_ =	sdelay $0x3  }
0x258: {  	s0 =	sshll.u32 s3, $0x7  }
0x259: {  	s0 =	sand.u32 $0x3FFFFF80, s0  }
0x25a: {  	v0 =	vld [tilespmem:s0+$0xF238];
	_ =	sdelay $0x2  }
0x25b: {  	s4 =	sshll.u32 s6, $0x9  }
0x25c: {  	s4 =	sshra.s32 s4, $0x2  }
0x25d: {  	[tilespmem:s4+$0xF238] =	vst.add.f32.msk $0xffff, v0  }
0x25e: {  	v0 =	vld [tilespmem:s0+$0xF248];
	_ =	sdelay $0x4  }
0x25f: {  	[tilespmem:s4+$0xF248] =	vst.add.f32.msk $0xffff, v0  }
0x260: {  	v0 =	vld [tilespmem:s0+$0xF258];
	_ =	sdelay $0x4  }
0x261: {  	[tilespmem:s4+$0xF258] =	vst.add.f32.msk $0xffff, v0  }
0x262: {  	v0 =	vld [tilespmem:s0+$0xF268];
	_ =	sdelay $0x4  }
0x263: {  	[tilespmem:s4+$0xF268] =	vst.add.f32.msk $0xffff, v0  }
0x264: {  	v0 =	vld [tilespmem:s0+$0xF278];
	_ =	sdelay $0x4  }
0x265: {  	[tilespmem:s4+$0xF278] =	vst.add.f32.msk $0xffff, v0  }
0x266: {  	v0 =	vld [tilespmem:s0+$0xF288];
	_ =	sdelay $0x4  }
0x267: {  	[tilespmem:s4+$0xF288] =	vst.add.f32.msk $0xffff, v0  }
0x268: {  	v0 =	vld [tilespmem:s0+$0xF298];
	_ =	sdelay $0x4  }
0x269: {  	[tilespmem:s4+$0xF298] =	vst.add.f32.msk $0xffff, v0  }
0x26a: {  	v0 =	vld [tilespmem:s0+$0xF2A8]  }
.Ltmp38:
0x26b: {  	_ = 	snop;
	(pc) =	sbr.rel .LBB2_48-.Ltmp38, $2  }
0x26c: {  	_ =	sdelay $0x2  }
0x26d: {  	[tilespmem:s4+$0xF2A8] =	vst.add.f32.msk $0xffff, v0  }
.LBB2_49:
0x26e: {  	p1 =	slt.s32 s2, $0x1  }
.Ltmp39:
0x26f: {  	_ = 	snop;
	(pc) =	sbr.rel @p1 .LBB2_53-.Ltmp39, $3  }
0x270: {  	_ =	sdelay $0x1  }
0x271: {  	s0 =	simm.s32 $0x8  }
0x272: {  	s3 =	simm.s32 $0x0;
	[sflag:s0] =	ssyncpa.u1 $0x1  }
0x273: {  	s0 =	simm.s32 $0xF218  }
0x274: {  	v0 =	vld.msk [tilespmem:s0+$0x0], $0x1;
	_ =	sdelay $0x4  }
0x275: {  	(v2sf) =	vpush v0, $0x0;
	_ =	sdelay $0xe  }
0x276: {  	s0 =	sadd.s32 $0xFFFFFFFF, s2;
	s5 =	spop (v2sf)  }
0x277: {  	p2 =	sne.s32 s0, $0x0;
	p1 =	sgt.u32 s5, $0x1D4BF0  }
.Ltmp40:
0x278: {  	s6 =	sand.u32 @!p1 $0x1FFFF8, s5;
	(pc) =	sbr.rel @!p2 .LBB2_52-.Ltmp40, $4  }
0x279: {  	s4 =	simm.s32 $0xF238;
	s5 =	sand.u32 @!p1 $0x7, s5;
	s2 =	sadd.s32 @!p1 s1, s6  }
0x27a: {  	[hbm4b:s2+s5] =	stream.linear.scatter @!p1 [tilespmem:s4], [sflag:$0x7], $0x80, $0x38;
	[tilespmem:$0x1F6F8] =	vst v63  }
0x27b: {  	s5 =	simm.s32 $0x0  }
0x27c: {  	s2 =	simm.s32 $0xF219;
	s5 =	simm.s32 @!p1 $0x200  }
.LBB2_51:
0x27d: {  	v0 =	vld.msk [tilespmem:s2+$0x0], $0x1;
	s0 =	sadd.s32 $0xFFFFFFFF, s0;
	s3 =	sadd.s32 s3, s5  }
0x27e: {  	p1 =	sne.s32 s0, $0x0;
	_ =	sdelay $0x3  }
0x27f: {  	(v2sf) =	vpush v0, $0x0;
	_ =	sdelay $0xe  }
.Ltmp41:
0x280: {  	s6 =	spop (v2sf);
	(pc) =	sbr.rel @p1 .LBB2_51-.Ltmp41, $4  }
0x281: {  	s5 =	simm.s32 $0x0;
	p2 =	sgt.u32 s6, $0x1D4BF0  }
0x282: {  	s4 =	sadd.s32 $0x80, s4;
	s5 =	simm.s32 @!p2 $0x200;
	s7 =	sand.u32 @!p2 $0x1FFFF8, s6  }
0x283: {  	s2 =	sadd.s32 $0x1, s2;
	s6 =	sand.u32 @!p2 $0x7, s6;
	s7 =	sadd.s32 @!p2 s1, s7  }
0x284: {  	[hbm4b:s7+s6] =	stream.linear.scatter @!p2 [tilespmem:s4], [sflag:$0x7], $0x80, $0x38;
	[tilespmem:$0x1F6F8] =	vst v63  }
.LBB2_52:
0x285: {  	s0 =	sadd.s32 s3, s5  }
0x286: {  	s3 =	sshrl.u32 s0, $0x2  }
.LBB2_53:
0x287: {  	s0 =	simm.s32 $0x7  }
0x288: {  	_ =	swait.ge [sflag:s0], s3  }
0x289: {  	s1 =	ssub.s32 $0x0, s3;
	[sflag:s0] =	ssyncset.done $0x0  }
0x28a: {  	[sflag:s0] =	ssyncadd.s32 s1  }
0x28b: {  	[sflag:s0] =	ssyncpa.u1 $0x1  }
.LBB2_54:
0x28c: {  	_ =	sfence;
	s0 =	simm.s32 $0x1  }
0x28d: {  	[sflag:s0] =	ssyncpa.u1 $0x1  }
0x28e: {  	_ =	strace $0x90000050  }
0x28f: {  	[bflag:$0x2] =	sbarrier.arrive $0xFFFF  }
0x290: {  	s0 =	rddreg [dreg:$0x4]  }
0x291: {  	s0 =	sadd.s32 @!p0 $0x100000, s0  }
0x292: {  	[sflag:s0] =	ssyncadd.tile.s32 @!p0 $0x1;
	_ =	shalt  }
.Lfunc_end2:
_tile_overlayer_lowered:
.L_overlay_start_2:
0x293: {  	(tag) =	ssettag $0x2  }
0x294: {  	s0 =	rddreg [dreg:$0x0];
	s2 =	stileid.u32  }
0x295: {  	s1 =	rddreg [dreg:$0x1];
	p0 =	sne.s32 s2, $0x0  }
0x296: {  	s3 =	rddreg [dreg:$0x2];
	[bflag:$0x3] =	sbarrier.arrive $0xFFFF;
	s2 =	simm.s32 @!p0 $0x1C01  }
0x297: {  	[timem:s3], [sflag:s2] =	dma.local @!p0 [hbm:s0], s1  }
0x298: {  	s0 =	simm.s32 @!p0 $0x1  }
0x299: {  	_ =	swait.ge @!p0 [sflag:s0], s1  }
0x29a: {  	s1 =	ssub.s32 @!p0 $0x0, s1;
	[sflag:s0] =	ssyncset.done @!p0 $0x0  }
0x29b: {  	[sflag:s0] =	ssyncadd.s32 @!p0 s1  }
0x29c: {  	[bflag:$0x3] =	sbarrier.arrive $0xFFFF  }
0x29d: {  	_ =	shalt  }

</sc_bundles>
